<compile_context>
chip_gen: v7x
topology: tpu7x:2x2x1
jax: 0.10.2.dev20260603
libtpu: 0.0.44.dev20260713+nightly
codegen_flags: <defaults>
</compile_context>

<pallas_src>
import functools
import math

import jax
import jax.numpy as jnp
from jax import lax
from jax.experimental import pallas as pl
from jax.experimental.pallas import tpu as pltpu
from jax.experimental.pallas import tpu_sc as plsc

N = 10000
E = 320000
D = 128
H = 4
DH = D // H

_NC = 2
_NS = 16
_NW = _NC * _NS
_GW = 128
_BLK = 512
_GPB = _BLK // _GW
_NBLK = E // _BLK
_NPAD = 10240
_NROWS_PER_SUB = _NPAD // _NS

_HIGH = lax.Precision.HIGHEST
_f32 = jnp.float32


def _mesh():
    return plsc.VectorSubcoreMesh(core_axis_name="c", subcore_axis_name="s")


def _proj_body(x_ref, w_ref, b_ref, k_ref, m_ref, q_ref):
    kmq = (
        jnp.dot(x_ref[...], w_ref[...], preferred_element_type=_f32,
                precision=_HIGH)
        + b_ref[...]
    )
    k_ref[...] = kmq[:, :D]
    m_ref[...] = kmq[:, D:2 * D]
    q_ref[...] = kmq[:, 2 * D:]


def _proj(x, wcat, bcat):
    blk = 2000
    sds = jax.ShapeDtypeStruct((N, D), _f32)
    return pl.pallas_call(
        _proj_body,
        grid=(N // blk,),
        in_specs=[
            pl.BlockSpec((blk, D), lambda i: (i, 0)),
            pl.BlockSpec((D, 3 * D), lambda i: (0, 0)),
            pl.BlockSpec((1, 3 * D), lambda i: (0, 0)),
        ],
        out_specs=[pl.BlockSpec((blk, D), lambda i: (i, 0))] * 3,
        out_shape=[sds, sds, sds],
    )(x, wcat, bcat)


_G2BLK = 256
_G2PB = _G2BLK // _GW
_G2NBLK = E // _G2BLK

def _sc_gather2(t1, t2, i1_1d, i2_1d, ne=E):
    sds = jax.ShapeDtypeStruct((ne, D), _f32)
    nblk = ne // _G2BLK

    @functools.partial(
        pl.kernel,
        out_type=[sds, sds],
        mesh=_mesh(),
        scratch_types=[
            pltpu.VMEM((_G2BLK,), jnp.int32),
            pltpu.VMEM((_G2BLK,), jnp.int32),
            pltpu.VMEM((_G2BLK, D), _f32),
            pltpu.VMEM((_G2BLK, D), _f32),
            pltpu.SemaphoreType.DMA,
            pltpu.SemaphoreType.DMA,
        ],
    )
    def k(t1_hbm, t2_hbm, i1_hbm, i2_hbm, o1_hbm, o2_hbm,
          ia_v, ib_v, ra_v, rb_v, sema, semb):
        wid = lax.axis_index("s") * _NC + lax.axis_index("c")

        @pl.loop(wid, nblk, step=_NW)
        def _(b):
            pltpu.sync_copy(i1_hbm.at[pl.ds(b * _G2BLK, _G2BLK)], ia_v)
            ca = [
                pltpu.async_copy(t1_hbm.at[ia_v.at[pl.ds(j * _GW, _GW)]],
                                 ra_v.at[pl.ds(j * _GW, _GW)], sema)
                for j in range(_G2PB)
            ]
            pltpu.sync_copy(i2_hbm.at[pl.ds(b * _G2BLK, _G2BLK)], ib_v)
            cb = [
                pltpu.async_copy(t2_hbm.at[ib_v.at[pl.ds(j * _GW, _GW)]],
                                 rb_v.at[pl.ds(j * _GW, _GW)], semb)
                for j in range(_G2PB)
            ]
            for c in ca:
                c.wait()
            pltpu.sync_copy(ra_v, o1_hbm.at[pl.ds(b * _G2BLK, _G2BLK)])
            for c in cb:
                c.wait()
            pltpu.sync_copy(rb_v, o2_hbm.at[pl.ds(b * _G2BLK, _G2BLK)])

    return k(t1, t2, i1_1d, i2_1d)


def _sc_gather1(t1, i1_1d, ne=E):
    sds = jax.ShapeDtypeStruct((ne, D), _f32)
    nblk = ne // _G2BLK

    @functools.partial(
        pl.kernel,
        out_type=sds,
        mesh=_mesh(),
        scratch_types=[
            pltpu.VMEM((_G2BLK,), jnp.int32),
            pltpu.VMEM((_G2BLK,), jnp.int32),
            pltpu.VMEM((_G2BLK, D), _f32),
            pltpu.VMEM((_G2BLK, D), _f32),
            pltpu.SemaphoreType.DMA,
            pltpu.SemaphoreType.DMA,
        ],
    )
    def k(t1_hbm, i1_hbm, o1_hbm, ia_v, ib_v, ra_v, rb_v, sema, semb):
        wid = lax.axis_index("s") * _NC + lax.axis_index("c")

        @pl.loop(wid, nblk, step=2 * _NW)
        def _(b):
            b1 = b + _NW
            pltpu.sync_copy(i1_hbm.at[pl.ds(b * _G2BLK, _G2BLK)], ia_v)
            ca = [
                pltpu.async_copy(t1_hbm.at[ia_v.at[pl.ds(j * _GW, _GW)]],
                                 ra_v.at[pl.ds(j * _GW, _GW)], sema)
                for j in range(_G2PB)
            ]

            @pl.when(b1 < nblk)
            def _():
                pltpu.sync_copy(i1_hbm.at[pl.ds(b1 * _G2BLK, _G2BLK)], ib_v)
                for j in range(_G2PB):
                    pltpu.async_copy(t1_hbm.at[ib_v.at[pl.ds(j * _GW, _GW)]],
                                     rb_v.at[pl.ds(j * _GW, _GW)], semb)

            for c in ca:
                c.wait()
            pltpu.sync_copy(ra_v, o1_hbm.at[pl.ds(b * _G2BLK, _G2BLK)])

            @pl.when(b1 < nblk)
            def _():
                for j in range(_G2PB):
                    pltpu.make_async_copy(
                        t1_hbm.at[ib_v.at[pl.ds(j * _GW, _GW)]],
                        rb_v.at[pl.ds(j * _GW, _GW)], semb).wait()
                pltpu.sync_copy(rb_v, o1_hbm.at[pl.ds(b1 * _G2BLK, _G2BLK)])

    return k(t1, i1_1d)


_SBLK = 128
_SNBLK = E // _SBLK

def _sc_scatter_add(rows, idx_1d, zeros, width, ne=E):
    nblk = ne // _SBLK

    @functools.partial(
        pl.kernel,
        out_type=jax.ShapeDtypeStruct((_NC, _NPAD, width), _f32),
        mesh=_mesh(),
        scratch_types=[
            pltpu.VMEM((_SBLK,), jnp.int32),
            pltpu.VMEM((_SBLK,), jnp.int32),
            pltpu.VMEM((_SBLK, width), _f32),
            pltpu.VMEM((_SBLK, width), _f32),
            pltpu.VMEM_SHARED((_NPAD, width), _f32),
            pltpu.SemaphoreType.DMA,
            pltpu.SemaphoreType.DMA,
        ],
    )
    def k(rows_hbm, idx_hbm, z_hbm, out_hbm, ia_v, ib_v, ra_v, rb_v,
          acc_sh, sema, semb):
        cid = lax.axis_index("c")
        sid = lax.axis_index("s")
        r0 = sid * _NROWS_PER_SUB
        pltpu.sync_copy(z_hbm.at[pl.ds(r0, _NROWS_PER_SUB)],
                        acc_sh.at[pl.ds(r0, _NROWS_PER_SUB)])
        plsc.subcore_barrier()
        wid = sid * _NC + cid

        @pl.loop(wid, nblk, step=2 * _NW)
        def _(b):
            b1 = b + _NW
            pltpu.sync_copy(idx_hbm.at[pl.ds(b * _SBLK, _SBLK)], ia_v)
            pltpu.sync_copy(rows_hbm.at[pl.ds(b * _SBLK, _SBLK)], ra_v)
            sca = pltpu.async_copy(ra_v, acc_sh.at[ia_v], sema, add=True)

            @pl.when(b1 < nblk)
            def _():
                pltpu.sync_copy(idx_hbm.at[pl.ds(b1 * _SBLK, _SBLK)], ib_v)
                pltpu.sync_copy(rows_hbm.at[pl.ds(b1 * _SBLK, _SBLK)], rb_v)
                pltpu.async_copy(rb_v, acc_sh.at[ib_v], semb, add=True)

            sca.wait()

            @pl.when(b1 < nblk)
            def _():
                pltpu.make_async_copy(rb_v, acc_sh.at[ib_v], semb).wait()

        plsc.subcore_barrier()
        pltpu.sync_copy(acc_sh.at[pl.ds(r0, _NROWS_PER_SUB)],
                        out_hbm.at[cid, pl.ds(r0, _NROWS_PER_SUB)])

    return k(rows, idx_1d, zeros)


def _scores_body(qs_ref, kd_ref, s8_ref, o_ref):
    p = qs_ref[...] * kd_ref[...]
    dots = jnp.dot(p, s8_ref[...], preferred_element_type=_f32,
                   precision=_HIGH)
    col = lax.broadcasted_iota(jnp.int32, dots.shape, 1)
    o_ref[...] = jnp.where(col < H, jnp.exp(dots),
                           jnp.where(col == H, 1.0, 0.0))


def _scores(qs, kd, s8):
    blk = 4000
    ne = qs.shape[0]
    return pl.pallas_call(
        _scores_body,
        grid=(ne // blk,),
        in_specs=[
            pl.BlockSpec((blk, D), lambda i: (i, 0)),
            pl.BlockSpec((blk, D), lambda i: (i, 0)),
            pl.BlockSpec((D, D), lambda i: (0, 0)),
        ],
        out_specs=pl.BlockSpec((blk, D), lambda i: (i, 0)),
        out_shape=jax.ShapeDtypeStruct((ne, D), _f32),
    )(qs, kd, s8)


def _msc_body(ssa_ref, ssb_ref, m_ref, r16_ref, o_ref):
    ss = (ssa_ref[0] + ssa_ref[1] + ssb_ref[0] + ssb_ref[1])[:, :16]
    col = lax.broadcasted_iota(jnp.int32, ss.shape, 1)
    deg = lax.broadcast_in_dim(ss[:, H], ss.shape, (0,))
    scale16 = jnp.where(col < H, deg / (ss + 1e-16), 0.0)
    scale128 = jnp.dot(scale16, r16_ref[...], preferred_element_type=_f32,
                       precision=_HIGH)
    o_ref[...] = m_ref[...] * scale128


def _msc(sspa, sspb, m, r16):
    blk = 2000
    return pl.pallas_call(
        _msc_body,
        grid=(N // blk,),
        in_specs=[
            pl.BlockSpec((_NC, blk, D), lambda i: (0, i, 0)),
            pl.BlockSpec((_NC, blk, D), lambda i: (0, i, 0)),
            pl.BlockSpec((blk, D), lambda i: (i, 0)),
            pl.BlockSpec((16, D), lambda i: (0, 0)),
        ],
        out_specs=pl.BlockSpec((blk, D), lambda i: (i, 0)),
        out_shape=jax.ShapeDtypeStruct((N, D), _f32),
    )(sspa, sspb, m, r16)


def _wrow_body(ms_ref, exd_ref, r16_ref, o_ref):
    ex128 = jnp.dot(exd_ref[:, :16], r16_ref[...], preferred_element_type=_f32,
                    precision=_HIGH)
    o_ref[...] = ms_ref[...] * ex128


def _wrow(ms, exd, r16):
    blk = 4000
    ne = ms.shape[0]
    return pl.pallas_call(
        _wrow_body,
        grid=(ne // blk,),
        in_specs=[
            pl.BlockSpec((blk, D), lambda i: (i, 0)),
            pl.BlockSpec((blk, D), lambda i: (i, 0)),
            pl.BlockSpec((16, D), lambda i: (0, 0)),
        ],
        out_specs=pl.BlockSpec((blk, D), lambda i: (i, 0)),
        out_shape=jax.ShapeDtypeStruct((ne, D), _f32),
    )(ms, exd, r16)


def _mlp_body(aa_ref, ab_ref, w1_ref, b1_ref, g_ref, bb_ref, w2_ref, b2_ref, o_ref):
    a = aa_ref[0] + aa_ref[1] + ab_ref[0] + ab_ref[1]
    h = (
        jnp.dot(a, w1_ref[...], preferred_element_type=_f32, precision=_HIGH)
        + b1_ref[...]
    )
    mean = jnp.mean(h, axis=0, keepdims=True)
    var = jnp.mean(jnp.square(h - mean), axis=0, keepdims=True)
    hn = (h - mean) * jax.lax.rsqrt(var + 1e-5) * g_ref[...] + bb_ref[...]
    hn = jnp.maximum(hn, 0.0)
    o_ref[...] = (
        jnp.dot(hn, w2_ref[...], preferred_element_type=_f32, precision=_HIGH)
        + b2_ref[...]
    )


def _mlp(aggpa, aggpb, W1, b1, gamma, beta, W2, b2):
    return pl.pallas_call(
        _mlp_body,
        out_shape=jax.ShapeDtypeStruct((N, D), _f32),
    )(aggpa, aggpb, W1, b1.reshape(1, D), gamma.reshape(1, D),
      beta.reshape(1, D), W2, b2.reshape(1, D))


def kernel(x, edge_index, Wk, bk, Wm, bm, Wq, bq, W1, b1, gamma, beta, W2, b2):
    src1d = edge_index[0]
    dst1d = edge_index[1]
    inv = 1.0 / math.sqrt(DH)
    wcat = jnp.concatenate([Wk, Wm, Wq * inv], axis=1)
    bcat = jnp.concatenate([bk, bm, bq * inv], axis=0).reshape(1, 3 * D)
    K, M, Q = _proj(x, wcat, bcat)

    d_iota = jnp.arange(D, dtype=jnp.int32)
    s8 = (d_iota[:, None] // DH == jnp.arange(D)[None, :]).astype(_f32)
    r16 = (jnp.arange(16, dtype=jnp.int32)[:, None] == d_iota[None, :] // DH
           ).astype(_f32)

    EH = E // 2
    sA, sB = src1d[:EH], src1d[EH:]
    dA, dB = dst1d[:EH], dst1d[EH:]
    z128 = jnp.zeros((_NPAD, D), _f32)

    qsA, kdA = _sc_gather2(Q, K, sA, dA, EH)
    exdA = _scores(qsA, kdA, s8)
    qsB, kdB = _sc_gather2(Q, K, sB, dB, EH)
    exdB = _scores(qsB, kdB, s8)
    sspA = _sc_scatter_add(exdA, sA, z128, D, EH)
    sspB = _sc_scatter_add(exdB, sB, z128, D, EH)
    msc = _msc(sspA[:, :N], sspB[:, :N], M, r16)
    msA = _sc_gather1(msc, sA, EH)
    wrA = _wrow(msA, exdA, r16)
    msB = _sc_gather1(msc, sB, EH)
    wrB = _wrow(msB, exdB, r16)
    aggpA = _sc_scatter_add(wrA, dA, z128, D, EH)
    aggpB = _sc_scatter_add(wrB, dB, z128, D, EH)
    return _mlp(aggpA[:, :N], aggpB[:, :N], W1, b1, gamma, beta, W2, b2)

# --- scband reference (transcript-rebuilt; emitter-appended) ---
"""Pipeline reference for scband-gatlayer-4252017623408 (READ-ONLY COPY).

The authoritative reference and input builder live on the scoring server;
editing this copy changes nothing except your own understanding.
"""

import jax, jax.numpy as jnp
import numpy as np

N = 10000
E = 320000
D = 128
H = 4
DH = D // H


def setup_inputs(seed: int = 0) -> dict:
    key = jax.random.key(seed)
    ks = jax.random.split(key, 12)
    s = 1.0 / np.sqrt(D)
    x = jax.random.normal(ks[0], (N, D), dtype=jnp.float32)
    edge_index = jax.random.randint(ks[1], (2, E), 0, N, dtype=jnp.int32)
    Wk = jax.random.normal(ks[2], (D, D), dtype=jnp.float32) * s
    bk = jnp.zeros((D,), jnp.float32)
    Wm = jax.random.normal(ks[3], (D, D), dtype=jnp.float32) * s
    bm = jnp.zeros((D,), jnp.float32)
    Wq = jax.random.normal(ks[4], (D, D), dtype=jnp.float32) * s
    bq = jnp.zeros((D,), jnp.float32)
    W1 = jax.random.normal(ks[5], (D, D), dtype=jnp.float32) * s
    b1 = jnp.zeros((D,), jnp.float32)
    gamma = jnp.ones((D,), jnp.float32)
    beta = jnp.zeros((D,), jnp.float32)
    W2 = jax.random.normal(ks[6], (D, D), dtype=jnp.float32) * s
    b2 = jnp.zeros((D,), jnp.float32)
    return {"x": x, "edge_index": edge_index, "Wk": Wk, "bk": bk, "Wm": Wm, "bm": bm,
            "Wq": Wq, "bq": bq, "W1": W1, "b1": b1, "gamma": gamma, "beta": beta,
            "W2": W2, "b2": b2}


def reference(x, edge_index, Wk, bk, Wm, bm, Wq, bq, W1, b1, gamma, beta, W2, b2):
    src = edge_index[0]
    dst = edge_index[1]
    # collect: x_i = x[edge_index[1]] (dst), x_j = x[edge_index[0]] (src)
    x_i = jnp.take(x, dst, axis=0)
    x_j = jnp.take(x, src, axis=0)
    key_ = (x_i @ Wk + bk).reshape(-1, H, DH)
    msg = (x_j @ Wm + bm).reshape(-1, H, DH)
    query = (x_j @ Wq + bq).reshape(-1, H, DH) / jnp.sqrt(DH)
    scores = jnp.sum(query * key_, axis=2)  # [E, H]
    # segment softmax grouped by src node
    seg_max = jax.ops.segment_max(scores, src, num_segments=N)
    ex = jnp.exp(scores - seg_max[src])
    seg_sum = jax.ops.segment_sum(ex, src, num_segments=N)
    alpha = ex / (seg_sum[src] + 1e-16)
    # multiply by per-src edge count
    ones = jnp.ones((E,), jnp.float32)
    deg = jax.ops.segment_sum(ones, src, num_segments=N)
    alpha = alpha * deg[src][:, None]
    out = (msg * alpha[:, :, None]).reshape(-1, H * DH)
    # aggregate (scatter-add) by dst
    agg = jax.ops.segment_sum(out, dst, num_segments=N)
    # mlp: Linear -> BatchNorm1d (training stats) -> ReLU -> Linear
    h = agg @ W1 + b1
    mean = jnp.mean(h, axis=0)
    var = jnp.var(h, axis=0)
    h = (h - mean) / jnp.sqrt(var + 1e-5) * gamma + beta
    h = jax.nn.relu(h)
    return h @ W2 + b2

if __name__ == "__main__":
    import jax
    _d = setup_inputs()
    print(jax.jit(kernel)(*tuple(_d.values())))

</pallas_src>

<mosaic_0001>
#map = affine_map<(d0, d1) -> (0, 0)>
#map1 = affine_map<(d0, d1) -> (0)>
#map2 = affine_map<(d0, d1) -> (0, 0, 0)>
module attributes {stable_mosaic.version = 14 : i64} {
  func.func @k(%arg0: i32, %arg1: i32, %arg2: memref<160000x128xf32, #tpu.memory_space<hbm>>, %arg3: memref<160000xi32, #tpu.memory_space<hbm>>, %arg4: memref<10240x128xf32, #tpu.memory_space<hbm>>, %arg5: memref<2x10240x128xf32, #tpu.memory_space<hbm>>, %arg6: memref<128xi32, #tpu.memory_space<vmem>>, %arg7: memref<128xi32, #tpu.memory_space<vmem>>, %arg8: memref<128x128xf32, #tpu.memory_space<vmem>>, %arg9: memref<128x128xf32, #tpu.memory_space<vmem>>, %arg10: memref<10240x128xf32, #tpu.memory_space<vmem_shared>>, %arg11: memref<!tpu.dma_semaphore, #tpu.memory_space<semaphore_mem>>, %arg12: memref<!tpu.dma_semaphore, #tpu.memory_space<semaphore_mem>>) attributes {dimension_semantics = [#tpu.dimension_semantics<core_parallel>, #tpu.dimension_semantics<subcore_parallel>], iteration_bounds = array<i64: 2, 16>, scalar_prefetch = 0 : i64, scratch_operands = 7 : i64, tpu.core_type = #tpu.core_type<sc_vector_subcore>, window_params = [{transform_indices = #map}, {transform_indices = #map1}, {transform_indices = #map}, {transform_indices = #map2}]} {
    %mul3A = arith.constant 640 : i32
    %mul3A_0 = arith.muli %arg1, %mul3A : i32
    "tpu.region"() ({
      %run_scoped3A = tpu.sem_alloc : memref<!tpu.dma_semaphore, #tpu.memory_space<semaphore_mem>>
      %dma_start3A = arith.constant 0 : i32
      %dma_start3A_19 = tpu.memref_slice %arg10[%mul3A_0, %dma_start3A] : memref<10240x128xf32, #tpu.memory_space<vmem_shared>> -> memref<640x128xf32, #tpu.memory_space<vmem_shared>>
      %dma_start3A_20 = arith.constant 0 : i32
      %dma_start3A_21 = tpu.memref_slice %arg4[%mul3A_0, %dma_start3A_20] : memref<10240x128xf32, #tpu.memory_space<hbm>> -> memref<640x128xf32, #tpu.memory_space<hbm>>
      tpu.enqueue_dma source(%dma_start3A_21 : memref<640x128xf32, #tpu.memory_space<hbm>>) target(%dma_start3A_19 : memref<640x128xf32, #tpu.memory_space<vmem_shared>>) target_semaphore(%run_scoped3A : memref<!tpu.dma_semaphore, #tpu.memory_space<semaphore_mem>>)
      %dma_wait3A = arith.constant 0 : i32
      %dma_wait3A_22 = tpu.memref_slice %arg10[%mul3A_0, %dma_wait3A] : memref<10240x128xf32, #tpu.memory_space<vmem_shared>> -> memref<640x128xf32, #tpu.memory_space<vmem_shared>>
      %dma_wait3A_23 = arith.constant 0 : i32
      %dma_wait3A_24 = tpu.memref_slice %arg4[%mul3A_0, %dma_wait3A_23] : memref<10240x128xf32, #tpu.memory_space<hbm>> -> memref<640x128xf32, #tpu.memory_space<hbm>>
      tpu.wait_dma2 semaphore(%run_scoped3A : memref<!tpu.dma_semaphore, #tpu.memory_space<semaphore_mem>>) src(%dma_wait3A_24 : memref<640x128xf32, #tpu.memory_space<hbm>>) dst(%dma_wait3A_22 : memref<640x128xf32, #tpu.memory_space<vmem_shared>>)
      tpu.yield
    }) : () -> ()
    %barrier3A = arith.constant 0 : index
    tpu.barrier barrier_id(%barrier3A)
    %mul3A_1 = arith.constant 2 : i32
    %mul3A_2 = arith.muli %arg1, %mul3A_1 : i32
    %add3A = arith.addi %mul3A_2, %arg0 : i32
    %sub3A = arith.constant 1250 : i32
    %sub3A_3 = arith.subi %sub3A, %add3A : i32
    %sub3A_4 = arith.constant 64 : i32
    %sub3A_5 = arith.constant 1 : i32
    %sub3A_6 = arith.subi %sub3A_4, %sub3A_5 : i32
    %add3A_7 = arith.addi %sub3A_3, %sub3A_6 : i32
    %div3A = arith.constant 64 : i32
    %div3A_8 = arith.divsi %add3A_7, %div3A : i32
    %while3A = arith.constant 64 : i32
    %while3A_9 = arith.constant 0 : i32
    %while3A_10 = arith.subi %div3A_8, %while3A_9 : i32
    %while3A_11 = arith.addi %while3A_9, %while3A_10 : i32
    %while3A_12 = arith.constant 1 : i32
    %while3A_13 = arith.divsi %while3A_10, %while3A_12 : i32
    %while3A_14 = arith.muli %while3A_13, %while3A_12 : i32
    %while3A_15 = arith.addi %while3A_9, %while3A_14 : i32
    %while3A_16 = arith.constant 1 : i32
    scf.for %while3A_19 = %while3A_9 to %while3A_15 step %while3A_16  : i32 {
      %mul3A_20 = arith.muli %while3A_19, %while3A : i32
      %add3A_21 = arith.addi %add3A, %mul3A_20 : i32
      %add3A_22 = arith.constant 32 : i32
      %add3A_23 = arith.addi %add3A_21, %add3A_22 : i32
      %mul3A_24 = arith.constant 128 : i32
      %mul3A_25 = arith.muli %add3A_21, %mul3A_24 : i32
      "tpu.region"() ({
        %run_scoped3A = tpu.sem_alloc : memref<!tpu.dma_semaphore, #tpu.memory_space<semaphore_mem>>
        %dma_start3A_39 = tpu.memref_slice %arg3[%mul3A_25] : memref<160000xi32, #tpu.memory_space<hbm>> -> memref<128xi32, #tpu.memory_space<hbm>>
        %dma_start3A_40 = tpu.memref_slice %arg3[%mul3A_25] : memref<160000xi32, #tpu.memory_space<hbm>> -> memref<128xi32, #tpu.memory_space<hbm>>
        tpu.enqueue_dma source(%dma_start3A_40 : memref<128xi32, #tpu.memory_space<hbm>>) target(%arg6 : memref<128xi32, #tpu.memory_space<vmem>>) target_semaphore(%run_scoped3A : memref<!tpu.dma_semaphore, #tpu.memory_space<semaphore_mem>>)
        %dma_wait3A_41 = tpu.memref_slice %arg3[%mul3A_25] : memref<160000xi32, #tpu.memory_space<hbm>> -> memref<128xi32, #tpu.memory_space<hbm>>
        %dma_wait3A_42 = tpu.memref_slice %arg3[%mul3A_25] : memref<160000xi32, #tpu.memory_space<hbm>> -> memref<128xi32, #tpu.memory_space<hbm>>
        tpu.wait_dma2 semaphore(%run_scoped3A : memref<!tpu.dma_semaphore, #tpu.memory_space<semaphore_mem>>) src(%dma_wait3A_42 : memref<128xi32, #tpu.memory_space<hbm>>) dst(%arg6 : memref<128xi32, #tpu.memory_space<vmem>>)
        tpu.yield
      }) : () -> ()
      %mul3A_26 = arith.constant 128 : i32
      %mul3A_27 = arith.muli %add3A_21, %mul3A_26 : i32
      "tpu.region"() ({
        %run_scoped3A = tpu.sem_alloc : memref<!tpu.dma_semaphore, #tpu.memory_space<semaphore_mem>>
        %dma_start3A_39 = arith.constant 0 : i32
        %dma_start3A_40 = tpu.memref_slice %arg2[%mul3A_27, %dma_start3A_39] : memref<160000x128xf32, #tpu.memory_space<hbm>> -> memref<128x128xf32, #tpu.memory_space<hbm>>
        %dma_start3A_41 = arith.constant 0 : i32
        %dma_start3A_42 = tpu.memref_slice %arg2[%mul3A_27, %dma_start3A_41] : memref<160000x128xf32, #tpu.memory_space<hbm>> -> memref<128x128xf32, #tpu.memory_space<hbm>>
        tpu.enqueue_dma source(%dma_start3A_42 : memref<128x128xf32, #tpu.memory_space<hbm>>) target(%arg8 : memref<128x128xf32, #tpu.memory_space<vmem>>) target_semaphore(%run_scoped3A : memref<!tpu.dma_semaphore, #tpu.memory_space<semaphore_mem>>)
        %dma_wait3A_43 = arith.constant 0 : i32
        %dma_wait3A_44 = tpu.memref_slice %arg2[%mul3A_27, %dma_wait3A_43] : memref<160000x128xf32, #tpu.memory_space<hbm>> -> memref<128x128xf32, #tpu.memory_space<hbm>>
        %dma_wait3A_45 = arith.constant 0 : i32
        %dma_wait3A_46 = tpu.memref_slice %arg2[%mul3A_27, %dma_wait3A_45] : memref<160000x128xf32, #tpu.memory_space<hbm>> -> memref<128x128xf32, #tpu.memory_space<hbm>>
        tpu.wait_dma2 semaphore(%run_scoped3A : memref<!tpu.dma_semaphore, #tpu.memory_space<semaphore_mem>>) src(%dma_wait3A_46 : memref<128x128xf32, #tpu.memory_space<hbm>>) dst(%arg8 : memref<128x128xf32, #tpu.memory_space<vmem>>)
        tpu.yield
      }) : () -> ()
      %dma_start3A = arith.constant 0 : i32
      %dma_start3A_28 = arith.constant 0 : i32
      %dma_start3A_29 = tpu.memref_slice %arg10[%dma_start3A, %dma_start3A_28] : memref<10240x128xf32, #tpu.memory_space<vmem_shared>> -> memref<10240x128xf32, #tpu.memory_space<vmem_shared>>
      tpu.enqueue_indirect_dma source(%arg8 : memref<128x128xf32, #tpu.memory_space<vmem>>) target(%dma_start3A_29 : memref<10240x128xf32, #tpu.memory_space<vmem_shared>>) offsets(%arg6 : memref<128xi32, #tpu.memory_space<vmem>>) semaphore(%arg11 : memref<!tpu.dma_semaphore, #tpu.memory_space<semaphore_mem>>) {add = true}
      %lt3A = arith.constant 1250 : i32
      %lt3A_30 = arith.cmpi slt, %add3A_23, %lt3A : i32
      %convert_element_type3A = arith.extui %lt3A_30 : i1 to i32
      %cond3A = arith.constant 0 : i32
      %cond3A_31 = arith.cmpi ne, %convert_element_type3A, %cond3A : i32
      scf.if %cond3A_31 {
        %mul3A_39 = arith.constant 128 : i32
        %mul3A_40 = arith.muli %add3A_23, %mul3A_39 : i32
        "tpu.region"() ({
          %run_scoped3A = tpu.sem_alloc : memref<!tpu.dma_semaphore, #tpu.memory_space<semaphore_mem>>
          %dma_start3A_46 = tpu.memref_slice %arg3[%mul3A_40] : memref<160000xi32, #tpu.memory_space<hbm>> -> memref<128xi32, #tpu.memory_space<hbm>>
          %dma_start3A_47 = tpu.memref_slice %arg3[%mul3A_40] : memref<160000xi32, #tpu.memory_space<hbm>> -> memref<128xi32, #tpu.memory_space<hbm>>
          tpu.enqueue_dma source(%dma_start3A_47 : memref<128xi32, #tpu.memory_space<hbm>>) target(%arg7 : memref<128xi32, #tpu.memory_space<vmem>>) target_semaphore(%run_scoped3A : memref<!tpu.dma_semaphore, #tpu.memory_space<semaphore_mem>>)
          %dma_wait3A_48 = tpu.memref_slice %arg3[%mul3A_40] : memref<160000xi32, #tpu.memory_space<hbm>> -> memref<128xi32, #tpu.memory_space<hbm>>
          %dma_wait3A_49 = tpu.memref_slice %arg3[%mul3A_40] : memref<160000xi32, #tpu.memory_space<hbm>> -> memref<128xi32, #tpu.memory_space<hbm>>
          tpu.wait_dma2 semaphore(%run_scoped3A : memref<!tpu.dma_semaphore, #tpu.memory_space<semaphore_mem>>) src(%dma_wait3A_49 : memref<128xi32, #tpu.memory_space<hbm>>) dst(%arg7 : memref<128xi32, #tpu.memory_space<vmem>>)
          tpu.yield
        }) : () -> ()
        %mul3A_41 = arith.constant 128 : i32
        %mul3A_42 = arith.muli %add3A_23, %mul3A_41 : i32
        "tpu.region"() ({
          %run_scoped3A = tpu.sem_alloc : memref<!tpu.dma_semaphore, #tpu.memory_space<semaphore_mem>>
          %dma_start3A_46 = arith.constant 0 : i32
          %dma_start3A_47 = tpu.memref_slice %arg2[%mul3A_42, %dma_start3A_46] : memref<160000x128xf32, #tpu.memory_space<hbm>> -> memref<128x128xf32, #tpu.memory_space<hbm>>
          %dma_start3A_48 = arith.constant 0 : i32
          %dma_start3A_49 = tpu.memref_slice %arg2[%mul3A_42, %dma_start3A_48] : memref<160000x128xf32, #tpu.memory_space<hbm>> -> memref<128x128xf32, #tpu.memory_space<hbm>>
          tpu.enqueue_dma source(%dma_start3A_49 : memref<128x128xf32, #tpu.memory_space<hbm>>) target(%arg9 : memref<128x128xf32, #tpu.memory_space<vmem>>) target_semaphore(%run_scoped3A : memref<!tpu.dma_semaphore, #tpu.memory_space<semaphore_mem>>)
          %dma_wait3A_50 = arith.constant 0 : i32
          %dma_wait3A_51 = tpu.memref_slice %arg2[%mul3A_42, %dma_wait3A_50] : memref<160000x128xf32, #tpu.memory_space<hbm>> -> memref<128x128xf32, #tpu.memory_space<hbm>>
          %dma_wait3A_52 = arith.constant 0 : i32
          %dma_wait3A_53 = tpu.memref_slice %arg2[%mul3A_42, %dma_wait3A_52] : memref<160000x128xf32, #tpu.memory_space<hbm>> -> memref<128x128xf32, #tpu.memory_space<hbm>>
          tpu.wait_dma2 semaphore(%run_scoped3A : memref<!tpu.dma_semaphore, #tpu.memory_space<semaphore_mem>>) src(%dma_wait3A_53 : memref<128x128xf32, #tpu.memory_space<hbm>>) dst(%arg9 : memref<128x128xf32, #tpu.memory_space<vmem>>)
          tpu.yield
        }) : () -> ()
        %dma_start3A_43 = arith.constant 0 : i32
        %dma_start3A_44 = arith.constant 0 : i32
        %dma_start3A_45 = tpu.memref_slice %arg10[%dma_start3A_43, %dma_start3A_44] : memref<10240x128xf32, #tpu.memory_space<vmem_shared>> -> memref<10240x128xf32, #tpu.memory_space<vmem_shared>>
        tpu.enqueue_indirect_dma source(%arg9 : memref<128x128xf32, #tpu.memory_space<vmem>>) target(%dma_start3A_45 : memref<10240x128xf32, #tpu.memory_space<vmem_shared>>) offsets(%arg7 : memref<128xi32, #tpu.memory_space<vmem>>) semaphore(%arg12 : memref<!tpu.dma_semaphore, #tpu.memory_space<semaphore_mem>>) {add = true}
      } else {
      }
      %dma_wait3A = arith.constant 0 : i32
      %dma_wait3A_32 = arith.constant 0 : i32
      %dma_wait3A_33 = tpu.memref_slice %arg10[%dma_wait3A, %dma_wait3A_32] : memref<10240x128xf32, #tpu.memory_space<vmem_shared>> -> memref<10240x128xf32, #tpu.memory_space<vmem_shared>>
      tpu.wait_indirect_dma semaphore(%arg11 : memref<!tpu.dma_semaphore, #tpu.memory_space<semaphore_mem>>) src(%arg8 : memref<128x128xf32, #tpu.memory_space<vmem>>) dst(%dma_wait3A_33 : memref<10240x128xf32, #tpu.memory_space<vmem_shared>>)
      %lt3A_34 = arith.constant 1250 : i32
      %lt3A_35 = arith.cmpi slt, %add3A_23, %lt3A_34 : i32
      %convert_element_type3A_36 = arith.extui %lt3A_35 : i1 to i32
      %cond3A_37 = arith.constant 0 : i32
      %cond3A_38 = arith.cmpi ne, %convert_element_type3A_36, %cond3A_37 : i32
      scf.if %cond3A_38 {
        %dma_wait3A_39 = arith.constant 0 : i32
        %dma_wait3A_40 = arith.constant 0 : i32
        %dma_wait3A_41 = tpu.memref_slice %arg10[%dma_wait3A_39, %dma_wait3A_40] : memref<10240x128xf32, #tpu.memory_space<vmem_shared>> -> memref<10240x128xf32, #tpu.memory_space<vmem_shared>>
        tpu.wait_indirect_dma semaphore(%arg12 : memref<!tpu.dma_semaphore, #tpu.memory_space<semaphore_mem>>) src(%arg9 : memref<128x128xf32, #tpu.memory_space<vmem>>) dst(%dma_wait3A_41 : memref<10240x128xf32, #tpu.memory_space<vmem_shared>>)
      } else {
      }
    }
    %while3A_17 = arith.constant 1 : i32
    scf.for %while3A_19 = %while3A_15 to %while3A_11 step %while3A_17  : i32 {
      %mul3A_20 = arith.muli %while3A_19, %while3A : i32
      %add3A_21 = arith.addi %add3A, %mul3A_20 : i32
      %add3A_22 = arith.constant 32 : i32
      %add3A_23 = arith.addi %add3A_21, %add3A_22 : i32
      %mul3A_24 = arith.constant 128 : i32
      %mul3A_25 = arith.muli %add3A_21, %mul3A_24 : i32
      "tpu.region"() ({
        %run_scoped3A = tpu.sem_alloc : memref<!tpu.dma_semaphore, #tpu.memory_space<semaphore_mem>>
        %dma_start3A_39 = tpu.memref_slice %arg3[%mul3A_25] : memref<160000xi32, #tpu.memory_space<hbm>> -> memref<128xi32, #tpu.memory_space<hbm>>
        %dma_start3A_40 = tpu.memref_slice %arg3[%mul3A_25] : memref<160000xi32, #tpu.memory_space<hbm>> -> memref<128xi32, #tpu.memory_space<hbm>>
        tpu.enqueue_dma source(%dma_start3A_40 : memref<128xi32, #tpu.memory_space<hbm>>) target(%arg6 : memref<128xi32, #tpu.memory_space<vmem>>) target_semaphore(%run_scoped3A : memref<!tpu.dma_semaphore, #tpu.memory_space<semaphore_mem>>)
        %dma_wait3A_41 = tpu.memref_slice %arg3[%mul3A_25] : memref<160000xi32, #tpu.memory_space<hbm>> -> memref<128xi32, #tpu.memory_space<hbm>>
        %dma_wait3A_42 = tpu.memref_slice %arg3[%mul3A_25] : memref<160000xi32, #tpu.memory_space<hbm>> -> memref<128xi32, #tpu.memory_space<hbm>>
        tpu.wait_dma2 semaphore(%run_scoped3A : memref<!tpu.dma_semaphore, #tpu.memory_space<semaphore_mem>>) src(%dma_wait3A_42 : memref<128xi32, #tpu.memory_space<hbm>>) dst(%arg6 : memref<128xi32, #tpu.memory_space<vmem>>)
        tpu.yield
      }) : () -> ()
      %mul3A_26 = arith.constant 128 : i32
      %mul3A_27 = arith.muli %add3A_21, %mul3A_26 : i32
      "tpu.region"() ({
        %run_scoped3A = tpu.sem_alloc : memref<!tpu.dma_semaphore, #tpu.memory_space<semaphore_mem>>
        %dma_start3A_39 = arith.constant 0 : i32
        %dma_start3A_40 = tpu.memref_slice %arg2[%mul3A_27, %dma_start3A_39] : memref<160000x128xf32, #tpu.memory_space<hbm>> -> memref<128x128xf32, #tpu.memory_space<hbm>>
        %dma_start3A_41 = arith.constant 0 : i32
        %dma_start3A_42 = tpu.memref_slice %arg2[%mul3A_27, %dma_start3A_41] : memref<160000x128xf32, #tpu.memory_space<hbm>> -> memref<128x128xf32, #tpu.memory_space<hbm>>
        tpu.enqueue_dma source(%dma_start3A_42 : memref<128x128xf32, #tpu.memory_space<hbm>>) target(%arg8 : memref<128x128xf32, #tpu.memory_space<vmem>>) target_semaphore(%run_scoped3A : memref<!tpu.dma_semaphore, #tpu.memory_space<semaphore_mem>>)
        %dma_wait3A_43 = arith.constant 0 : i32
        %dma_wait3A_44 = tpu.memref_slice %arg2[%mul3A_27, %dma_wait3A_43] : memref<160000x128xf32, #tpu.memory_space<hbm>> -> memref<128x128xf32, #tpu.memory_space<hbm>>
        %dma_wait3A_45 = arith.constant 0 : i32
        %dma_wait3A_46 = tpu.memref_slice %arg2[%mul3A_27, %dma_wait3A_45] : memref<160000x128xf32, #tpu.memory_space<hbm>> -> memref<128x128xf32, #tpu.memory_space<hbm>>
        tpu.wait_dma2 semaphore(%run_scoped3A : memref<!tpu.dma_semaphore, #tpu.memory_space<semaphore_mem>>) src(%dma_wait3A_46 : memref<128x128xf32, #tpu.memory_space<hbm>>) dst(%arg8 : memref<128x128xf32, #tpu.memory_space<vmem>>)
        tpu.yield
      }) : () -> ()
      %dma_start3A = arith.constant 0 : i32
      %dma_start3A_28 = arith.constant 0 : i32
      %dma_start3A_29 = tpu.memref_slice %arg10[%dma_start3A, %dma_start3A_28] : memref<10240x128xf32, #tpu.memory_space<vmem_shared>> -> memref<10240x128xf32, #tpu.memory_space<vmem_shared>>
      tpu.enqueue_indirect_dma source(%arg8 : memref<128x128xf32, #tpu.memory_space<vmem>>) target(%dma_start3A_29 : memref<10240x128xf32, #tpu.memory_space<vmem_shared>>) offsets(%arg6 : memref<128xi32, #tpu.memory_space<vmem>>) semaphore(%arg11 : memref<!tpu.dma_semaphore, #tpu.memory_space<semaphore_mem>>) {add = true}
      %lt3A = arith.constant 1250 : i32
      %lt3A_30 = arith.cmpi slt, %add3A_23, %lt3A : i32
      %convert_element_type3A = arith.extui %lt3A_30 : i1 to i32
      %cond3A = arith.constant 0 : i32
      %cond3A_31 = arith.cmpi ne, %convert_element_type3A, %cond3A : i32
      scf.if %cond3A_31 {
        %mul3A_39 = arith.constant 128 : i32
        %mul3A_40 = arith.muli %add3A_23, %mul3A_39 : i32
        "tpu.region"() ({
          %run_scoped3A = tpu.sem_alloc : memref<!tpu.dma_semaphore, #tpu.memory_space<semaphore_mem>>
          %dma_start3A_46 = tpu.memref_slice %arg3[%mul3A_40] : memref<160000xi32, #tpu.memory_space<hbm>> -> memref<128xi32, #tpu.memory_space<hbm>>
          %dma_start3A_47 = tpu.memref_slice %arg3[%mul3A_40] : memref<160000xi32, #tpu.memory_space<hbm>> -> memref<128xi32, #tpu.memory_space<hbm>>
          tpu.enqueue_dma source(%dma_start3A_47 : memref<128xi32, #tpu.memory_space<hbm>>) target(%arg7 : memref<128xi32, #tpu.memory_space<vmem>>) target_semaphore(%run_scoped3A : memref<!tpu.dma_semaphore, #tpu.memory_space<semaphore_mem>>)
          %dma_wait3A_48 = tpu.memref_slice %arg3[%mul3A_40] : memref<160000xi32, #tpu.memory_space<hbm>> -> memref<128xi32, #tpu.memory_space<hbm>>
          %dma_wait3A_49 = tpu.memref_slice %arg3[%mul3A_40] : memref<160000xi32, #tpu.memory_space<hbm>> -> memref<128xi32, #tpu.memory_space<hbm>>
          tpu.wait_dma2 semaphore(%run_scoped3A : memref<!tpu.dma_semaphore, #tpu.memory_space<semaphore_mem>>) src(%dma_wait3A_49 : memref<128xi32, #tpu.memory_space<hbm>>) dst(%arg7 : memref<128xi32, #tpu.memory_space<vmem>>)
          tpu.yield
        }) : () -> ()
        %mul3A_41 = arith.constant 128 : i32
        %mul3A_42 = arith.muli %add3A_23, %mul3A_41 : i32
        "tpu.region"() ({
          %run_scoped3A = tpu.sem_alloc : memref<!tpu.dma_semaphore, #tpu.memory_space<semaphore_mem>>
          %dma_start3A_46 = arith.constant 0 : i32
          %dma_start3A_47 = tpu.memref_slice %arg2[%mul3A_42, %dma_start3A_46] : memref<160000x128xf32, #tpu.memory_space<hbm>> -> memref<128x128xf32, #tpu.memory_space<hbm>>
          %dma_start3A_48 = arith.constant 0 : i32
          %dma_start3A_49 = tpu.memref_slice %arg2[%mul3A_42, %dma_start3A_48] : memref<160000x128xf32, #tpu.memory_space<hbm>> -> memref<128x128xf32, #tpu.memory_space<hbm>>
          tpu.enqueue_dma source(%dma_start3A_49 : memref<128x128xf32, #tpu.memory_space<hbm>>) target(%arg9 : memref<128x128xf32, #tpu.memory_space<vmem>>) target_semaphore(%run_scoped3A : memref<!tpu.dma_semaphore, #tpu.memory_space<semaphore_mem>>)
          %dma_wait3A_50 = arith.constant 0 : i32
          %dma_wait3A_51 = tpu.memref_slice %arg2[%mul3A_42, %dma_wait3A_50] : memref<160000x128xf32, #tpu.memory_space<hbm>> -> memref<128x128xf32, #tpu.memory_space<hbm>>
          %dma_wait3A_52 = arith.constant 0 : i32
          %dma_wait3A_53 = tpu.memref_slice %arg2[%mul3A_42, %dma_wait3A_52] : memref<160000x128xf32, #tpu.memory_space<hbm>> -> memref<128x128xf32, #tpu.memory_space<hbm>>
          tpu.wait_dma2 semaphore(%run_scoped3A : memref<!tpu.dma_semaphore, #tpu.memory_space<semaphore_mem>>) src(%dma_wait3A_53 : memref<128x128xf32, #tpu.memory_space<hbm>>) dst(%arg9 : memref<128x128xf32, #tpu.memory_space<vmem>>)
          tpu.yield
        }) : () -> ()
        %dma_start3A_43 = arith.constant 0 : i32
        %dma_start3A_44 = arith.constant 0 : i32
        %dma_start3A_45 = tpu.memref_slice %arg10[%dma_start3A_43, %dma_start3A_44] : memref<10240x128xf32, #tpu.memory_space<vmem_shared>> -> memref<10240x128xf32, #tpu.memory_space<vmem_shared>>
        tpu.enqueue_indirect_dma source(%arg9 : memref<128x128xf32, #tpu.memory_space<vmem>>) target(%dma_start3A_45 : memref<10240x128xf32, #tpu.memory_space<vmem_shared>>) offsets(%arg7 : memref<128xi32, #tpu.memory_space<vmem>>) semaphore(%arg12 : memref<!tpu.dma_semaphore, #tpu.memory_space<semaphore_mem>>) {add = true}
      } else {
      }
      %dma_wait3A = arith.constant 0 : i32
      %dma_wait3A_32 = arith.constant 0 : i32
      %dma_wait3A_33 = tpu.memref_slice %arg10[%dma_wait3A, %dma_wait3A_32] : memref<10240x128xf32, #tpu.memory_space<vmem_shared>> -> memref<10240x128xf32, #tpu.memory_space<vmem_shared>>
      tpu.wait_indirect_dma semaphore(%arg11 : memref<!tpu.dma_semaphore, #tpu.memory_space<semaphore_mem>>) src(%arg8 : memref<128x128xf32, #tpu.memory_space<vmem>>) dst(%dma_wait3A_33 : memref<10240x128xf32, #tpu.memory_space<vmem_shared>>)
      %lt3A_34 = arith.constant 1250 : i32
      %lt3A_35 = arith.cmpi slt, %add3A_23, %lt3A_34 : i32
      %convert_element_type3A_36 = arith.extui %lt3A_35 : i1 to i32
      %cond3A_37 = arith.constant 0 : i32
      %cond3A_38 = arith.cmpi ne, %convert_element_type3A_36, %cond3A_37 : i32
      scf.if %cond3A_38 {
        %dma_wait3A_39 = arith.constant 0 : i32
        %dma_wait3A_40 = arith.constant 0 : i32
        %dma_wait3A_41 = tpu.memref_slice %arg10[%dma_wait3A_39, %dma_wait3A_40] : memref<10240x128xf32, #tpu.memory_space<vmem_shared>> -> memref<10240x128xf32, #tpu.memory_space<vmem_shared>>
        tpu.wait_indirect_dma semaphore(%arg12 : memref<!tpu.dma_semaphore, #tpu.memory_space<semaphore_mem>>) src(%arg9 : memref<128x128xf32, #tpu.memory_space<vmem>>) dst(%dma_wait3A_41 : memref<10240x128xf32, #tpu.memory_space<vmem_shared>>)
      } else {
      }
    }
    %barrier3A_18 = arith.constant 0 : index
    tpu.barrier barrier_id(%barrier3A_18)
    "tpu.region"() ({
      %run_scoped3A = tpu.sem_alloc : memref<!tpu.dma_semaphore, #tpu.memory_space<semaphore_mem>>
      %dma_start3A = arith.constant 0 : i32
      %dma_start3A_19 = tpu.memref_slice %arg5[%arg0, %mul3A_0, %dma_start3A] : memref<2x10240x128xf32, #tpu.memory_space<hbm>> -> memref<1x640x128xf32, #tpu.memory_space<hbm>>
      %dma_start3A_20 = tpu.memref_squeeze %dma_start3A_19 : memref<1x640x128xf32, #tpu.memory_space<hbm>> -> memref<640x128xf32, #tpu.memory_space<hbm>>
      %dma_start3A_21 = arith.constant 0 : i32
      %dma_start3A_22 = tpu.memref_slice %arg10[%mul3A_0, %dma_start3A_21] : memref<10240x128xf32, #tpu.memory_space<vmem_shared>> -> memref<640x128xf32, #tpu.memory_space<vmem_shared>>
      tpu.enqueue_dma source(%dma_start3A_22 : memref<640x128xf32, #tpu.memory_space<vmem_shared>>) target(%dma_start3A_20 : memref<640x128xf32, #tpu.memory_space<hbm>>) target_semaphore(%run_scoped3A : memref<!tpu.dma_semaphore, #tpu.memory_space<semaphore_mem>>)
      %dma_wait3A = arith.constant 0 : i32
      %dma_wait3A_23 = tpu.memref_slice %arg5[%arg0, %mul3A_0, %dma_wait3A] : memref<2x10240x128xf32, #tpu.memory_space<hbm>> -> memref<1x640x128xf32, #tpu.memory_space<hbm>>
      %dma_wait3A_24 = tpu.memref_squeeze %dma_wait3A_23 : memref<1x640x128xf32, #tpu.memory_space<hbm>> -> memref<640x128xf32, #tpu.memory_space<hbm>>
      %dma_wait3A_25 = arith.constant 0 : i32
      %dma_wait3A_26 = tpu.memref_slice %arg10[%mul3A_0, %dma_wait3A_25] : memref<10240x128xf32, #tpu.memory_space<vmem_shared>> -> memref<640x128xf32, #tpu.memory_space<vmem_shared>>
      tpu.wait_dma2 semaphore(%run_scoped3A : memref<!tpu.dma_semaphore, #tpu.memory_space<semaphore_mem>>) src(%dma_wait3A_26 : memref<640x128xf32, #tpu.memory_space<vmem_shared>>) dst(%dma_wait3A_24 : memref<640x128xf32, #tpu.memory_space<hbm>>)
      tpu.yield
    }) : () -> ()
    return
  }
}

#map = affine_map<(d0, d1) -> (0, 0)>
#map1 = affine_map<(d0, d1) -> (0)>
#map2 = affine_map<(d0, d1) -> (0, 0, 0)>
module attributes {stable_mosaic.version = 14 : i64} {
  func.func @k(%arg0: i32, %arg1: i32, %arg2: memref<160000x128xf32, #tpu.memory_space<hbm>>, %arg3: memref<160000xi32, #tpu.memory_space<hbm>>, %arg4: memref<10240x128xf32, #tpu.memory_space<hbm>>, %arg5: memref<2x10240x128xf32, #tpu.memory_space<hbm>>, %arg6: memref<128xi32, #tpu.memory_space<vmem>>, %arg7: memref<128xi32, #tpu.memory_space<vmem>>, %arg8: memref<128x128xf32, #tpu.memory_space<vmem>>, %arg9: memref<128x128xf32, #tpu.memory_space<vmem>>, %arg10: memref<10240x128xf32, #tpu.memory_space<vmem_shared>>, %arg11: memref<!tpu.dma_semaphore, #tpu.memory_space<semaphore_mem>>, %arg12: memref<!tpu.dma_semaphore, #tpu.memory_space<semaphore_mem>>) attributes {dimension_semantics = [#tpu.dimension_semantics<core_parallel>, #tpu.dimension_semantics<subcore_parallel>], iteration_bounds = array<i64: 2, 16>, scalar_prefetch = 0 : i64, scratch_operands = 7 : i64, tpu.core_type = #tpu.core_type<sc_vector_subcore>, window_params = [{transform_indices = #map}, {transform_indices = #map1}, {transform_indices = #map}, {transform_indices = #map2}]} {
    %mul3A = arith.constant 640 : i32
    %mul3A_0 = arith.muli %arg1, %mul3A : i32
    "tpu.region"() ({
      %run_scoped3A = tpu.sem_alloc : memref<!tpu.dma_semaphore, #tpu.memory_space<semaphore_mem>>
      %dma_start3A = arith.constant 0 : i32
      %dma_start3A_19 = tpu.memref_slice %arg10[%mul3A_0, %dma_start3A] : memref<10240x128xf32, #tpu.memory_space<vmem_shared>> -> memref<640x128xf32, #tpu.memory_space<vmem_shared>>
      %dma_start3A_20 = arith.constant 0 : i32
      %dma_start3A_21 = tpu.memref_slice %arg4[%mul3A_0, %dma_start3A_20] : memref<10240x128xf32, #tpu.memory_space<hbm>> -> memref<640x128xf32, #tpu.memory_space<hbm>>
      tpu.enqueue_dma source(%dma_start3A_21 : memref<640x128xf32, #tpu.memory_space<hbm>>) target(%dma_start3A_19 : memref<640x128xf32, #tpu.memory_space<vmem_shared>>) target_semaphore(%run_scoped3A : memref<!tpu.dma_semaphore, #tpu.memory_space<semaphore_mem>>)
      %dma_wait3A = arith.constant 0 : i32
      %dma_wait3A_22 = tpu.memref_slice %arg10[%mul3A_0, %dma_wait3A] : memref<10240x128xf32, #tpu.memory_space<vmem_shared>> -> memref<640x128xf32, #tpu.memory_space<vmem_shared>>
      %dma_wait3A_23 = arith.constant 0 : i32
      %dma_wait3A_24 = tpu.memref_slice %arg4[%mul3A_0, %dma_wait3A_23] : memref<10240x128xf32, #tpu.memory_space<hbm>> -> memref<640x128xf32, #tpu.memory_space<hbm>>
      tpu.wait_dma2 semaphore(%run_scoped3A : memref<!tpu.dma_semaphore, #tpu.memory_space<semaphore_mem>>) src(%dma_wait3A_24 : memref<640x128xf32, #tpu.memory_space<hbm>>) dst(%dma_wait3A_22 : memref<640x128xf32, #tpu.memory_space<vmem_shared>>)
      tpu.yield
    }) : () -> ()
    %barrier3A = arith.constant 0 : index
    tpu.barrier barrier_id(%barrier3A)
    %mul3A_1 = arith.constant 2 : i32
    %mul3A_2 = arith.muli %arg1, %mul3A_1 : i32
    %add3A = arith.addi %mul3A_2, %arg0 : i32
    %sub3A = arith.constant 1250 : i32
    %sub3A_3 = arith.subi %sub3A, %add3A : i32
    %sub3A_4 = arith.constant 64 : i32
    %sub3A_5 = arith.constant 1 : i32
    %sub3A_6 = arith.subi %sub3A_4, %sub3A_5 : i32
    %add3A_7 = arith.addi %sub3A_3, %sub3A_6 : i32
    %div3A = arith.constant 64 : i32
    %div3A_8 = arith.divsi %add3A_7, %div3A : i32
    %while3A = arith.constant 64 : i32
    %while3A_9 = arith.constant 0 : i32
    %while3A_10 = arith.subi %div3A_8, %while3A_9 : i32
    %while3A_11 = arith.addi %while3A_9, %while3A_10 : i32
    %while3A_12 = arith.constant 1 : i32
    %while3A_13 = arith.divsi %while3A_10, %while3A_12 : i32
    %while3A_14 = arith.muli %while3A_13, %while3A_12 : i32
    %while3A_15 = arith.addi %while3A_9, %while3A_14 : i32
    %while3A_16 = arith.constant 1 : i32
    scf.for %while3A_19 = %while3A_9 to %while3A_15 step %while3A_16  : i32 {
      %mul3A_20 = arith.muli %while3A_19, %while3A : i32
      %add3A_21 = arith.addi %add3A, %mul3A_20 : i32
      %add3A_22 = arith.constant 32 : i32
      %add3A_23 = arith.addi %add3A_21, %add3A_22 : i32
      %mul3A_24 = arith.constant 128 : i32
      %mul3A_25 = arith.muli %add3A_21, %mul3A_24 : i32
      "tpu.region"() ({
        %run_scoped3A = tpu.sem_alloc : memref<!tpu.dma_semaphore, #tpu.memory_space<semaphore_mem>>
        %dma_start3A_39 = tpu.memref_slice %arg3[%mul3A_25] : memref<160000xi32, #tpu.memory_space<hbm>> -> memref<128xi32, #tpu.memory_space<hbm>>
        %dma_start3A_40 = tpu.memref_slice %arg3[%mul3A_25] : memref<160000xi32, #tpu.memory_space<hbm>> -> memref<128xi32, #tpu.memory_space<hbm>>
        tpu.enqueue_dma source(%dma_start3A_40 : memref<128xi32, #tpu.memory_space<hbm>>) target(%arg6 : memref<128xi32, #tpu.memory_space<vmem>>) target_semaphore(%run_scoped3A : memref<!tpu.dma_semaphore, #tpu.memory_space<semaphore_mem>>)
        %dma_wait3A_41 = tpu.memref_slice %arg3[%mul3A_25] : memref<160000xi32, #tpu.memory_space<hbm>> -> memref<128xi32, #tpu.memory_space<hbm>>
        %dma_wait3A_42 = tpu.memref_slice %arg3[%mul3A_25] : memref<160000xi32, #tpu.memory_space<hbm>> -> memref<128xi32, #tpu.memory_space<hbm>>
        tpu.wait_dma2 semaphore(%run_scoped3A : memref<!tpu.dma_semaphore, #tpu.memory_space<semaphore_mem>>) src(%dma_wait3A_42 : memref<128xi32, #tpu.memory_space<hbm>>) dst(%arg6 : memref<128xi32, #tpu.memory_space<vmem>>)
        tpu.yield
      }) : () -> ()
      %mul3A_26 = arith.constant 128 : i32
      %mul3A_27 = arith.muli %add3A_21, %mul3A_26 : i32
      "tpu.region"() ({
        %run_scoped3A = tpu.sem_alloc : memref<!tpu.dma_semaphore, #tpu.memory_space<semaphore_mem>>
        %dma_start3A_39 = arith.constant 0 : i32
        %dma_start3A_40 = tpu.memref_slice %arg2[%mul3A_27, %dma_start3A_39] : memref<160000x128xf32, #tpu.memory_space<hbm>> -> memref<128x128xf32, #tpu.memory_space<hbm>>
        %dma_start3A_41 = arith.constant 0 : i32
        %dma_start3A_42 = tpu.memref_slice %arg2[%mul3A_27, %dma_start3A_41] : memref<160000x128xf32, #tpu.memory_space<hbm>> -> memref<128x128xf32, #tpu.memory_space<hbm>>
        tpu.enqueue_dma source(%dma_start3A_42 : memref<128x128xf32, #tpu.memory_space<hbm>>) target(%arg8 : memref<128x128xf32, #tpu.memory_space<vmem>>) target_semaphore(%run_scoped3A : memref<!tpu.dma_semaphore, #tpu.memory_space<semaphore_mem>>)
        %dma_wait3A_43 = arith.constant 0 : i32
        %dma_wait3A_44 = tpu.memref_slice %arg2[%mul3A_27, %dma_wait3A_43] : memref<160000x128xf32, #tpu.memory_space<hbm>> -> memref<128x128xf32, #tpu.memory_space<hbm>>
        %dma_wait3A_45 = arith.constant 0 : i32
        %dma_wait3A_46 = tpu.memref_slice %arg2[%mul3A_27, %dma_wait3A_45] : memref<160000x128xf32, #tpu.memory_space<hbm>> -> memref<128x128xf32, #tpu.memory_space<hbm>>
        tpu.wait_dma2 semaphore(%run_scoped3A : memref<!tpu.dma_semaphore, #tpu.memory_space<semaphore_mem>>) src(%dma_wait3A_46 : memref<128x128xf32, #tpu.memory_space<hbm>>) dst(%arg8 : memref<128x128xf32, #tpu.memory_space<vmem>>)
        tpu.yield
      }) : () -> ()
      %dma_start3A = arith.constant 0 : i32
      %dma_start3A_28 = arith.constant 0 : i32
      %dma_start3A_29 = tpu.memref_slice %arg10[%dma_start3A, %dma_start3A_28] : memref<10240x128xf32, #tpu.memory_space<vmem_shared>> -> memref<10240x128xf32, #tpu.memory_space<vmem_shared>>
      tpu.enqueue_indirect_dma source(%arg8 : memref<128x128xf32, #tpu.memory_space<vmem>>) target(%dma_start3A_29 : memref<10240x128xf32, #tpu.memory_space<vmem_shared>>) offsets(%arg6 : memref<128xi32, #tpu.memory_space<vmem>>) semaphore(%arg11 : memref<!tpu.dma_semaphore, #tpu.memory_space<semaphore_mem>>) {add = true}
      %lt3A = arith.constant 1250 : i32
      %lt3A_30 = arith.cmpi slt, %add3A_23, %lt3A : i32
      %convert_element_type3A = arith.extui %lt3A_30 : i1 to i32
      %cond3A = arith.constant 0 : i32
      %cond3A_31 = arith.cmpi ne, %convert_element_type3A, %cond3A : i32
      scf.if %cond3A_31 {
        %mul3A_39 = arith.constant 128 : i32
        %mul3A_40 = arith.muli %add3A_23, %mul3A_39 : i32
        "tpu.region"() ({
          %run_scoped3A = tpu.sem_alloc : memref<!tpu.dma_semaphore, #tpu.memory_space<semaphore_mem>>
          %dma_start3A_46 = tpu.memref_slice %arg3[%mul3A_40] : memref<160000xi32, #tpu.memory_space<hbm>> -> memref<128xi32, #tpu.memory_space<hbm>>
          %dma_start3A_47 = tpu.memref_slice %arg3[%mul3A_40] : memref<160000xi32, #tpu.memory_space<hbm>> -> memref<128xi32, #tpu.memory_space<hbm>>
          tpu.enqueue_dma source(%dma_start3A_47 : memref<128xi32, #tpu.memory_space<hbm>>) target(%arg7 : memref<128xi32, #tpu.memory_space<vmem>>) target_semaphore(%run_scoped3A : memref<!tpu.dma_semaphore, #tpu.memory_space<semaphore_mem>>)
          %dma_wait3A_48 = tpu.memref_slice %arg3[%mul3A_40] : memref<160000xi32, #tpu.memory_space<hbm>> -> memref<128xi32, #tpu.memory_space<hbm>>
          %dma_wait3A_49 = tpu.memref_slice %arg3[%mul3A_40] : memref<160000xi32, #tpu.memory_space<hbm>> -> memref<128xi32, #tpu.memory_space<hbm>>
          tpu.wait_dma2 semaphore(%run_scoped3A : memref<!tpu.dma_semaphore, #tpu.memory_space<semaphore_mem>>) src(%dma_wait3A_49 : memref<128xi32, #tpu.memory_space<hbm>>) dst(%arg7 : memref<128xi32, #tpu.memory_space<vmem>>)
          tpu.yield
        }) : () -> ()
        %mul3A_41 = arith.constant 128 : i32
        %mul3A_42 = arith.muli %add3A_23, %mul3A_41 : i32
        "tpu.region"() ({
          %run_scoped3A = tpu.sem_alloc : memref<!tpu.dma_semaphore, #tpu.memory_space<semaphore_mem>>
          %dma_start3A_46 = arith.constant 0 : i32
          %dma_start3A_47 = tpu.memref_slice %arg2[%mul3A_42, %dma_start3A_46] : memref<160000x128xf32, #tpu.memory_space<hbm>> -> memref<128x128xf32, #tpu.memory_space<hbm>>
          %dma_start3A_48 = arith.constant 0 : i32
          %dma_start3A_49 = tpu.memref_slice %arg2[%mul3A_42, %dma_start3A_48] : memref<160000x128xf32, #tpu.memory_space<hbm>> -> memref<128x128xf32, #tpu.memory_space<hbm>>
          tpu.enqueue_dma source(%dma_start3A_49 : memref<128x128xf32, #tpu.memory_space<hbm>>) target(%arg9 : memref<128x128xf32, #tpu.memory_space<vmem>>) target_semaphore(%run_scoped3A : memref<!tpu.dma_semaphore, #tpu.memory_space<semaphore_mem>>)
          %dma_wait3A_50 = arith.constant 0 : i32
          %dma_wait3A_51 = tpu.memref_slice %arg2[%mul3A_42, %dma_wait3A_50] : memref<160000x128xf32, #tpu.memory_space<hbm>> -> memref<128x128xf32, #tpu.memory_space<hbm>>
          %dma_wait3A_52 = arith.constant 0 : i32
          %dma_wait3A_53 = tpu.memref_slice %arg2[%mul3A_42, %dma_wait3A_52] : memref<160000x128xf32, #tpu.memory_space<hbm>> -> memref<128x128xf32, #tpu.memory_space<hbm>>
          tpu.wait_dma2 semaphore(%run_scoped3A : memref<!tpu.dma_semaphore, #tpu.memory_space<semaphore_mem>>) src(%dma_wait3A_53 : memref<128x128xf32, #tpu.memory_space<hbm>>) dst(%arg9 : memref<128x128xf32, #tpu.memory_space<vmem>>)
          tpu.yield
        }) : () -> ()
        %dma_start3A_43 = arith.constant 0 : i32
        %dma_start3A_44 = arith.constant 0 : i32
        %dma_start3A_45 = tpu.memref_slice %arg10[%dma_start3A_43, %dma_start3A_44] : memref<10240x128xf32, #tpu.memory_space<vmem_shared>> -> memref<10240x128xf32, #tpu.memory_space<vmem_shared>>
        tpu.enqueue_indirect_dma source(%arg9 : memref<128x128xf32, #tpu.memory_space<vmem>>) target(%dma_start3A_45 : memref<10240x128xf32, #tpu.memory_space<vmem_shared>>) offsets(%arg7 : memref<128xi32, #tpu.memory_space<vmem>>) semaphore(%arg12 : memref<!tpu.dma_semaphore, #tpu.memory_space<semaphore_mem>>) {add = true}
      } else {
      }
      %dma_wait3A = arith.constant 0 : i32
      %dma_wait3A_32 = arith.constant 0 : i32
      %dma_wait3A_33 = tpu.memref_slice %arg10[%dma_wait3A, %dma_wait3A_32] : memref<10240x128xf32, #tpu.memory_space<vmem_shared>> -> memref<10240x128xf32, #tpu.memory_space<vmem_shared>>
      tpu.wait_indirect_dma semaphore(%arg11 : memref<!tpu.dma_semaphore, #tpu.memory_space<semaphore_mem>>) src(%arg8 : memref<128x128xf32, #tpu.memory_space<vmem>>) dst(%dma_wait3A_33 : memref<10240x128xf32, #tpu.memory_space<vmem_shared>>)
      %lt3A_34 = arith.constant 1250 : i32
      %lt3A_35 = arith.cmpi slt, %add3A_23, %lt3A_34 : i32
      %convert_element_type3A_36 = arith.extui %lt3A_35 : i1 to i32
      %cond3A_37 = arith.constant 0 : i32
      %cond3A_38 = arith.cmpi ne, %convert_element_type3A_36, %cond3A_37 : i32
      scf.if %cond3A_38 {
        %dma_wait3A_39 = arith.constant 0 : i32
        %dma_wait3A_40 = arith.constant 0 : i32
        %dma_wait3A_41 = tpu.memref_slice %arg10[%dma_wait3A_39, %dma_wait3A_40] : memref<10240x128xf32, #tpu.memory_space<vmem_shared>> -> memref<10240x128xf32, #tpu.memory_space<vmem_shared>>
        tpu.wait_indirect_dma semaphore(%arg12 : memref<!tpu.dma_semaphore, #tpu.memory_space<semaphore_mem>>) src(%arg9 : memref<128x128xf32, #tpu.memory_space<vmem>>) dst(%dma_wait3A_41 : memref<10240x128xf32, #tpu.memory_space<vmem_shared>>)
      } else {
      }
    }
    %while3A_17 = arith.constant 1 : i32
    scf.for %while3A_19 = %while3A_15 to %while3A_11 step %while3A_17  : i32 {
      %mul3A_20 = arith.muli %while3A_19, %while3A : i32
      %add3A_21 = arith.addi %add3A, %mul3A_20 : i32
      %add3A_22 = arith.constant 32 : i32
      %add3A_23 = arith.addi %add3A_21, %add3A_22 : i32
      %mul3A_24 = arith.constant 128 : i32
      %mul3A_25 = arith.muli %add3A_21, %mul3A_24 : i32
      "tpu.region"() ({
        %run_scoped3A = tpu.sem_alloc : memref<!tpu.dma_semaphore, #tpu.memory_space<semaphore_mem>>
        %dma_start3A_39 = tpu.memref_slice %arg3[%mul3A_25] : memref<160000xi32, #tpu.memory_space<hbm>> -> memref<128xi32, #tpu.memory_space<hbm>>
        %dma_start3A_40 = tpu.memref_slice %arg3[%mul3A_25] : memref<160000xi32, #tpu.memory_space<hbm>> -> memref<128xi32, #tpu.memory_space<hbm>>
        tpu.enqueue_dma source(%dma_start3A_40 : memref<128xi32, #tpu.memory_space<hbm>>) target(%arg6 : memref<128xi32, #tpu.memory_space<vmem>>) target_semaphore(%run_scoped3A : memref<!tpu.dma_semaphore, #tpu.memory_space<semaphore_mem>>)
        %dma_wait3A_41 = tpu.memref_slice %arg3[%mul3A_25] : memref<160000xi32, #tpu.memory_space<hbm>> -> memref<128xi32, #tpu.memory_space<hbm>>
        %dma_wait3A_42 = tpu.memref_slice %arg3[%mul3A_25] : memref<160000xi32, #tpu.memory_space<hbm>> -> memref<128xi32, #tpu.memory_space<hbm>>
        tpu.wait_dma2 semaphore(%run_scoped3A : memref<!tpu.dma_semaphore, #tpu.memory_space<semaphore_mem>>) src(%dma_wait3A_42 : memref<128xi32, #tpu.memory_space<hbm>>) dst(%arg6 : memref<128xi32, #tpu.memory_space<vmem>>)
        tpu.yield
      }) : () -> ()
      %mul3A_26 = arith.constant 128 : i32
      %mul3A_27 = arith.muli %add3A_21, %mul3A_26 : i32
      "tpu.region"() ({
        %run_scoped3A = tpu.sem_alloc : memref<!tpu.dma_semaphore, #tpu.memory_space<semaphore_mem>>
        %dma_start3A_39 = arith.constant 0 : i32
        %dma_start3A_40 = tpu.memref_slice %arg2[%mul3A_27, %dma_start3A_39] : memref<160000x128xf32, #tpu.memory_space<hbm>> -> memref<128x128xf32, #tpu.memory_space<hbm>>
        %dma_start3A_41 = arith.constant 0 : i32
        %dma_start3A_42 = tpu.memref_slice %arg2[%mul3A_27, %dma_start3A_41] : memref<160000x128xf32, #tpu.memory_space<hbm>> -> memref<128x128xf32, #tpu.memory_space<hbm>>
        tpu.enqueue_dma source(%dma_start3A_42 : memref<128x128xf32, #tpu.memory_space<hbm>>) target(%arg8 : memref<128x128xf32, #tpu.memory_space<vmem>>) target_semaphore(%run_scoped3A : memref<!tpu.dma_semaphore, #tpu.memory_space<semaphore_mem>>)
        %dma_wait3A_43 = arith.constant 0 : i32
        %dma_wait3A_44 = tpu.memref_slice %arg2[%mul3A_27, %dma_wait3A_43] : memref<160000x128xf32, #tpu.memory_space<hbm>> -> memref<128x128xf32, #tpu.memory_space<hbm>>
        %dma_wait3A_45 = arith.constant 0 : i32
        %dma_wait3A_46 = tpu.memref_slice %arg2[%mul3A_27, %dma_wait3A_45] : memref<160000x128xf32, #tpu.memory_space<hbm>> -> memref<128x128xf32, #tpu.memory_space<hbm>>
        tpu.wait_dma2 semaphore(%run_scoped3A : memref<!tpu.dma_semaphore, #tpu.memory_space<semaphore_mem>>) src(%dma_wait3A_46 : memref<128x128xf32, #tpu.memory_space<hbm>>) dst(%arg8 : memref<128x128xf32, #tpu.memory_space<vmem>>)
        tpu.yield
      }) : () -> ()
      %dma_start3A = arith.constant 0 : i32
      %dma_start3A_28 = arith.constant 0 : i32
      %dma_start3A_29 = tpu.memref_slice %arg10[%dma_start3A, %dma_start3A_28] : memref<10240x128xf32, #tpu.memory_space<vmem_shared>> -> memref<10240x128xf32, #tpu.memory_space<vmem_shared>>
      tpu.enqueue_indirect_dma source(%arg8 : memref<128x128xf32, #tpu.memory_space<vmem>>) target(%dma_start3A_29 : memref<10240x128xf32, #tpu.memory_space<vmem_shared>>) offsets(%arg6 : memref<128xi32, #tpu.memory_space<vmem>>) semaphore(%arg11 : memref<!tpu.dma_semaphore, #tpu.memory_space<semaphore_mem>>) {add = true}
      %lt3A = arith.constant 1250 : i32
      %lt3A_30 = arith.cmpi slt, %add3A_23, %lt3A : i32
      %convert_element_type3A = arith.extui %lt3A_30 : i1 to i32
      %cond3A = arith.constant 0 : i32
      %cond3A_31 = arith.cmpi ne, %convert_element_type3A, %cond3A : i32
      scf.if %cond3A_31 {
        %mul3A_39 = arith.constant 128 : i32
        %mul3A_40 = arith.muli %add3A_23, %mul3A_39 : i32
        "tpu.region"() ({
          %run_scoped3A = tpu.sem_alloc : memref<!tpu.dma_semaphore, #tpu.memory_space<semaphore_mem>>
          %dma_start3A_46 = tpu.memref_slice %arg3[%mul3A_40] : memref<160000xi32, #tpu.memory_space<hbm>> -> memref<128xi32, #tpu.memory_space<hbm>>
          %dma_start3A_47 = tpu.memref_slice %arg3[%mul3A_40] : memref<160000xi32, #tpu.memory_space<hbm>> -> memref<128xi32, #tpu.memory_space<hbm>>
          tpu.enqueue_dma source(%dma_start3A_47 : memref<128xi32, #tpu.memory_space<hbm>>) target(%arg7 : memref<128xi32, #tpu.memory_space<vmem>>) target_semaphore(%run_scoped3A : memref<!tpu.dma_semaphore, #tpu.memory_space<semaphore_mem>>)
          %dma_wait3A_48 = tpu.memref_slice %arg3[%mul3A_40] : memref<160000xi32, #tpu.memory_space<hbm>> -> memref<128xi32, #tpu.memory_space<hbm>>
          %dma_wait3A_49 = tpu.memref_slice %arg3[%mul3A_40] : memref<160000xi32, #tpu.memory_space<hbm>> -> memref<128xi32, #tpu.memory_space<hbm>>
          tpu.wait_dma2 semaphore(%run_scoped3A : memref<!tpu.dma_semaphore, #tpu.memory_space<semaphore_mem>>) src(%dma_wait3A_49 : memref<128xi32, #tpu.memory_space<hbm>>) dst(%arg7 : memref<128xi32, #tpu.memory_space<vmem>>)
          tpu.yield
        }) : () -> ()
        %mul3A_41 = arith.constant 128 : i32
        %mul3A_42 = arith.muli %add3A_23, %mul3A_41 : i32
        "tpu.region"() ({
          %run_scoped3A = tpu.sem_alloc : memref<!tpu.dma_semaphore, #tpu.memory_space<semaphore_mem>>
          %dma_start3A_46 = arith.constant 0 : i32
          %dma_start3A_47 = tpu.memref_slice %arg2[%mul3A_42, %dma_start3A_46] : memref<160000x128xf32, #tpu.memory_space<hbm>> -> memref<128x128xf32, #tpu.memory_space<hbm>>
          %dma_start3A_48 = arith.constant 0 : i32
          %dma_start3A_49 = tpu.memref_slice %arg2[%mul3A_42, %dma_start3A_48] : memref<160000x128xf32, #tpu.memory_space<hbm>> -> memref<128x128xf32, #tpu.memory_space<hbm>>
          tpu.enqueue_dma source(%dma_start3A_49 : memref<128x128xf32, #tpu.memory_space<hbm>>) target(%arg9 : memref<128x128xf32, #tpu.memory_space<vmem>>) target_semaphore(%run_scoped3A : memref<!tpu.dma_semaphore, #tpu.memory_space<semaphore_mem>>)
          %dma_wait3A_50 = arith.constant 0 : i32
          %dma_wait3A_51 = tpu.memref_slice %arg2[%mul3A_42, %dma_wait3A_50] : memref<160000x128xf32, #tpu.memory_space<hbm>> -> memref<128x128xf32, #tpu.memory_space<hbm>>
          %dma_wait3A_52 = arith.constant 0 : i32
          %dma_wait3A_53 = tpu.memref_slice %arg2[%mul3A_42, %dma_wait3A_52] : memref<160000x128xf32, #tpu.memory_space<hbm>> -> memref<128x128xf32, #tpu.memory_space<hbm>>
          tpu.wait_dma2 semaphore(%run_scoped3A : memref<!tpu.dma_semaphore, #tpu.memory_space<semaphore_mem>>) src(%dma_wait3A_53 : memref<128x128xf32, #tpu.memory_space<hbm>>) dst(%arg9 : memref<128x128xf32, #tpu.memory_space<vmem>>)
          tpu.yield
        }) : () -> ()
        %dma_start3A_43 = arith.constant 0 : i32
        %dma_start3A_44 = arith.constant 0 : i32
        %dma_start3A_45 = tpu.memref_slice %arg10[%dma_start3A_43, %dma_start3A_44] : memref<10240x128xf32, #tpu.memory_space<vmem_shared>> -> memref<10240x128xf32, #tpu.memory_space<vmem_shared>>
        tpu.enqueue_indirect_dma source(%arg9 : memref<128x128xf32, #tpu.memory_space<vmem>>) target(%dma_start3A_45 : memref<10240x128xf32, #tpu.memory_space<vmem_shared>>) offsets(%arg7 : memref<128xi32, #tpu.memory_space<vmem>>) semaphore(%arg12 : memref<!tpu.dma_semaphore, #tpu.memory_space<semaphore_mem>>) {add = true}
      } else {
      }
      %dma_wait3A = arith.constant 0 : i32
      %dma_wait3A_32 = arith.constant 0 : i32
      %dma_wait3A_33 = tpu.memref_slice %arg10[%dma_wait3A, %dma_wait3A_32] : memref<10240x128xf32, #tpu.memory_space<vmem_shared>> -> memref<10240x128xf32, #tpu.memory_space<vmem_shared>>
      tpu.wait_indirect_dma semaphore(%arg11 : memref<!tpu.dma_semaphore, #tpu.memory_space<semaphore_mem>>) src(%arg8 : memref<128x128xf32, #tpu.memory_space<vmem>>) dst(%dma_wait3A_33 : memref<10240x128xf32, #tpu.memory_space<vmem_shared>>)
      %lt3A_34 = arith.constant 1250 : i32
      %lt3A_35 = arith.cmpi slt, %add3A_23, %lt3A_34 : i32
      %convert_element_type3A_36 = arith.extui %lt3A_35 : i1 to i32
      %cond3A_37 = arith.constant 0 : i32
      %cond3A_38 = arith.cmpi ne, %convert_element_type3A_36, %cond3A_37 : i32
      scf.if %cond3A_38 {
        %dma_wait3A_39 = arith.constant 0 : i32
        %dma_wait3A_40 = arith.constant 0 : i32
        %dma_wait3A_41 = tpu.memref_slice %arg10[%dma_wait3A_39, %dma_wait3A_40] : memref<10240x128xf32, #tpu.memory_space<vmem_shared>> -> memref<10240x128xf32, #tpu.memory_space<vmem_shared>>
        tpu.wait_indirect_dma semaphore(%arg12 : memref<!tpu.dma_semaphore, #tpu.memory_space<semaphore_mem>>) src(%arg9 : memref<128x128xf32, #tpu.memory_space<vmem>>) dst(%dma_wait3A_41 : memref<10240x128xf32, #tpu.memory_space<vmem_shared>>)
      } else {
      }
    }
    %barrier3A_18 = arith.constant 0 : index
    tpu.barrier barrier_id(%barrier3A_18)
    "tpu.region"() ({
      %run_scoped3A = tpu.sem_alloc : memref<!tpu.dma_semaphore, #tpu.memory_space<semaphore_mem>>
      %dma_start3A = arith.constant 0 : i32
      %dma_start3A_19 = tpu.memref_slice %arg5[%arg0, %mul3A_0, %dma_start3A] : memref<2x10240x128xf32, #tpu.memory_space<hbm>> -> memref<1x640x128xf32, #tpu.memory_space<hbm>>
      %dma_start3A_20 = tpu.memref_squeeze %dma_start3A_19 : memref<1x640x128xf32, #tpu.memory_space<hbm>> -> memref<640x128xf32, #tpu.memory_space<hbm>>
      %dma_start3A_21 = arith.constant 0 : i32
      %dma_start3A_22 = tpu.memref_slice %arg10[%mul3A_0, %dma_start3A_21] : memref<10240x128xf32, #tpu.memory_space<vmem_shared>> -> memref<640x128xf32, #tpu.memory_space<vmem_shared>>
      tpu.enqueue_dma source(%dma_start3A_22 : memref<640x128xf32, #tpu.memory_space<vmem_shared>>) target(%dma_start3A_20 : memref<640x128xf32, #tpu.memory_space<hbm>>) target_semaphore(%run_scoped3A : memref<!tpu.dma_semaphore, #tpu.memory_space<semaphore_mem>>)
      %dma_wait3A = arith.constant 0 : i32
      %dma_wait3A_23 = tpu.memref_slice %arg5[%arg0, %mul3A_0, %dma_wait3A] : memref<2x10240x128xf32, #tpu.memory_space<hbm>> -> memref<1x640x128xf32, #tpu.memory_space<hbm>>
      %dma_wait3A_24 = tpu.memref_squeeze %dma_wait3A_23 : memref<1x640x128xf32, #tpu.memory_space<hbm>> -> memref<640x128xf32, #tpu.memory_space<hbm>>
      %dma_wait3A_25 = arith.constant 0 : i32
      %dma_wait3A_26 = tpu.memref_slice %arg10[%mul3A_0, %dma_wait3A_25] : memref<10240x128xf32, #tpu.memory_space<vmem_shared>> -> memref<640x128xf32, #tpu.memory_space<vmem_shared>>
      tpu.wait_dma2 semaphore(%run_scoped3A : memref<!tpu.dma_semaphore, #tpu.memory_space<semaphore_mem>>) src(%dma_wait3A_26 : memref<640x128xf32, #tpu.memory_space<vmem_shared>>) dst(%dma_wait3A_24 : memref<640x128xf32, #tpu.memory_space<hbm>>)
      tpu.yield
    }) : () -> ()
    return
  }
}

#map = affine_map<(d0, d1) -> (0, 0)>
#map1 = affine_map<(d0, d1) -> (0)>
module attributes {stable_mosaic.version = 14 : i64} {
  func.func @k(%arg0: i32, %arg1: i32, %arg2: memref<10000x128xf32, #tpu.memory_space<hbm>>, %arg3: memref<10000x128xf32, #tpu.memory_space<hbm>>, %arg4: memref<160000xi32, #tpu.memory_space<hbm>>, %arg5: memref<160000xi32, #tpu.memory_space<hbm>>, %arg6: memref<160000x128xf32, #tpu.memory_space<hbm>>, %arg7: memref<160000x128xf32, #tpu.memory_space<hbm>>, %arg8: memref<256xi32, #tpu.memory_space<vmem>>, %arg9: memref<256xi32, #tpu.memory_space<vmem>>, %arg10: memref<256x128xf32, #tpu.memory_space<vmem>>, %arg11: memref<256x128xf32, #tpu.memory_space<vmem>>, %arg12: memref<!tpu.dma_semaphore, #tpu.memory_space<semaphore_mem>>, %arg13: memref<!tpu.dma_semaphore, #tpu.memory_space<semaphore_mem>>) attributes {dimension_semantics = [#tpu.dimension_semantics<core_parallel>, #tpu.dimension_semantics<subcore_parallel>], iteration_bounds = array<i64: 2, 16>, scalar_prefetch = 0 : i64, scratch_operands = 6 : i64, tpu.core_type = #tpu.core_type<sc_vector_subcore>, window_params = [{transform_indices = #map}, {transform_indices = #map}, {transform_indices = #map1}, {transform_indices = #map1}, {transform_indices = #map}, {transform_indices = #map}]} {
    %mul3A = arith.constant 2 : i32
    %mul3A_0 = arith.muli %arg1, %mul3A : i32
    %add3A = arith.addi %mul3A_0, %arg0 : i32
    %sub3A = arith.constant 625 : i32
    %sub3A_1 = arith.subi %sub3A, %add3A : i32
    %sub3A_2 = arith.constant 32 : i32
    %sub3A_3 = arith.constant 1 : i32
    %sub3A_4 = arith.subi %sub3A_2, %sub3A_3 : i32
    %add3A_5 = arith.addi %sub3A_1, %sub3A_4 : i32
    %div3A = arith.constant 32 : i32
    %div3A_6 = arith.divsi %add3A_5, %div3A : i32
    %while3A = arith.constant 32 : i32
    %while3A_7 = arith.constant 0 : i32
    %while3A_8 = arith.subi %div3A_6, %while3A_7 : i32
    %while3A_9 = arith.addi %while3A_7, %while3A_8 : i32
    %while3A_10 = arith.constant 1 : i32
    %while3A_11 = arith.divsi %while3A_8, %while3A_10 : i32
    %while3A_12 = arith.muli %while3A_11, %while3A_10 : i32
    %while3A_13 = arith.addi %while3A_7, %while3A_12 : i32
    %while3A_14 = arith.constant 1 : i32
    scf.for %while3A_16 = %while3A_7 to %while3A_13 step %while3A_14  : i32 {
      %mul3A_17 = arith.muli %while3A_16, %while3A : i32
      %add3A_18 = arith.addi %add3A, %mul3A_17 : i32
      %mul3A_19 = arith.constant 256 : i32
      %mul3A_20 = arith.muli %add3A_18, %mul3A_19 : i32
      "tpu.region"() ({
        %run_scoped3A = tpu.sem_alloc : memref<!tpu.dma_semaphore, #tpu.memory_space<semaphore_mem>>
        %dma_start3A_89 = tpu.memref_slice %arg4[%mul3A_20] : memref<160000xi32, #tpu.memory_space<hbm>> -> memref<256xi32, #tpu.memory_space<hbm>>
        %dma_start3A_90 = tpu.memref_slice %arg4[%mul3A_20] : memref<160000xi32, #tpu.memory_space<hbm>> -> memref<256xi32, #tpu.memory_space<hbm>>
        tpu.enqueue_dma source(%dma_start3A_90 : memref<256xi32, #tpu.memory_space<hbm>>) target(%arg8 : memref<256xi32, #tpu.memory_space<vmem>>) target_semaphore(%run_scoped3A : memref<!tpu.dma_semaphore, #tpu.memory_space<semaphore_mem>>)
        %dma_wait3A_91 = tpu.memref_slice %arg4[%mul3A_20] : memref<160000xi32, #tpu.memory_space<hbm>> -> memref<256xi32, #tpu.memory_space<hbm>>
        %dma_wait3A_92 = tpu.memref_slice %arg4[%mul3A_20] : memref<160000xi32, #tpu.memory_space<hbm>> -> memref<256xi32, #tpu.memory_space<hbm>>
        tpu.wait_dma2 semaphore(%run_scoped3A : memref<!tpu.dma_semaphore, #tpu.memory_space<semaphore_mem>>) src(%dma_wait3A_92 : memref<256xi32, #tpu.memory_space<hbm>>) dst(%arg8 : memref<256xi32, #tpu.memory_space<vmem>>)
        tpu.yield
      }) : () -> ()
      %dma_start3A = arith.constant 0 : i32
      %dma_start3A_21 = arith.constant 0 : i32
      %dma_start3A_22 = tpu.memref_slice %arg10[%dma_start3A, %dma_start3A_21] : memref<256x128xf32, #tpu.memory_space<vmem>> -> memref<128x128xf32, #tpu.memory_space<vmem>>
      %dma_start3A_23 = arith.constant 0 : i32
      %dma_start3A_24 = tpu.memref_slice %arg8[%dma_start3A_23] : memref<256xi32, #tpu.memory_space<vmem>> -> memref<128xi32, #tpu.memory_space<vmem>>
      %dma_start3A_25 = arith.constant 0 : i32
      %dma_start3A_26 = arith.constant 0 : i32
      %dma_start3A_27 = tpu.memref_slice %arg2[%dma_start3A_25, %dma_start3A_26] : memref<10000x128xf32, #tpu.memory_space<hbm>> -> memref<10000x128xf32, #tpu.memory_space<hbm>>
      tpu.enqueue_indirect_dma source(%dma_start3A_27 : memref<10000x128xf32, #tpu.memory_space<hbm>>) target(%dma_start3A_22 : memref<128x128xf32, #tpu.memory_space<vmem>>) offsets(%dma_start3A_24 : memref<128xi32, #tpu.memory_space<vmem>>) semaphore(%arg12 : memref<!tpu.dma_semaphore, #tpu.memory_space<semaphore_mem>>)
      %dma_start3A_28 = arith.constant 128 : i32
      %dma_start3A_29 = arith.constant 0 : i32
      %dma_start3A_30 = tpu.memref_slice %arg10[%dma_start3A_28, %dma_start3A_29] : memref<256x128xf32, #tpu.memory_space<vmem>> -> memref<128x128xf32, #tpu.memory_space<vmem>>
      %dma_start3A_31 = arith.constant 128 : i32
      %dma_start3A_32 = tpu.memref_slice %arg8[%dma_start3A_31] : memref<256xi32, #tpu.memory_space<vmem>> -> memref<128xi32, #tpu.memory_space<vmem>>
      %dma_start3A_33 = arith.constant 0 : i32
      %dma_start3A_34 = arith.constant 0 : i32
      %dma_start3A_35 = tpu.memref_slice %arg2[%dma_start3A_33, %dma_start3A_34] : memref<10000x128xf32, #tpu.memory_space<hbm>> -> memref<10000x128xf32, #tpu.memory_space<hbm>>
      tpu.enqueue_indirect_dma source(%dma_start3A_35 : memref<10000x128xf32, #tpu.memory_space<hbm>>) target(%dma_start3A_30 : memref<128x128xf32, #tpu.memory_space<vmem>>) offsets(%dma_start3A_32 : memref<128xi32, #tpu.memory_space<vmem>>) semaphore(%arg12 : memref<!tpu.dma_semaphore, #tpu.memory_space<semaphore_mem>>)
      %mul3A_36 = arith.constant 256 : i32
      %mul3A_37 = arith.muli %add3A_18, %mul3A_36 : i32
      "tpu.region"() ({
        %run_scoped3A = tpu.sem_alloc : memref<!tpu.dma_semaphore, #tpu.memory_space<semaphore_mem>>
        %dma_start3A_89 = tpu.memref_slice %arg5[%mul3A_37] : memref<160000xi32, #tpu.memory_space<hbm>> -> memref<256xi32, #tpu.memory_space<hbm>>
        %dma_start3A_90 = tpu.memref_slice %arg5[%mul3A_37] : memref<160000xi32, #tpu.memory_space<hbm>> -> memref<256xi32, #tpu.memory_space<hbm>>
        tpu.enqueue_dma source(%dma_start3A_90 : memref<256xi32, #tpu.memory_space<hbm>>) target(%arg9 : memref<256xi32, #tpu.memory_space<vmem>>) target_semaphore(%run_scoped3A : memref<!tpu.dma_semaphore, #tpu.memory_space<semaphore_mem>>)
        %dma_wait3A_91 = tpu.memref_slice %arg5[%mul3A_37] : memref<160000xi32, #tpu.memory_space<hbm>> -> memref<256xi32, #tpu.memory_space<hbm>>
        %dma_wait3A_92 = tpu.memref_slice %arg5[%mul3A_37] : memref<160000xi32, #tpu.memory_space<hbm>> -> memref<256xi32, #tpu.memory_space<hbm>>
        tpu.wait_dma2 semaphore(%run_scoped3A : memref<!tpu.dma_semaphore, #tpu.memory_space<semaphore_mem>>) src(%dma_wait3A_92 : memref<256xi32, #tpu.memory_space<hbm>>) dst(%arg9 : memref<256xi32, #tpu.memory_space<vmem>>)
        tpu.yield
      }) : () -> ()
      %dma_start3A_38 = arith.constant 0 : i32
      %dma_start3A_39 = arith.constant 0 : i32
      %dma_start3A_40 = tpu.memref_slice %arg11[%dma_start3A_38, %dma_start3A_39] : memref<256x128xf32, #tpu.memory_space<vmem>> -> memref<128x128xf32, #tpu.memory_space<vmem>>
      %dma_start3A_41 = arith.constant 0 : i32
      %dma_start3A_42 = tpu.memref_slice %arg9[%dma_start3A_41] : memref<256xi32, #tpu.memory_space<vmem>> -> memref<128xi32, #tpu.memory_space<vmem>>
      %dma_start3A_43 = arith.constant 0 : i32
      %dma_start3A_44 = arith.constant 0 : i32
      %dma_start3A_45 = tpu.memref_slice %arg3[%dma_start3A_43, %dma_start3A_44] : memref<10000x128xf32, #tpu.memory_space<hbm>> -> memref<10000x128xf32, #tpu.memory_space<hbm>>
      tpu.enqueue_indirect_dma source(%dma_start3A_45 : memref<10000x128xf32, #tpu.memory_space<hbm>>) target(%dma_start3A_40 : memref<128x128xf32, #tpu.memory_space<vmem>>) offsets(%dma_start3A_42 : memref<128xi32, #tpu.memory_space<vmem>>) semaphore(%arg13 : memref<!tpu.dma_semaphore, #tpu.memory_space<semaphore_mem>>)
      %dma_start3A_46 = arith.constant 128 : i32
      %dma_start3A_47 = arith.constant 0 : i32
      %dma_start3A_48 = tpu.memref_slice %arg11[%dma_start3A_46, %dma_start3A_47] : memref<256x128xf32, #tpu.memory_space<vmem>> -> memref<128x128xf32, #tpu.memory_space<vmem>>
      %dma_start3A_49 = arith.constant 128 : i32
      %dma_start3A_50 = tpu.memref_slice %arg9[%dma_start3A_49] : memref<256xi32, #tpu.memory_space<vmem>> -> memref<128xi32, #tpu.memory_space<vmem>>
      %dma_start3A_51 = arith.constant 0 : i32
      %dma_start3A_52 = arith.constant 0 : i32
      %dma_start3A_53 = tpu.memref_slice %arg3[%dma_start3A_51, %dma_start3A_52] : memref<10000x128xf32, #tpu.memory_space<hbm>> -> memref<10000x128xf32, #tpu.memory_space<hbm>>
      tpu.enqueue_indirect_dma source(%dma_start3A_53 : memref<10000x128xf32, #tpu.memory_space<hbm>>) target(%dma_start3A_48 : memref<128x128xf32, #tpu.memory_space<vmem>>) offsets(%dma_start3A_50 : memref<128xi32, #tpu.memory_space<vmem>>) semaphore(%arg13 : memref<!tpu.dma_semaphore, #tpu.memory_space<semaphore_mem>>)
      %dma_wait3A = arith.constant 0 : i32
      %dma_wait3A_54 = arith.constant 0 : i32
      %dma_wait3A_55 = tpu.memref_slice %arg10[%dma_wait3A, %dma_wait3A_54] : memref<256x128xf32, #tpu.memory_space<vmem>> -> memref<128x128xf32, #tpu.memory_space<vmem>>
      %dma_wait3A_56 = arith.constant 0 : i32
      %dma_wait3A_57 = tpu.memref_slice %arg8[%dma_wait3A_56] : memref<256xi32, #tpu.memory_space<vmem>> -> memref<128xi32, #tpu.memory_space<vmem>>
      %dma_wait3A_58 = arith.constant 0 : i32
      %dma_wait3A_59 = arith.constant 0 : i32
      %dma_wait3A_60 = tpu.memref_slice %arg2[%dma_wait3A_58, %dma_wait3A_59] : memref<10000x128xf32, #tpu.memory_space<hbm>> -> memref<10000x128xf32, #tpu.memory_space<hbm>>
      tpu.wait_indirect_dma semaphore(%arg12 : memref<!tpu.dma_semaphore, #tpu.memory_space<semaphore_mem>>) src(%dma_wait3A_60 : memref<10000x128xf32, #tpu.memory_space<hbm>>) dst(%dma_wait3A_55 : memref<128x128xf32, #tpu.memory_space<vmem>>)
      %dma_wait3A_61 = arith.constant 128 : i32
      %dma_wait3A_62 = arith.constant 0 : i32
      %dma_wait3A_63 = tpu.memref_slice %arg10[%dma_wait3A_61, %dma_wait3A_62] : memref<256x128xf32, #tpu.memory_space<vmem>> -> memref<128x128xf32, #tpu.memory_space<vmem>>
      %dma_wait3A_64 = arith.constant 128 : i32
      %dma_wait3A_65 = tpu.memref_slice %arg8[%dma_wait3A_64] : memref<256xi32, #tpu.memory_space<vmem>> -> memref<128xi32, #tpu.memory_space<vmem>>
      %dma_wait3A_66 = arith.constant 0 : i32
      %dma_wait3A_67 = arith.constant 0 : i32
      %dma_wait3A_68 = tpu.memref_slice %arg2[%dma_wait3A_66, %dma_wait3A_67] : memref<10000x128xf32, #tpu.memory_space<hbm>> -> memref<10000x128xf32, #tpu.memory_space<hbm>>
      tpu.wait_indirect_dma semaphore(%arg12 : memref<!tpu.dma_semaphore, #tpu.memory_space<semaphore_mem>>) src(%dma_wait3A_68 : memref<10000x128xf32, #tpu.memory_space<hbm>>) dst(%dma_wait3A_63 : memref<128x128xf32, #tpu.memory_space<vmem>>)
      %mul3A_69 = arith.constant 256 : i32
      %mul3A_70 = arith.muli %add3A_18, %mul3A_69 : i32
      "tpu.region"() ({
        %run_scoped3A = tpu.sem_alloc : memref<!tpu.dma_semaphore, #tpu.memory_space<semaphore_mem>>
        %dma_start3A_89 = arith.constant 0 : i32
        %dma_start3A_90 = tpu.memref_slice %arg6[%mul3A_70, %dma_start3A_89] : memref<160000x128xf32, #tpu.memory_space<hbm>> -> memref<256x128xf32, #tpu.memory_space<hbm>>
        %dma_start3A_91 = arith.constant 0 : i32
        %dma_start3A_92 = tpu.memref_slice %arg6[%mul3A_70, %dma_start3A_91] : memref<160000x128xf32, #tpu.memory_space<hbm>> -> memref<256x128xf32, #tpu.memory_space<hbm>>
        tpu.enqueue_dma source(%arg10 : memref<256x128xf32, #tpu.memory_space<vmem>>) target(%dma_start3A_92 : memref<256x128xf32, #tpu.memory_space<hbm>>) target_semaphore(%run_scoped3A : memref<!tpu.dma_semaphore, #tpu.memory_space<semaphore_mem>>)
        %dma_wait3A_93 = arith.constant 0 : i32
        %dma_wait3A_94 = tpu.memref_slice %arg6[%mul3A_70, %dma_wait3A_93] : memref<160000x128xf32, #tpu.memory_space<hbm>> -> memref<256x128xf32, #tpu.memory_space<hbm>>
        %dma_wait3A_95 = arith.constant 0 : i32
        %dma_wait3A_96 = tpu.memref_slice %arg6[%mul3A_70, %dma_wait3A_95] : memref<160000x128xf32, #tpu.memory_space<hbm>> -> memref<256x128xf32, #tpu.memory_space<hbm>>
        tpu.wait_dma2 semaphore(%run_scoped3A : memref<!tpu.dma_semaphore, #tpu.memory_space<semaphore_mem>>) src(%arg10 : memref<256x128xf32, #tpu.memory_space<vmem>>) dst(%dma_wait3A_96 : memref<256x128xf32, #tpu.memory_space<hbm>>)
        tpu.yield
      }) : () -> ()
      %dma_wait3A_71 = arith.constant 0 : i32
      %dma_wait3A_72 = arith.constant 0 : i32
      %dma_wait3A_73 = tpu.memref_slice %arg11[%dma_wait3A_71, %dma_wait3A_72] : memref<256x128xf32, #tpu.memory_space<vmem>> -> memref<128x128xf32, #tpu.memory_space<vmem>>
      %dma_wait3A_74 = arith.constant 0 : i32
      %dma_wait3A_75 = tpu.memref_slice %arg9[%dma_wait3A_74] : memref<256xi32, #tpu.memory_space<vmem>> -> memref<128xi32, #tpu.memory_space<vmem>>
      %dma_wait3A_76 = arith.constant 0 : i32
      %dma_wait3A_77 = arith.constant 0 : i32
      %dma_wait3A_78 = tpu.memref_slice %arg3[%dma_wait3A_76, %dma_wait3A_77] : memref<10000x128xf32, #tpu.memory_space<hbm>> -> memref<10000x128xf32, #tpu.memory_space<hbm>>
      tpu.wait_indirect_dma semaphore(%arg13 : memref<!tpu.dma_semaphore, #tpu.memory_space<semaphore_mem>>) src(%dma_wait3A_78 : memref<10000x128xf32, #tpu.memory_space<hbm>>) dst(%dma_wait3A_73 : memref<128x128xf32, #tpu.memory_space<vmem>>)
      %dma_wait3A_79 = arith.constant 128 : i32
      %dma_wait3A_80 = arith.constant 0 : i32
      %dma_wait3A_81 = tpu.memref_slice %arg11[%dma_wait3A_79, %dma_wait3A_80] : memref<256x128xf32, #tpu.memory_space<vmem>> -> memref<128x128xf32, #tpu.memory_space<vmem>>
      %dma_wait3A_82 = arith.constant 128 : i32
      %dma_wait3A_83 = tpu.memref_slice %arg9[%dma_wait3A_82] : memref<256xi32, #tpu.memory_space<vmem>> -> memref<128xi32, #tpu.memory_space<vmem>>
      %dma_wait3A_84 = arith.constant 0 : i32
      %dma_wait3A_85 = arith.constant 0 : i32
      %dma_wait3A_86 = tpu.memref_slice %arg3[%dma_wait3A_84, %dma_wait3A_85] : memref<10000x128xf32, #tpu.memory_space<hbm>> -> memref<10000x128xf32, #tpu.memory_space<hbm>>
      tpu.wait_indirect_dma semaphore(%arg13 : memref<!tpu.dma_semaphore, #tpu.memory_space<semaphore_mem>>) src(%dma_wait3A_86 : memref<10000x128xf32, #tpu.memory_space<hbm>>) dst(%dma_wait3A_81 : memref<128x128xf32, #tpu.memory_space<vmem>>)
      %mul3A_87 = arith.constant 256 : i32
      %mul3A_88 = arith.muli %add3A_18, %mul3A_87 : i32
      "tpu.region"() ({
        %run_scoped3A = tpu.sem_alloc : memref<!tpu.dma_semaphore, #tpu.memory_space<semaphore_mem>>
        %dma_start3A_89 = arith.constant 0 : i32
        %dma_start3A_90 = tpu.memref_slice %arg7[%mul3A_88, %dma_start3A_89] : memref<160000x128xf32, #tpu.memory_space<hbm>> -> memref<256x128xf32, #tpu.memory_space<hbm>>
        %dma_start3A_91 = arith.constant 0 : i32
        %dma_start3A_92 = tpu.memref_slice %arg7[%mul3A_88, %dma_start3A_91] : memref<160000x128xf32, #tpu.memory_space<hbm>> -> memref<256x128xf32, #tpu.memory_space<hbm>>
        tpu.enqueue_dma source(%arg11 : memref<256x128xf32, #tpu.memory_space<vmem>>) target(%dma_start3A_92 : memref<256x128xf32, #tpu.memory_space<hbm>>) target_semaphore(%run_scoped3A : memref<!tpu.dma_semaphore, #tpu.memory_space<semaphore_mem>>)
        %dma_wait3A_93 = arith.constant 0 : i32
        %dma_wait3A_94 = tpu.memref_slice %arg7[%mul3A_88, %dma_wait3A_93] : memref<160000x128xf32, #tpu.memory_space<hbm>> -> memref<256x128xf32, #tpu.memory_space<hbm>>
        %dma_wait3A_95 = arith.constant 0 : i32
        %dma_wait3A_96 = tpu.memref_slice %arg7[%mul3A_88, %dma_wait3A_95] : memref<160000x128xf32, #tpu.memory_space<hbm>> -> memref<256x128xf32, #tpu.memory_space<hbm>>
        tpu.wait_dma2 semaphore(%run_scoped3A : memref<!tpu.dma_semaphore, #tpu.memory_space<semaphore_mem>>) src(%arg11 : memref<256x128xf32, #tpu.memory_space<vmem>>) dst(%dma_wait3A_96 : memref<256x128xf32, #tpu.memory_space<hbm>>)
        tpu.yield
      }) : () -> ()
    }
    %while3A_15 = arith.constant 1 : i32
    scf.for %while3A_16 = %while3A_13 to %while3A_9 step %while3A_15  : i32 {
      %mul3A_17 = arith.muli %while3A_16, %while3A : i32
      %add3A_18 = arith.addi %add3A, %mul3A_17 : i32
      %mul3A_19 = arith.constant 256 : i32
      %mul3A_20 = arith.muli %add3A_18, %mul3A_19 : i32
      "tpu.region"() ({
        %run_scoped3A = tpu.sem_alloc : memref<!tpu.dma_semaphore, #tpu.memory_space<semaphore_mem>>
        %dma_start3A_89 = tpu.memref_slice %arg4[%mul3A_20] : memref<160000xi32, #tpu.memory_space<hbm>> -> memref<256xi32, #tpu.memory_space<hbm>>
        %dma_start3A_90 = tpu.memref_slice %arg4[%mul3A_20] : memref<160000xi32, #tpu.memory_space<hbm>> -> memref<256xi32, #tpu.memory_space<hbm>>
        tpu.enqueue_dma source(%dma_start3A_90 : memref<256xi32, #tpu.memory_space<hbm>>) target(%arg8 : memref<256xi32, #tpu.memory_space<vmem>>) target_semaphore(%run_scoped3A : memref<!tpu.dma_semaphore, #tpu.memory_space<semaphore_mem>>)
        %dma_wait3A_91 = tpu.memref_slice %arg4[%mul3A_20] : memref<160000xi32, #tpu.memory_space<hbm>> -> memref<256xi32, #tpu.memory_space<hbm>>
        %dma_wait3A_92 = tpu.memref_slice %arg4[%mul3A_20] : memref<160000xi32, #tpu.memory_space<hbm>> -> memref<256xi32, #tpu.memory_space<hbm>>
        tpu.wait_dma2 semaphore(%run_scoped3A : memref<!tpu.dma_semaphore, #tpu.memory_space<semaphore_mem>>) src(%dma_wait3A_92 : memref<256xi32, #tpu.memory_space<hbm>>) dst(%arg8 : memref<256xi32, #tpu.memory_space<vmem>>)
        tpu.yield
      }) : () -> ()
      %dma_start3A = arith.constant 0 : i32
      %dma_start3A_21 = arith.constant 0 : i32
      %dma_start3A_22 = tpu.memref_slice %arg10[%dma_start3A, %dma_start3A_21] : memref<256x128xf32, #tpu.memory_space<vmem>> -> memref<128x128xf32, #tpu.memory_space<vmem>>
      %dma_start3A_23 = arith.constant 0 : i32
      %dma_start3A_24 = tpu.memref_slice %arg8[%dma_start3A_23] : memref<256xi32, #tpu.memory_space<vmem>> -> memref<128xi32, #tpu.memory_space<vmem>>
      %dma_start3A_25 = arith.constant 0 : i32
      %dma_start3A_26 = arith.constant 0 : i32
      %dma_start3A_27 = tpu.memref_slice %arg2[%dma_start3A_25, %dma_start3A_26] : memref<10000x128xf32, #tpu.memory_space<hbm>> -> memref<10000x128xf32, #tpu.memory_space<hbm>>
      tpu.enqueue_indirect_dma source(%dma_start3A_27 : memref<10000x128xf32, #tpu.memory_space<hbm>>) target(%dma_start3A_22 : memref<128x128xf32, #tpu.memory_space<vmem>>) offsets(%dma_start3A_24 : memref<128xi32, #tpu.memory_space<vmem>>) semaphore(%arg12 : memref<!tpu.dma_semaphore, #tpu.memory_space<semaphore_mem>>)
      %dma_start3A_28 = arith.constant 128 : i32
      %dma_start3A_29 = arith.constant 0 : i32
      %dma_start3A_30 = tpu.memref_slice %arg10[%dma_start3A_28, %dma_start3A_29] : memref<256x128xf32, #tpu.memory_space<vmem>> -> memref<128x128xf32, #tpu.memory_space<vmem>>
      %dma_start3A_31 = arith.constant 128 : i32
      %dma_start3A_32 = tpu.memref_slice %arg8[%dma_start3A_31] : memref<256xi32, #tpu.memory_space<vmem>> -> memref<128xi32, #tpu.memory_space<vmem>>
      %dma_start3A_33 = arith.constant 0 : i32
      %dma_start3A_34 = arith.constant 0 : i32
      %dma_start3A_35 = tpu.memref_slice %arg2[%dma_start3A_33, %dma_start3A_34] : memref<10000x128xf32, #tpu.memory_space<hbm>> -> memref<10000x128xf32, #tpu.memory_space<hbm>>
      tpu.enqueue_indirect_dma source(%dma_start3A_35 : memref<10000x128xf32, #tpu.memory_space<hbm>>) target(%dma_start3A_30 : memref<128x128xf32, #tpu.memory_space<vmem>>) offsets(%dma_start3A_32 : memref<128xi32, #tpu.memory_space<vmem>>) semaphore(%arg12 : memref<!tpu.dma_semaphore, #tpu.memory_space<semaphore_mem>>)
      %mul3A_36 = arith.constant 256 : i32
      %mul3A_37 = arith.muli %add3A_18, %mul3A_36 : i32
      "tpu.region"() ({
        %run_scoped3A = tpu.sem_alloc : memref<!tpu.dma_semaphore, #tpu.memory_space<semaphore_mem>>
        %dma_start3A_89 = tpu.memref_slice %arg5[%mul3A_37] : memref<160000xi32, #tpu.memory_space<hbm>> -> memref<256xi32, #tpu.memory_space<hbm>>
        %dma_start3A_90 = tpu.memref_slice %arg5[%mul3A_37] : memref<160000xi32, #tpu.memory_space<hbm>> -> memref<256xi32, #tpu.memory_space<hbm>>
        tpu.enqueue_dma source(%dma_start3A_90 : memref<256xi32, #tpu.memory_space<hbm>>) target(%arg9 : memref<256xi32, #tpu.memory_space<vmem>>) target_semaphore(%run_scoped3A : memref<!tpu.dma_semaphore, #tpu.memory_space<semaphore_mem>>)
        %dma_wait3A_91 = tpu.memref_slice %arg5[%mul3A_37] : memref<160000xi32, #tpu.memory_space<hbm>> -> memref<256xi32, #tpu.memory_space<hbm>>
        %dma_wait3A_92 = tpu.memref_slice %arg5[%mul3A_37] : memref<160000xi32, #tpu.memory_space<hbm>> -> memref<256xi32, #tpu.memory_space<hbm>>
        tpu.wait_dma2 semaphore(%run_scoped3A : memref<!tpu.dma_semaphore, #tpu.memory_space<semaphore_mem>>) src(%dma_wait3A_92 : memref<256xi32, #tpu.memory_space<hbm>>) dst(%arg9 : memref<256xi32, #tpu.memory_space<vmem>>)
        tpu.yield
      }) : () -> ()
      %dma_start3A_38 = arith.constant 0 : i32
      %dma_start3A_39 = arith.constant 0 : i32
      %dma_start3A_40 = tpu.memref_slice %arg11[%dma_start3A_38, %dma_start3A_39] : memref<256x128xf32, #tpu.memory_space<vmem>> -> memref<128x128xf32, #tpu.memory_space<vmem>>
      %dma_start3A_41 = arith.constant 0 : i32
      %dma_start3A_42 = tpu.memref_slice %arg9[%dma_start3A_41] : memref<256xi32, #tpu.memory_space<vmem>> -> memref<128xi32, #tpu.memory_space<vmem>>
      %dma_start3A_43 = arith.constant 0 : i32
      %dma_start3A_44 = arith.constant 0 : i32
      %dma_start3A_45 = tpu.memref_slice %arg3[%dma_start3A_43, %dma_start3A_44] : memref<10000x128xf32, #tpu.memory_space<hbm>> -> memref<10000x128xf32, #tpu.memory_space<hbm>>
      tpu.enqueue_indirect_dma source(%dma_start3A_45 : memref<10000x128xf32, #tpu.memory_space<hbm>>) target(%dma_start3A_40 : memref<128x128xf32, #tpu.memory_space<vmem>>) offsets(%dma_start3A_42 : memref<128xi32, #tpu.memory_space<vmem>>) semaphore(%arg13 : memref<!tpu.dma_semaphore, #tpu.memory_space<semaphore_mem>>)
      %dma_start3A_46 = arith.constant 128 : i32
      %dma_start3A_47 = arith.constant 0 : i32
      %dma_start3A_48 = tpu.memref_slice %arg11[%dma_start3A_46, %dma_start3A_47] : memref<256x128xf32, #tpu.memory_space<vmem>> -> memref<128x128xf32, #tpu.memory_space<vmem>>
      %dma_start3A_49 = arith.constant 128 : i32
      %dma_start3A_50 = tpu.memref_slice %arg9[%dma_start3A_49] : memref<256xi32, #tpu.memory_space<vmem>> -> memref<128xi32, #tpu.memory_space<vmem>>
      %dma_start3A_51 = arith.constant 0 : i32
      %dma_start3A_52 = arith.constant 0 : i32
      %dma_start3A_53 = tpu.memref_slice %arg3[%dma_start3A_51, %dma_start3A_52] : memref<10000x128xf32, #tpu.memory_space<hbm>> -> memref<10000x128xf32, #tpu.memory_space<hbm>>
      tpu.enqueue_indirect_dma source(%dma_start3A_53 : memref<10000x128xf32, #tpu.memory_space<hbm>>) target(%dma_start3A_48 : memref<128x128xf32, #tpu.memory_space<vmem>>) offsets(%dma_start3A_50 : memref<128xi32, #tpu.memory_space<vmem>>) semaphore(%arg13 : memref<!tpu.dma_semaphore, #tpu.memory_space<semaphore_mem>>)
      %dma_wait3A = arith.constant 0 : i32
      %dma_wait3A_54 = arith.constant 0 : i32
      %dma_wait3A_55 = tpu.memref_slice %arg10[%dma_wait3A, %dma_wait3A_54] : memref<256x128xf32, #tpu.memory_space<vmem>> -> memref<128x128xf32, #tpu.memory_space<vmem>>
      %dma_wait3A_56 = arith.constant 0 : i32
      %dma_wait3A_57 = tpu.memref_slice %arg8[%dma_wait3A_56] : memref<256xi32, #tpu.memory_space<vmem>> -> memref<128xi32, #tpu.memory_space<vmem>>
      %dma_wait3A_58 = arith.constant 0 : i32
      %dma_wait3A_59 = arith.constant 0 : i32
      %dma_wait3A_60 = tpu.memref_slice %arg2[%dma_wait3A_58, %dma_wait3A_59] : memref<10000x128xf32, #tpu.memory_space<hbm>> -> memref<10000x128xf32, #tpu.memory_space<hbm>>
      tpu.wait_indirect_dma semaphore(%arg12 : memref<!tpu.dma_semaphore, #tpu.memory_space<semaphore_mem>>) src(%dma_wait3A_60 : memref<10000x128xf32, #tpu.memory_space<hbm>>) dst(%dma_wait3A_55 : memref<128x128xf32, #tpu.memory_space<vmem>>)
      %dma_wait3A_61 = arith.constant 128 : i32
      %dma_wait3A_62 = arith.constant 0 : i32
      %dma_wait3A_63 = tpu.memref_slice %arg10[%dma_wait3A_61, %dma_wait3A_62] : memref<256x128xf32, #tpu.memory_space<vmem>> -> memref<128x128xf32, #tpu.memory_space<vmem>>
      %dma_wait3A_64 = arith.constant 128 : i32
      %dma_wait3A_65 = tpu.memref_slice %arg8[%dma_wait3A_64] : memref<256xi32, #tpu.memory_space<vmem>> -> memref<128xi32, #tpu.memory_space<vmem>>
      %dma_wait3A_66 = arith.constant 0 : i32
      %dma_wait3A_67 = arith.constant 0 : i32
      %dma_wait3A_68 = tpu.memref_slice %arg2[%dma_wait3A_66, %dma_wait3A_67] : memref<10000x128xf32, #tpu.memory_space<hbm>> -> memref<10000x128xf32, #tpu.memory_space<hbm>>
      tpu.wait_indirect_dma semaphore(%arg12 : memref<!tpu.dma_semaphore, #tpu.memory_space<semaphore_mem>>) src(%dma_wait3A_68 : memref<10000x128xf32, #tpu.memory_space<hbm>>) dst(%dma_wait3A_63 : memref<128x128xf32, #tpu.memory_space<vmem>>)
      %mul3A_69 = arith.constant 256 : i32
      %mul3A_70 = arith.muli %add3A_18, %mul3A_69 : i32
      "tpu.region"() ({
        %run_scoped3A = tpu.sem_alloc : memref<!tpu.dma_semaphore, #tpu.memory_space<semaphore_mem>>
        %dma_start3A_89 = arith.constant 0 : i32
        %dma_start3A_90 = tpu.memref_slice %arg6[%mul3A_70, %dma_start3A_89] : memref<160000x128xf32, #tpu.memory_space<hbm>> -> memref<256x128xf32, #tpu.memory_space<hbm>>
        %dma_start3A_91 = arith.constant 0 : i32
        %dma_start3A_92 = tpu.memref_slice %arg6[%mul3A_70, %dma_start3A_91] : memref<160000x128xf32, #tpu.memory_space<hbm>> -> memref<256x128xf32, #tpu.memory_space<hbm>>
        tpu.enqueue_dma source(%arg10 : memref<256x128xf32, #tpu.memory_space<vmem>>) target(%dma_start3A_92 : memref<256x128xf32, #tpu.memory_space<hbm>>) target_semaphore(%run_scoped3A : memref<!tpu.dma_semaphore, #tpu.memory_space<semaphore_mem>>)
        %dma_wait3A_93 = arith.constant 0 : i32
        %dma_wait3A_94 = tpu.memref_slice %arg6[%mul3A_70, %dma_wait3A_93] : memref<160000x128xf32, #tpu.memory_space<hbm>> -> memref<256x128xf32, #tpu.memory_space<hbm>>
        %dma_wait3A_95 = arith.constant 0 : i32
        %dma_wait3A_96 = tpu.memref_slice %arg6[%mul3A_70, %dma_wait3A_95] : memref<160000x128xf32, #tpu.memory_space<hbm>> -> memref<256x128xf32, #tpu.memory_space<hbm>>
        tpu.wait_dma2 semaphore(%run_scoped3A : memref<!tpu.dma_semaphore, #tpu.memory_space<semaphore_mem>>) src(%arg10 : memref<256x128xf32, #tpu.memory_space<vmem>>) dst(%dma_wait3A_96 : memref<256x128xf32, #tpu.memory_space<hbm>>)
        tpu.yield
      }) : () -> ()
      %dma_wait3A_71 = arith.constant 0 : i32
      %dma_wait3A_72 = arith.constant 0 : i32
      %dma_wait3A_73 = tpu.memref_slice %arg11[%dma_wait3A_71, %dma_wait3A_72] : memref<256x128xf32, #tpu.memory_space<vmem>> -> memref<128x128xf32, #tpu.memory_space<vmem>>
      %dma_wait3A_74 = arith.constant 0 : i32
      %dma_wait3A_75 = tpu.memref_slice %arg9[%dma_wait3A_74] : memref<256xi32, #tpu.memory_space<vmem>> -> memref<128xi32, #tpu.memory_space<vmem>>
      %dma_wait3A_76 = arith.constant 0 : i32
      %dma_wait3A_77 = arith.constant 0 : i32
      %dma_wait3A_78 = tpu.memref_slice %arg3[%dma_wait3A_76, %dma_wait3A_77] : memref<10000x128xf32, #tpu.memory_space<hbm>> -> memref<10000x128xf32, #tpu.memory_space<hbm>>
      tpu.wait_indirect_dma semaphore(%arg13 : memref<!tpu.dma_semaphore, #tpu.memory_space<semaphore_mem>>) src(%dma_wait3A_78 : memref<10000x128xf32, #tpu.memory_space<hbm>>) dst(%dma_wait3A_73 : memref<128x128xf32, #tpu.memory_space<vmem>>)
      %dma_wait3A_79 = arith.constant 128 : i32
      %dma_wait3A_80 = arith.constant 0 : i32
      %dma_wait3A_81 = tpu.memref_slice %arg11[%dma_wait3A_79, %dma_wait3A_80] : memref<256x128xf32, #tpu.memory_space<vmem>> -> memref<128x128xf32, #tpu.memory_space<vmem>>
      %dma_wait3A_82 = arith.constant 128 : i32
      %dma_wait3A_83 = tpu.memref_slice %arg9[%dma_wait3A_82] : memref<256xi32, #tpu.memory_space<vmem>> -> memref<128xi32, #tpu.memory_space<vmem>>
      %dma_wait3A_84 = arith.constant 0 : i32
      %dma_wait3A_85 = arith.constant 0 : i32
      %dma_wait3A_86 = tpu.memref_slice %arg3[%dma_wait3A_84, %dma_wait3A_85] : memref<10000x128xf32, #tpu.memory_space<hbm>> -> memref<10000x128xf32, #tpu.memory_space<hbm>>
      tpu.wait_indirect_dma semaphore(%arg13 : memref<!tpu.dma_semaphore, #tpu.memory_space<semaphore_mem>>) src(%dma_wait3A_86 : memref<10000x128xf32, #tpu.memory_space<hbm>>) dst(%dma_wait3A_81 : memref<128x128xf32, #tpu.memory_space<vmem>>)
      %mul3A_87 = arith.constant 256 : i32
      %mul3A_88 = arith.muli %add3A_18, %mul3A_87 : i32
      "tpu.region"() ({
        %run_scoped3A = tpu.sem_alloc : memref<!tpu.dma_semaphore, #tpu.memory_space<semaphore_mem>>
        %dma_start3A_89 = arith.constant 0 : i32
        %dma_start3A_90 = tpu.memref_slice %arg7[%mul3A_88, %dma_start3A_89] : memref<160000x128xf32, #tpu.memory_space<hbm>> -> memref<256x128xf32, #tpu.memory_space<hbm>>
        %dma_start3A_91 = arith.constant 0 : i32
        %dma_start3A_92 = tpu.memref_slice %arg7[%mul3A_88, %dma_start3A_91] : memref<160000x128xf32, #tpu.memory_space<hbm>> -> memref<256x128xf32, #tpu.memory_space<hbm>>
        tpu.enqueue_dma source(%arg11 : memref<256x128xf32, #tpu.memory_space<vmem>>) target(%dma_start3A_92 : memref<256x128xf32, #tpu.memory_space<hbm>>) target_semaphore(%run_scoped3A : memref<!tpu.dma_semaphore, #tpu.memory_space<semaphore_mem>>)
        %dma_wait3A_93 = arith.constant 0 : i32
        %dma_wait3A_94 = tpu.memref_slice %arg7[%mul3A_88, %dma_wait3A_93] : memref<160000x128xf32, #tpu.memory_space<hbm>> -> memref<256x128xf32, #tpu.memory_space<hbm>>
        %dma_wait3A_95 = arith.constant 0 : i32
        %dma_wait3A_96 = tpu.memref_slice %arg7[%mul3A_88, %dma_wait3A_95] : memref<160000x128xf32, #tpu.memory_space<hbm>> -> memref<256x128xf32, #tpu.memory_space<hbm>>
        tpu.wait_dma2 semaphore(%run_scoped3A : memref<!tpu.dma_semaphore, #tpu.memory_space<semaphore_mem>>) src(%arg11 : memref<256x128xf32, #tpu.memory_space<vmem>>) dst(%dma_wait3A_96 : memref<256x128xf32, #tpu.memory_space<hbm>>)
        tpu.yield
      }) : () -> ()
    }
    return
  }
}

#map = affine_map<(d0, d1) -> (0, 0)>
#map1 = affine_map<(d0, d1) -> (0)>
module attributes {stable_mosaic.version = 14 : i64} {
  func.func @k(%arg0: i32, %arg1: i32, %arg2: memref<10000x128xf32, #tpu.memory_space<hbm>>, %arg3: memref<10000x128xf32, #tpu.memory_space<hbm>>, %arg4: memref<160000xi32, #tpu.memory_space<hbm>>, %arg5: memref<160000xi32, #tpu.memory_space<hbm>>, %arg6: memref<160000x128xf32, #tpu.memory_space<hbm>>, %arg7: memref<160000x128xf32, #tpu.memory_space<hbm>>, %arg8: memref<256xi32, #tpu.memory_space<vmem>>, %arg9: memref<256xi32, #tpu.memory_space<vmem>>, %arg10: memref<256x128xf32, #tpu.memory_space<vmem>>, %arg11: memref<256x128xf32, #tpu.memory_space<vmem>>, %arg12: memref<!tpu.dma_semaphore, #tpu.memory_space<semaphore_mem>>, %arg13: memref<!tpu.dma_semaphore, #tpu.memory_space<semaphore_mem>>) attributes {dimension_semantics = [#tpu.dimension_semantics<core_parallel>, #tpu.dimension_semantics<subcore_parallel>], iteration_bounds = array<i64: 2, 16>, scalar_prefetch = 0 : i64, scratch_operands = 6 : i64, tpu.core_type = #tpu.core_type<sc_vector_subcore>, window_params = [{transform_indices = #map}, {transform_indices = #map}, {transform_indices = #map1}, {transform_indices = #map1}, {transform_indices = #map}, {transform_indices = #map}]} {
    %mul3A = arith.constant 2 : i32
    %mul3A_0 = arith.muli %arg1, %mul3A : i32
    %add3A = arith.addi %mul3A_0, %arg0 : i32
    %sub3A = arith.constant 625 : i32
    %sub3A_1 = arith.subi %sub3A, %add3A : i32
    %sub3A_2 = arith.constant 32 : i32
    %sub3A_3 = arith.constant 1 : i32
    %sub3A_4 = arith.subi %sub3A_2, %sub3A_3 : i32
    %add3A_5 = arith.addi %sub3A_1, %sub3A_4 : i32
    %div3A = arith.constant 32 : i32
    %div3A_6 = arith.divsi %add3A_5, %div3A : i32
    %while3A = arith.constant 32 : i32
    %while3A_7 = arith.constant 0 : i32
    %while3A_8 = arith.subi %div3A_6, %while3A_7 : i32
    %while3A_9 = arith.addi %while3A_7, %while3A_8 : i32
    %while3A_10 = arith.constant 1 : i32
    %while3A_11 = arith.divsi %while3A_8, %while3A_10 : i32
    %while3A_12 = arith.muli %while3A_11, %while3A_10 : i32
    %while3A_13 = arith.addi %while3A_7, %while3A_12 : i32
    %while3A_14 = arith.constant 1 : i32
    scf.for %while3A_16 = %while3A_7 to %while3A_13 step %while3A_14  : i32 {
      %mul3A_17 = arith.muli %while3A_16, %while3A : i32
      %add3A_18 = arith.addi %add3A, %mul3A_17 : i32
      %mul3A_19 = arith.constant 256 : i32
      %mul3A_20 = arith.muli %add3A_18, %mul3A_19 : i32
      "tpu.region"() ({
        %run_scoped3A = tpu.sem_alloc : memref<!tpu.dma_semaphore, #tpu.memory_space<semaphore_mem>>
        %dma_start3A_89 = tpu.memref_slice %arg4[%mul3A_20] : memref<160000xi32, #tpu.memory_space<hbm>> -> memref<256xi32, #tpu.memory_space<hbm>>
        %dma_start3A_90 = tpu.memref_slice %arg4[%mul3A_20] : memref<160000xi32, #tpu.memory_space<hbm>> -> memref<256xi32, #tpu.memory_space<hbm>>
        tpu.enqueue_dma source(%dma_start3A_90 : memref<256xi32, #tpu.memory_space<hbm>>) target(%arg8 : memref<256xi32, #tpu.memory_space<vmem>>) target_semaphore(%run_scoped3A : memref<!tpu.dma_semaphore, #tpu.memory_space<semaphore_mem>>)
        %dma_wait3A_91 = tpu.memref_slice %arg4[%mul3A_20] : memref<160000xi32, #tpu.memory_space<hbm>> -> memref<256xi32, #tpu.memory_space<hbm>>
        %dma_wait3A_92 = tpu.memref_slice %arg4[%mul3A_20] : memref<160000xi32, #tpu.memory_space<hbm>> -> memref<256xi32, #tpu.memory_space<hbm>>
        tpu.wait_dma2 semaphore(%run_scoped3A : memref<!tpu.dma_semaphore, #tpu.memory_space<semaphore_mem>>) src(%dma_wait3A_92 : memref<256xi32, #tpu.memory_space<hbm>>) dst(%arg8 : memref<256xi32, #tpu.memory_space<vmem>>)
        tpu.yield
      }) : () -> ()
      %dma_start3A = arith.constant 0 : i32
      %dma_start3A_21 = arith.constant 0 : i32
      %dma_start3A_22 = tpu.memref_slice %arg10[%dma_start3A, %dma_start3A_21] : memref<256x128xf32, #tpu.memory_space<vmem>> -> memref<128x128xf32, #tpu.memory_space<vmem>>
      %dma_start3A_23 = arith.constant 0 : i32
      %dma_start3A_24 = tpu.memref_slice %arg8[%dma_start3A_23] : memref<256xi32, #tpu.memory_space<vmem>> -> memref<128xi32, #tpu.memory_space<vmem>>
      %dma_start3A_25 = arith.constant 0 : i32
      %dma_start3A_26 = arith.constant 0 : i32
      %dma_start3A_27 = tpu.memref_slice %arg2[%dma_start3A_25, %dma_start3A_26] : memref<10000x128xf32, #tpu.memory_space<hbm>> -> memref<10000x128xf32, #tpu.memory_space<hbm>>
      tpu.enqueue_indirect_dma source(%dma_start3A_27 : memref<10000x128xf32, #tpu.memory_space<hbm>>) target(%dma_start3A_22 : memref<128x128xf32, #tpu.memory_space<vmem>>) offsets(%dma_start3A_24 : memref<128xi32, #tpu.memory_space<vmem>>) semaphore(%arg12 : memref<!tpu.dma_semaphore, #tpu.memory_space<semaphore_mem>>)
      %dma_start3A_28 = arith.constant 128 : i32
      %dma_start3A_29 = arith.constant 0 : i32
      %dma_start3A_30 = tpu.memref_slice %arg10[%dma_start3A_28, %dma_start3A_29] : memref<256x128xf32, #tpu.memory_space<vmem>> -> memref<128x128xf32, #tpu.memory_space<vmem>>
      %dma_start3A_31 = arith.constant 128 : i32
      %dma_start3A_32 = tpu.memref_slice %arg8[%dma_start3A_31] : memref<256xi32, #tpu.memory_space<vmem>> -> memref<128xi32, #tpu.memory_space<vmem>>
      %dma_start3A_33 = arith.constant 0 : i32
      %dma_start3A_34 = arith.constant 0 : i32
      %dma_start3A_35 = tpu.memref_slice %arg2[%dma_start3A_33, %dma_start3A_34] : memref<10000x128xf32, #tpu.memory_space<hbm>> -> memref<10000x128xf32, #tpu.memory_space<hbm>>
      tpu.enqueue_indirect_dma source(%dma_start3A_35 : memref<10000x128xf32, #tpu.memory_space<hbm>>) target(%dma_start3A_30 : memref<128x128xf32, #tpu.memory_space<vmem>>) offsets(%dma_start3A_32 : memref<128xi32, #tpu.memory_space<vmem>>) semaphore(%arg12 : memref<!tpu.dma_semaphore, #tpu.memory_space<semaphore_mem>>)
      %mul3A_36 = arith.constant 256 : i32
      %mul3A_37 = arith.muli %add3A_18, %mul3A_36 : i32
      "tpu.region"() ({
        %run_scoped3A = tpu.sem_alloc : memref<!tpu.dma_semaphore, #tpu.memory_space<semaphore_mem>>
        %dma_start3A_89 = tpu.memref_slice %arg5[%mul3A_37] : memref<160000xi32, #tpu.memory_space<hbm>> -> memref<256xi32, #tpu.memory_space<hbm>>
        %dma_start3A_90 = tpu.memref_slice %arg5[%mul3A_37] : memref<160000xi32, #tpu.memory_space<hbm>> -> memref<256xi32, #tpu.memory_space<hbm>>
        tpu.enqueue_dma source(%dma_start3A_90 : memref<256xi32, #tpu.memory_space<hbm>>) target(%arg9 : memref<256xi32, #tpu.memory_space<vmem>>) target_semaphore(%run_scoped3A : memref<!tpu.dma_semaphore, #tpu.memory_space<semaphore_mem>>)
        %dma_wait3A_91 = tpu.memref_slice %arg5[%mul3A_37] : memref<160000xi32, #tpu.memory_space<hbm>> -> memref<256xi32, #tpu.memory_space<hbm>>
        %dma_wait3A_92 = tpu.memref_slice %arg5[%mul3A_37] : memref<160000xi32, #tpu.memory_space<hbm>> -> memref<256xi32, #tpu.memory_space<hbm>>
        tpu.wait_dma2 semaphore(%run_scoped3A : memref<!tpu.dma_semaphore, #tpu.memory_space<semaphore_mem>>) src(%dma_wait3A_92 : memref<256xi32, #tpu.memory_space<hbm>>) dst(%arg9 : memref<256xi32, #tpu.memory_space<vmem>>)
        tpu.yield
      }) : () -> ()
      %dma_start3A_38 = arith.constant 0 : i32
      %dma_start3A_39 = arith.constant 0 : i32
      %dma_start3A_40 = tpu.memref_slice %arg11[%dma_start3A_38, %dma_start3A_39] : memref<256x128xf32, #tpu.memory_space<vmem>> -> memref<128x128xf32, #tpu.memory_space<vmem>>
      %dma_start3A_41 = arith.constant 0 : i32
      %dma_start3A_42 = tpu.memref_slice %arg9[%dma_start3A_41] : memref<256xi32, #tpu.memory_space<vmem>> -> memref<128xi32, #tpu.memory_space<vmem>>
      %dma_start3A_43 = arith.constant 0 : i32
      %dma_start3A_44 = arith.constant 0 : i32
      %dma_start3A_45 = tpu.memref_slice %arg3[%dma_start3A_43, %dma_start3A_44] : memref<10000x128xf32, #tpu.memory_space<hbm>> -> memref<10000x128xf32, #tpu.memory_space<hbm>>
      tpu.enqueue_indirect_dma source(%dma_start3A_45 : memref<10000x128xf32, #tpu.memory_space<hbm>>) target(%dma_start3A_40 : memref<128x128xf32, #tpu.memory_space<vmem>>) offsets(%dma_start3A_42 : memref<128xi32, #tpu.memory_space<vmem>>) semaphore(%arg13 : memref<!tpu.dma_semaphore, #tpu.memory_space<semaphore_mem>>)
      %dma_start3A_46 = arith.constant 128 : i32
      %dma_start3A_47 = arith.constant 0 : i32
      %dma_start3A_48 = tpu.memref_slice %arg11[%dma_start3A_46, %dma_start3A_47] : memref<256x128xf32, #tpu.memory_space<vmem>> -> memref<128x128xf32, #tpu.memory_space<vmem>>
      %dma_start3A_49 = arith.constant 128 : i32
      %dma_start3A_50 = tpu.memref_slice %arg9[%dma_start3A_49] : memref<256xi32, #tpu.memory_space<vmem>> -> memref<128xi32, #tpu.memory_space<vmem>>
      %dma_start3A_51 = arith.constant 0 : i32
      %dma_start3A_52 = arith.constant 0 : i32
      %dma_start3A_53 = tpu.memref_slice %arg3[%dma_start3A_51, %dma_start3A_52] : memref<10000x128xf32, #tpu.memory_space<hbm>> -> memref<10000x128xf32, #tpu.memory_space<hbm>>
      tpu.enqueue_indirect_dma source(%dma_start3A_53 : memref<10000x128xf32, #tpu.memory_space<hbm>>) target(%dma_start3A_48 : memref<128x128xf32, #tpu.memory_space<vmem>>) offsets(%dma_start3A_50 : memref<128xi32, #tpu.memory_space<vmem>>) semaphore(%arg13 : memref<!tpu.dma_semaphore, #tpu.memory_space<semaphore_mem>>)
      %dma_wait3A = arith.constant 0 : i32
      %dma_wait3A_54 = arith.constant 0 : i32
      %dma_wait3A_55 = tpu.memref_slice %arg10[%dma_wait3A, %dma_wait3A_54] : memref<256x128xf32, #tpu.memory_space<vmem>> -> memref<128x128xf32, #tpu.memory_space<vmem>>
      %dma_wait3A_56 = arith.constant 0 : i32
      %dma_wait3A_57 = tpu.memref_slice %arg8[%dma_wait3A_56] : memref<256xi32, #tpu.memory_space<vmem>> -> memref<128xi32, #tpu.memory_space<vmem>>
      %dma_wait3A_58 = arith.constant 0 : i32
      %dma_wait3A_59 = arith.constant 0 : i32
      %dma_wait3A_60 = tpu.memref_slice %arg2[%dma_wait3A_58, %dma_wait3A_59] : memref<10000x128xf32, #tpu.memory_space<hbm>> -> memref<10000x128xf32, #tpu.memory_space<hbm>>
      tpu.wait_indirect_dma semaphore(%arg12 : memref<!tpu.dma_semaphore, #tpu.memory_space<semaphore_mem>>) src(%dma_wait3A_60 : memref<10000x128xf32, #tpu.memory_space<hbm>>) dst(%dma_wait3A_55 : memref<128x128xf32, #tpu.memory_space<vmem>>)
      %dma_wait3A_61 = arith.constant 128 : i32
      %dma_wait3A_62 = arith.constant 0 : i32
      %dma_wait3A_63 = tpu.memref_slice %arg10[%dma_wait3A_61, %dma_wait3A_62] : memref<256x128xf32, #tpu.memory_space<vmem>> -> memref<128x128xf32, #tpu.memory_space<vmem>>
      %dma_wait3A_64 = arith.constant 128 : i32
      %dma_wait3A_65 = tpu.memref_slice %arg8[%dma_wait3A_64] : memref<256xi32, #tpu.memory_space<vmem>> -> memref<128xi32, #tpu.memory_space<vmem>>
      %dma_wait3A_66 = arith.constant 0 : i32
      %dma_wait3A_67 = arith.constant 0 : i32
      %dma_wait3A_68 = tpu.memref_slice %arg2[%dma_wait3A_66, %dma_wait3A_67] : memref<10000x128xf32, #tpu.memory_space<hbm>> -> memref<10000x128xf32, #tpu.memory_space<hbm>>
      tpu.wait_indirect_dma semaphore(%arg12 : memref<!tpu.dma_semaphore, #tpu.memory_space<semaphore_mem>>) src(%dma_wait3A_68 : memref<10000x128xf32, #tpu.memory_space<hbm>>) dst(%dma_wait3A_63 : memref<128x128xf32, #tpu.memory_space<vmem>>)
      %mul3A_69 = arith.constant 256 : i32
      %mul3A_70 = arith.muli %add3A_18, %mul3A_69 : i32
      "tpu.region"() ({
        %run_scoped3A = tpu.sem_alloc : memref<!tpu.dma_semaphore, #tpu.memory_space<semaphore_mem>>
        %dma_start3A_89 = arith.constant 0 : i32
        %dma_start3A_90 = tpu.memref_slice %arg6[%mul3A_70, %dma_start3A_89] : memref<160000x128xf32, #tpu.memory_space<hbm>> -> memref<256x128xf32, #tpu.memory_space<hbm>>
        %dma_start3A_91 = arith.constant 0 : i32
        %dma_start3A_92 = tpu.memref_slice %arg6[%mul3A_70, %dma_start3A_91] : memref<160000x128xf32, #tpu.memory_space<hbm>> -> memref<256x128xf32, #tpu.memory_space<hbm>>
        tpu.enqueue_dma source(%arg10 : memref<256x128xf32, #tpu.memory_space<vmem>>) target(%dma_start3A_92 : memref<256x128xf32, #tpu.memory_space<hbm>>) target_semaphore(%run_scoped3A : memref<!tpu.dma_semaphore, #tpu.memory_space<semaphore_mem>>)
        %dma_wait3A_93 = arith.constant 0 : i32
        %dma_wait3A_94 = tpu.memref_slice %arg6[%mul3A_70, %dma_wait3A_93] : memref<160000x128xf32, #tpu.memory_space<hbm>> -> memref<256x128xf32, #tpu.memory_space<hbm>>
        %dma_wait3A_95 = arith.constant 0 : i32
        %dma_wait3A_96 = tpu.memref_slice %arg6[%mul3A_70, %dma_wait3A_95] : memref<160000x128xf32, #tpu.memory_space<hbm>> -> memref<256x128xf32, #tpu.memory_space<hbm>>
        tpu.wait_dma2 semaphore(%run_scoped3A : memref<!tpu.dma_semaphore, #tpu.memory_space<semaphore_mem>>) src(%arg10 : memref<256x128xf32, #tpu.memory_space<vmem>>) dst(%dma_wait3A_96 : memref<256x128xf32, #tpu.memory_space<hbm>>)
        tpu.yield
      }) : () -> ()
      %dma_wait3A_71 = arith.constant 0 : i32
      %dma_wait3A_72 = arith.constant 0 : i32
      %dma_wait3A_73 = tpu.memref_slice %arg11[%dma_wait3A_71, %dma_wait3A_72] : memref<256x128xf32, #tpu.memory_space<vmem>> -> memref<128x128xf32, #tpu.memory_space<vmem>>
      %dma_wait3A_74 = arith.constant 0 : i32
      %dma_wait3A_75 = tpu.memref_slice %arg9[%dma_wait3A_74] : memref<256xi32, #tpu.memory_space<vmem>> -> memref<128xi32, #tpu.memory_space<vmem>>
      %dma_wait3A_76 = arith.constant 0 : i32
      %dma_wait3A_77 = arith.constant 0 : i32
      %dma_wait3A_78 = tpu.memref_slice %arg3[%dma_wait3A_76, %dma_wait3A_77] : memref<10000x128xf32, #tpu.memory_space<hbm>> -> memref<10000x128xf32, #tpu.memory_space<hbm>>
      tpu.wait_indirect_dma semaphore(%arg13 : memref<!tpu.dma_semaphore, #tpu.memory_space<semaphore_mem>>) src(%dma_wait3A_78 : memref<10000x128xf32, #tpu.memory_space<hbm>>) dst(%dma_wait3A_73 : memref<128x128xf32, #tpu.memory_space<vmem>>)
      %dma_wait3A_79 = arith.constant 128 : i32
      %dma_wait3A_80 = arith.constant 0 : i32
      %dma_wait3A_81 = tpu.memref_slice %arg11[%dma_wait3A_79, %dma_wait3A_80] : memref<256x128xf32, #tpu.memory_space<vmem>> -> memref<128x128xf32, #tpu.memory_space<vmem>>
      %dma_wait3A_82 = arith.constant 128 : i32
      %dma_wait3A_83 = tpu.memref_slice %arg9[%dma_wait3A_82] : memref<256xi32, #tpu.memory_space<vmem>> -> memref<128xi32, #tpu.memory_space<vmem>>
      %dma_wait3A_84 = arith.constant 0 : i32
      %dma_wait3A_85 = arith.constant 0 : i32
      %dma_wait3A_86 = tpu.memref_slice %arg3[%dma_wait3A_84, %dma_wait3A_85] : memref<10000x128xf32, #tpu.memory_space<hbm>> -> memref<10000x128xf32, #tpu.memory_space<hbm>>
      tpu.wait_indirect_dma semaphore(%arg13 : memref<!tpu.dma_semaphore, #tpu.memory_space<semaphore_mem>>) src(%dma_wait3A_86 : memref<10000x128xf32, #tpu.memory_space<hbm>>) dst(%dma_wait3A_81 : memref<128x128xf32, #tpu.memory_space<vmem>>)
      %mul3A_87 = arith.constant 256 : i32
      %mul3A_88 = arith.muli %add3A_18, %mul3A_87 : i32
      "tpu.region"() ({
        %run_scoped3A = tpu.sem_alloc : memref<!tpu.dma_semaphore, #tpu.memory_space<semaphore_mem>>
        %dma_start3A_89 = arith.constant 0 : i32
        %dma_start3A_90 = tpu.memref_slice %arg7[%mul3A_88, %dma_start3A_89] : memref<160000x128xf32, #tpu.memory_space<hbm>> -> memref<256x128xf32, #tpu.memory_space<hbm>>
        %dma_start3A_91 = arith.constant 0 : i32
        %dma_start3A_92 = tpu.memref_slice %arg7[%mul3A_88, %dma_start3A_91] : memref<160000x128xf32, #tpu.memory_space<hbm>> -> memref<256x128xf32, #tpu.memory_space<hbm>>
        tpu.enqueue_dma source(%arg11 : memref<256x128xf32, #tpu.memory_space<vmem>>) target(%dma_start3A_92 : memref<256x128xf32, #tpu.memory_space<hbm>>) target_semaphore(%run_scoped3A : memref<!tpu.dma_semaphore, #tpu.memory_space<semaphore_mem>>)
        %dma_wait3A_93 = arith.constant 0 : i32
        %dma_wait3A_94 = tpu.memref_slice %arg7[%mul3A_88, %dma_wait3A_93] : memref<160000x128xf32, #tpu.memory_space<hbm>> -> memref<256x128xf32, #tpu.memory_space<hbm>>
        %dma_wait3A_95 = arith.constant 0 : i32
        %dma_wait3A_96 = tpu.memref_slice %arg7[%mul3A_88, %dma_wait3A_95] : memref<160000x128xf32, #tpu.memory_space<hbm>> -> memref<256x128xf32, #tpu.memory_space<hbm>>
        tpu.wait_dma2 semaphore(%run_scoped3A : memref<!tpu.dma_semaphore, #tpu.memory_space<semaphore_mem>>) src(%arg11 : memref<256x128xf32, #tpu.memory_space<vmem>>) dst(%dma_wait3A_96 : memref<256x128xf32, #tpu.memory_space<hbm>>)
        tpu.yield
      }) : () -> ()
    }
    %while3A_15 = arith.constant 1 : i32
    scf.for %while3A_16 = %while3A_13 to %while3A_9 step %while3A_15  : i32 {
      %mul3A_17 = arith.muli %while3A_16, %while3A : i32
      %add3A_18 = arith.addi %add3A, %mul3A_17 : i32
      %mul3A_19 = arith.constant 256 : i32
      %mul3A_20 = arith.muli %add3A_18, %mul3A_19 : i32
      "tpu.region"() ({
        %run_scoped3A = tpu.sem_alloc : memref<!tpu.dma_semaphore, #tpu.memory_space<semaphore_mem>>
        %dma_start3A_89 = tpu.memref_slice %arg4[%mul3A_20] : memref<160000xi32, #tpu.memory_space<hbm>> -> memref<256xi32, #tpu.memory_space<hbm>>
        %dma_start3A_90 = tpu.memref_slice %arg4[%mul3A_20] : memref<160000xi32, #tpu.memory_space<hbm>> -> memref<256xi32, #tpu.memory_space<hbm>>
        tpu.enqueue_dma source(%dma_start3A_90 : memref<256xi32, #tpu.memory_space<hbm>>) target(%arg8 : memref<256xi32, #tpu.memory_space<vmem>>) target_semaphore(%run_scoped3A : memref<!tpu.dma_semaphore, #tpu.memory_space<semaphore_mem>>)
        %dma_wait3A_91 = tpu.memref_slice %arg4[%mul3A_20] : memref<160000xi32, #tpu.memory_space<hbm>> -> memref<256xi32, #tpu.memory_space<hbm>>
        %dma_wait3A_92 = tpu.memref_slice %arg4[%mul3A_20] : memref<160000xi32, #tpu.memory_space<hbm>> -> memref<256xi32, #tpu.memory_space<hbm>>
        tpu.wait_dma2 semaphore(%run_scoped3A : memref<!tpu.dma_semaphore, #tpu.memory_space<semaphore_mem>>) src(%dma_wait3A_92 : memref<256xi32, #tpu.memory_space<hbm>>) dst(%arg8 : memref<256xi32, #tpu.memory_space<vmem>>)
        tpu.yield
      }) : () -> ()
      %dma_start3A = arith.constant 0 : i32
      %dma_start3A_21 = arith.constant 0 : i32
      %dma_start3A_22 = tpu.memref_slice %arg10[%dma_start3A, %dma_start3A_21] : memref<256x128xf32, #tpu.memory_space<vmem>> -> memref<128x128xf32, #tpu.memory_space<vmem>>
      %dma_start3A_23 = arith.constant 0 : i32
      %dma_start3A_24 = tpu.memref_slice %arg8[%dma_start3A_23] : memref<256xi32, #tpu.memory_space<vmem>> -> memref<128xi32, #tpu.memory_space<vmem>>
      %dma_start3A_25 = arith.constant 0 : i32
      %dma_start3A_26 = arith.constant 0 : i32
      %dma_start3A_27 = tpu.memref_slice %arg2[%dma_start3A_25, %dma_start3A_26] : memref<10000x128xf32, #tpu.memory_space<hbm>> -> memref<10000x128xf32, #tpu.memory_space<hbm>>
      tpu.enqueue_indirect_dma source(%dma_start3A_27 : memref<10000x128xf32, #tpu.memory_space<hbm>>) target(%dma_start3A_22 : memref<128x128xf32, #tpu.memory_space<vmem>>) offsets(%dma_start3A_24 : memref<128xi32, #tpu.memory_space<vmem>>) semaphore(%arg12 : memref<!tpu.dma_semaphore, #tpu.memory_space<semaphore_mem>>)
      %dma_start3A_28 = arith.constant 128 : i32
      %dma_start3A_29 = arith.constant 0 : i32
      %dma_start3A_30 = tpu.memref_slice %arg10[%dma_start3A_28, %dma_start3A_29] : memref<256x128xf32, #tpu.memory_space<vmem>> -> memref<128x128xf32, #tpu.memory_space<vmem>>
      %dma_start3A_31 = arith.constant 128 : i32
      %dma_start3A_32 = tpu.memref_slice %arg8[%dma_start3A_31] : memref<256xi32, #tpu.memory_space<vmem>> -> memref<128xi32, #tpu.memory_space<vmem>>
      %dma_start3A_33 = arith.constant 0 : i32
      %dma_start3A_34 = arith.constant 0 : i32
      %dma_start3A_35 = tpu.memref_slice %arg2[%dma_start3A_33, %dma_start3A_34] : memref<10000x128xf32, #tpu.memory_space<hbm>> -> memref<10000x128xf32, #tpu.memory_space<hbm>>
      tpu.enqueue_indirect_dma source(%dma_start3A_35 : memref<10000x128xf32, #tpu.memory_space<hbm>>) target(%dma_start3A_30 : memref<128x128xf32, #tpu.memory_space<vmem>>) offsets(%dma_start3A_32 : memref<128xi32, #tpu.memory_space<vmem>>) semaphore(%arg12 : memref<!tpu.dma_semaphore, #tpu.memory_space<semaphore_mem>>)
      %mul3A_36 = arith.constant 256 : i32
      %mul3A_37 = arith.muli %add3A_18, %mul3A_36 : i32
      "tpu.region"() ({
        %run_scoped3A = tpu.sem_alloc : memref<!tpu.dma_semaphore, #tpu.memory_space<semaphore_mem>>
        %dma_start3A_89 = tpu.memref_slice %arg5[%mul3A_37] : memref<160000xi32, #tpu.memory_space<hbm>> -> memref<256xi32, #tpu.memory_space<hbm>>
        %dma_start3A_90 = tpu.memref_slice %arg5[%mul3A_37] : memref<160000xi32, #tpu.memory_space<hbm>> -> memref<256xi32, #tpu.memory_space<hbm>>
        tpu.enqueue_dma source(%dma_start3A_90 : memref<256xi32, #tpu.memory_space<hbm>>) target(%arg9 : memref<256xi32, #tpu.memory_space<vmem>>) target_semaphore(%run_scoped3A : memref<!tpu.dma_semaphore, #tpu.memory_space<semaphore_mem>>)
        %dma_wait3A_91 = tpu.memref_slice %arg5[%mul3A_37] : memref<160000xi32, #tpu.memory_space<hbm>> -> memref<256xi32, #tpu.memory_space<hbm>>
        %dma_wait3A_92 = tpu.memref_slice %arg5[%mul3A_37] : memref<160000xi32, #tpu.memory_space<hbm>> -> memref<256xi32, #tpu.memory_space<hbm>>
        tpu.wait_dma2 semaphore(%run_scoped3A : memref<!tpu.dma_semaphore, #tpu.memory_space<semaphore_mem>>) src(%dma_wait3A_92 : memref<256xi32, #tpu.memory_space<hbm>>) dst(%arg9 : memref<256xi32, #tpu.memory_space<vmem>>)
        tpu.yield
      }) : () -> ()
      %dma_start3A_38 = arith.constant 0 : i32
      %dma_start3A_39 = arith.constant 0 : i32
      %dma_start3A_40 = tpu.memref_slice %arg11[%dma_start3A_38, %dma_start3A_39] : memref<256x128xf32, #tpu.memory_space<vmem>> -> memref<128x128xf32, #tpu.memory_space<vmem>>
      %dma_start3A_41 = arith.constant 0 : i32
      %dma_start3A_42 = tpu.memref_slice %arg9[%dma_start3A_41] : memref<256xi32, #tpu.memory_space<vmem>> -> memref<128xi32, #tpu.memory_space<vmem>>
      %dma_start3A_43 = arith.constant 0 : i32
      %dma_start3A_44 = arith.constant 0 : i32
      %dma_start3A_45 = tpu.memref_slice %arg3[%dma_start3A_43, %dma_start3A_44] : memref<10000x128xf32, #tpu.memory_space<hbm>> -> memref<10000x128xf32, #tpu.memory_space<hbm>>
      tpu.enqueue_indirect_dma source(%dma_start3A_45 : memref<10000x128xf32, #tpu.memory_space<hbm>>) target(%dma_start3A_40 : memref<128x128xf32, #tpu.memory_space<vmem>>) offsets(%dma_start3A_42 : memref<128xi32, #tpu.memory_space<vmem>>) semaphore(%arg13 : memref<!tpu.dma_semaphore, #tpu.memory_space<semaphore_mem>>)
      %dma_start3A_46 = arith.constant 128 : i32
      %dma_start3A_47 = arith.constant 0 : i32
      %dma_start3A_48 = tpu.memref_slice %arg11[%dma_start3A_46, %dma_start3A_47] : memref<256x128xf32, #tpu.memory_space<vmem>> -> memref<128x128xf32, #tpu.memory_space<vmem>>
      %dma_start3A_49 = arith.constant 128 : i32
      %dma_start3A_50 = tpu.memref_slice %arg9[%dma_start3A_49] : memref<256xi32, #tpu.memory_space<vmem>> -> memref<128xi32, #tpu.memory_space<vmem>>
      %dma_start3A_51 = arith.constant 0 : i32
      %dma_start3A_52 = arith.constant 0 : i32
      %dma_start3A_53 = tpu.memref_slice %arg3[%dma_start3A_51, %dma_start3A_52] : memref<10000x128xf32, #tpu.memory_space<hbm>> -> memref<10000x128xf32, #tpu.memory_space<hbm>>
      tpu.enqueue_indirect_dma source(%dma_start3A_53 : memref<10000x128xf32, #tpu.memory_space<hbm>>) target(%dma_start3A_48 : memref<128x128xf32, #tpu.memory_space<vmem>>) offsets(%dma_start3A_50 : memref<128xi32, #tpu.memory_space<vmem>>) semaphore(%arg13 : memref<!tpu.dma_semaphore, #tpu.memory_space<semaphore_mem>>)
      %dma_wait3A = arith.constant 0 : i32
      %dma_wait3A_54 = arith.constant 0 : i32
      %dma_wait3A_55 = tpu.memref_slice %arg10[%dma_wait3A, %dma_wait3A_54] : memref<256x128xf32, #tpu.memory_space<vmem>> -> memref<128x128xf32, #tpu.memory_space<vmem>>
      %dma_wait3A_56 = arith.constant 0 : i32
      %dma_wait3A_57 = tpu.memref_slice %arg8[%dma_wait3A_56] : memref<256xi32, #tpu.memory_space<vmem>> -> memref<128xi32, #tpu.memory_space<vmem>>
      %dma_wait3A_58 = arith.constant 0 : i32
      %dma_wait3A_59 = arith.constant 0 : i32
      %dma_wait3A_60 = tpu.memref_slice %arg2[%dma_wait3A_58, %dma_wait3A_59] : memref<10000x128xf32, #tpu.memory_space<hbm>> -> memref<10000x128xf32, #tpu.memory_space<hbm>>
      tpu.wait_indirect_dma semaphore(%arg12 : memref<!tpu.dma_semaphore, #tpu.memory_space<semaphore_mem>>) src(%dma_wait3A_60 : memref<10000x128xf32, #tpu.memory_space<hbm>>) dst(%dma_wait3A_55 : memref<128x128xf32, #tpu.memory_space<vmem>>)
      %dma_wait3A_61 = arith.constant 128 : i32
      %dma_wait3A_62 = arith.constant 0 : i32
      %dma_wait3A_63 = tpu.memref_slice %arg10[%dma_wait3A_61, %dma_wait3A_62] : memref<256x128xf32, #tpu.memory_space<vmem>> -> memref<128x128xf32, #tpu.memory_space<vmem>>
      %dma_wait3A_64 = arith.constant 128 : i32
      %dma_wait3A_65 = tpu.memref_slice %arg8[%dma_wait3A_64] : memref<256xi32, #tpu.memory_space<vmem>> -> memref<128xi32, #tpu.memory_space<vmem>>
      %dma_wait3A_66 = arith.constant 0 : i32
      %dma_wait3A_67 = arith.constant 0 : i32
      %dma_wait3A_68 = tpu.memref_slice %arg2[%dma_wait3A_66, %dma_wait3A_67] : memref<10000x128xf32, #tpu.memory_space<hbm>> -> memref<10000x128xf32, #tpu.memory_space<hbm>>
      tpu.wait_indirect_dma semaphore(%arg12 : memref<!tpu.dma_semaphore, #tpu.memory_space<semaphore_mem>>) src(%dma_wait3A_68 : memref<10000x128xf32, #tpu.memory_space<hbm>>) dst(%dma_wait3A_63 : memref<128x128xf32, #tpu.memory_space<vmem>>)
      %mul3A_69 = arith.constant 256 : i32
      %mul3A_70 = arith.muli %add3A_18, %mul3A_69 : i32
      "tpu.region"() ({
        %run_scoped3A = tpu.sem_alloc : memref<!tpu.dma_semaphore, #tpu.memory_space<semaphore_mem>>
        %dma_start3A_89 = arith.constant 0 : i32
        %dma_start3A_90 = tpu.memref_slice %arg6[%mul3A_70, %dma_start3A_89] : memref<160000x128xf32, #tpu.memory_space<hbm>> -> memref<256x128xf32, #tpu.memory_space<hbm>>
        %dma_start3A_91 = arith.constant 0 : i32
        %dma_start3A_92 = tpu.memref_slice %arg6[%mul3A_70, %dma_start3A_91] : memref<160000x128xf32, #tpu.memory_space<hbm>> -> memref<256x128xf32, #tpu.memory_space<hbm>>
        tpu.enqueue_dma source(%arg10 : memref<256x128xf32, #tpu.memory_space<vmem>>) target(%dma_start3A_92 : memref<256x128xf32, #tpu.memory_space<hbm>>) target_semaphore(%run_scoped3A : memref<!tpu.dma_semaphore, #tpu.memory_space<semaphore_mem>>)
        %dma_wait3A_93 = arith.constant 0 : i32
        %dma_wait3A_94 = tpu.memref_slice %arg6[%mul3A_70, %dma_wait3A_93] : memref<160000x128xf32, #tpu.memory_space<hbm>> -> memref<256x128xf32, #tpu.memory_space<hbm>>
        %dma_wait3A_95 = arith.constant 0 : i32
        %dma_wait3A_96 = tpu.memref_slice %arg6[%mul3A_70, %dma_wait3A_95] : memref<160000x128xf32, #tpu.memory_space<hbm>> -> memref<256x128xf32, #tpu.memory_space<hbm>>
        tpu.wait_dma2 semaphore(%run_scoped3A : memref<!tpu.dma_semaphore, #tpu.memory_space<semaphore_mem>>) src(%arg10 : memref<256x128xf32, #tpu.memory_space<vmem>>) dst(%dma_wait3A_96 : memref<256x128xf32, #tpu.memory_space<hbm>>)
        tpu.yield
      }) : () -> ()
      %dma_wait3A_71 = arith.constant 0 : i32
      %dma_wait3A_72 = arith.constant 0 : i32
      %dma_wait3A_73 = tpu.memref_slice %arg11[%dma_wait3A_71, %dma_wait3A_72] : memref<256x128xf32, #tpu.memory_space<vmem>> -> memref<128x128xf32, #tpu.memory_space<vmem>>
      %dma_wait3A_74 = arith.constant 0 : i32
      %dma_wait3A_75 = tpu.memref_slice %arg9[%dma_wait3A_74] : memref<256xi32, #tpu.memory_space<vmem>> -> memref<128xi32, #tpu.memory_space<vmem>>
      %dma_wait3A_76 = arith.constant 0 : i32
      %dma_wait3A_77 = arith.constant 0 : i32
      %dma_wait3A_78 = tpu.memref_slice %arg3[%dma_wait3A_76, %dma_wait3A_77] : memref<10000x128xf32, #tpu.memory_space<hbm>> -> memref<10000x128xf32, #tpu.memory_space<hbm>>
      tpu.wait_indirect_dma semaphore(%arg13 : memref<!tpu.dma_semaphore, #tpu.memory_space<semaphore_mem>>) src(%dma_wait3A_78 : memref<10000x128xf32, #tpu.memory_space<hbm>>) dst(%dma_wait3A_73 : memref<128x128xf32, #tpu.memory_space<vmem>>)
      %dma_wait3A_79 = arith.constant 128 : i32
      %dma_wait3A_80 = arith.constant 0 : i32
      %dma_wait3A_81 = tpu.memref_slice %arg11[%dma_wait3A_79, %dma_wait3A_80] : memref<256x128xf32, #tpu.memory_space<vmem>> -> memref<128x128xf32, #tpu.memory_space<vmem>>
      %dma_wait3A_82 = arith.constant 128 : i32
      %dma_wait3A_83 = tpu.memref_slice %arg9[%dma_wait3A_82] : memref<256xi32, #tpu.memory_space<vmem>> -> memref<128xi32, #tpu.memory_space<vmem>>
      %dma_wait3A_84 = arith.constant 0 : i32
      %dma_wait3A_85 = arith.constant 0 : i32
      %dma_wait3A_86 = tpu.memref_slice %arg3[%dma_wait3A_84, %dma_wait3A_85] : memref<10000x128xf32, #tpu.memory_space<hbm>> -> memref<10000x128xf32, #tpu.memory_space<hbm>>
      tpu.wait_indirect_dma semaphore(%arg13 : memref<!tpu.dma_semaphore, #tpu.memory_space<semaphore_mem>>) src(%dma_wait3A_86 : memref<10000x128xf32, #tpu.memory_space<hbm>>) dst(%dma_wait3A_81 : memref<128x128xf32, #tpu.memory_space<vmem>>)
      %mul3A_87 = arith.constant 256 : i32
      %mul3A_88 = arith.muli %add3A_18, %mul3A_87 : i32
      "tpu.region"() ({
        %run_scoped3A = tpu.sem_alloc : memref<!tpu.dma_semaphore, #tpu.memory_space<semaphore_mem>>
        %dma_start3A_89 = arith.constant 0 : i32
        %dma_start3A_90 = tpu.memref_slice %arg7[%mul3A_88, %dma_start3A_89] : memref<160000x128xf32, #tpu.memory_space<hbm>> -> memref<256x128xf32, #tpu.memory_space<hbm>>
        %dma_start3A_91 = arith.constant 0 : i32
        %dma_start3A_92 = tpu.memref_slice %arg7[%mul3A_88, %dma_start3A_91] : memref<160000x128xf32, #tpu.memory_space<hbm>> -> memref<256x128xf32, #tpu.memory_space<hbm>>
        tpu.enqueue_dma source(%arg11 : memref<256x128xf32, #tpu.memory_space<vmem>>) target(%dma_start3A_92 : memref<256x128xf32, #tpu.memory_space<hbm>>) target_semaphore(%run_scoped3A : memref<!tpu.dma_semaphore, #tpu.memory_space<semaphore_mem>>)
        %dma_wait3A_93 = arith.constant 0 : i32
        %dma_wait3A_94 = tpu.memref_slice %arg7[%mul3A_88, %dma_wait3A_93] : memref<160000x128xf32, #tpu.memory_space<hbm>> -> memref<256x128xf32, #tpu.memory_space<hbm>>
        %dma_wait3A_95 = arith.constant 0 : i32
        %dma_wait3A_96 = tpu.memref_slice %arg7[%mul3A_88, %dma_wait3A_95] : memref<160000x128xf32, #tpu.memory_space<hbm>> -> memref<256x128xf32, #tpu.memory_space<hbm>>
        tpu.wait_dma2 semaphore(%run_scoped3A : memref<!tpu.dma_semaphore, #tpu.memory_space<semaphore_mem>>) src(%arg11 : memref<256x128xf32, #tpu.memory_space<vmem>>) dst(%dma_wait3A_96 : memref<256x128xf32, #tpu.memory_space<hbm>>)
        tpu.yield
      }) : () -> ()
    }
    return
  }
}

#map = affine_map<(d0, d1) -> (0, 0)>
#map1 = affine_map<(d0, d1) -> (0)>
module attributes {stable_mosaic.version = 14 : i64} {
  func.func @k(%arg0: i32, %arg1: i32, %arg2: memref<10000x128xf32, #tpu.memory_space<hbm>>, %arg3: memref<160000xi32, #tpu.memory_space<hbm>>, %arg4: memref<160000x128xf32, #tpu.memory_space<hbm>>, %arg5: memref<256xi32, #tpu.memory_space<vmem>>, %arg6: memref<256xi32, #tpu.memory_space<vmem>>, %arg7: memref<256x128xf32, #tpu.memory_space<vmem>>, %arg8: memref<256x128xf32, #tpu.memory_space<vmem>>, %arg9: memref<!tpu.dma_semaphore, #tpu.memory_space<semaphore_mem>>, %arg10: memref<!tpu.dma_semaphore, #tpu.memory_space<semaphore_mem>>) attributes {dimension_semantics = [#tpu.dimension_semantics<core_parallel>, #tpu.dimension_semantics<subcore_parallel>], iteration_bounds = array<i64: 2, 16>, scalar_prefetch = 0 : i64, scratch_operands = 6 : i64, tpu.core_type = #tpu.core_type<sc_vector_subcore>, window_params = [{transform_indices = #map}, {transform_indices = #map1}, {transform_indices = #map}]} {
    %mul3A = arith.constant 2 : i32
    %mul3A_0 = arith.muli %arg1, %mul3A : i32
    %add3A = arith.addi %mul3A_0, %arg0 : i32
    %sub3A = arith.constant 625 : i32
    %sub3A_1 = arith.subi %sub3A, %add3A : i32
    %sub3A_2 = arith.constant 64 : i32
    %sub3A_3 = arith.constant 1 : i32
    %sub3A_4 = arith.subi %sub3A_2, %sub3A_3 : i32
    %add3A_5 = arith.addi %sub3A_1, %sub3A_4 : i32
    %div3A = arith.constant 64 : i32
    %div3A_6 = arith.divsi %add3A_5, %div3A : i32
    %while3A = arith.constant 64 : i32
    %while3A_7 = arith.constant 0 : i32
    %while3A_8 = arith.subi %div3A_6, %while3A_7 : i32
    %while3A_9 = arith.addi %while3A_7, %while3A_8 : i32
    %while3A_10 = arith.constant 1 : i32
    %while3A_11 = arith.divsi %while3A_8, %while3A_10 : i32
    %while3A_12 = arith.muli %while3A_11, %while3A_10 : i32
    %while3A_13 = arith.addi %while3A_7, %while3A_12 : i32
    %while3A_14 = arith.constant 1 : i32
    scf.for %while3A_16 = %while3A_7 to %while3A_13 step %while3A_14  : i32 {
      %mul3A_17 = arith.muli %while3A_16, %while3A : i32
      %add3A_18 = arith.addi %add3A, %mul3A_17 : i32
      %add3A_19 = arith.constant 32 : i32
      %add3A_20 = arith.addi %add3A_18, %add3A_19 : i32
      %mul3A_21 = arith.constant 256 : i32
      %mul3A_22 = arith.muli %add3A_18, %mul3A_21 : i32
      "tpu.region"() ({
        %run_scoped3A = tpu.sem_alloc : memref<!tpu.dma_semaphore, #tpu.memory_space<semaphore_mem>>
        %dma_start3A_62 = tpu.memref_slice %arg3[%mul3A_22] : memref<160000xi32, #tpu.memory_space<hbm>> -> memref<256xi32, #tpu.memory_space<hbm>>
        %dma_start3A_63 = tpu.memref_slice %arg3[%mul3A_22] : memref<160000xi32, #tpu.memory_space<hbm>> -> memref<256xi32, #tpu.memory_space<hbm>>
        tpu.enqueue_dma source(%dma_start3A_63 : memref<256xi32, #tpu.memory_space<hbm>>) target(%arg5 : memref<256xi32, #tpu.memory_space<vmem>>) target_semaphore(%run_scoped3A : memref<!tpu.dma_semaphore, #tpu.memory_space<semaphore_mem>>)
        %dma_wait3A_64 = tpu.memref_slice %arg3[%mul3A_22] : memref<160000xi32, #tpu.memory_space<hbm>> -> memref<256xi32, #tpu.memory_space<hbm>>
        %dma_wait3A_65 = tpu.memref_slice %arg3[%mul3A_22] : memref<160000xi32, #tpu.memory_space<hbm>> -> memref<256xi32, #tpu.memory_space<hbm>>
        tpu.wait_dma2 semaphore(%run_scoped3A : memref<!tpu.dma_semaphore, #tpu.memory_space<semaphore_mem>>) src(%dma_wait3A_65 : memref<256xi32, #tpu.memory_space<hbm>>) dst(%arg5 : memref<256xi32, #tpu.memory_space<vmem>>)
        tpu.yield
      }) : () -> ()
      %dma_start3A = arith.constant 0 : i32
      %dma_start3A_23 = arith.constant 0 : i32
      %dma_start3A_24 = tpu.memref_slice %arg7[%dma_start3A, %dma_start3A_23] : memref<256x128xf32, #tpu.memory_space<vmem>> -> memref<128x128xf32, #tpu.memory_space<vmem>>
      %dma_start3A_25 = arith.constant 0 : i32
      %dma_start3A_26 = tpu.memref_slice %arg5[%dma_start3A_25] : memref<256xi32, #tpu.memory_space<vmem>> -> memref<128xi32, #tpu.memory_space<vmem>>
      %dma_start3A_27 = arith.constant 0 : i32
      %dma_start3A_28 = arith.constant 0 : i32
      %dma_start3A_29 = tpu.memref_slice %arg2[%dma_start3A_27, %dma_start3A_28] : memref<10000x128xf32, #tpu.memory_space<hbm>> -> memref<10000x128xf32, #tpu.memory_space<hbm>>
      tpu.enqueue_indirect_dma source(%dma_start3A_29 : memref<10000x128xf32, #tpu.memory_space<hbm>>) target(%dma_start3A_24 : memref<128x128xf32, #tpu.memory_space<vmem>>) offsets(%dma_start3A_26 : memref<128xi32, #tpu.memory_space<vmem>>) semaphore(%arg9 : memref<!tpu.dma_semaphore, #tpu.memory_space<semaphore_mem>>)
      %dma_start3A_30 = arith.constant 128 : i32
      %dma_start3A_31 = arith.constant 0 : i32
      %dma_start3A_32 = tpu.memref_slice %arg7[%dma_start3A_30, %dma_start3A_31] : memref<256x128xf32, #tpu.memory_space<vmem>> -> memref<128x128xf32, #tpu.memory_space<vmem>>
      %dma_start3A_33 = arith.constant 128 : i32
      %dma_start3A_34 = tpu.memref_slice %arg5[%dma_start3A_33] : memref<256xi32, #tpu.memory_space<vmem>> -> memref<128xi32, #tpu.memory_space<vmem>>
      %dma_start3A_35 = arith.constant 0 : i32
      %dma_start3A_36 = arith.constant 0 : i32
      %dma_start3A_37 = tpu.memref_slice %arg2[%dma_start3A_35, %dma_start3A_36] : memref<10000x128xf32, #tpu.memory_space<hbm>> -> memref<10000x128xf32, #tpu.memory_space<hbm>>
      tpu.enqueue_indirect_dma source(%dma_start3A_37 : memref<10000x128xf32, #tpu.memory_space<hbm>>) target(%dma_start3A_32 : memref<128x128xf32, #tpu.memory_space<vmem>>) offsets(%dma_start3A_34 : memref<128xi32, #tpu.memory_space<vmem>>) semaphore(%arg9 : memref<!tpu.dma_semaphore, #tpu.memory_space<semaphore_mem>>)
      %lt3A = arith.constant 625 : i32
      %lt3A_38 = arith.cmpi slt, %add3A_20, %lt3A : i32
      %convert_element_type3A = arith.extui %lt3A_38 : i1 to i32
      %cond3A = arith.constant 0 : i32
      %cond3A_39 = arith.cmpi ne, %convert_element_type3A, %cond3A : i32
      scf.if %cond3A_39 {
        %mul3A_62 = arith.constant 256 : i32
        %mul3A_63 = arith.muli %add3A_20, %mul3A_62 : i32
        "tpu.region"() ({
          %run_scoped3A = tpu.sem_alloc : memref<!tpu.dma_semaphore, #tpu.memory_space<semaphore_mem>>
          %dma_start3A_80 = tpu.memref_slice %arg3[%mul3A_63] : memref<160000xi32, #tpu.memory_space<hbm>> -> memref<256xi32, #tpu.memory_space<hbm>>
          %dma_start3A_81 = tpu.memref_slice %arg3[%mul3A_63] : memref<160000xi32, #tpu.memory_space<hbm>> -> memref<256xi32, #tpu.memory_space<hbm>>
          tpu.enqueue_dma source(%dma_start3A_81 : memref<256xi32, #tpu.memory_space<hbm>>) target(%arg6 : memref<256xi32, #tpu.memory_space<vmem>>) target_semaphore(%run_scoped3A : memref<!tpu.dma_semaphore, #tpu.memory_space<semaphore_mem>>)
          %dma_wait3A_82 = tpu.memref_slice %arg3[%mul3A_63] : memref<160000xi32, #tpu.memory_space<hbm>> -> memref<256xi32, #tpu.memory_space<hbm>>
          %dma_wait3A_83 = tpu.memref_slice %arg3[%mul3A_63] : memref<160000xi32, #tpu.memory_space<hbm>> -> memref<256xi32, #tpu.memory_space<hbm>>
          tpu.wait_dma2 semaphore(%run_scoped3A : memref<!tpu.dma_semaphore, #tpu.memory_space<semaphore_mem>>) src(%dma_wait3A_83 : memref<256xi32, #tpu.memory_space<hbm>>) dst(%arg6 : memref<256xi32, #tpu.memory_space<vmem>>)
          tpu.yield
        }) : () -> ()
        %dma_start3A_64 = arith.constant 0 : i32
        %dma_start3A_65 = arith.constant 0 : i32
        %dma_start3A_66 = tpu.memref_slice %arg8[%dma_start3A_64, %dma_start3A_65] : memref<256x128xf32, #tpu.memory_space<vmem>> -> memref<128x128xf32, #tpu.memory_space<vmem>>
        %dma_start3A_67 = arith.constant 0 : i32
        %dma_start3A_68 = tpu.memref_slice %arg6[%dma_start3A_67] : memref<256xi32, #tpu.memory_space<vmem>> -> memref<128xi32, #tpu.memory_space<vmem>>
        %dma_start3A_69 = arith.constant 0 : i32
        %dma_start3A_70 = arith.constant 0 : i32
        %dma_start3A_71 = tpu.memref_slice %arg2[%dma_start3A_69, %dma_start3A_70] : memref<10000x128xf32, #tpu.memory_space<hbm>> -> memref<10000x128xf32, #tpu.memory_space<hbm>>
        tpu.enqueue_indirect_dma source(%dma_start3A_71 : memref<10000x128xf32, #tpu.memory_space<hbm>>) target(%dma_start3A_66 : memref<128x128xf32, #tpu.memory_space<vmem>>) offsets(%dma_start3A_68 : memref<128xi32, #tpu.memory_space<vmem>>) semaphore(%arg10 : memref<!tpu.dma_semaphore, #tpu.memory_space<semaphore_mem>>)
        %dma_start3A_72 = arith.constant 128 : i32
        %dma_start3A_73 = arith.constant 0 : i32
        %dma_start3A_74 = tpu.memref_slice %arg8[%dma_start3A_72, %dma_start3A_73] : memref<256x128xf32, #tpu.memory_space<vmem>> -> memref<128x128xf32, #tpu.memory_space<vmem>>
        %dma_start3A_75 = arith.constant 128 : i32
        %dma_start3A_76 = tpu.memref_slice %arg6[%dma_start3A_75] : memref<256xi32, #tpu.memory_space<vmem>> -> memref<128xi32, #tpu.memory_space<vmem>>
        %dma_start3A_77 = arith.constant 0 : i32
        %dma_start3A_78 = arith.constant 0 : i32
        %dma_start3A_79 = tpu.memref_slice %arg2[%dma_start3A_77, %dma_start3A_78] : memref<10000x128xf32, #tpu.memory_space<hbm>> -> memref<10000x128xf32, #tpu.memory_space<hbm>>
        tpu.enqueue_indirect_dma source(%dma_start3A_79 : memref<10000x128xf32, #tpu.memory_space<hbm>>) target(%dma_start3A_74 : memref<128x128xf32, #tpu.memory_space<vmem>>) offsets(%dma_start3A_76 : memref<128xi32, #tpu.memory_space<vmem>>) semaphore(%arg10 : memref<!tpu.dma_semaphore, #tpu.memory_space<semaphore_mem>>)
      } else {
      }
      %dma_wait3A = arith.constant 0 : i32
      %dma_wait3A_40 = arith.constant 0 : i32
      %dma_wait3A_41 = tpu.memref_slice %arg7[%dma_wait3A, %dma_wait3A_40] : memref<256x128xf32, #tpu.memory_space<vmem>> -> memref<128x128xf32, #tpu.memory_space<vmem>>
      %dma_wait3A_42 = arith.constant 0 : i32
      %dma_wait3A_43 = tpu.memref_slice %arg5[%dma_wait3A_42] : memref<256xi32, #tpu.memory_space<vmem>> -> memref<128xi32, #tpu.memory_space<vmem>>
      %dma_wait3A_44 = arith.constant 0 : i32
      %dma_wait3A_45 = arith.constant 0 : i32
      %dma_wait3A_46 = tpu.memref_slice %arg2[%dma_wait3A_44, %dma_wait3A_45] : memref<10000x128xf32, #tpu.memory_space<hbm>> -> memref<10000x128xf32, #tpu.memory_space<hbm>>
      tpu.wait_indirect_dma semaphore(%arg9 : memref<!tpu.dma_semaphore, #tpu.memory_space<semaphore_mem>>) src(%dma_wait3A_46 : memref<10000x128xf32, #tpu.memory_space<hbm>>) dst(%dma_wait3A_41 : memref<128x128xf32, #tpu.memory_space<vmem>>)
      %dma_wait3A_47 = arith.constant 128 : i32
      %dma_wait3A_48 = arith.constant 0 : i32
      %dma_wait3A_49 = tpu.memref_slice %arg7[%dma_wait3A_47, %dma_wait3A_48] : memref<256x128xf32, #tpu.memory_space<vmem>> -> memref<128x128xf32, #tpu.memory_space<vmem>>
      %dma_wait3A_50 = arith.constant 128 : i32
      %dma_wait3A_51 = tpu.memref_slice %arg5[%dma_wait3A_50] : memref<256xi32, #tpu.memory_space<vmem>> -> memref<128xi32, #tpu.memory_space<vmem>>
      %dma_wait3A_52 = arith.constant 0 : i32
      %dma_wait3A_53 = arith.constant 0 : i32
      %dma_wait3A_54 = tpu.memref_slice %arg2[%dma_wait3A_52, %dma_wait3A_53] : memref<10000x128xf32, #tpu.memory_space<hbm>> -> memref<10000x128xf32, #tpu.memory_space<hbm>>
      tpu.wait_indirect_dma semaphore(%arg9 : memref<!tpu.dma_semaphore, #tpu.memory_space<semaphore_mem>>) src(%dma_wait3A_54 : memref<10000x128xf32, #tpu.memory_space<hbm>>) dst(%dma_wait3A_49 : memref<128x128xf32, #tpu.memory_space<vmem>>)
      %mul3A_55 = arith.constant 256 : i32
      %mul3A_56 = arith.muli %add3A_18, %mul3A_55 : i32
      "tpu.region"() ({
        %run_scoped3A = tpu.sem_alloc : memref<!tpu.dma_semaphore, #tpu.memory_space<semaphore_mem>>
        %dma_start3A_62 = arith.constant 0 : i32
        %dma_start3A_63 = tpu.memref_slice %arg4[%mul3A_56, %dma_start3A_62] : memref<160000x128xf32, #tpu.memory_space<hbm>> -> memref<256x128xf32, #tpu.memory_space<hbm>>
        %dma_start3A_64 = arith.constant 0 : i32
        %dma_start3A_65 = tpu.memref_slice %arg4[%mul3A_56, %dma_start3A_64] : memref<160000x128xf32, #tpu.memory_space<hbm>> -> memref<256x128xf32, #tpu.memory_space<hbm>>
        tpu.enqueue_dma source(%arg7 : memref<256x128xf32, #tpu.memory_space<vmem>>) target(%dma_start3A_65 : memref<256x128xf32, #tpu.memory_space<hbm>>) target_semaphore(%run_scoped3A : memref<!tpu.dma_semaphore, #tpu.memory_space<semaphore_mem>>)
        %dma_wait3A_66 = arith.constant 0 : i32
        %dma_wait3A_67 = tpu.memref_slice %arg4[%mul3A_56, %dma_wait3A_66] : memref<160000x128xf32, #tpu.memory_space<hbm>> -> memref<256x128xf32, #tpu.memory_space<hbm>>
        %dma_wait3A_68 = arith.constant 0 : i32
        %dma_wait3A_69 = tpu.memref_slice %arg4[%mul3A_56, %dma_wait3A_68] : memref<160000x128xf32, #tpu.memory_space<hbm>> -> memref<256x128xf32, #tpu.memory_space<hbm>>
        tpu.wait_dma2 semaphore(%run_scoped3A : memref<!tpu.dma_semaphore, #tpu.memory_space<semaphore_mem>>) src(%arg7 : memref<256x128xf32, #tpu.memory_space<vmem>>) dst(%dma_wait3A_69 : memref<256x128xf32, #tpu.memory_space<hbm>>)
        tpu.yield
      }) : () -> ()
      %lt3A_57 = arith.constant 625 : i32
      %lt3A_58 = arith.cmpi slt, %add3A_20, %lt3A_57 : i32
      %convert_element_type3A_59 = arith.extui %lt3A_58 : i1 to i32
      %cond3A_60 = arith.constant 0 : i32
      %cond3A_61 = arith.cmpi ne, %convert_element_type3A_59, %cond3A_60 : i32
      scf.if %cond3A_61 {
        %dma_wait3A_62 = arith.constant 0 : i32
        %dma_wait3A_63 = arith.constant 0 : i32
        %dma_wait3A_64 = tpu.memref_slice %arg8[%dma_wait3A_62, %dma_wait3A_63] : memref<256x128xf32, #tpu.memory_space<vmem>> -> memref<128x128xf32, #tpu.memory_space<vmem>>
        %dma_wait3A_65 = arith.constant 0 : i32
        %dma_wait3A_66 = tpu.memref_slice %arg6[%dma_wait3A_65] : memref<256xi32, #tpu.memory_space<vmem>> -> memref<128xi32, #tpu.memory_space<vmem>>
        %dma_wait3A_67 = arith.constant 0 : i32
        %dma_wait3A_68 = arith.constant 0 : i32
        %dma_wait3A_69 = tpu.memref_slice %arg2[%dma_wait3A_67, %dma_wait3A_68] : memref<10000x128xf32, #tpu.memory_space<hbm>> -> memref<10000x128xf32, #tpu.memory_space<hbm>>
        tpu.wait_indirect_dma semaphore(%arg10 : memref<!tpu.dma_semaphore, #tpu.memory_space<semaphore_mem>>) src(%dma_wait3A_69 : memref<10000x128xf32, #tpu.memory_space<hbm>>) dst(%dma_wait3A_64 : memref<128x128xf32, #tpu.memory_space<vmem>>)
        %dma_wait3A_70 = arith.constant 128 : i32
        %dma_wait3A_71 = arith.constant 0 : i32
        %dma_wait3A_72 = tpu.memref_slice %arg8[%dma_wait3A_70, %dma_wait3A_71] : memref<256x128xf32, #tpu.memory_space<vmem>> -> memref<128x128xf32, #tpu.memory_space<vmem>>
        %dma_wait3A_73 = arith.constant 128 : i32
        %dma_wait3A_74 = tpu.memref_slice %arg6[%dma_wait3A_73] : memref<256xi32, #tpu.memory_space<vmem>> -> memref<128xi32, #tpu.memory_space<vmem>>
        %dma_wait3A_75 = arith.constant 0 : i32
        %dma_wait3A_76 = arith.constant 0 : i32
        %dma_wait3A_77 = tpu.memref_slice %arg2[%dma_wait3A_75, %dma_wait3A_76] : memref<10000x128xf32, #tpu.memory_space<hbm>> -> memref<10000x128xf32, #tpu.memory_space<hbm>>
        tpu.wait_indirect_dma semaphore(%arg10 : memref<!tpu.dma_semaphore, #tpu.memory_space<semaphore_mem>>) src(%dma_wait3A_77 : memref<10000x128xf32, #tpu.memory_space<hbm>>) dst(%dma_wait3A_72 : memref<128x128xf32, #tpu.memory_space<vmem>>)
        %mul3A_78 = arith.constant 256 : i32
        %mul3A_79 = arith.muli %add3A_20, %mul3A_78 : i32
        "tpu.region"() ({
          %run_scoped3A = tpu.sem_alloc : memref<!tpu.dma_semaphore, #tpu.memory_space<semaphore_mem>>
          %dma_start3A_80 = arith.constant 0 : i32
          %dma_start3A_81 = tpu.memref_slice %arg4[%mul3A_79, %dma_start3A_80] : memref<160000x128xf32, #tpu.memory_space<hbm>> -> memref<256x128xf32, #tpu.memory_space<hbm>>
          %dma_start3A_82 = arith.constant 0 : i32
          %dma_start3A_83 = tpu.memref_slice %arg4[%mul3A_79, %dma_start3A_82] : memref<160000x128xf32, #tpu.memory_space<hbm>> -> memref<256x128xf32, #tpu.memory_space<hbm>>
          tpu.enqueue_dma source(%arg8 : memref<256x128xf32, #tpu.memory_space<vmem>>) target(%dma_start3A_83 : memref<256x128xf32, #tpu.memory_space<hbm>>) target_semaphore(%run_scoped3A : memref<!tpu.dma_semaphore, #tpu.memory_space<semaphore_mem>>)
          %dma_wait3A_84 = arith.constant 0 : i32
          %dma_wait3A_85 = tpu.memref_slice %arg4[%mul3A_79, %dma_wait3A_84] : memref<160000x128xf32, #tpu.memory_space<hbm>> -> memref<256x128xf32, #tpu.memory_space<hbm>>
          %dma_wait3A_86 = arith.constant 0 : i32
          %dma_wait3A_87 = tpu.memref_slice %arg4[%mul3A_79, %dma_wait3A_86] : memref<160000x128xf32, #tpu.memory_space<hbm>> -> memref<256x128xf32, #tpu.memory_space<hbm>>
          tpu.wait_dma2 semaphore(%run_scoped3A : memref<!tpu.dma_semaphore, #tpu.memory_space<semaphore_mem>>) src(%arg8 : memref<256x128xf32, #tpu.memory_space<vmem>>) dst(%dma_wait3A_87 : memref<256x128xf32, #tpu.memory_space<hbm>>)
          tpu.yield
        }) : () -> ()
      } else {
      }
    }
    %while3A_15 = arith.constant 1 : i32
    scf.for %while3A_16 = %while3A_13 to %while3A_9 step %while3A_15  : i32 {
      %mul3A_17 = arith.muli %while3A_16, %while3A : i32
      %add3A_18 = arith.addi %add3A, %mul3A_17 : i32
      %add3A_19 = arith.constant 32 : i32
      %add3A_20 = arith.addi %add3A_18, %add3A_19 : i32
      %mul3A_21 = arith.constant 256 : i32
      %mul3A_22 = arith.muli %add3A_18, %mul3A_21 : i32
      "tpu.region"() ({
        %run_scoped3A = tpu.sem_alloc : memref<!tpu.dma_semaphore, #tpu.memory_space<semaphore_mem>>
        %dma_start3A_62 = tpu.memref_slice %arg3[%mul3A_22] : memref<160000xi32, #tpu.memory_space<hbm>> -> memref<256xi32, #tpu.memory_space<hbm>>
        %dma_start3A_63 = tpu.memref_slice %arg3[%mul3A_22] : memref<160000xi32, #tpu.memory_space<hbm>> -> memref<256xi32, #tpu.memory_space<hbm>>
        tpu.enqueue_dma source(%dma_start3A_63 : memref<256xi32, #tpu.memory_space<hbm>>) target(%arg5 : memref<256xi32, #tpu.memory_space<vmem>>) target_semaphore(%run_scoped3A : memref<!tpu.dma_semaphore, #tpu.memory_space<semaphore_mem>>)
        %dma_wait3A_64 = tpu.memref_slice %arg3[%mul3A_22] : memref<160000xi32, #tpu.memory_space<hbm>> -> memref<256xi32, #tpu.memory_space<hbm>>
        %dma_wait3A_65 = tpu.memref_slice %arg3[%mul3A_22] : memref<160000xi32, #tpu.memory_space<hbm>> -> memref<256xi32, #tpu.memory_space<hbm>>
        tpu.wait_dma2 semaphore(%run_scoped3A : memref<!tpu.dma_semaphore, #tpu.memory_space<semaphore_mem>>) src(%dma_wait3A_65 : memref<256xi32, #tpu.memory_space<hbm>>) dst(%arg5 : memref<256xi32, #tpu.memory_space<vmem>>)
        tpu.yield
      }) : () -> ()
      %dma_start3A = arith.constant 0 : i32
      %dma_start3A_23 = arith.constant 0 : i32
      %dma_start3A_24 = tpu.memref_slice %arg7[%dma_start3A, %dma_start3A_23] : memref<256x128xf32, #tpu.memory_space<vmem>> -> memref<128x128xf32, #tpu.memory_space<vmem>>
      %dma_start3A_25 = arith.constant 0 : i32
      %dma_start3A_26 = tpu.memref_slice %arg5[%dma_start3A_25] : memref<256xi32, #tpu.memory_space<vmem>> -> memref<128xi32, #tpu.memory_space<vmem>>
      %dma_start3A_27 = arith.constant 0 : i32
      %dma_start3A_28 = arith.constant 0 : i32
      %dma_start3A_29 = tpu.memref_slice %arg2[%dma_start3A_27, %dma_start3A_28] : memref<10000x128xf32, #tpu.memory_space<hbm>> -> memref<10000x128xf32, #tpu.memory_space<hbm>>
      tpu.enqueue_indirect_dma source(%dma_start3A_29 : memref<10000x128xf32, #tpu.memory_space<hbm>>) target(%dma_start3A_24 : memref<128x128xf32, #tpu.memory_space<vmem>>) offsets(%dma_start3A_26 : memref<128xi32, #tpu.memory_space<vmem>>) semaphore(%arg9 : memref<!tpu.dma_semaphore, #tpu.memory_space<semaphore_mem>>)
      %dma_start3A_30 = arith.constant 128 : i32
      %dma_start3A_31 = arith.constant 0 : i32
      %dma_start3A_32 = tpu.memref_slice %arg7[%dma_start3A_30, %dma_start3A_31] : memref<256x128xf32, #tpu.memory_space<vmem>> -> memref<128x128xf32, #tpu.memory_space<vmem>>
      %dma_start3A_33 = arith.constant 128 : i32
      %dma_start3A_34 = tpu.memref_slice %arg5[%dma_start3A_33] : memref<256xi32, #tpu.memory_space<vmem>> -> memref<128xi32, #tpu.memory_space<vmem>>
      %dma_start3A_35 = arith.constant 0 : i32
      %dma_start3A_36 = arith.constant 0 : i32
      %dma_start3A_37 = tpu.memref_slice %arg2[%dma_start3A_35, %dma_start3A_36] : memref<10000x128xf32, #tpu.memory_space<hbm>> -> memref<10000x128xf32, #tpu.memory_space<hbm>>
      tpu.enqueue_indirect_dma source(%dma_start3A_37 : memref<10000x128xf32, #tpu.memory_space<hbm>>) target(%dma_start3A_32 : memref<128x128xf32, #tpu.memory_space<vmem>>) offsets(%dma_start3A_34 : memref<128xi32, #tpu.memory_space<vmem>>) semaphore(%arg9 : memref<!tpu.dma_semaphore, #tpu.memory_space<semaphore_mem>>)
      %lt3A = arith.constant 625 : i32
      %lt3A_38 = arith.cmpi slt, %add3A_20, %lt3A : i32
      %convert_element_type3A = arith.extui %lt3A_38 : i1 to i32
      %cond3A = arith.constant 0 : i32
      %cond3A_39 = arith.cmpi ne, %convert_element_type3A, %cond3A : i32
      scf.if %cond3A_39 {
        %mul3A_62 = arith.constant 256 : i32
        %mul3A_63 = arith.muli %add3A_20, %mul3A_62 : i32
        "tpu.region"() ({
          %run_scoped3A = tpu.sem_alloc : memref<!tpu.dma_semaphore, #tpu.memory_space<semaphore_mem>>
          %dma_start3A_80 = tpu.memref_slice %arg3[%mul3A_63] : memref<160000xi32, #tpu.memory_space<hbm>> -> memref<256xi32, #tpu.memory_space<hbm>>
          %dma_start3A_81 = tpu.memref_slice %arg3[%mul3A_63] : memref<160000xi32, #tpu.memory_space<hbm>> -> memref<256xi32, #tpu.memory_space<hbm>>
          tpu.enqueue_dma source(%dma_start3A_81 : memref<256xi32, #tpu.memory_space<hbm>>) target(%arg6 : memref<256xi32, #tpu.memory_space<vmem>>) target_semaphore(%run_scoped3A : memref<!tpu.dma_semaphore, #tpu.memory_space<semaphore_mem>>)
          %dma_wait3A_82 = tpu.memref_slice %arg3[%mul3A_63] : memref<160000xi32, #tpu.memory_space<hbm>> -> memref<256xi32, #tpu.memory_space<hbm>>
          %dma_wait3A_83 = tpu.memref_slice %arg3[%mul3A_63] : memref<160000xi32, #tpu.memory_space<hbm>> -> memref<256xi32, #tpu.memory_space<hbm>>
          tpu.wait_dma2 semaphore(%run_scoped3A : memref<!tpu.dma_semaphore, #tpu.memory_space<semaphore_mem>>) src(%dma_wait3A_83 : memref<256xi32, #tpu.memory_space<hbm>>) dst(%arg6 : memref<256xi32, #tpu.memory_space<vmem>>)
          tpu.yield
        }) : () -> ()
        %dma_start3A_64 = arith.constant 0 : i32
        %dma_start3A_65 = arith.constant 0 : i32
        %dma_start3A_66 = tpu.memref_slice %arg8[%dma_start3A_64, %dma_start3A_65] : memref<256x128xf32, #tpu.memory_space<vmem>> -> memref<128x128xf32, #tpu.memory_space<vmem>>
        %dma_start3A_67 = arith.constant 0 : i32
        %dma_start3A_68 = tpu.memref_slice %arg6[%dma_start3A_67] : memref<256xi32, #tpu.memory_space<vmem>> -> memref<128xi32, #tpu.memory_space<vmem>>
        %dma_start3A_69 = arith.constant 0 : i32
        %dma_start3A_70 = arith.constant 0 : i32
        %dma_start3A_71 = tpu.memref_slice %arg2[%dma_start3A_69, %dma_start3A_70] : memref<10000x128xf32, #tpu.memory_space<hbm>> -> memref<10000x128xf32, #tpu.memory_space<hbm>>
        tpu.enqueue_indirect_dma source(%dma_start3A_71 : memref<10000x128xf32, #tpu.memory_space<hbm>>) target(%dma_start3A_66 : memref<128x128xf32, #tpu.memory_space<vmem>>) offsets(%dma_start3A_68 : memref<128xi32, #tpu.memory_space<vmem>>) semaphore(%arg10 : memref<!tpu.dma_semaphore, #tpu.memory_space<semaphore_mem>>)
        %dma_start3A_72 = arith.constant 128 : i32
        %dma_start3A_73 = arith.constant 0 : i32
        %dma_start3A_74 = tpu.memref_slice %arg8[%dma_start3A_72, %dma_start3A_73] : memref<256x128xf32, #tpu.memory_space<vmem>> -> memref<128x128xf32, #tpu.memory_space<vmem>>
        %dma_start3A_75 = arith.constant 128 : i32
        %dma_start3A_76 = tpu.memref_slice %arg6[%dma_start3A_75] : memref<256xi32, #tpu.memory_space<vmem>> -> memref<128xi32, #tpu.memory_space<vmem>>
        %dma_start3A_77 = arith.constant 0 : i32
        %dma_start3A_78 = arith.constant 0 : i32
        %dma_start3A_79 = tpu.memref_slice %arg2[%dma_start3A_77, %dma_start3A_78] : memref<10000x128xf32, #tpu.memory_space<hbm>> -> memref<10000x128xf32, #tpu.memory_space<hbm>>
        tpu.enqueue_indirect_dma source(%dma_start3A_79 : memref<10000x128xf32, #tpu.memory_space<hbm>>) target(%dma_start3A_74 : memref<128x128xf32, #tpu.memory_space<vmem>>) offsets(%dma_start3A_76 : memref<128xi32, #tpu.memory_space<vmem>>) semaphore(%arg10 : memref<!tpu.dma_semaphore, #tpu.memory_space<semaphore_mem>>)
      } else {
      }
      %dma_wait3A = arith.constant 0 : i32
      %dma_wait3A_40 = arith.constant 0 : i32
      %dma_wait3A_41 = tpu.memref_slice %arg7[%dma_wait3A, %dma_wait3A_40] : memref<256x128xf32, #tpu.memory_space<vmem>> -> memref<128x128xf32, #tpu.memory_space<vmem>>
      %dma_wait3A_42 = arith.constant 0 : i32
      %dma_wait3A_43 = tpu.memref_slice %arg5[%dma_wait3A_42] : memref<256xi32, #tpu.memory_space<vmem>> -> memref<128xi32, #tpu.memory_space<vmem>>
      %dma_wait3A_44 = arith.constant 0 : i32
      %dma_wait3A_45 = arith.constant 0 : i32
      %dma_wait3A_46 = tpu.memref_slice %arg2[%dma_wait3A_44, %dma_wait3A_45] : memref<10000x128xf32, #tpu.memory_space<hbm>> -> memref<10000x128xf32, #tpu.memory_space<hbm>>
      tpu.wait_indirect_dma semaphore(%arg9 : memref<!tpu.dma_semaphore, #tpu.memory_space<semaphore_mem>>) src(%dma_wait3A_46 : memref<10000x128xf32, #tpu.memory_space<hbm>>) dst(%dma_wait3A_41 : memref<128x128xf32, #tpu.memory_space<vmem>>)
      %dma_wait3A_47 = arith.constant 128 : i32
      %dma_wait3A_48 = arith.constant 0 : i32
      %dma_wait3A_49 = tpu.memref_slice %arg7[%dma_wait3A_47, %dma_wait3A_48] : memref<256x128xf32, #tpu.memory_space<vmem>> -> memref<128x128xf32, #tpu.memory_space<vmem>>
      %dma_wait3A_50 = arith.constant 128 : i32
      %dma_wait3A_51 = tpu.memref_slice %arg5[%dma_wait3A_50] : memref<256xi32, #tpu.memory_space<vmem>> -> memref<128xi32, #tpu.memory_space<vmem>>
      %dma_wait3A_52 = arith.constant 0 : i32
      %dma_wait3A_53 = arith.constant 0 : i32
      %dma_wait3A_54 = tpu.memref_slice %arg2[%dma_wait3A_52, %dma_wait3A_53] : memref<10000x128xf32, #tpu.memory_space<hbm>> -> memref<10000x128xf32, #tpu.memory_space<hbm>>
      tpu.wait_indirect_dma semaphore(%arg9 : memref<!tpu.dma_semaphore, #tpu.memory_space<semaphore_mem>>) src(%dma_wait3A_54 : memref<10000x128xf32, #tpu.memory_space<hbm>>) dst(%dma_wait3A_49 : memref<128x128xf32, #tpu.memory_space<vmem>>)
      %mul3A_55 = arith.constant 256 : i32
      %mul3A_56 = arith.muli %add3A_18, %mul3A_55 : i32
      "tpu.region"() ({
        %run_scoped3A = tpu.sem_alloc : memref<!tpu.dma_semaphore, #tpu.memory_space<semaphore_mem>>
        %dma_start3A_62 = arith.constant 0 : i32
        %dma_start3A_63 = tpu.memref_slice %arg4[%mul3A_56, %dma_start3A_62] : memref<160000x128xf32, #tpu.memory_space<hbm>> -> memref<256x128xf32, #tpu.memory_space<hbm>>
        %dma_start3A_64 = arith.constant 0 : i32
        %dma_start3A_65 = tpu.memref_slice %arg4[%mul3A_56, %dma_start3A_64] : memref<160000x128xf32, #tpu.memory_space<hbm>> -> memref<256x128xf32, #tpu.memory_space<hbm>>
        tpu.enqueue_dma source(%arg7 : memref<256x128xf32, #tpu.memory_space<vmem>>) target(%dma_start3A_65 : memref<256x128xf32, #tpu.memory_space<hbm>>) target_semaphore(%run_scoped3A : memref<!tpu.dma_semaphore, #tpu.memory_space<semaphore_mem>>)
        %dma_wait3A_66 = arith.constant 0 : i32
        %dma_wait3A_67 = tpu.memref_slice %arg4[%mul3A_56, %dma_wait3A_66] : memref<160000x128xf32, #tpu.memory_space<hbm>> -> memref<256x128xf32, #tpu.memory_space<hbm>>
        %dma_wait3A_68 = arith.constant 0 : i32
        %dma_wait3A_69 = tpu.memref_slice %arg4[%mul3A_56, %dma_wait3A_68] : memref<160000x128xf32, #tpu.memory_space<hbm>> -> memref<256x128xf32, #tpu.memory_space<hbm>>
        tpu.wait_dma2 semaphore(%run_scoped3A : memref<!tpu.dma_semaphore, #tpu.memory_space<semaphore_mem>>) src(%arg7 : memref<256x128xf32, #tpu.memory_space<vmem>>) dst(%dma_wait3A_69 : memref<256x128xf32, #tpu.memory_space<hbm>>)
        tpu.yield
      }) : () -> ()
      %lt3A_57 = arith.constant 625 : i32
      %lt3A_58 = arith.cmpi slt, %add3A_20, %lt3A_57 : i32
      %convert_element_type3A_59 = arith.extui %lt3A_58 : i1 to i32
      %cond3A_60 = arith.constant 0 : i32
      %cond3A_61 = arith.cmpi ne, %convert_element_type3A_59, %cond3A_60 : i32
      scf.if %cond3A_61 {
        %dma_wait3A_62 = arith.constant 0 : i32
        %dma_wait3A_63 = arith.constant 0 : i32
        %dma_wait3A_64 = tpu.memref_slice %arg8[%dma_wait3A_62, %dma_wait3A_63] : memref<256x128xf32, #tpu.memory_space<vmem>> -> memref<128x128xf32, #tpu.memory_space<vmem>>
        %dma_wait3A_65 = arith.constant 0 : i32
        %dma_wait3A_66 = tpu.memref_slice %arg6[%dma_wait3A_65] : memref<256xi32, #tpu.memory_space<vmem>> -> memref<128xi32, #tpu.memory_space<vmem>>
        %dma_wait3A_67 = arith.constant 0 : i32
        %dma_wait3A_68 = arith.constant 0 : i32
        %dma_wait3A_69 = tpu.memref_slice %arg2[%dma_wait3A_67, %dma_wait3A_68] : memref<10000x128xf32, #tpu.memory_space<hbm>> -> memref<10000x128xf32, #tpu.memory_space<hbm>>
        tpu.wait_indirect_dma semaphore(%arg10 : memref<!tpu.dma_semaphore, #tpu.memory_space<semaphore_mem>>) src(%dma_wait3A_69 : memref<10000x128xf32, #tpu.memory_space<hbm>>) dst(%dma_wait3A_64 : memref<128x128xf32, #tpu.memory_space<vmem>>)
        %dma_wait3A_70 = arith.constant 128 : i32
        %dma_wait3A_71 = arith.constant 0 : i32
        %dma_wait3A_72 = tpu.memref_slice %arg8[%dma_wait3A_70, %dma_wait3A_71] : memref<256x128xf32, #tpu.memory_space<vmem>> -> memref<128x128xf32, #tpu.memory_space<vmem>>
        %dma_wait3A_73 = arith.constant 128 : i32
        %dma_wait3A_74 = tpu.memref_slice %arg6[%dma_wait3A_73] : memref<256xi32, #tpu.memory_space<vmem>> -> memref<128xi32, #tpu.memory_space<vmem>>
        %dma_wait3A_75 = arith.constant 0 : i32
        %dma_wait3A_76 = arith.constant 0 : i32
        %dma_wait3A_77 = tpu.memref_slice %arg2[%dma_wait3A_75, %dma_wait3A_76] : memref<10000x128xf32, #tpu.memory_space<hbm>> -> memref<10000x128xf32, #tpu.memory_space<hbm>>
        tpu.wait_indirect_dma semaphore(%arg10 : memref<!tpu.dma_semaphore, #tpu.memory_space<semaphore_mem>>) src(%dma_wait3A_77 : memref<10000x128xf32, #tpu.memory_space<hbm>>) dst(%dma_wait3A_72 : memref<128x128xf32, #tpu.memory_space<vmem>>)
        %mul3A_78 = arith.constant 256 : i32
        %mul3A_79 = arith.muli %add3A_20, %mul3A_78 : i32
        "tpu.region"() ({
          %run_scoped3A = tpu.sem_alloc : memref<!tpu.dma_semaphore, #tpu.memory_space<semaphore_mem>>
          %dma_start3A_80 = arith.constant 0 : i32
          %dma_start3A_81 = tpu.memref_slice %arg4[%mul3A_79, %dma_start3A_80] : memref<160000x128xf32, #tpu.memory_space<hbm>> -> memref<256x128xf32, #tpu.memory_space<hbm>>
          %dma_start3A_82 = arith.constant 0 : i32
          %dma_start3A_83 = tpu.memref_slice %arg4[%mul3A_79, %dma_start3A_82] : memref<160000x128xf32, #tpu.memory_space<hbm>> -> memref<256x128xf32, #tpu.memory_space<hbm>>
          tpu.enqueue_dma source(%arg8 : memref<256x128xf32, #tpu.memory_space<vmem>>) target(%dma_start3A_83 : memref<256x128xf32, #tpu.memory_space<hbm>>) target_semaphore(%run_scoped3A : memref<!tpu.dma_semaphore, #tpu.memory_space<semaphore_mem>>)
          %dma_wait3A_84 = arith.constant 0 : i32
          %dma_wait3A_85 = tpu.memref_slice %arg4[%mul3A_79, %dma_wait3A_84] : memref<160000x128xf32, #tpu.memory_space<hbm>> -> memref<256x128xf32, #tpu.memory_space<hbm>>
          %dma_wait3A_86 = arith.constant 0 : i32
          %dma_wait3A_87 = tpu.memref_slice %arg4[%mul3A_79, %dma_wait3A_86] : memref<160000x128xf32, #tpu.memory_space<hbm>> -> memref<256x128xf32, #tpu.memory_space<hbm>>
          tpu.wait_dma2 semaphore(%run_scoped3A : memref<!tpu.dma_semaphore, #tpu.memory_space<semaphore_mem>>) src(%arg8 : memref<256x128xf32, #tpu.memory_space<vmem>>) dst(%dma_wait3A_87 : memref<256x128xf32, #tpu.memory_space<hbm>>)
          tpu.yield
        }) : () -> ()
      } else {
      }
    }
    return
  }
}

#map = affine_map<(d0, d1) -> (0, 0)>
#map1 = affine_map<(d0, d1) -> (0)>
module attributes {stable_mosaic.version = 14 : i64} {
  func.func @k(%arg0: i32, %arg1: i32, %arg2: memref<10000x128xf32, #tpu.memory_space<hbm>>, %arg3: memref<160000xi32, #tpu.memory_space<hbm>>, %arg4: memref<160000x128xf32, #tpu.memory_space<hbm>>, %arg5: memref<256xi32, #tpu.memory_space<vmem>>, %arg6: memref<256xi32, #tpu.memory_space<vmem>>, %arg7: memref<256x128xf32, #tpu.memory_space<vmem>>, %arg8: memref<256x128xf32, #tpu.memory_space<vmem>>, %arg9: memref<!tpu.dma_semaphore, #tpu.memory_space<semaphore_mem>>, %arg10: memref<!tpu.dma_semaphore, #tpu.memory_space<semaphore_mem>>) attributes {dimension_semantics = [#tpu.dimension_semantics<core_parallel>, #tpu.dimension_semantics<subcore_parallel>], iteration_bounds = array<i64: 2, 16>, scalar_prefetch = 0 : i64, scratch_operands = 6 : i64, tpu.core_type = #tpu.core_type<sc_vector_subcore>, window_params = [{transform_indices = #map}, {transform_indices = #map1}, {transform_indices = #map}]} {
    %mul3A = arith.constant 2 : i32
    %mul3A_0 = arith.muli %arg1, %mul3A : i32
    %add3A = arith.addi %mul3A_0, %arg0 : i32
    %sub3A = arith.constant 625 : i32
    %sub3A_1 = arith.subi %sub3A, %add3A : i32
    %sub3A_2 = arith.constant 64 : i32
    %sub3A_3 = arith.constant 1 : i32
    %sub3A_4 = arith.subi %sub3A_2, %sub3A_3 : i32
    %add3A_5 = arith.addi %sub3A_1, %sub3A_4 : i32
    %div3A = arith.constant 64 : i32
    %div3A_6 = arith.divsi %add3A_5, %div3A : i32
    %while3A = arith.constant 64 : i32
    %while3A_7 = arith.constant 0 : i32
    %while3A_8 = arith.subi %div3A_6, %while3A_7 : i32
    %while3A_9 = arith.addi %while3A_7, %while3A_8 : i32
    %while3A_10 = arith.constant 1 : i32
    %while3A_11 = arith.divsi %while3A_8, %while3A_10 : i32
    %while3A_12 = arith.muli %while3A_11, %while3A_10 : i32
    %while3A_13 = arith.addi %while3A_7, %while3A_12 : i32
    %while3A_14 = arith.constant 1 : i32
    scf.for %while3A_16 = %while3A_7 to %while3A_13 step %while3A_14  : i32 {
      %mul3A_17 = arith.muli %while3A_16, %while3A : i32
      %add3A_18 = arith.addi %add3A, %mul3A_17 : i32
      %add3A_19 = arith.constant 32 : i32
      %add3A_20 = arith.addi %add3A_18, %add3A_19 : i32
      %mul3A_21 = arith.constant 256 : i32
      %mul3A_22 = arith.muli %add3A_18, %mul3A_21 : i32
      "tpu.region"() ({
        %run_scoped3A = tpu.sem_alloc : memref<!tpu.dma_semaphore, #tpu.memory_space<semaphore_mem>>
        %dma_start3A_62 = tpu.memref_slice %arg3[%mul3A_22] : memref<160000xi32, #tpu.memory_space<hbm>> -> memref<256xi32, #tpu.memory_space<hbm>>
        %dma_start3A_63 = tpu.memref_slice %arg3[%mul3A_22] : memref<160000xi32, #tpu.memory_space<hbm>> -> memref<256xi32, #tpu.memory_space<hbm>>
        tpu.enqueue_dma source(%dma_start3A_63 : memref<256xi32, #tpu.memory_space<hbm>>) target(%arg5 : memref<256xi32, #tpu.memory_space<vmem>>) target_semaphore(%run_scoped3A : memref<!tpu.dma_semaphore, #tpu.memory_space<semaphore_mem>>)
        %dma_wait3A_64 = tpu.memref_slice %arg3[%mul3A_22] : memref<160000xi32, #tpu.memory_space<hbm>> -> memref<256xi32, #tpu.memory_space<hbm>>
        %dma_wait3A_65 = tpu.memref_slice %arg3[%mul3A_22] : memref<160000xi32, #tpu.memory_space<hbm>> -> memref<256xi32, #tpu.memory_space<hbm>>
        tpu.wait_dma2 semaphore(%run_scoped3A : memref<!tpu.dma_semaphore, #tpu.memory_space<semaphore_mem>>) src(%dma_wait3A_65 : memref<256xi32, #tpu.memory_space<hbm>>) dst(%arg5 : memref<256xi32, #tpu.memory_space<vmem>>)
        tpu.yield
      }) : () -> ()
      %dma_start3A = arith.constant 0 : i32
      %dma_start3A_23 = arith.constant 0 : i32
      %dma_start3A_24 = tpu.memref_slice %arg7[%dma_start3A, %dma_start3A_23] : memref<256x128xf32, #tpu.memory_space<vmem>> -> memref<128x128xf32, #tpu.memory_space<vmem>>
      %dma_start3A_25 = arith.constant 0 : i32
      %dma_start3A_26 = tpu.memref_slice %arg5[%dma_start3A_25] : memref<256xi32, #tpu.memory_space<vmem>> -> memref<128xi32, #tpu.memory_space<vmem>>
      %dma_start3A_27 = arith.constant 0 : i32
      %dma_start3A_28 = arith.constant 0 : i32
      %dma_start3A_29 = tpu.memref_slice %arg2[%dma_start3A_27, %dma_start3A_28] : memref<10000x128xf32, #tpu.memory_space<hbm>> -> memref<10000x128xf32, #tpu.memory_space<hbm>>
      tpu.enqueue_indirect_dma source(%dma_start3A_29 : memref<10000x128xf32, #tpu.memory_space<hbm>>) target(%dma_start3A_24 : memref<128x128xf32, #tpu.memory_space<vmem>>) offsets(%dma_start3A_26 : memref<128xi32, #tpu.memory_space<vmem>>) semaphore(%arg9 : memref<!tpu.dma_semaphore, #tpu.memory_space<semaphore_mem>>)
      %dma_start3A_30 = arith.constant 128 : i32
      %dma_start3A_31 = arith.constant 0 : i32
      %dma_start3A_32 = tpu.memref_slice %arg7[%dma_start3A_30, %dma_start3A_31] : memref<256x128xf32, #tpu.memory_space<vmem>> -> memref<128x128xf32, #tpu.memory_space<vmem>>
      %dma_start3A_33 = arith.constant 128 : i32
      %dma_start3A_34 = tpu.memref_slice %arg5[%dma_start3A_33] : memref<256xi32, #tpu.memory_space<vmem>> -> memref<128xi32, #tpu.memory_space<vmem>>
      %dma_start3A_35 = arith.constant 0 : i32
      %dma_start3A_36 = arith.constant 0 : i32
      %dma_start3A_37 = tpu.memref_slice %arg2[%dma_start3A_35, %dma_start3A_36] : memref<10000x128xf32, #tpu.memory_space<hbm>> -> memref<10000x128xf32, #tpu.memory_space<hbm>>
      tpu.enqueue_indirect_dma source(%dma_start3A_37 : memref<10000x128xf32, #tpu.memory_space<hbm>>) target(%dma_start3A_32 : memref<128x128xf32, #tpu.memory_space<vmem>>) offsets(%dma_start3A_34 : memref<128xi32, #tpu.memory_space<vmem>>) semaphore(%arg9 : memref<!tpu.dma_semaphore, #tpu.memory_space<semaphore_mem>>)
      %lt3A = arith.constant 625 : i32
      %lt3A_38 = arith.cmpi slt, %add3A_20, %lt3A : i32
      %convert_element_type3A = arith.extui %lt3A_38 : i1 to i32
      %cond3A = arith.constant 0 : i32
      %cond3A_39 = arith.cmpi ne, %convert_element_type3A, %cond3A : i32
      scf.if %cond3A_39 {
        %mul3A_62 = arith.constant 256 : i32
        %mul3A_63 = arith.muli %add3A_20, %mul3A_62 : i32
        "tpu.region"() ({
          %run_scoped3A = tpu.sem_alloc : memref<!tpu.dma_semaphore, #tpu.memory_space<semaphore_mem>>
          %dma_start3A_80 = tpu.memref_slice %arg3[%mul3A_63] : memref<160000xi32, #tpu.memory_space<hbm>> -> memref<256xi32, #tpu.memory_space<hbm>>
          %dma_start3A_81 = tpu.memref_slice %arg3[%mul3A_63] : memref<160000xi32, #tpu.memory_space<hbm>> -> memref<256xi32, #tpu.memory_space<hbm>>
          tpu.enqueue_dma source(%dma_start3A_81 : memref<256xi32, #tpu.memory_space<hbm>>) target(%arg6 : memref<256xi32, #tpu.memory_space<vmem>>) target_semaphore(%run_scoped3A : memref<!tpu.dma_semaphore, #tpu.memory_space<semaphore_mem>>)
          %dma_wait3A_82 = tpu.memref_slice %arg3[%mul3A_63] : memref<160000xi32, #tpu.memory_space<hbm>> -> memref<256xi32, #tpu.memory_space<hbm>>
          %dma_wait3A_83 = tpu.memref_slice %arg3[%mul3A_63] : memref<160000xi32, #tpu.memory_space<hbm>> -> memref<256xi32, #tpu.memory_space<hbm>>
          tpu.wait_dma2 semaphore(%run_scoped3A : memref<!tpu.dma_semaphore, #tpu.memory_space<semaphore_mem>>) src(%dma_wait3A_83 : memref<256xi32, #tpu.memory_space<hbm>>) dst(%arg6 : memref<256xi32, #tpu.memory_space<vmem>>)
          tpu.yield
        }) : () -> ()
        %dma_start3A_64 = arith.constant 0 : i32
        %dma_start3A_65 = arith.constant 0 : i32
        %dma_start3A_66 = tpu.memref_slice %arg8[%dma_start3A_64, %dma_start3A_65] : memref<256x128xf32, #tpu.memory_space<vmem>> -> memref<128x128xf32, #tpu.memory_space<vmem>>
        %dma_start3A_67 = arith.constant 0 : i32
        %dma_start3A_68 = tpu.memref_slice %arg6[%dma_start3A_67] : memref<256xi32, #tpu.memory_space<vmem>> -> memref<128xi32, #tpu.memory_space<vmem>>
        %dma_start3A_69 = arith.constant 0 : i32
        %dma_start3A_70 = arith.constant 0 : i32
        %dma_start3A_71 = tpu.memref_slice %arg2[%dma_start3A_69, %dma_start3A_70] : memref<10000x128xf32, #tpu.memory_space<hbm>> -> memref<10000x128xf32, #tpu.memory_space<hbm>>
        tpu.enqueue_indirect_dma source(%dma_start3A_71 : memref<10000x128xf32, #tpu.memory_space<hbm>>) target(%dma_start3A_66 : memref<128x128xf32, #tpu.memory_space<vmem>>) offsets(%dma_start3A_68 : memref<128xi32, #tpu.memory_space<vmem>>) semaphore(%arg10 : memref<!tpu.dma_semaphore, #tpu.memory_space<semaphore_mem>>)
        %dma_start3A_72 = arith.constant 128 : i32
        %dma_start3A_73 = arith.constant 0 : i32
        %dma_start3A_74 = tpu.memref_slice %arg8[%dma_start3A_72, %dma_start3A_73] : memref<256x128xf32, #tpu.memory_space<vmem>> -> memref<128x128xf32, #tpu.memory_space<vmem>>
        %dma_start3A_75 = arith.constant 128 : i32
        %dma_start3A_76 = tpu.memref_slice %arg6[%dma_start3A_75] : memref<256xi32, #tpu.memory_space<vmem>> -> memref<128xi32, #tpu.memory_space<vmem>>
        %dma_start3A_77 = arith.constant 0 : i32
        %dma_start3A_78 = arith.constant 0 : i32
        %dma_start3A_79 = tpu.memref_slice %arg2[%dma_start3A_77, %dma_start3A_78] : memref<10000x128xf32, #tpu.memory_space<hbm>> -> memref<10000x128xf32, #tpu.memory_space<hbm>>
        tpu.enqueue_indirect_dma source(%dma_start3A_79 : memref<10000x128xf32, #tpu.memory_space<hbm>>) target(%dma_start3A_74 : memref<128x128xf32, #tpu.memory_space<vmem>>) offsets(%dma_start3A_76 : memref<128xi32, #tpu.memory_space<vmem>>) semaphore(%arg10 : memref<!tpu.dma_semaphore, #tpu.memory_space<semaphore_mem>>)
      } else {
      }
      %dma_wait3A = arith.constant 0 : i32
      %dma_wait3A_40 = arith.constant 0 : i32
      %dma_wait3A_41 = tpu.memref_slice %arg7[%dma_wait3A, %dma_wait3A_40] : memref<256x128xf32, #tpu.memory_space<vmem>> -> memref<128x128xf32, #tpu.memory_space<vmem>>
      %dma_wait3A_42 = arith.constant 0 : i32
      %dma_wait3A_43 = tpu.memref_slice %arg5[%dma_wait3A_42] : memref<256xi32, #tpu.memory_space<vmem>> -> memref<128xi32, #tpu.memory_space<vmem>>
      %dma_wait3A_44 = arith.constant 0 : i32
      %dma_wait3A_45 = arith.constant 0 : i32
      %dma_wait3A_46 = tpu.memref_slice %arg2[%dma_wait3A_44, %dma_wait3A_45] : memref<10000x128xf32, #tpu.memory_space<hbm>> -> memref<10000x128xf32, #tpu.memory_space<hbm>>
      tpu.wait_indirect_dma semaphore(%arg9 : memref<!tpu.dma_semaphore, #tpu.memory_space<semaphore_mem>>) src(%dma_wait3A_46 : memref<10000x128xf32, #tpu.memory_space<hbm>>) dst(%dma_wait3A_41 : memref<128x128xf32, #tpu.memory_space<vmem>>)
      %dma_wait3A_47 = arith.constant 128 : i32
      %dma_wait3A_48 = arith.constant 0 : i32
      %dma_wait3A_49 = tpu.memref_slice %arg7[%dma_wait3A_47, %dma_wait3A_48] : memref<256x128xf32, #tpu.memory_space<vmem>> -> memref<128x128xf32, #tpu.memory_space<vmem>>
      %dma_wait3A_50 = arith.constant 128 : i32
      %dma_wait3A_51 = tpu.memref_slice %arg5[%dma_wait3A_50] : memref<256xi32, #tpu.memory_space<vmem>> -> memref<128xi32, #tpu.memory_space<vmem>>
      %dma_wait3A_52 = arith.constant 0 : i32
      %dma_wait3A_53 = arith.constant 0 : i32
      %dma_wait3A_54 = tpu.memref_slice %arg2[%dma_wait3A_52, %dma_wait3A_53] : memref<10000x128xf32, #tpu.memory_space<hbm>> -> memref<10000x128xf32, #tpu.memory_space<hbm>>
      tpu.wait_indirect_dma semaphore(%arg9 : memref<!tpu.dma_semaphore, #tpu.memory_space<semaphore_mem>>) src(%dma_wait3A_54 : memref<10000x128xf32, #tpu.memory_space<hbm>>) dst(%dma_wait3A_49 : memref<128x128xf32, #tpu.memory_space<vmem>>)
      %mul3A_55 = arith.constant 256 : i32
      %mul3A_56 = arith.muli %add3A_18, %mul3A_55 : i32
      "tpu.region"() ({
        %run_scoped3A = tpu.sem_alloc : memref<!tpu.dma_semaphore, #tpu.memory_space<semaphore_mem>>
        %dma_start3A_62 = arith.constant 0 : i32
        %dma_start3A_63 = tpu.memref_slice %arg4[%mul3A_56, %dma_start3A_62] : memref<160000x128xf32, #tpu.memory_space<hbm>> -> memref<256x128xf32, #tpu.memory_space<hbm>>
        %dma_start3A_64 = arith.constant 0 : i32
        %dma_start3A_65 = tpu.memref_slice %arg4[%mul3A_56, %dma_start3A_64] : memref<160000x128xf32, #tpu.memory_space<hbm>> -> memref<256x128xf32, #tpu.memory_space<hbm>>
        tpu.enqueue_dma source(%arg7 : memref<256x128xf32, #tpu.memory_space<vmem>>) target(%dma_start3A_65 : memref<256x128xf32, #tpu.memory_space<hbm>>) target_semaphore(%run_scoped3A : memref<!tpu.dma_semaphore, #tpu.memory_space<semaphore_mem>>)
        %dma_wait3A_66 = arith.constant 0 : i32
        %dma_wait3A_67 = tpu.memref_slice %arg4[%mul3A_56, %dma_wait3A_66] : memref<160000x128xf32, #tpu.memory_space<hbm>> -> memref<256x128xf32, #tpu.memory_space<hbm>>
        %dma_wait3A_68 = arith.constant 0 : i32
        %dma_wait3A_69 = tpu.memref_slice %arg4[%mul3A_56, %dma_wait3A_68] : memref<160000x128xf32, #tpu.memory_space<hbm>> -> memref<256x128xf32, #tpu.memory_space<hbm>>
        tpu.wait_dma2 semaphore(%run_scoped3A : memref<!tpu.dma_semaphore, #tpu.memory_space<semaphore_mem>>) src(%arg7 : memref<256x128xf32, #tpu.memory_space<vmem>>) dst(%dma_wait3A_69 : memref<256x128xf32, #tpu.memory_space<hbm>>)
        tpu.yield
      }) : () -> ()
      %lt3A_57 = arith.constant 625 : i32
      %lt3A_58 = arith.cmpi slt, %add3A_20, %lt3A_57 : i32
      %convert_element_type3A_59 = arith.extui %lt3A_58 : i1 to i32
      %cond3A_60 = arith.constant 0 : i32
      %cond3A_61 = arith.cmpi ne, %convert_element_type3A_59, %cond3A_60 : i32
      scf.if %cond3A_61 {
        %dma_wait3A_62 = arith.constant 0 : i32
        %dma_wait3A_63 = arith.constant 0 : i32
        %dma_wait3A_64 = tpu.memref_slice %arg8[%dma_wait3A_62, %dma_wait3A_63] : memref<256x128xf32, #tpu.memory_space<vmem>> -> memref<128x128xf32, #tpu.memory_space<vmem>>
        %dma_wait3A_65 = arith.constant 0 : i32
        %dma_wait3A_66 = tpu.memref_slice %arg6[%dma_wait3A_65] : memref<256xi32, #tpu.memory_space<vmem>> -> memref<128xi32, #tpu.memory_space<vmem>>
        %dma_wait3A_67 = arith.constant 0 : i32
        %dma_wait3A_68 = arith.constant 0 : i32
        %dma_wait3A_69 = tpu.memref_slice %arg2[%dma_wait3A_67, %dma_wait3A_68] : memref<10000x128xf32, #tpu.memory_space<hbm>> -> memref<10000x128xf32, #tpu.memory_space<hbm>>
        tpu.wait_indirect_dma semaphore(%arg10 : memref<!tpu.dma_semaphore, #tpu.memory_space<semaphore_mem>>) src(%dma_wait3A_69 : memref<10000x128xf32, #tpu.memory_space<hbm>>) dst(%dma_wait3A_64 : memref<128x128xf32, #tpu.memory_space<vmem>>)
        %dma_wait3A_70 = arith.constant 128 : i32
        %dma_wait3A_71 = arith.constant 0 : i32
        %dma_wait3A_72 = tpu.memref_slice %arg8[%dma_wait3A_70, %dma_wait3A_71] : memref<256x128xf32, #tpu.memory_space<vmem>> -> memref<128x128xf32, #tpu.memory_space<vmem>>
        %dma_wait3A_73 = arith.constant 128 : i32
        %dma_wait3A_74 = tpu.memref_slice %arg6[%dma_wait3A_73] : memref<256xi32, #tpu.memory_space<vmem>> -> memref<128xi32, #tpu.memory_space<vmem>>
        %dma_wait3A_75 = arith.constant 0 : i32
        %dma_wait3A_76 = arith.constant 0 : i32
        %dma_wait3A_77 = tpu.memref_slice %arg2[%dma_wait3A_75, %dma_wait3A_76] : memref<10000x128xf32, #tpu.memory_space<hbm>> -> memref<10000x128xf32, #tpu.memory_space<hbm>>
        tpu.wait_indirect_dma semaphore(%arg10 : memref<!tpu.dma_semaphore, #tpu.memory_space<semaphore_mem>>) src(%dma_wait3A_77 : memref<10000x128xf32, #tpu.memory_space<hbm>>) dst(%dma_wait3A_72 : memref<128x128xf32, #tpu.memory_space<vmem>>)
        %mul3A_78 = arith.constant 256 : i32
        %mul3A_79 = arith.muli %add3A_20, %mul3A_78 : i32
        "tpu.region"() ({
          %run_scoped3A = tpu.sem_alloc : memref<!tpu.dma_semaphore, #tpu.memory_space<semaphore_mem>>
          %dma_start3A_80 = arith.constant 0 : i32
          %dma_start3A_81 = tpu.memref_slice %arg4[%mul3A_79, %dma_start3A_80] : memref<160000x128xf32, #tpu.memory_space<hbm>> -> memref<256x128xf32, #tpu.memory_space<hbm>>
          %dma_start3A_82 = arith.constant 0 : i32
          %dma_start3A_83 = tpu.memref_slice %arg4[%mul3A_79, %dma_start3A_82] : memref<160000x128xf32, #tpu.memory_space<hbm>> -> memref<256x128xf32, #tpu.memory_space<hbm>>
          tpu.enqueue_dma source(%arg8 : memref<256x128xf32, #tpu.memory_space<vmem>>) target(%dma_start3A_83 : memref<256x128xf32, #tpu.memory_space<hbm>>) target_semaphore(%run_scoped3A : memref<!tpu.dma_semaphore, #tpu.memory_space<semaphore_mem>>)
          %dma_wait3A_84 = arith.constant 0 : i32
          %dma_wait3A_85 = tpu.memref_slice %arg4[%mul3A_79, %dma_wait3A_84] : memref<160000x128xf32, #tpu.memory_space<hbm>> -> memref<256x128xf32, #tpu.memory_space<hbm>>
          %dma_wait3A_86 = arith.constant 0 : i32
          %dma_wait3A_87 = tpu.memref_slice %arg4[%mul3A_79, %dma_wait3A_86] : memref<160000x128xf32, #tpu.memory_space<hbm>> -> memref<256x128xf32, #tpu.memory_space<hbm>>
          tpu.wait_dma2 semaphore(%run_scoped3A : memref<!tpu.dma_semaphore, #tpu.memory_space<semaphore_mem>>) src(%arg8 : memref<256x128xf32, #tpu.memory_space<vmem>>) dst(%dma_wait3A_87 : memref<256x128xf32, #tpu.memory_space<hbm>>)
          tpu.yield
        }) : () -> ()
      } else {
      }
    }
    %while3A_15 = arith.constant 1 : i32
    scf.for %while3A_16 = %while3A_13 to %while3A_9 step %while3A_15  : i32 {
      %mul3A_17 = arith.muli %while3A_16, %while3A : i32
      %add3A_18 = arith.addi %add3A, %mul3A_17 : i32
      %add3A_19 = arith.constant 32 : i32
      %add3A_20 = arith.addi %add3A_18, %add3A_19 : i32
      %mul3A_21 = arith.constant 256 : i32
      %mul3A_22 = arith.muli %add3A_18, %mul3A_21 : i32
      "tpu.region"() ({
        %run_scoped3A = tpu.sem_alloc : memref<!tpu.dma_semaphore, #tpu.memory_space<semaphore_mem>>
        %dma_start3A_62 = tpu.memref_slice %arg3[%mul3A_22] : memref<160000xi32, #tpu.memory_space<hbm>> -> memref<256xi32, #tpu.memory_space<hbm>>
        %dma_start3A_63 = tpu.memref_slice %arg3[%mul3A_22] : memref<160000xi32, #tpu.memory_space<hbm>> -> memref<256xi32, #tpu.memory_space<hbm>>
        tpu.enqueue_dma source(%dma_start3A_63 : memref<256xi32, #tpu.memory_space<hbm>>) target(%arg5 : memref<256xi32, #tpu.memory_space<vmem>>) target_semaphore(%run_scoped3A : memref<!tpu.dma_semaphore, #tpu.memory_space<semaphore_mem>>)
        %dma_wait3A_64 = tpu.memref_slice %arg3[%mul3A_22] : memref<160000xi32, #tpu.memory_space<hbm>> -> memref<256xi32, #tpu.memory_space<hbm>>
        %dma_wait3A_65 = tpu.memref_slice %arg3[%mul3A_22] : memref<160000xi32, #tpu.memory_space<hbm>> -> memref<256xi32, #tpu.memory_space<hbm>>
        tpu.wait_dma2 semaphore(%run_scoped3A : memref<!tpu.dma_semaphore, #tpu.memory_space<semaphore_mem>>) src(%dma_wait3A_65 : memref<256xi32, #tpu.memory_space<hbm>>) dst(%arg5 : memref<256xi32, #tpu.memory_space<vmem>>)
        tpu.yield
      }) : () -> ()
      %dma_start3A = arith.constant 0 : i32
      %dma_start3A_23 = arith.constant 0 : i32
      %dma_start3A_24 = tpu.memref_slice %arg7[%dma_start3A, %dma_start3A_23] : memref<256x128xf32, #tpu.memory_space<vmem>> -> memref<128x128xf32, #tpu.memory_space<vmem>>
      %dma_start3A_25 = arith.constant 0 : i32
      %dma_start3A_26 = tpu.memref_slice %arg5[%dma_start3A_25] : memref<256xi32, #tpu.memory_space<vmem>> -> memref<128xi32, #tpu.memory_space<vmem>>
      %dma_start3A_27 = arith.constant 0 : i32
      %dma_start3A_28 = arith.constant 0 : i32
      %dma_start3A_29 = tpu.memref_slice %arg2[%dma_start3A_27, %dma_start3A_28] : memref<10000x128xf32, #tpu.memory_space<hbm>> -> memref<10000x128xf32, #tpu.memory_space<hbm>>
      tpu.enqueue_indirect_dma source(%dma_start3A_29 : memref<10000x128xf32, #tpu.memory_space<hbm>>) target(%dma_start3A_24 : memref<128x128xf32, #tpu.memory_space<vmem>>) offsets(%dma_start3A_26 : memref<128xi32, #tpu.memory_space<vmem>>) semaphore(%arg9 : memref<!tpu.dma_semaphore, #tpu.memory_space<semaphore_mem>>)
      %dma_start3A_30 = arith.constant 128 : i32
      %dma_start3A_31 = arith.constant 0 : i32
      %dma_start3A_32 = tpu.memref_slice %arg7[%dma_start3A_30, %dma_start3A_31] : memref<256x128xf32, #tpu.memory_space<vmem>> -> memref<128x128xf32, #tpu.memory_space<vmem>>
      %dma_start3A_33 = arith.constant 128 : i32
      %dma_start3A_34 = tpu.memref_slice %arg5[%dma_start3A_33] : memref<256xi32, #tpu.memory_space<vmem>> -> memref<128xi32, #tpu.memory_space<vmem>>
      %dma_start3A_35 = arith.constant 0 : i32
      %dma_start3A_36 = arith.constant 0 : i32
      %dma_start3A_37 = tpu.memref_slice %arg2[%dma_start3A_35, %dma_start3A_36] : memref<10000x128xf32, #tpu.memory_space<hbm>> -> memref<10000x128xf32, #tpu.memory_space<hbm>>
      tpu.enqueue_indirect_dma source(%dma_start3A_37 : memref<10000x128xf32, #tpu.memory_space<hbm>>) target(%dma_start3A_32 : memref<128x128xf32, #tpu.memory_space<vmem>>) offsets(%dma_start3A_34 : memref<128xi32, #tpu.memory_space<vmem>>) semaphore(%arg9 : memref<!tpu.dma_semaphore, #tpu.memory_space<semaphore_mem>>)
      %lt3A = arith.constant 625 : i32
      %lt3A_38 = arith.cmpi slt, %add3A_20, %lt3A : i32
      %convert_element_type3A = arith.extui %lt3A_38 : i1 to i32
      %cond3A = arith.constant 0 : i32
      %cond3A_39 = arith.cmpi ne, %convert_element_type3A, %cond3A : i32
      scf.if %cond3A_39 {
        %mul3A_62 = arith.constant 256 : i32
        %mul3A_63 = arith.muli %add3A_20, %mul3A_62 : i32
        "tpu.region"() ({
          %run_scoped3A = tpu.sem_alloc : memref<!tpu.dma_semaphore, #tpu.memory_space<semaphore_mem>>
          %dma_start3A_80 = tpu.memref_slice %arg3[%mul3A_63] : memref<160000xi32, #tpu.memory_space<hbm>> -> memref<256xi32, #tpu.memory_space<hbm>>
          %dma_start3A_81 = tpu.memref_slice %arg3[%mul3A_63] : memref<160000xi32, #tpu.memory_space<hbm>> -> memref<256xi32, #tpu.memory_space<hbm>>
          tpu.enqueue_dma source(%dma_start3A_81 : memref<256xi32, #tpu.memory_space<hbm>>) target(%arg6 : memref<256xi32, #tpu.memory_space<vmem>>) target_semaphore(%run_scoped3A : memref<!tpu.dma_semaphore, #tpu.memory_space<semaphore_mem>>)
          %dma_wait3A_82 = tpu.memref_slice %arg3[%mul3A_63] : memref<160000xi32, #tpu.memory_space<hbm>> -> memref<256xi32, #tpu.memory_space<hbm>>
          %dma_wait3A_83 = tpu.memref_slice %arg3[%mul3A_63] : memref<160000xi32, #tpu.memory_space<hbm>> -> memref<256xi32, #tpu.memory_space<hbm>>
          tpu.wait_dma2 semaphore(%run_scoped3A : memref<!tpu.dma_semaphore, #tpu.memory_space<semaphore_mem>>) src(%dma_wait3A_83 : memref<256xi32, #tpu.memory_space<hbm>>) dst(%arg6 : memref<256xi32, #tpu.memory_space<vmem>>)
          tpu.yield
        }) : () -> ()
        %dma_start3A_64 = arith.constant 0 : i32
        %dma_start3A_65 = arith.constant 0 : i32
        %dma_start3A_66 = tpu.memref_slice %arg8[%dma_start3A_64, %dma_start3A_65] : memref<256x128xf32, #tpu.memory_space<vmem>> -> memref<128x128xf32, #tpu.memory_space<vmem>>
        %dma_start3A_67 = arith.constant 0 : i32
        %dma_start3A_68 = tpu.memref_slice %arg6[%dma_start3A_67] : memref<256xi32, #tpu.memory_space<vmem>> -> memref<128xi32, #tpu.memory_space<vmem>>
        %dma_start3A_69 = arith.constant 0 : i32
        %dma_start3A_70 = arith.constant 0 : i32
        %dma_start3A_71 = tpu.memref_slice %arg2[%dma_start3A_69, %dma_start3A_70] : memref<10000x128xf32, #tpu.memory_space<hbm>> -> memref<10000x128xf32, #tpu.memory_space<hbm>>
        tpu.enqueue_indirect_dma source(%dma_start3A_71 : memref<10000x128xf32, #tpu.memory_space<hbm>>) target(%dma_start3A_66 : memref<128x128xf32, #tpu.memory_space<vmem>>) offsets(%dma_start3A_68 : memref<128xi32, #tpu.memory_space<vmem>>) semaphore(%arg10 : memref<!tpu.dma_semaphore, #tpu.memory_space<semaphore_mem>>)
        %dma_start3A_72 = arith.constant 128 : i32
        %dma_start3A_73 = arith.constant 0 : i32
        %dma_start3A_74 = tpu.memref_slice %arg8[%dma_start3A_72, %dma_start3A_73] : memref<256x128xf32, #tpu.memory_space<vmem>> -> memref<128x128xf32, #tpu.memory_space<vmem>>
        %dma_start3A_75 = arith.constant 128 : i32
        %dma_start3A_76 = tpu.memref_slice %arg6[%dma_start3A_75] : memref<256xi32, #tpu.memory_space<vmem>> -> memref<128xi32, #tpu.memory_space<vmem>>
        %dma_start3A_77 = arith.constant 0 : i32
        %dma_start3A_78 = arith.constant 0 : i32
        %dma_start3A_79 = tpu.memref_slice %arg2[%dma_start3A_77, %dma_start3A_78] : memref<10000x128xf32, #tpu.memory_space<hbm>> -> memref<10000x128xf32, #tpu.memory_space<hbm>>
        tpu.enqueue_indirect_dma source(%dma_start3A_79 : memref<10000x128xf32, #tpu.memory_space<hbm>>) target(%dma_start3A_74 : memref<128x128xf32, #tpu.memory_space<vmem>>) offsets(%dma_start3A_76 : memref<128xi32, #tpu.memory_space<vmem>>) semaphore(%arg10 : memref<!tpu.dma_semaphore, #tpu.memory_space<semaphore_mem>>)
      } else {
      }
      %dma_wait3A = arith.constant 0 : i32
      %dma_wait3A_40 = arith.constant 0 : i32
      %dma_wait3A_41 = tpu.memref_slice %arg7[%dma_wait3A, %dma_wait3A_40] : memref<256x128xf32, #tpu.memory_space<vmem>> -> memref<128x128xf32, #tpu.memory_space<vmem>>
      %dma_wait3A_42 = arith.constant 0 : i32
      %dma_wait3A_43 = tpu.memref_slice %arg5[%dma_wait3A_42] : memref<256xi32, #tpu.memory_space<vmem>> -> memref<128xi32, #tpu.memory_space<vmem>>
      %dma_wait3A_44 = arith.constant 0 : i32
      %dma_wait3A_45 = arith.constant 0 : i32
      %dma_wait3A_46 = tpu.memref_slice %arg2[%dma_wait3A_44, %dma_wait3A_45] : memref<10000x128xf32, #tpu.memory_space<hbm>> -> memref<10000x128xf32, #tpu.memory_space<hbm>>
      tpu.wait_indirect_dma semaphore(%arg9 : memref<!tpu.dma_semaphore, #tpu.memory_space<semaphore_mem>>) src(%dma_wait3A_46 : memref<10000x128xf32, #tpu.memory_space<hbm>>) dst(%dma_wait3A_41 : memref<128x128xf32, #tpu.memory_space<vmem>>)
      %dma_wait3A_47 = arith.constant 128 : i32
      %dma_wait3A_48 = arith.constant 0 : i32
      %dma_wait3A_49 = tpu.memref_slice %arg7[%dma_wait3A_47, %dma_wait3A_48] : memref<256x128xf32, #tpu.memory_space<vmem>> -> memref<128x128xf32, #tpu.memory_space<vmem>>
      %dma_wait3A_50 = arith.constant 128 : i32
      %dma_wait3A_51 = tpu.memref_slice %arg5[%dma_wait3A_50] : memref<256xi32, #tpu.memory_space<vmem>> -> memref<128xi32, #tpu.memory_space<vmem>>
      %dma_wait3A_52 = arith.constant 0 : i32
      %dma_wait3A_53 = arith.constant 0 : i32
      %dma_wait3A_54 = tpu.memref_slice %arg2[%dma_wait3A_52, %dma_wait3A_53] : memref<10000x128xf32, #tpu.memory_space<hbm>> -> memref<10000x128xf32, #tpu.memory_space<hbm>>
      tpu.wait_indirect_dma semaphore(%arg9 : memref<!tpu.dma_semaphore, #tpu.memory_space<semaphore_mem>>) src(%dma_wait3A_54 : memref<10000x128xf32, #tpu.memory_space<hbm>>) dst(%dma_wait3A_49 : memref<128x128xf32, #tpu.memory_space<vmem>>)
      %mul3A_55 = arith.constant 256 : i32
      %mul3A_56 = arith.muli %add3A_18, %mul3A_55 : i32
      "tpu.region"() ({
        %run_scoped3A = tpu.sem_alloc : memref<!tpu.dma_semaphore, #tpu.memory_space<semaphore_mem>>
        %dma_start3A_62 = arith.constant 0 : i32
        %dma_start3A_63 = tpu.memref_slice %arg4[%mul3A_56, %dma_start3A_62] : memref<160000x128xf32, #tpu.memory_space<hbm>> -> memref<256x128xf32, #tpu.memory_space<hbm>>
        %dma_start3A_64 = arith.constant 0 : i32
        %dma_start3A_65 = tpu.memref_slice %arg4[%mul3A_56, %dma_start3A_64] : memref<160000x128xf32, #tpu.memory_space<hbm>> -> memref<256x128xf32, #tpu.memory_space<hbm>>
        tpu.enqueue_dma source(%arg7 : memref<256x128xf32, #tpu.memory_space<vmem>>) target(%dma_start3A_65 : memref<256x128xf32, #tpu.memory_space<hbm>>) target_semaphore(%run_scoped3A : memref<!tpu.dma_semaphore, #tpu.memory_space<semaphore_mem>>)
        %dma_wait3A_66 = arith.constant 0 : i32
        %dma_wait3A_67 = tpu.memref_slice %arg4[%mul3A_56, %dma_wait3A_66] : memref<160000x128xf32, #tpu.memory_space<hbm>> -> memref<256x128xf32, #tpu.memory_space<hbm>>
        %dma_wait3A_68 = arith.constant 0 : i32
        %dma_wait3A_69 = tpu.memref_slice %arg4[%mul3A_56, %dma_wait3A_68] : memref<160000x128xf32, #tpu.memory_space<hbm>> -> memref<256x128xf32, #tpu.memory_space<hbm>>
        tpu.wait_dma2 semaphore(%run_scoped3A : memref<!tpu.dma_semaphore, #tpu.memory_space<semaphore_mem>>) src(%arg7 : memref<256x128xf32, #tpu.memory_space<vmem>>) dst(%dma_wait3A_69 : memref<256x128xf32, #tpu.memory_space<hbm>>)
        tpu.yield
      }) : () -> ()
      %lt3A_57 = arith.constant 625 : i32
      %lt3A_58 = arith.cmpi slt, %add3A_20, %lt3A_57 : i32
      %convert_element_type3A_59 = arith.extui %lt3A_58 : i1 to i32
      %cond3A_60 = arith.constant 0 : i32
      %cond3A_61 = arith.cmpi ne, %convert_element_type3A_59, %cond3A_60 : i32
      scf.if %cond3A_61 {
        %dma_wait3A_62 = arith.constant 0 : i32
        %dma_wait3A_63 = arith.constant 0 : i32
        %dma_wait3A_64 = tpu.memref_slice %arg8[%dma_wait3A_62, %dma_wait3A_63] : memref<256x128xf32, #tpu.memory_space<vmem>> -> memref<128x128xf32, #tpu.memory_space<vmem>>
        %dma_wait3A_65 = arith.constant 0 : i32
        %dma_wait3A_66 = tpu.memref_slice %arg6[%dma_wait3A_65] : memref<256xi32, #tpu.memory_space<vmem>> -> memref<128xi32, #tpu.memory_space<vmem>>
        %dma_wait3A_67 = arith.constant 0 : i32
        %dma_wait3A_68 = arith.constant 0 : i32
        %dma_wait3A_69 = tpu.memref_slice %arg2[%dma_wait3A_67, %dma_wait3A_68] : memref<10000x128xf32, #tpu.memory_space<hbm>> -> memref<10000x128xf32, #tpu.memory_space<hbm>>
        tpu.wait_indirect_dma semaphore(%arg10 : memref<!tpu.dma_semaphore, #tpu.memory_space<semaphore_mem>>) src(%dma_wait3A_69 : memref<10000x128xf32, #tpu.memory_space<hbm>>) dst(%dma_wait3A_64 : memref<128x128xf32, #tpu.memory_space<vmem>>)
        %dma_wait3A_70 = arith.constant 128 : i32
        %dma_wait3A_71 = arith.constant 0 : i32
        %dma_wait3A_72 = tpu.memref_slice %arg8[%dma_wait3A_70, %dma_wait3A_71] : memref<256x128xf32, #tpu.memory_space<vmem>> -> memref<128x128xf32, #tpu.memory_space<vmem>>
        %dma_wait3A_73 = arith.constant 128 : i32
        %dma_wait3A_74 = tpu.memref_slice %arg6[%dma_wait3A_73] : memref<256xi32, #tpu.memory_space<vmem>> -> memref<128xi32, #tpu.memory_space<vmem>>
        %dma_wait3A_75 = arith.constant 0 : i32
        %dma_wait3A_76 = arith.constant 0 : i32
        %dma_wait3A_77 = tpu.memref_slice %arg2[%dma_wait3A_75, %dma_wait3A_76] : memref<10000x128xf32, #tpu.memory_space<hbm>> -> memref<10000x128xf32, #tpu.memory_space<hbm>>
        tpu.wait_indirect_dma semaphore(%arg10 : memref<!tpu.dma_semaphore, #tpu.memory_space<semaphore_mem>>) src(%dma_wait3A_77 : memref<10000x128xf32, #tpu.memory_space<hbm>>) dst(%dma_wait3A_72 : memref<128x128xf32, #tpu.memory_space<vmem>>)
        %mul3A_78 = arith.constant 256 : i32
        %mul3A_79 = arith.muli %add3A_20, %mul3A_78 : i32
        "tpu.region"() ({
          %run_scoped3A = tpu.sem_alloc : memref<!tpu.dma_semaphore, #tpu.memory_space<semaphore_mem>>
          %dma_start3A_80 = arith.constant 0 : i32
          %dma_start3A_81 = tpu.memref_slice %arg4[%mul3A_79, %dma_start3A_80] : memref<160000x128xf32, #tpu.memory_space<hbm>> -> memref<256x128xf32, #tpu.memory_space<hbm>>
          %dma_start3A_82 = arith.constant 0 : i32
          %dma_start3A_83 = tpu.memref_slice %arg4[%mul3A_79, %dma_start3A_82] : memref<160000x128xf32, #tpu.memory_space<hbm>> -> memref<256x128xf32, #tpu.memory_space<hbm>>
          tpu.enqueue_dma source(%arg8 : memref<256x128xf32, #tpu.memory_space<vmem>>) target(%dma_start3A_83 : memref<256x128xf32, #tpu.memory_space<hbm>>) target_semaphore(%run_scoped3A : memref<!tpu.dma_semaphore, #tpu.memory_space<semaphore_mem>>)
          %dma_wait3A_84 = arith.constant 0 : i32
          %dma_wait3A_85 = tpu.memref_slice %arg4[%mul3A_79, %dma_wait3A_84] : memref<160000x128xf32, #tpu.memory_space<hbm>> -> memref<256x128xf32, #tpu.memory_space<hbm>>
          %dma_wait3A_86 = arith.constant 0 : i32
          %dma_wait3A_87 = tpu.memref_slice %arg4[%mul3A_79, %dma_wait3A_86] : memref<160000x128xf32, #tpu.memory_space<hbm>> -> memref<256x128xf32, #tpu.memory_space<hbm>>
          tpu.wait_dma2 semaphore(%run_scoped3A : memref<!tpu.dma_semaphore, #tpu.memory_space<semaphore_mem>>) src(%arg8 : memref<256x128xf32, #tpu.memory_space<vmem>>) dst(%dma_wait3A_87 : memref<256x128xf32, #tpu.memory_space<hbm>>)
          tpu.yield
        }) : () -> ()
      } else {
      }
    }
    return
  }
}

#map = affine_map<(d0, d1) -> (0, 0)>
#map1 = affine_map<(d0, d1) -> (0)>
#map2 = affine_map<(d0, d1) -> (0, 0, 0)>
module attributes {stable_mosaic.version = 14 : i64} {
  func.func @k(%arg0: i32, %arg1: i32, %arg2: memref<160000x128xf32, #tpu.memory_space<hbm>>, %arg3: memref<160000xi32, #tpu.memory_space<hbm>>, %arg4: memref<10240x128xf32, #tpu.memory_space<hbm>>, %arg5: memref<2x10240x128xf32, #tpu.memory_space<hbm>>, %arg6: memref<128xi32, #tpu.memory_space<vmem>>, %arg7: memref<128xi32, #tpu.memory_space<vmem>>, %arg8: memref<128x128xf32, #tpu.memory_space<vmem>>, %arg9: memref<128x128xf32, #tpu.memory_space<vmem>>, %arg10: memref<10240x128xf32, #tpu.memory_space<vmem_shared>>, %arg11: memref<!tpu.dma_semaphore, #tpu.memory_space<semaphore_mem>>, %arg12: memref<!tpu.dma_semaphore, #tpu.memory_space<semaphore_mem>>) attributes {dimension_semantics = [#tpu.dimension_semantics<core_parallel>, #tpu.dimension_semantics<subcore_parallel>], iteration_bounds = array<i64: 2, 16>, scalar_prefetch = 0 : i64, scratch_operands = 7 : i64, tpu.core_type = #tpu.core_type<sc_vector_subcore>, window_params = [{transform_indices = #map}, {transform_indices = #map1}, {transform_indices = #map}, {transform_indices = #map2}]} {
    %mul3A = arith.constant 640 : i32
    %mul3A_0 = arith.muli %arg1, %mul3A : i32
    "tpu.region"() ({
      %run_scoped3A = tpu.sem_alloc : memref<!tpu.dma_semaphore, #tpu.memory_space<semaphore_mem>>
      %dma_start3A = arith.constant 0 : i32
      %dma_start3A_19 = tpu.memref_slice %arg10[%mul3A_0, %dma_start3A] : memref<10240x128xf32, #tpu.memory_space<vmem_shared>> -> memref<640x128xf32, #tpu.memory_space<vmem_shared>>
      %dma_start3A_20 = arith.constant 0 : i32
      %dma_start3A_21 = tpu.memref_slice %arg4[%mul3A_0, %dma_start3A_20] : memref<10240x128xf32, #tpu.memory_space<hbm>> -> memref<640x128xf32, #tpu.memory_space<hbm>>
      tpu.enqueue_dma source(%dma_start3A_21 : memref<640x128xf32, #tpu.memory_space<hbm>>) target(%dma_start3A_19 : memref<640x128xf32, #tpu.memory_space<vmem_shared>>) target_semaphore(%run_scoped3A : memref<!tpu.dma_semaphore, #tpu.memory_space<semaphore_mem>>)
      %dma_wait3A = arith.constant 0 : i32
      %dma_wait3A_22 = tpu.memref_slice %arg10[%mul3A_0, %dma_wait3A] : memref<10240x128xf32, #tpu.memory_space<vmem_shared>> -> memref<640x128xf32, #tpu.memory_space<vmem_shared>>
      %dma_wait3A_23 = arith.constant 0 : i32
      %dma_wait3A_24 = tpu.memref_slice %arg4[%mul3A_0, %dma_wait3A_23] : memref<10240x128xf32, #tpu.memory_space<hbm>> -> memref<640x128xf32, #tpu.memory_space<hbm>>
      tpu.wait_dma2 semaphore(%run_scoped3A : memref<!tpu.dma_semaphore, #tpu.memory_space<semaphore_mem>>) src(%dma_wait3A_24 : memref<640x128xf32, #tpu.memory_space<hbm>>) dst(%dma_wait3A_22 : memref<640x128xf32, #tpu.memory_space<vmem_shared>>)
      tpu.yield
    }) : () -> ()
    %barrier3A = arith.constant 0 : index
    tpu.barrier barrier_id(%barrier3A)
    %mul3A_1 = arith.constant 2 : i32
    %mul3A_2 = arith.muli %arg1, %mul3A_1 : i32
    %add3A = arith.addi %mul3A_2, %arg0 : i32
    %sub3A = arith.constant 1250 : i32
    %sub3A_3 = arith.subi %sub3A, %add3A : i32
    %sub3A_4 = arith.constant 64 : i32
    %sub3A_5 = arith.constant 1 : i32
    %sub3A_6 = arith.subi %sub3A_4, %sub3A_5 : i32
    %add3A_7 = arith.addi %sub3A_3, %sub3A_6 : i32
    %div3A = arith.constant 64 : i32
    %div3A_8 = arith.divsi %add3A_7, %div3A : i32
    %while3A = arith.constant 64 : i32
    %while3A_9 = arith.constant 0 : i32
    %while3A_10 = arith.subi %div3A_8, %while3A_9 : i32
    %while3A_11 = arith.addi %while3A_9, %while3A_10 : i32
    %while3A_12 = arith.constant 1 : i32
    %while3A_13 = arith.divsi %while3A_10, %while3A_12 : i32
    %while3A_14 = arith.muli %while3A_13, %while3A_12 : i32
    %while3A_15 = arith.addi %while3A_9, %while3A_14 : i32
    %while3A_16 = arith.constant 1 : i32
    scf.for %while3A_19 = %while3A_9 to %while3A_15 step %while3A_16  : i32 {
      %mul3A_20 = arith.muli %while3A_19, %while3A : i32
      %add3A_21 = arith.addi %add3A, %mul3A_20 : i32
      %add3A_22 = arith.constant 32 : i32
      %add3A_23 = arith.addi %add3A_21, %add3A_22 : i32
      %mul3A_24 = arith.constant 128 : i32
      %mul3A_25 = arith.muli %add3A_21, %mul3A_24 : i32
      "tpu.region"() ({
        %run_scoped3A = tpu.sem_alloc : memref<!tpu.dma_semaphore, #tpu.memory_space<semaphore_mem>>
        %dma_start3A_39 = tpu.memref_slice %arg3[%mul3A_25] : memref<160000xi32, #tpu.memory_space<hbm>> -> memref<128xi32, #tpu.memory_space<hbm>>
        %dma_start3A_40 = tpu.memref_slice %arg3[%mul3A_25] : memref<160000xi32, #tpu.memory_space<hbm>> -> memref<128xi32, #tpu.memory_space<hbm>>
        tpu.enqueue_dma source(%dma_start3A_40 : memref<128xi32, #tpu.memory_space<hbm>>) target(%arg6 : memref<128xi32, #tpu.memory_space<vmem>>) target_semaphore(%run_scoped3A : memref<!tpu.dma_semaphore, #tpu.memory_space<semaphore_mem>>)
        %dma_wait3A_41 = tpu.memref_slice %arg3[%mul3A_25] : memref<160000xi32, #tpu.memory_space<hbm>> -> memref<128xi32, #tpu.memory_space<hbm>>
        %dma_wait3A_42 = tpu.memref_slice %arg3[%mul3A_25] : memref<160000xi32, #tpu.memory_space<hbm>> -> memref<128xi32, #tpu.memory_space<hbm>>
        tpu.wait_dma2 semaphore(%run_scoped3A : memref<!tpu.dma_semaphore, #tpu.memory_space<semaphore_mem>>) src(%dma_wait3A_42 : memref<128xi32, #tpu.memory_space<hbm>>) dst(%arg6 : memref<128xi32, #tpu.memory_space<vmem>>)
        tpu.yield
      }) : () -> ()
      %mul3A_26 = arith.constant 128 : i32
      %mul3A_27 = arith.muli %add3A_21, %mul3A_26 : i32
      "tpu.region"() ({
        %run_scoped3A = tpu.sem_alloc : memref<!tpu.dma_semaphore, #tpu.memory_space<semaphore_mem>>
        %dma_start3A_39 = arith.constant 0 : i32
        %dma_start3A_40 = tpu.memref_slice %arg2[%mul3A_27, %dma_start3A_39] : memref<160000x128xf32, #tpu.memory_space<hbm>> -> memref<128x128xf32, #tpu.memory_space<hbm>>
        %dma_start3A_41 = arith.constant 0 : i32
        %dma_start3A_42 = tpu.memref_slice %arg2[%mul3A_27, %dma_start3A_41] : memref<160000x128xf32, #tpu.memory_space<hbm>> -> memref<128x128xf32, #tpu.memory_space<hbm>>
        tpu.enqueue_dma source(%dma_start3A_42 : memref<128x128xf32, #tpu.memory_space<hbm>>) target(%arg8 : memref<128x128xf32, #tpu.memory_space<vmem>>) target_semaphore(%run_scoped3A : memref<!tpu.dma_semaphore, #tpu.memory_space<semaphore_mem>>)
        %dma_wait3A_43 = arith.constant 0 : i32
        %dma_wait3A_44 = tpu.memref_slice %arg2[%mul3A_27, %dma_wait3A_43] : memref<160000x128xf32, #tpu.memory_space<hbm>> -> memref<128x128xf32, #tpu.memory_space<hbm>>
        %dma_wait3A_45 = arith.constant 0 : i32
        %dma_wait3A_46 = tpu.memref_slice %arg2[%mul3A_27, %dma_wait3A_45] : memref<160000x128xf32, #tpu.memory_space<hbm>> -> memref<128x128xf32, #tpu.memory_space<hbm>>
        tpu.wait_dma2 semaphore(%run_scoped3A : memref<!tpu.dma_semaphore, #tpu.memory_space<semaphore_mem>>) src(%dma_wait3A_46 : memref<128x128xf32, #tpu.memory_space<hbm>>) dst(%arg8 : memref<128x128xf32, #tpu.memory_space<vmem>>)
        tpu.yield
      }) : () -> ()
      %dma_start3A = arith.constant 0 : i32
      %dma_start3A_28 = arith.constant 0 : i32
      %dma_start3A_29 = tpu.memref_slice %arg10[%dma_start3A, %dma_start3A_28] : memref<10240x128xf32, #tpu.memory_space<vmem_shared>> -> memref<10240x128xf32, #tpu.memory_space<vmem_shared>>
      tpu.enqueue_indirect_dma source(%arg8 : memref<128x128xf32, #tpu.memory_space<vmem>>) target(%dma_start3A_29 : memref<10240x128xf32, #tpu.memory_space<vmem_shared>>) offsets(%arg6 : memref<128xi32, #tpu.memory_space<vmem>>) semaphore(%arg11 : memref<!tpu.dma_semaphore, #tpu.memory_space<semaphore_mem>>) {add = true}
      %lt3A = arith.constant 1250 : i32
      %lt3A_30 = arith.cmpi slt, %add3A_23, %lt3A : i32
      %convert_element_type3A = arith.extui %lt3A_30 : i1 to i32
      %cond3A = arith.constant 0 : i32
      %cond3A_31 = arith.cmpi ne, %convert_element_type3A, %cond3A : i32
      scf.if %cond3A_31 {
        %mul3A_39 = arith.constant 128 : i32
        %mul3A_40 = arith.muli %add3A_23, %mul3A_39 : i32
        "tpu.region"() ({
          %run_scoped3A = tpu.sem_alloc : memref<!tpu.dma_semaphore, #tpu.memory_space<semaphore_mem>>
          %dma_start3A_46 = tpu.memref_slice %arg3[%mul3A_40] : memref<160000xi32, #tpu.memory_space<hbm>> -> memref<128xi32, #tpu.memory_space<hbm>>
          %dma_start3A_47 = tpu.memref_slice %arg3[%mul3A_40] : memref<160000xi32, #tpu.memory_space<hbm>> -> memref<128xi32, #tpu.memory_space<hbm>>
          tpu.enqueue_dma source(%dma_start3A_47 : memref<128xi32, #tpu.memory_space<hbm>>) target(%arg7 : memref<128xi32, #tpu.memory_space<vmem>>) target_semaphore(%run_scoped3A : memref<!tpu.dma_semaphore, #tpu.memory_space<semaphore_mem>>)
          %dma_wait3A_48 = tpu.memref_slice %arg3[%mul3A_40] : memref<160000xi32, #tpu.memory_space<hbm>> -> memref<128xi32, #tpu.memory_space<hbm>>
          %dma_wait3A_49 = tpu.memref_slice %arg3[%mul3A_40] : memref<160000xi32, #tpu.memory_space<hbm>> -> memref<128xi32, #tpu.memory_space<hbm>>
          tpu.wait_dma2 semaphore(%run_scoped3A : memref<!tpu.dma_semaphore, #tpu.memory_space<semaphore_mem>>) src(%dma_wait3A_49 : memref<128xi32, #tpu.memory_space<hbm>>) dst(%arg7 : memref<128xi32, #tpu.memory_space<vmem>>)
          tpu.yield
        }) : () -> ()
        %mul3A_41 = arith.constant 128 : i32
        %mul3A_42 = arith.muli %add3A_23, %mul3A_41 : i32
        "tpu.region"() ({
          %run_scoped3A = tpu.sem_alloc : memref<!tpu.dma_semaphore, #tpu.memory_space<semaphore_mem>>
          %dma_start3A_46 = arith.constant 0 : i32
          %dma_start3A_47 = tpu.memref_slice %arg2[%mul3A_42, %dma_start3A_46] : memref<160000x128xf32, #tpu.memory_space<hbm>> -> memref<128x128xf32, #tpu.memory_space<hbm>>
          %dma_start3A_48 = arith.constant 0 : i32
          %dma_start3A_49 = tpu.memref_slice %arg2[%mul3A_42, %dma_start3A_48] : memref<160000x128xf32, #tpu.memory_space<hbm>> -> memref<128x128xf32, #tpu.memory_space<hbm>>
          tpu.enqueue_dma source(%dma_start3A_49 : memref<128x128xf32, #tpu.memory_space<hbm>>) target(%arg9 : memref<128x128xf32, #tpu.memory_space<vmem>>) target_semaphore(%run_scoped3A : memref<!tpu.dma_semaphore, #tpu.memory_space<semaphore_mem>>)
          %dma_wait3A_50 = arith.constant 0 : i32
          %dma_wait3A_51 = tpu.memref_slice %arg2[%mul3A_42, %dma_wait3A_50] : memref<160000x128xf32, #tpu.memory_space<hbm>> -> memref<128x128xf32, #tpu.memory_space<hbm>>
          %dma_wait3A_52 = arith.constant 0 : i32
          %dma_wait3A_53 = tpu.memref_slice %arg2[%mul3A_42, %dma_wait3A_52] : memref<160000x128xf32, #tpu.memory_space<hbm>> -> memref<128x128xf32, #tpu.memory_space<hbm>>
          tpu.wait_dma2 semaphore(%run_scoped3A : memref<!tpu.dma_semaphore, #tpu.memory_space<semaphore_mem>>) src(%dma_wait3A_53 : memref<128x128xf32, #tpu.memory_space<hbm>>) dst(%arg9 : memref<128x128xf32, #tpu.memory_space<vmem>>)
          tpu.yield
        }) : () -> ()
        %dma_start3A_43 = arith.constant 0 : i32
        %dma_start3A_44 = arith.constant 0 : i32
        %dma_start3A_45 = tpu.memref_slice %arg10[%dma_start3A_43, %dma_start3A_44] : memref<10240x128xf32, #tpu.memory_space<vmem_shared>> -> memref<10240x128xf32, #tpu.memory_space<vmem_shared>>
        tpu.enqueue_indirect_dma source(%arg9 : memref<128x128xf32, #tpu.memory_space<vmem>>) target(%dma_start3A_45 : memref<10240x128xf32, #tpu.memory_space<vmem_shared>>) offsets(%arg7 : memref<128xi32, #tpu.memory_space<vmem>>) semaphore(%arg12 : memref<!tpu.dma_semaphore, #tpu.memory_space<semaphore_mem>>) {add = true}
      } else {
      }
      %dma_wait3A = arith.constant 0 : i32
      %dma_wait3A_32 = arith.constant 0 : i32
      %dma_wait3A_33 = tpu.memref_slice %arg10[%dma_wait3A, %dma_wait3A_32] : memref<10240x128xf32, #tpu.memory_space<vmem_shared>> -> memref<10240x128xf32, #tpu.memory_space<vmem_shared>>
      tpu.wait_indirect_dma semaphore(%arg11 : memref<!tpu.dma_semaphore, #tpu.memory_space<semaphore_mem>>) src(%arg8 : memref<128x128xf32, #tpu.memory_space<vmem>>) dst(%dma_wait3A_33 : memref<10240x128xf32, #tpu.memory_space<vmem_shared>>)
      %lt3A_34 = arith.constant 1250 : i32
      %lt3A_35 = arith.cmpi slt, %add3A_23, %lt3A_34 : i32
      %convert_element_type3A_36 = arith.extui %lt3A_35 : i1 to i32
      %cond3A_37 = arith.constant 0 : i32
      %cond3A_38 = arith.cmpi ne, %convert_element_type3A_36, %cond3A_37 : i32
      scf.if %cond3A_38 {
        %dma_wait3A_39 = arith.constant 0 : i32
        %dma_wait3A_40 = arith.constant 0 : i32
        %dma_wait3A_41 = tpu.memref_slice %arg10[%dma_wait3A_39, %dma_wait3A_40] : memref<10240x128xf32, #tpu.memory_space<vmem_shared>> -> memref<10240x128xf32, #tpu.memory_space<vmem_shared>>
        tpu.wait_indirect_dma semaphore(%arg12 : memref<!tpu.dma_semaphore, #tpu.memory_space<semaphore_mem>>) src(%arg9 : memref<128x128xf32, #tpu.memory_space<vmem>>) dst(%dma_wait3A_41 : memref<10240x128xf32, #tpu.memory_space<vmem_shared>>)
      } else {
      }
    }
    %while3A_17 = arith.constant 1 : i32
    scf.for %while3A_19 = %while3A_15 to %while3A_11 step %while3A_17  : i32 {
      %mul3A_20 = arith.muli %while3A_19, %while3A : i32
      %add3A_21 = arith.addi %add3A, %mul3A_20 : i32
      %add3A_22 = arith.constant 32 : i32
      %add3A_23 = arith.addi %add3A_21, %add3A_22 : i32
      %mul3A_24 = arith.constant 128 : i32
      %mul3A_25 = arith.muli %add3A_21, %mul3A_24 : i32
      "tpu.region"() ({
        %run_scoped3A = tpu.sem_alloc : memref<!tpu.dma_semaphore, #tpu.memory_space<semaphore_mem>>
        %dma_start3A_39 = tpu.memref_slice %arg3[%mul3A_25] : memref<160000xi32, #tpu.memory_space<hbm>> -> memref<128xi32, #tpu.memory_space<hbm>>
        %dma_start3A_40 = tpu.memref_slice %arg3[%mul3A_25] : memref<160000xi32, #tpu.memory_space<hbm>> -> memref<128xi32, #tpu.memory_space<hbm>>
        tpu.enqueue_dma source(%dma_start3A_40 : memref<128xi32, #tpu.memory_space<hbm>>) target(%arg6 : memref<128xi32, #tpu.memory_space<vmem>>) target_semaphore(%run_scoped3A : memref<!tpu.dma_semaphore, #tpu.memory_space<semaphore_mem>>)
        %dma_wait3A_41 = tpu.memref_slice %arg3[%mul3A_25] : memref<160000xi32, #tpu.memory_space<hbm>> -> memref<128xi32, #tpu.memory_space<hbm>>
        %dma_wait3A_42 = tpu.memref_slice %arg3[%mul3A_25] : memref<160000xi32, #tpu.memory_space<hbm>> -> memref<128xi32, #tpu.memory_space<hbm>>
        tpu.wait_dma2 semaphore(%run_scoped3A : memref<!tpu.dma_semaphore, #tpu.memory_space<semaphore_mem>>) src(%dma_wait3A_42 : memref<128xi32, #tpu.memory_space<hbm>>) dst(%arg6 : memref<128xi32, #tpu.memory_space<vmem>>)
        tpu.yield
      }) : () -> ()
      %mul3A_26 = arith.constant 128 : i32
      %mul3A_27 = arith.muli %add3A_21, %mul3A_26 : i32
      "tpu.region"() ({
        %run_scoped3A = tpu.sem_alloc : memref<!tpu.dma_semaphore, #tpu.memory_space<semaphore_mem>>
        %dma_start3A_39 = arith.constant 0 : i32
        %dma_start3A_40 = tpu.memref_slice %arg2[%mul3A_27, %dma_start3A_39] : memref<160000x128xf32, #tpu.memory_space<hbm>> -> memref<128x128xf32, #tpu.memory_space<hbm>>
        %dma_start3A_41 = arith.constant 0 : i32
        %dma_start3A_42 = tpu.memref_slice %arg2[%mul3A_27, %dma_start3A_41] : memref<160000x128xf32, #tpu.memory_space<hbm>> -> memref<128x128xf32, #tpu.memory_space<hbm>>
        tpu.enqueue_dma source(%dma_start3A_42 : memref<128x128xf32, #tpu.memory_space<hbm>>) target(%arg8 : memref<128x128xf32, #tpu.memory_space<vmem>>) target_semaphore(%run_scoped3A : memref<!tpu.dma_semaphore, #tpu.memory_space<semaphore_mem>>)
        %dma_wait3A_43 = arith.constant 0 : i32
        %dma_wait3A_44 = tpu.memref_slice %arg2[%mul3A_27, %dma_wait3A_43] : memref<160000x128xf32, #tpu.memory_space<hbm>> -> memref<128x128xf32, #tpu.memory_space<hbm>>
        %dma_wait3A_45 = arith.constant 0 : i32
        %dma_wait3A_46 = tpu.memref_slice %arg2[%mul3A_27, %dma_wait3A_45] : memref<160000x128xf32, #tpu.memory_space<hbm>> -> memref<128x128xf32, #tpu.memory_space<hbm>>
        tpu.wait_dma2 semaphore(%run_scoped3A : memref<!tpu.dma_semaphore, #tpu.memory_space<semaphore_mem>>) src(%dma_wait3A_46 : memref<128x128xf32, #tpu.memory_space<hbm>>) dst(%arg8 : memref<128x128xf32, #tpu.memory_space<vmem>>)
        tpu.yield
      }) : () -> ()
      %dma_start3A = arith.constant 0 : i32
      %dma_start3A_28 = arith.constant 0 : i32
      %dma_start3A_29 = tpu.memref_slice %arg10[%dma_start3A, %dma_start3A_28] : memref<10240x128xf32, #tpu.memory_space<vmem_shared>> -> memref<10240x128xf32, #tpu.memory_space<vmem_shared>>
      tpu.enqueue_indirect_dma source(%arg8 : memref<128x128xf32, #tpu.memory_space<vmem>>) target(%dma_start3A_29 : memref<10240x128xf32, #tpu.memory_space<vmem_shared>>) offsets(%arg6 : memref<128xi32, #tpu.memory_space<vmem>>) semaphore(%arg11 : memref<!tpu.dma_semaphore, #tpu.memory_space<semaphore_mem>>) {add = true}
      %lt3A = arith.constant 1250 : i32
      %lt3A_30 = arith.cmpi slt, %add3A_23, %lt3A : i32
      %convert_element_type3A = arith.extui %lt3A_30 : i1 to i32
      %cond3A = arith.constant 0 : i32
      %cond3A_31 = arith.cmpi ne, %convert_element_type3A, %cond3A : i32
      scf.if %cond3A_31 {
        %mul3A_39 = arith.constant 128 : i32
        %mul3A_40 = arith.muli %add3A_23, %mul3A_39 : i32
        "tpu.region"() ({
          %run_scoped3A = tpu.sem_alloc : memref<!tpu.dma_semaphore, #tpu.memory_space<semaphore_mem>>
          %dma_start3A_46 = tpu.memref_slice %arg3[%mul3A_40] : memref<160000xi32, #tpu.memory_space<hbm>> -> memref<128xi32, #tpu.memory_space<hbm>>
          %dma_start3A_47 = tpu.memref_slice %arg3[%mul3A_40] : memref<160000xi32, #tpu.memory_space<hbm>> -> memref<128xi32, #tpu.memory_space<hbm>>
          tpu.enqueue_dma source(%dma_start3A_47 : memref<128xi32, #tpu.memory_space<hbm>>) target(%arg7 : memref<128xi32, #tpu.memory_space<vmem>>) target_semaphore(%run_scoped3A : memref<!tpu.dma_semaphore, #tpu.memory_space<semaphore_mem>>)
          %dma_wait3A_48 = tpu.memref_slice %arg3[%mul3A_40] : memref<160000xi32, #tpu.memory_space<hbm>> -> memref<128xi32, #tpu.memory_space<hbm>>
          %dma_wait3A_49 = tpu.memref_slice %arg3[%mul3A_40] : memref<160000xi32, #tpu.memory_space<hbm>> -> memref<128xi32, #tpu.memory_space<hbm>>
          tpu.wait_dma2 semaphore(%run_scoped3A : memref<!tpu.dma_semaphore, #tpu.memory_space<semaphore_mem>>) src(%dma_wait3A_49 : memref<128xi32, #tpu.memory_space<hbm>>) dst(%arg7 : memref<128xi32, #tpu.memory_space<vmem>>)
          tpu.yield
        }) : () -> ()
        %mul3A_41 = arith.constant 128 : i32
        %mul3A_42 = arith.muli %add3A_23, %mul3A_41 : i32
        "tpu.region"() ({
          %run_scoped3A = tpu.sem_alloc : memref<!tpu.dma_semaphore, #tpu.memory_space<semaphore_mem>>
          %dma_start3A_46 = arith.constant 0 : i32
          %dma_start3A_47 = tpu.memref_slice %arg2[%mul3A_42, %dma_start3A_46] : memref<160000x128xf32, #tpu.memory_space<hbm>> -> memref<128x128xf32, #tpu.memory_space<hbm>>
          %dma_start3A_48 = arith.constant 0 : i32
          %dma_start3A_49 = tpu.memref_slice %arg2[%mul3A_42, %dma_start3A_48] : memref<160000x128xf32, #tpu.memory_space<hbm>> -> memref<128x128xf32, #tpu.memory_space<hbm>>
          tpu.enqueue_dma source(%dma_start3A_49 : memref<128x128xf32, #tpu.memory_space<hbm>>) target(%arg9 : memref<128x128xf32, #tpu.memory_space<vmem>>) target_semaphore(%run_scoped3A : memref<!tpu.dma_semaphore, #tpu.memory_space<semaphore_mem>>)
          %dma_wait3A_50 = arith.constant 0 : i32
          %dma_wait3A_51 = tpu.memref_slice %arg2[%mul3A_42, %dma_wait3A_50] : memref<160000x128xf32, #tpu.memory_space<hbm>> -> memref<128x128xf32, #tpu.memory_space<hbm>>
          %dma_wait3A_52 = arith.constant 0 : i32
          %dma_wait3A_53 = tpu.memref_slice %arg2[%mul3A_42, %dma_wait3A_52] : memref<160000x128xf32, #tpu.memory_space<hbm>> -> memref<128x128xf32, #tpu.memory_space<hbm>>
          tpu.wait_dma2 semaphore(%run_scoped3A : memref<!tpu.dma_semaphore, #tpu.memory_space<semaphore_mem>>) src(%dma_wait3A_53 : memref<128x128xf32, #tpu.memory_space<hbm>>) dst(%arg9 : memref<128x128xf32, #tpu.memory_space<vmem>>)
          tpu.yield
        }) : () -> ()
        %dma_start3A_43 = arith.constant 0 : i32
        %dma_start3A_44 = arith.constant 0 : i32
        %dma_start3A_45 = tpu.memref_slice %arg10[%dma_start3A_43, %dma_start3A_44] : memref<10240x128xf32, #tpu.memory_space<vmem_shared>> -> memref<10240x128xf32, #tpu.memory_space<vmem_shared>>
        tpu.enqueue_indirect_dma source(%arg9 : memref<128x128xf32, #tpu.memory_space<vmem>>) target(%dma_start3A_45 : memref<10240x128xf32, #tpu.memory_space<vmem_shared>>) offsets(%arg7 : memref<128xi32, #tpu.memory_space<vmem>>) semaphore(%arg12 : memref<!tpu.dma_semaphore, #tpu.memory_space<semaphore_mem>>) {add = true}
      } else {
      }
      %dma_wait3A = arith.constant 0 : i32
      %dma_wait3A_32 = arith.constant 0 : i32
      %dma_wait3A_33 = tpu.memref_slice %arg10[%dma_wait3A, %dma_wait3A_32] : memref<10240x128xf32, #tpu.memory_space<vmem_shared>> -> memref<10240x128xf32, #tpu.memory_space<vmem_shared>>
      tpu.wait_indirect_dma semaphore(%arg11 : memref<!tpu.dma_semaphore, #tpu.memory_space<semaphore_mem>>) src(%arg8 : memref<128x128xf32, #tpu.memory_space<vmem>>) dst(%dma_wait3A_33 : memref<10240x128xf32, #tpu.memory_space<vmem_shared>>)
      %lt3A_34 = arith.constant 1250 : i32
      %lt3A_35 = arith.cmpi slt, %add3A_23, %lt3A_34 : i32
      %convert_element_type3A_36 = arith.extui %lt3A_35 : i1 to i32
      %cond3A_37 = arith.constant 0 : i32
      %cond3A_38 = arith.cmpi ne, %convert_element_type3A_36, %cond3A_37 : i32
      scf.if %cond3A_38 {
        %dma_wait3A_39 = arith.constant 0 : i32
        %dma_wait3A_40 = arith.constant 0 : i32
        %dma_wait3A_41 = tpu.memref_slice %arg10[%dma_wait3A_39, %dma_wait3A_40] : memref<10240x128xf32, #tpu.memory_space<vmem_shared>> -> memref<10240x128xf32, #tpu.memory_space<vmem_shared>>
        tpu.wait_indirect_dma semaphore(%arg12 : memref<!tpu.dma_semaphore, #tpu.memory_space<semaphore_mem>>) src(%arg9 : memref<128x128xf32, #tpu.memory_space<vmem>>) dst(%dma_wait3A_41 : memref<10240x128xf32, #tpu.memory_space<vmem_shared>>)
      } else {
      }
    }
    %barrier3A_18 = arith.constant 0 : index
    tpu.barrier barrier_id(%barrier3A_18)
    "tpu.region"() ({
      %run_scoped3A = tpu.sem_alloc : memref<!tpu.dma_semaphore, #tpu.memory_space<semaphore_mem>>
      %dma_start3A = arith.constant 0 : i32
      %dma_start3A_19 = tpu.memref_slice %arg5[%arg0, %mul3A_0, %dma_start3A] : memref<2x10240x128xf32, #tpu.memory_space<hbm>> -> memref<1x640x128xf32, #tpu.memory_space<hbm>>
      %dma_start3A_20 = tpu.memref_squeeze %dma_start3A_19 : memref<1x640x128xf32, #tpu.memory_space<hbm>> -> memref<640x128xf32, #tpu.memory_space<hbm>>
      %dma_start3A_21 = arith.constant 0 : i32
      %dma_start3A_22 = tpu.memref_slice %arg10[%mul3A_0, %dma_start3A_21] : memref<10240x128xf32, #tpu.memory_space<vmem_shared>> -> memref<640x128xf32, #tpu.memory_space<vmem_shared>>
      tpu.enqueue_dma source(%dma_start3A_22 : memref<640x128xf32, #tpu.memory_space<vmem_shared>>) target(%dma_start3A_20 : memref<640x128xf32, #tpu.memory_space<hbm>>) target_semaphore(%run_scoped3A : memref<!tpu.dma_semaphore, #tpu.memory_space<semaphore_mem>>)
      %dma_wait3A = arith.constant 0 : i32
      %dma_wait3A_23 = tpu.memref_slice %arg5[%arg0, %mul3A_0, %dma_wait3A] : memref<2x10240x128xf32, #tpu.memory_space<hbm>> -> memref<1x640x128xf32, #tpu.memory_space<hbm>>
      %dma_wait3A_24 = tpu.memref_squeeze %dma_wait3A_23 : memref<1x640x128xf32, #tpu.memory_space<hbm>> -> memref<640x128xf32, #tpu.memory_space<hbm>>
      %dma_wait3A_25 = arith.constant 0 : i32
      %dma_wait3A_26 = tpu.memref_slice %arg10[%mul3A_0, %dma_wait3A_25] : memref<10240x128xf32, #tpu.memory_space<vmem_shared>> -> memref<640x128xf32, #tpu.memory_space<vmem_shared>>
      tpu.wait_dma2 semaphore(%run_scoped3A : memref<!tpu.dma_semaphore, #tpu.memory_space<semaphore_mem>>) src(%dma_wait3A_26 : memref<640x128xf32, #tpu.memory_space<vmem_shared>>) dst(%dma_wait3A_24 : memref<640x128xf32, #tpu.memory_space<hbm>>)
      tpu.yield
    }) : () -> ()
    return
  }
}

#map = affine_map<(d0, d1) -> (0, 0)>
#map1 = affine_map<(d0, d1) -> (0)>
#map2 = affine_map<(d0, d1) -> (0, 0, 0)>
module attributes {stable_mosaic.version = 14 : i64} {
  func.func @k(%arg0: i32, %arg1: i32, %arg2: memref<160000x128xf32, #tpu.memory_space<hbm>>, %arg3: memref<160000xi32, #tpu.memory_space<hbm>>, %arg4: memref<10240x128xf32, #tpu.memory_space<hbm>>, %arg5: memref<2x10240x128xf32, #tpu.memory_space<hbm>>, %arg6: memref<128xi32, #tpu.memory_space<vmem>>, %arg7: memref<128xi32, #tpu.memory_space<vmem>>, %arg8: memref<128x128xf32, #tpu.memory_space<vmem>>, %arg9: memref<128x128xf32, #tpu.memory_space<vmem>>, %arg10: memref<10240x128xf32, #tpu.memory_space<vmem_shared>>, %arg11: memref<!tpu.dma_semaphore, #tpu.memory_space<semaphore_mem>>, %arg12: memref<!tpu.dma_semaphore, #tpu.memory_space<semaphore_mem>>) attributes {dimension_semantics = [#tpu.dimension_semantics<core_parallel>, #tpu.dimension_semantics<subcore_parallel>], iteration_bounds = array<i64: 2, 16>, scalar_prefetch = 0 : i64, scratch_operands = 7 : i64, tpu.core_type = #tpu.core_type<sc_vector_subcore>, window_params = [{transform_indices = #map}, {transform_indices = #map1}, {transform_indices = #map}, {transform_indices = #map2}]} {
    %mul3A = arith.constant 640 : i32
    %mul3A_0 = arith.muli %arg1, %mul3A : i32
    "tpu.region"() ({
      %run_scoped3A = tpu.sem_alloc : memref<!tpu.dma_semaphore, #tpu.memory_space<semaphore_mem>>
      %dma_start3A = arith.constant 0 : i32
      %dma_start3A_19 = tpu.memref_slice %arg10[%mul3A_0, %dma_start3A] : memref<10240x128xf32, #tpu.memory_space<vmem_shared>> -> memref<640x128xf32, #tpu.memory_space<vmem_shared>>
      %dma_start3A_20 = arith.constant 0 : i32
      %dma_start3A_21 = tpu.memref_slice %arg4[%mul3A_0, %dma_start3A_20] : memref<10240x128xf32, #tpu.memory_space<hbm>> -> memref<640x128xf32, #tpu.memory_space<hbm>>
      tpu.enqueue_dma source(%dma_start3A_21 : memref<640x128xf32, #tpu.memory_space<hbm>>) target(%dma_start3A_19 : memref<640x128xf32, #tpu.memory_space<vmem_shared>>) target_semaphore(%run_scoped3A : memref<!tpu.dma_semaphore, #tpu.memory_space<semaphore_mem>>)
      %dma_wait3A = arith.constant 0 : i32
      %dma_wait3A_22 = tpu.memref_slice %arg10[%mul3A_0, %dma_wait3A] : memref<10240x128xf32, #tpu.memory_space<vmem_shared>> -> memref<640x128xf32, #tpu.memory_space<vmem_shared>>
      %dma_wait3A_23 = arith.constant 0 : i32
      %dma_wait3A_24 = tpu.memref_slice %arg4[%mul3A_0, %dma_wait3A_23] : memref<10240x128xf32, #tpu.memory_space<hbm>> -> memref<640x128xf32, #tpu.memory_space<hbm>>
      tpu.wait_dma2 semaphore(%run_scoped3A : memref<!tpu.dma_semaphore, #tpu.memory_space<semaphore_mem>>) src(%dma_wait3A_24 : memref<640x128xf32, #tpu.memory_space<hbm>>) dst(%dma_wait3A_22 : memref<640x128xf32, #tpu.memory_space<vmem_shared>>)
      tpu.yield
    }) : () -> ()
    %barrier3A = arith.constant 0 : index
    tpu.barrier barrier_id(%barrier3A)
    %mul3A_1 = arith.constant 2 : i32
    %mul3A_2 = arith.muli %arg1, %mul3A_1 : i32
    %add3A = arith.addi %mul3A_2, %arg0 : i32
    %sub3A = arith.constant 1250 : i32
    %sub3A_3 = arith.subi %sub3A, %add3A : i32
    %sub3A_4 = arith.constant 64 : i32
    %sub3A_5 = arith.constant 1 : i32
    %sub3A_6 = arith.subi %sub3A_4, %sub3A_5 : i32
    %add3A_7 = arith.addi %sub3A_3, %sub3A_6 : i32
    %div3A = arith.constant 64 : i32
    %div3A_8 = arith.divsi %add3A_7, %div3A : i32
    %while3A = arith.constant 64 : i32
    %while3A_9 = arith.constant 0 : i32
    %while3A_10 = arith.subi %div3A_8, %while3A_9 : i32
    %while3A_11 = arith.addi %while3A_9, %while3A_10 : i32
    %while3A_12 = arith.constant 1 : i32
    %while3A_13 = arith.divsi %while3A_10, %while3A_12 : i32
    %while3A_14 = arith.muli %while3A_13, %while3A_12 : i32
    %while3A_15 = arith.addi %while3A_9, %while3A_14 : i32
    %while3A_16 = arith.constant 1 : i32
    scf.for %while3A_19 = %while3A_9 to %while3A_15 step %while3A_16  : i32 {
      %mul3A_20 = arith.muli %while3A_19, %while3A : i32
      %add3A_21 = arith.addi %add3A, %mul3A_20 : i32
      %add3A_22 = arith.constant 32 : i32
      %add3A_23 = arith.addi %add3A_21, %add3A_22 : i32
      %mul3A_24 = arith.constant 128 : i32
      %mul3A_25 = arith.muli %add3A_21, %mul3A_24 : i32
      "tpu.region"() ({
        %run_scoped3A = tpu.sem_alloc : memref<!tpu.dma_semaphore, #tpu.memory_space<semaphore_mem>>
        %dma_start3A_39 = tpu.memref_slice %arg3[%mul3A_25] : memref<160000xi32, #tpu.memory_space<hbm>> -> memref<128xi32, #tpu.memory_space<hbm>>
        %dma_start3A_40 = tpu.memref_slice %arg3[%mul3A_25] : memref<160000xi32, #tpu.memory_space<hbm>> -> memref<128xi32, #tpu.memory_space<hbm>>
        tpu.enqueue_dma source(%dma_start3A_40 : memref<128xi32, #tpu.memory_space<hbm>>) target(%arg6 : memref<128xi32, #tpu.memory_space<vmem>>) target_semaphore(%run_scoped3A : memref<!tpu.dma_semaphore, #tpu.memory_space<semaphore_mem>>)
        %dma_wait3A_41 = tpu.memref_slice %arg3[%mul3A_25] : memref<160000xi32, #tpu.memory_space<hbm>> -> memref<128xi32, #tpu.memory_space<hbm>>
        %dma_wait3A_42 = tpu.memref_slice %arg3[%mul3A_25] : memref<160000xi32, #tpu.memory_space<hbm>> -> memref<128xi32, #tpu.memory_space<hbm>>
        tpu.wait_dma2 semaphore(%run_scoped3A : memref<!tpu.dma_semaphore, #tpu.memory_space<semaphore_mem>>) src(%dma_wait3A_42 : memref<128xi32, #tpu.memory_space<hbm>>) dst(%arg6 : memref<128xi32, #tpu.memory_space<vmem>>)
        tpu.yield
      }) : () -> ()
      %mul3A_26 = arith.constant 128 : i32
      %mul3A_27 = arith.muli %add3A_21, %mul3A_26 : i32
      "tpu.region"() ({
        %run_scoped3A = tpu.sem_alloc : memref<!tpu.dma_semaphore, #tpu.memory_space<semaphore_mem>>
        %dma_start3A_39 = arith.constant 0 : i32
        %dma_start3A_40 = tpu.memref_slice %arg2[%mul3A_27, %dma_start3A_39] : memref<160000x128xf32, #tpu.memory_space<hbm>> -> memref<128x128xf32, #tpu.memory_space<hbm>>
        %dma_start3A_41 = arith.constant 0 : i32
        %dma_start3A_42 = tpu.memref_slice %arg2[%mul3A_27, %dma_start3A_41] : memref<160000x128xf32, #tpu.memory_space<hbm>> -> memref<128x128xf32, #tpu.memory_space<hbm>>
        tpu.enqueue_dma source(%dma_start3A_42 : memref<128x128xf32, #tpu.memory_space<hbm>>) target(%arg8 : memref<128x128xf32, #tpu.memory_space<vmem>>) target_semaphore(%run_scoped3A : memref<!tpu.dma_semaphore, #tpu.memory_space<semaphore_mem>>)
        %dma_wait3A_43 = arith.constant 0 : i32
        %dma_wait3A_44 = tpu.memref_slice %arg2[%mul3A_27, %dma_wait3A_43] : memref<160000x128xf32, #tpu.memory_space<hbm>> -> memref<128x128xf32, #tpu.memory_space<hbm>>
        %dma_wait3A_45 = arith.constant 0 : i32
        %dma_wait3A_46 = tpu.memref_slice %arg2[%mul3A_27, %dma_wait3A_45] : memref<160000x128xf32, #tpu.memory_space<hbm>> -> memref<128x128xf32, #tpu.memory_space<hbm>>
        tpu.wait_dma2 semaphore(%run_scoped3A : memref<!tpu.dma_semaphore, #tpu.memory_space<semaphore_mem>>) src(%dma_wait3A_46 : memref<128x128xf32, #tpu.memory_space<hbm>>) dst(%arg8 : memref<128x128xf32, #tpu.memory_space<vmem>>)
        tpu.yield
      }) : () -> ()
      %dma_start3A = arith.constant 0 : i32
      %dma_start3A_28 = arith.constant 0 : i32
      %dma_start3A_29 = tpu.memref_slice %arg10[%dma_start3A, %dma_start3A_28] : memref<10240x128xf32, #tpu.memory_space<vmem_shared>> -> memref<10240x128xf32, #tpu.memory_space<vmem_shared>>
      tpu.enqueue_indirect_dma source(%arg8 : memref<128x128xf32, #tpu.memory_space<vmem>>) target(%dma_start3A_29 : memref<10240x128xf32, #tpu.memory_space<vmem_shared>>) offsets(%arg6 : memref<128xi32, #tpu.memory_space<vmem>>) semaphore(%arg11 : memref<!tpu.dma_semaphore, #tpu.memory_space<semaphore_mem>>) {add = true}
      %lt3A = arith.constant 1250 : i32
      %lt3A_30 = arith.cmpi slt, %add3A_23, %lt3A : i32
      %convert_element_type3A = arith.extui %lt3A_30 : i1 to i32
      %cond3A = arith.constant 0 : i32
      %cond3A_31 = arith.cmpi ne, %convert_element_type3A, %cond3A : i32
      scf.if %cond3A_31 {
        %mul3A_39 = arith.constant 128 : i32
        %mul3A_40 = arith.muli %add3A_23, %mul3A_39 : i32
        "tpu.region"() ({
          %run_scoped3A = tpu.sem_alloc : memref<!tpu.dma_semaphore, #tpu.memory_space<semaphore_mem>>
          %dma_start3A_46 = tpu.memref_slice %arg3[%mul3A_40] : memref<160000xi32, #tpu.memory_space<hbm>> -> memref<128xi32, #tpu.memory_space<hbm>>
          %dma_start3A_47 = tpu.memref_slice %arg3[%mul3A_40] : memref<160000xi32, #tpu.memory_space<hbm>> -> memref<128xi32, #tpu.memory_space<hbm>>
          tpu.enqueue_dma source(%dma_start3A_47 : memref<128xi32, #tpu.memory_space<hbm>>) target(%arg7 : memref<128xi32, #tpu.memory_space<vmem>>) target_semaphore(%run_scoped3A : memref<!tpu.dma_semaphore, #tpu.memory_space<semaphore_mem>>)
          %dma_wait3A_48 = tpu.memref_slice %arg3[%mul3A_40] : memref<160000xi32, #tpu.memory_space<hbm>> -> memref<128xi32, #tpu.memory_space<hbm>>
          %dma_wait3A_49 = tpu.memref_slice %arg3[%mul3A_40] : memref<160000xi32, #tpu.memory_space<hbm>> -> memref<128xi32, #tpu.memory_space<hbm>>
          tpu.wait_dma2 semaphore(%run_scoped3A : memref<!tpu.dma_semaphore, #tpu.memory_space<semaphore_mem>>) src(%dma_wait3A_49 : memref<128xi32, #tpu.memory_space<hbm>>) dst(%arg7 : memref<128xi32, #tpu.memory_space<vmem>>)
          tpu.yield
        }) : () -> ()
        %mul3A_41 = arith.constant 128 : i32
        %mul3A_42 = arith.muli %add3A_23, %mul3A_41 : i32
        "tpu.region"() ({
          %run_scoped3A = tpu.sem_alloc : memref<!tpu.dma_semaphore, #tpu.memory_space<semaphore_mem>>
          %dma_start3A_46 = arith.constant 0 : i32
          %dma_start3A_47 = tpu.memref_slice %arg2[%mul3A_42, %dma_start3A_46] : memref<160000x128xf32, #tpu.memory_space<hbm>> -> memref<128x128xf32, #tpu.memory_space<hbm>>
          %dma_start3A_48 = arith.constant 0 : i32
          %dma_start3A_49 = tpu.memref_slice %arg2[%mul3A_42, %dma_start3A_48] : memref<160000x128xf32, #tpu.memory_space<hbm>> -> memref<128x128xf32, #tpu.memory_space<hbm>>
          tpu.enqueue_dma source(%dma_start3A_49 : memref<128x128xf32, #tpu.memory_space<hbm>>) target(%arg9 : memref<128x128xf32, #tpu.memory_space<vmem>>) target_semaphore(%run_scoped3A : memref<!tpu.dma_semaphore, #tpu.memory_space<semaphore_mem>>)
          %dma_wait3A_50 = arith.constant 0 : i32
          %dma_wait3A_51 = tpu.memref_slice %arg2[%mul3A_42, %dma_wait3A_50] : memref<160000x128xf32, #tpu.memory_space<hbm>> -> memref<128x128xf32, #tpu.memory_space<hbm>>
          %dma_wait3A_52 = arith.constant 0 : i32
          %dma_wait3A_53 = tpu.memref_slice %arg2[%mul3A_42, %dma_wait3A_52] : memref<160000x128xf32, #tpu.memory_space<hbm>> -> memref<128x128xf32, #tpu.memory_space<hbm>>
          tpu.wait_dma2 semaphore(%run_scoped3A : memref<!tpu.dma_semaphore, #tpu.memory_space<semaphore_mem>>) src(%dma_wait3A_53 : memref<128x128xf32, #tpu.memory_space<hbm>>) dst(%arg9 : memref<128x128xf32, #tpu.memory_space<vmem>>)
          tpu.yield
        }) : () -> ()
        %dma_start3A_43 = arith.constant 0 : i32
        %dma_start3A_44 = arith.constant 0 : i32
        %dma_start3A_45 = tpu.memref_slice %arg10[%dma_start3A_43, %dma_start3A_44] : memref<10240x128xf32, #tpu.memory_space<vmem_shared>> -> memref<10240x128xf32, #tpu.memory_space<vmem_shared>>
        tpu.enqueue_indirect_dma source(%arg9 : memref<128x128xf32, #tpu.memory_space<vmem>>) target(%dma_start3A_45 : memref<10240x128xf32, #tpu.memory_space<vmem_shared>>) offsets(%arg7 : memref<128xi32, #tpu.memory_space<vmem>>) semaphore(%arg12 : memref<!tpu.dma_semaphore, #tpu.memory_space<semaphore_mem>>) {add = true}
      } else {
      }
      %dma_wait3A = arith.constant 0 : i32
      %dma_wait3A_32 = arith.constant 0 : i32
      %dma_wait3A_33 = tpu.memref_slice %arg10[%dma_wait3A, %dma_wait3A_32] : memref<10240x128xf32, #tpu.memory_space<vmem_shared>> -> memref<10240x128xf32, #tpu.memory_space<vmem_shared>>
      tpu.wait_indirect_dma semaphore(%arg11 : memref<!tpu.dma_semaphore, #tpu.memory_space<semaphore_mem>>) src(%arg8 : memref<128x128xf32, #tpu.memory_space<vmem>>) dst(%dma_wait3A_33 : memref<10240x128xf32, #tpu.memory_space<vmem_shared>>)
      %lt3A_34 = arith.constant 1250 : i32
      %lt3A_35 = arith.cmpi slt, %add3A_23, %lt3A_34 : i32
      %convert_element_type3A_36 = arith.extui %lt3A_35 : i1 to i32
      %cond3A_37 = arith.constant 0 : i32
      %cond3A_38 = arith.cmpi ne, %convert_element_type3A_36, %cond3A_37 : i32
      scf.if %cond3A_38 {
        %dma_wait3A_39 = arith.constant 0 : i32
        %dma_wait3A_40 = arith.constant 0 : i32
        %dma_wait3A_41 = tpu.memref_slice %arg10[%dma_wait3A_39, %dma_wait3A_40] : memref<10240x128xf32, #tpu.memory_space<vmem_shared>> -> memref<10240x128xf32, #tpu.memory_space<vmem_shared>>
        tpu.wait_indirect_dma semaphore(%arg12 : memref<!tpu.dma_semaphore, #tpu.memory_space<semaphore_mem>>) src(%arg9 : memref<128x128xf32, #tpu.memory_space<vmem>>) dst(%dma_wait3A_41 : memref<10240x128xf32, #tpu.memory_space<vmem_shared>>)
      } else {
      }
    }
    %while3A_17 = arith.constant 1 : i32
    scf.for %while3A_19 = %while3A_15 to %while3A_11 step %while3A_17  : i32 {
      %mul3A_20 = arith.muli %while3A_19, %while3A : i32
      %add3A_21 = arith.addi %add3A, %mul3A_20 : i32
      %add3A_22 = arith.constant 32 : i32
      %add3A_23 = arith.addi %add3A_21, %add3A_22 : i32
      %mul3A_24 = arith.constant 128 : i32
      %mul3A_25 = arith.muli %add3A_21, %mul3A_24 : i32
      "tpu.region"() ({
        %run_scoped3A = tpu.sem_alloc : memref<!tpu.dma_semaphore, #tpu.memory_space<semaphore_mem>>
        %dma_start3A_39 = tpu.memref_slice %arg3[%mul3A_25] : memref<160000xi32, #tpu.memory_space<hbm>> -> memref<128xi32, #tpu.memory_space<hbm>>
        %dma_start3A_40 = tpu.memref_slice %arg3[%mul3A_25] : memref<160000xi32, #tpu.memory_space<hbm>> -> memref<128xi32, #tpu.memory_space<hbm>>
        tpu.enqueue_dma source(%dma_start3A_40 : memref<128xi32, #tpu.memory_space<hbm>>) target(%arg6 : memref<128xi32, #tpu.memory_space<vmem>>) target_semaphore(%run_scoped3A : memref<!tpu.dma_semaphore, #tpu.memory_space<semaphore_mem>>)
        %dma_wait3A_41 = tpu.memref_slice %arg3[%mul3A_25] : memref<160000xi32, #tpu.memory_space<hbm>> -> memref<128xi32, #tpu.memory_space<hbm>>
        %dma_wait3A_42 = tpu.memref_slice %arg3[%mul3A_25] : memref<160000xi32, #tpu.memory_space<hbm>> -> memref<128xi32, #tpu.memory_space<hbm>>
        tpu.wait_dma2 semaphore(%run_scoped3A : memref<!tpu.dma_semaphore, #tpu.memory_space<semaphore_mem>>) src(%dma_wait3A_42 : memref<128xi32, #tpu.memory_space<hbm>>) dst(%arg6 : memref<128xi32, #tpu.memory_space<vmem>>)
        tpu.yield
      }) : () -> ()
      %mul3A_26 = arith.constant 128 : i32
      %mul3A_27 = arith.muli %add3A_21, %mul3A_26 : i32
      "tpu.region"() ({
        %run_scoped3A = tpu.sem_alloc : memref<!tpu.dma_semaphore, #tpu.memory_space<semaphore_mem>>
        %dma_start3A_39 = arith.constant 0 : i32
        %dma_start3A_40 = tpu.memref_slice %arg2[%mul3A_27, %dma_start3A_39] : memref<160000x128xf32, #tpu.memory_space<hbm>> -> memref<128x128xf32, #tpu.memory_space<hbm>>
        %dma_start3A_41 = arith.constant 0 : i32
        %dma_start3A_42 = tpu.memref_slice %arg2[%mul3A_27, %dma_start3A_41] : memref<160000x128xf32, #tpu.memory_space<hbm>> -> memref<128x128xf32, #tpu.memory_space<hbm>>
        tpu.enqueue_dma source(%dma_start3A_42 : memref<128x128xf32, #tpu.memory_space<hbm>>) target(%arg8 : memref<128x128xf32, #tpu.memory_space<vmem>>) target_semaphore(%run_scoped3A : memref<!tpu.dma_semaphore, #tpu.memory_space<semaphore_mem>>)
        %dma_wait3A_43 = arith.constant 0 : i32
        %dma_wait3A_44 = tpu.memref_slice %arg2[%mul3A_27, %dma_wait3A_43] : memref<160000x128xf32, #tpu.memory_space<hbm>> -> memref<128x128xf32, #tpu.memory_space<hbm>>
        %dma_wait3A_45 = arith.constant 0 : i32
        %dma_wait3A_46 = tpu.memref_slice %arg2[%mul3A_27, %dma_wait3A_45] : memref<160000x128xf32, #tpu.memory_space<hbm>> -> memref<128x128xf32, #tpu.memory_space<hbm>>
        tpu.wait_dma2 semaphore(%run_scoped3A : memref<!tpu.dma_semaphore, #tpu.memory_space<semaphore_mem>>) src(%dma_wait3A_46 : memref<128x128xf32, #tpu.memory_space<hbm>>) dst(%arg8 : memref<128x128xf32, #tpu.memory_space<vmem>>)
        tpu.yield
      }) : () -> ()
      %dma_start3A = arith.constant 0 : i32
      %dma_start3A_28 = arith.constant 0 : i32
      %dma_start3A_29 = tpu.memref_slice %arg10[%dma_start3A, %dma_start3A_28] : memref<10240x128xf32, #tpu.memory_space<vmem_shared>> -> memref<10240x128xf32, #tpu.memory_space<vmem_shared>>
      tpu.enqueue_indirect_dma source(%arg8 : memref<128x128xf32, #tpu.memory_space<vmem>>) target(%dma_start3A_29 : memref<10240x128xf32, #tpu.memory_space<vmem_shared>>) offsets(%arg6 : memref<128xi32, #tpu.memory_space<vmem>>) semaphore(%arg11 : memref<!tpu.dma_semaphore, #tpu.memory_space<semaphore_mem>>) {add = true}
      %lt3A = arith.constant 1250 : i32
      %lt3A_30 = arith.cmpi slt, %add3A_23, %lt3A : i32
      %convert_element_type3A = arith.extui %lt3A_30 : i1 to i32
      %cond3A = arith.constant 0 : i32
      %cond3A_31 = arith.cmpi ne, %convert_element_type3A, %cond3A : i32
      scf.if %cond3A_31 {
        %mul3A_39 = arith.constant 128 : i32
        %mul3A_40 = arith.muli %add3A_23, %mul3A_39 : i32
        "tpu.region"() ({
          %run_scoped3A = tpu.sem_alloc : memref<!tpu.dma_semaphore, #tpu.memory_space<semaphore_mem>>
          %dma_start3A_46 = tpu.memref_slice %arg3[%mul3A_40] : memref<160000xi32, #tpu.memory_space<hbm>> -> memref<128xi32, #tpu.memory_space<hbm>>
          %dma_start3A_47 = tpu.memref_slice %arg3[%mul3A_40] : memref<160000xi32, #tpu.memory_space<hbm>> -> memref<128xi32, #tpu.memory_space<hbm>>
          tpu.enqueue_dma source(%dma_start3A_47 : memref<128xi32, #tpu.memory_space<hbm>>) target(%arg7 : memref<128xi32, #tpu.memory_space<vmem>>) target_semaphore(%run_scoped3A : memref<!tpu.dma_semaphore, #tpu.memory_space<semaphore_mem>>)
          %dma_wait3A_48 = tpu.memref_slice %arg3[%mul3A_40] : memref<160000xi32, #tpu.memory_space<hbm>> -> memref<128xi32, #tpu.memory_space<hbm>>
          %dma_wait3A_49 = tpu.memref_slice %arg3[%mul3A_40] : memref<160000xi32, #tpu.memory_space<hbm>> -> memref<128xi32, #tpu.memory_space<hbm>>
          tpu.wait_dma2 semaphore(%run_scoped3A : memref<!tpu.dma_semaphore, #tpu.memory_space<semaphore_mem>>) src(%dma_wait3A_49 : memref<128xi32, #tpu.memory_space<hbm>>) dst(%arg7 : memref<128xi32, #tpu.memory_space<vmem>>)
          tpu.yield
        }) : () -> ()
        %mul3A_41 = arith.constant 128 : i32
        %mul3A_42 = arith.muli %add3A_23, %mul3A_41 : i32
        "tpu.region"() ({
          %run_scoped3A = tpu.sem_alloc : memref<!tpu.dma_semaphore, #tpu.memory_space<semaphore_mem>>
          %dma_start3A_46 = arith.constant 0 : i32
          %dma_start3A_47 = tpu.memref_slice %arg2[%mul3A_42, %dma_start3A_46] : memref<160000x128xf32, #tpu.memory_space<hbm>> -> memref<128x128xf32, #tpu.memory_space<hbm>>
          %dma_start3A_48 = arith.constant 0 : i32
          %dma_start3A_49 = tpu.memref_slice %arg2[%mul3A_42, %dma_start3A_48] : memref<160000x128xf32, #tpu.memory_space<hbm>> -> memref<128x128xf32, #tpu.memory_space<hbm>>
          tpu.enqueue_dma source(%dma_start3A_49 : memref<128x128xf32, #tpu.memory_space<hbm>>) target(%arg9 : memref<128x128xf32, #tpu.memory_space<vmem>>) target_semaphore(%run_scoped3A : memref<!tpu.dma_semaphore, #tpu.memory_space<semaphore_mem>>)
          %dma_wait3A_50 = arith.constant 0 : i32
          %dma_wait3A_51 = tpu.memref_slice %arg2[%mul3A_42, %dma_wait3A_50] : memref<160000x128xf32, #tpu.memory_space<hbm>> -> memref<128x128xf32, #tpu.memory_space<hbm>>
          %dma_wait3A_52 = arith.constant 0 : i32
          %dma_wait3A_53 = tpu.memref_slice %arg2[%mul3A_42, %dma_wait3A_52] : memref<160000x128xf32, #tpu.memory_space<hbm>> -> memref<128x128xf32, #tpu.memory_space<hbm>>
          tpu.wait_dma2 semaphore(%run_scoped3A : memref<!tpu.dma_semaphore, #tpu.memory_space<semaphore_mem>>) src(%dma_wait3A_53 : memref<128x128xf32, #tpu.memory_space<hbm>>) dst(%arg9 : memref<128x128xf32, #tpu.memory_space<vmem>>)
          tpu.yield
        }) : () -> ()
        %dma_start3A_43 = arith.constant 0 : i32
        %dma_start3A_44 = arith.constant 0 : i32
        %dma_start3A_45 = tpu.memref_slice %arg10[%dma_start3A_43, %dma_start3A_44] : memref<10240x128xf32, #tpu.memory_space<vmem_shared>> -> memref<10240x128xf32, #tpu.memory_space<vmem_shared>>
        tpu.enqueue_indirect_dma source(%arg9 : memref<128x128xf32, #tpu.memory_space<vmem>>) target(%dma_start3A_45 : memref<10240x128xf32, #tpu.memory_space<vmem_shared>>) offsets(%arg7 : memref<128xi32, #tpu.memory_space<vmem>>) semaphore(%arg12 : memref<!tpu.dma_semaphore, #tpu.memory_space<semaphore_mem>>) {add = true}
      } else {
      }
      %dma_wait3A = arith.constant 0 : i32
      %dma_wait3A_32 = arith.constant 0 : i32
      %dma_wait3A_33 = tpu.memref_slice %arg10[%dma_wait3A, %dma_wait3A_32] : memref<10240x128xf32, #tpu.memory_space<vmem_shared>> -> memref<10240x128xf32, #tpu.memory_space<vmem_shared>>
      tpu.wait_indirect_dma semaphore(%arg11 : memref<!tpu.dma_semaphore, #tpu.memory_space<semaphore_mem>>) src(%arg8 : memref<128x128xf32, #tpu.memory_space<vmem>>) dst(%dma_wait3A_33 : memref<10240x128xf32, #tpu.memory_space<vmem_shared>>)
      %lt3A_34 = arith.constant 1250 : i32
      %lt3A_35 = arith.cmpi slt, %add3A_23, %lt3A_34 : i32
      %convert_element_type3A_36 = arith.extui %lt3A_35 : i1 to i32
      %cond3A_37 = arith.constant 0 : i32
      %cond3A_38 = arith.cmpi ne, %convert_element_type3A_36, %cond3A_37 : i32
      scf.if %cond3A_38 {
        %dma_wait3A_39 = arith.constant 0 : i32
        %dma_wait3A_40 = arith.constant 0 : i32
        %dma_wait3A_41 = tpu.memref_slice %arg10[%dma_wait3A_39, %dma_wait3A_40] : memref<10240x128xf32, #tpu.memory_space<vmem_shared>> -> memref<10240x128xf32, #tpu.memory_space<vmem_shared>>
        tpu.wait_indirect_dma semaphore(%arg12 : memref<!tpu.dma_semaphore, #tpu.memory_space<semaphore_mem>>) src(%arg9 : memref<128x128xf32, #tpu.memory_space<vmem>>) dst(%dma_wait3A_41 : memref<10240x128xf32, #tpu.memory_space<vmem_shared>>)
      } else {
      }
    }
    %barrier3A_18 = arith.constant 0 : index
    tpu.barrier barrier_id(%barrier3A_18)
    "tpu.region"() ({
      %run_scoped3A = tpu.sem_alloc : memref<!tpu.dma_semaphore, #tpu.memory_space<semaphore_mem>>
      %dma_start3A = arith.constant 0 : i32
      %dma_start3A_19 = tpu.memref_slice %arg5[%arg0, %mul3A_0, %dma_start3A] : memref<2x10240x128xf32, #tpu.memory_space<hbm>> -> memref<1x640x128xf32, #tpu.memory_space<hbm>>
      %dma_start3A_20 = tpu.memref_squeeze %dma_start3A_19 : memref<1x640x128xf32, #tpu.memory_space<hbm>> -> memref<640x128xf32, #tpu.memory_space<hbm>>
      %dma_start3A_21 = arith.constant 0 : i32
      %dma_start3A_22 = tpu.memref_slice %arg10[%mul3A_0, %dma_start3A_21] : memref<10240x128xf32, #tpu.memory_space<vmem_shared>> -> memref<640x128xf32, #tpu.memory_space<vmem_shared>>
      tpu.enqueue_dma source(%dma_start3A_22 : memref<640x128xf32, #tpu.memory_space<vmem_shared>>) target(%dma_start3A_20 : memref<640x128xf32, #tpu.memory_space<hbm>>) target_semaphore(%run_scoped3A : memref<!tpu.dma_semaphore, #tpu.memory_space<semaphore_mem>>)
      %dma_wait3A = arith.constant 0 : i32
      %dma_wait3A_23 = tpu.memref_slice %arg5[%arg0, %mul3A_0, %dma_wait3A] : memref<2x10240x128xf32, #tpu.memory_space<hbm>> -> memref<1x640x128xf32, #tpu.memory_space<hbm>>
      %dma_wait3A_24 = tpu.memref_squeeze %dma_wait3A_23 : memref<1x640x128xf32, #tpu.memory_space<hbm>> -> memref<640x128xf32, #tpu.memory_space<hbm>>
      %dma_wait3A_25 = arith.constant 0 : i32
      %dma_wait3A_26 = tpu.memref_slice %arg10[%mul3A_0, %dma_wait3A_25] : memref<10240x128xf32, #tpu.memory_space<vmem_shared>> -> memref<640x128xf32, #tpu.memory_space<vmem_shared>>
      tpu.wait_dma2 semaphore(%run_scoped3A : memref<!tpu.dma_semaphore, #tpu.memory_space<semaphore_mem>>) src(%dma_wait3A_26 : memref<640x128xf32, #tpu.memory_space<vmem_shared>>) dst(%dma_wait3A_24 : memref<640x128xf32, #tpu.memory_space<hbm>>)
      tpu.yield
    }) : () -> ()
    return
  }
}

module attributes {stable_mosaic.version = 14 : i64} {
  func.func @_proj_body(%arg0: i32, %arg1: memref<2000x128xf32, #tpu.memory_space<vmem>>, %arg2: memref<128x384xf32, #tpu.memory_space<vmem>>, %arg3: memref<1x384xf32, #tpu.memory_space<vmem>>, %arg4: memref<2000x128xf32, #tpu.memory_space<vmem>>, %arg5: memref<2000x128xf32, #tpu.memory_space<vmem>>, %arg6: memref<2000x128xf32, #tpu.memory_space<vmem>>) attributes {dimension_semantics = [#tpu.dimension_semantics<arbitrary>], iteration_bounds = array<i64: 5>, scalar_prefetch = 0 : i64, scratch_operands = 0 : i64, tpu.core_type = #tpu.core_type<tc>, window_params = [{transform_indices = @transform_0, window_bounds = array<i64: 2000, 128>}, {pipeline_mode = #tpu.pipeline_mode<synchronous>, transform_indices = @transform_1, window_bounds = array<i64: 128, 384>}, {pipeline_mode = #tpu.pipeline_mode<synchronous>, transform_indices = @transform_2, window_bounds = array<i64: 1, 384>}, {transform_indices = @transform_3, window_bounds = array<i64: 2000, 128>}, {transform_indices = @transform_4, window_bounds = array<i64: 2000, 128>}, {transform_indices = @transform_5, window_bounds = array<i64: 2000, 128>}]} {
    %get3A = arith.constant 0 : index
    %get3A_0 = arith.constant 0 : index
    %get3A_1 = vector.load %arg1[%get3A, %get3A_0] : memref<2000x128xf32, #tpu.memory_space<vmem>>, vector<2000x128xf32>
    %get3A_2 = arith.constant 0 : index
    %get3A_3 = arith.constant 0 : index
    %get3A_4 = vector.load %arg2[%get3A_2, %get3A_3] : memref<128x384xf32, #tpu.memory_space<vmem>>, vector<128x384xf32>
    %dot_general3A = arith.constant dense<0.000000e+00> : vector<2000x384xf32>
    %dot_general3A_5 = tpu.matmul %get3A_1, %get3A_4, %dot_general3A {dimension_numbers = #tpu.dot_dimension_numbers<[1], [0], [0], [1], [0, 0, 1, 1], [], []>, precision = #tpu.contract_precision<fp32>, transpose_lhs_hint = false} : vector<2000x128xf32>, vector<128x384xf32>, vector<2000x384xf32> -> vector<2000x384xf32>
    %get3A_6 = arith.constant 0 : index
    %get3A_7 = arith.constant 0 : index
    %get3A_8 = vector.load %arg3[%get3A_6, %get3A_7] : memref<1x384xf32, #tpu.memory_space<vmem>>, vector<1x384xf32>
    %add3A = vector.broadcast %get3A_8 : vector<1x384xf32> to vector<2000x384xf32>
    %add3A_9 = arith.addf %dot_general3A_5, %add3A : vector<2000x384xf32>
    %slice3A = vector.extract_strided_slice %add3A_9 {offsets = [0, 0], sizes = [2000, 128], strides = [1, 1]} : vector<2000x384xf32> to vector<2000x128xf32>
    %swap3A = arith.constant 0 : index
    %swap3A_10 = arith.constant 0 : index
    %swap3A_11 = vector.load %arg4[%swap3A, %swap3A_10] : memref<2000x128xf32, #tpu.memory_space<vmem>>, vector<2000x128xf32>
    tpu.vector_store %arg4[%swap3A, %swap3A_10], %slice3A {strides = array<i32>} : memref<2000x128xf32, #tpu.memory_space<vmem>>, vector<2000x128xf32>,
    %slice3A_12 = vector.extract_strided_slice %add3A_9 {offsets = [0, 128], sizes = [2000, 128], strides = [1, 1]} : vector<2000x384xf32> to vector<2000x128xf32>
    %swap3A_13 = arith.constant 0 : index
    %swap3A_14 = arith.constant 0 : index
    %swap3A_15 = vector.load %arg5[%swap3A_13, %swap3A_14] : memref<2000x128xf32, #tpu.memory_space<vmem>>, vector<2000x128xf32>
    tpu.vector_store %arg5[%swap3A_13, %swap3A_14], %slice3A_12 {strides = array<i32>} : memref<2000x128xf32, #tpu.memory_space<vmem>>, vector<2000x128xf32>,
    %slice3A_16 = vector.extract_strided_slice %add3A_9 {offsets = [0, 256], sizes = [2000, 128], strides = [1, 1]} : vector<2000x384xf32> to vector<2000x128xf32>
    %swap3A_17 = arith.constant 0 : index
    %swap3A_18 = arith.constant 0 : index
    %swap3A_19 = vector.load %arg6[%swap3A_17, %swap3A_18] : memref<2000x128xf32, #tpu.memory_space<vmem>>, vector<2000x128xf32>
    tpu.vector_store %arg6[%swap3A_17, %swap3A_18], %slice3A_16 {strides = array<i32>} : memref<2000x128xf32, #tpu.memory_space<vmem>>, vector<2000x128xf32>,
    return
  }
  func.func @transform_0(%arg0: i32) -> (i32, i32) {
    %c0_i32 = arith.constant 0 : i32
    %c0_i32_0 = arith.constant 0 : i32
    return %arg0, %c0_i32 : i32, i32
  }
  func.func @transform_1(%arg0: i32) -> (i32, i32) {
    %c0_i32 = arith.constant 0 : i32
    %c0_i32_0 = arith.constant 0 : i32
    %c0_i32_1 = arith.constant 0 : i32
    return %c0_i32, %c0_i32_0 : i32, i32
  }
  func.func @transform_2(%arg0: i32) -> (i32, i32) {
    %c0_i32 = arith.constant 0 : i32
    %c0_i32_0 = arith.constant 0 : i32
    %c0_i32_1 = arith.constant 0 : i32
    return %c0_i32, %c0_i32_0 : i32, i32
  }
  func.func @transform_3(%arg0: i32) -> (i32, i32) {
    %c0_i32 = arith.constant 0 : i32
    %c0_i32_0 = arith.constant 0 : i32
    return %arg0, %c0_i32 : i32, i32
  }
  func.func @transform_4(%arg0: i32) -> (i32, i32) {
    %c0_i32 = arith.constant 0 : i32
    %c0_i32_0 = arith.constant 0 : i32
    return %arg0, %c0_i32 : i32, i32
  }
  func.func @transform_5(%arg0: i32) -> (i32, i32) {
    %c0_i32 = arith.constant 0 : i32
    %c0_i32_0 = arith.constant 0 : i32
    return %arg0, %c0_i32 : i32, i32
  }
}

module attributes {stable_mosaic.version = 14 : i64} {
  func.func @_scores_body(%arg0: i32, %arg1: memref<4000x128xf32, #tpu.memory_space<vmem>>, %arg2: memref<4000x128xf32, #tpu.memory_space<vmem>>, %arg3: memref<128x128xf32, #tpu.memory_space<vmem>>, %arg4: memref<4000x128xf32, #tpu.memory_space<vmem>>) attributes {dimension_semantics = [#tpu.dimension_semantics<arbitrary>], iteration_bounds = array<i64: 40>, scalar_prefetch = 0 : i64, scratch_operands = 0 : i64, tpu.core_type = #tpu.core_type<tc>, window_params = [{transform_indices = @transform_0, window_bounds = array<i64: 4000, 128>}, {transform_indices = @transform_1, window_bounds = array<i64: 4000, 128>}, {pipeline_mode = #tpu.pipeline_mode<synchronous>, transform_indices = @transform_2, window_bounds = array<i64: 128, 128>}, {transform_indices = @transform_3, window_bounds = array<i64: 4000, 128>}]} {
    %get3A = arith.constant 0 : index
    %get3A_0 = arith.constant 0 : index
    %get3A_1 = vector.load %arg1[%get3A, %get3A_0] : memref<4000x128xf32, #tpu.memory_space<vmem>>, vector<4000x128xf32>
    %get3A_2 = arith.constant 0 : index
    %get3A_3 = arith.constant 0 : index
    %get3A_4 = vector.load %arg2[%get3A_2, %get3A_3] : memref<4000x128xf32, #tpu.memory_space<vmem>>, vector<4000x128xf32>
    %mul3A = arith.mulf %get3A_1, %get3A_4 : vector<4000x128xf32>
    %get3A_5 = arith.constant 0 : index
    %get3A_6 = arith.constant 0 : index
    %get3A_7 = vector.load %arg3[%get3A_5, %get3A_6] : memref<128x128xf32, #tpu.memory_space<vmem>>, vector<128x128xf32>
    %dot_general3A = arith.constant dense<0.000000e+00> : vector<4000x128xf32>
    %dot_general3A_8 = tpu.matmul %mul3A, %get3A_7, %dot_general3A {dimension_numbers = #tpu.dot_dimension_numbers<[1], [0], [0], [1], [0, 0, 1, 1], [], []>, precision = #tpu.contract_precision<fp32>, transpose_lhs_hint = false} : vector<4000x128xf32>, vector<128x128xf32>, vector<4000x128xf32> -> vector<4000x128xf32>
    %iota3A = tpu.iota {dimensions = array<i32: 1>} : vector<4000x128xi32>
    %lt3A = arith.constant 4 : i32
    %lt3A_9 = vector.broadcast %lt3A : i32 to vector<4000x128xi32>
    %lt3A_10 = arith.cmpi slt, %iota3A, %lt3A_9 : vector<4000x128xi32>
    %exp3A = math.exp %dot_general3A_8 : vector<4000x128xf32>
    %eq3A = arith.constant 4 : i32
    %eq3A_11 = vector.broadcast %eq3A : i32 to vector<4000x128xi32>
    %eq3A_12 = arith.cmpi eq, %iota3A, %eq3A_11 : vector<4000x128xi32>
    %jit3A = arith.constant 1.000000e+00 : f32
    %jit3A_13 = arith.constant 0.000000e+00 : f32
    %broadcast_in_dim3A = vector.broadcast %jit3A : f32 to vector<4000x128xf32>
    %broadcast_in_dim3A_14 = vector.broadcast %jit3A_13 : f32 to vector<4000x128xf32>
    %select_n3A = arith.select %eq3A_12, %broadcast_in_dim3A, %broadcast_in_dim3A_14 : vector<4000x128xi1>, vector<4000x128xf32>
    %select_n3A_15 = arith.select %lt3A_10, %exp3A, %select_n3A : vector<4000x128xi1>, vector<4000x128xf32>
    %swap3A = arith.constant 0 : index
    %swap3A_16 = arith.constant 0 : index
    %swap3A_17 = vector.load %arg4[%swap3A, %swap3A_16] : memref<4000x128xf32, #tpu.memory_space<vmem>>, vector<4000x128xf32>
    tpu.vector_store %arg4[%swap3A, %swap3A_16], %select_n3A_15 {strides = array<i32>} : memref<4000x128xf32, #tpu.memory_space<vmem>>, vector<4000x128xf32>,
    return
  }
  func.func @transform_0(%arg0: i32) -> (i32, i32) {
    %c0_i32 = arith.constant 0 : i32
    %c0_i32_0 = arith.constant 0 : i32
    return %arg0, %c0_i32 : i32, i32
  }
  func.func @transform_1(%arg0: i32) -> (i32, i32) {
    %c0_i32 = arith.constant 0 : i32
    %c0_i32_0 = arith.constant 0 : i32
    return %arg0, %c0_i32 : i32, i32
  }
  func.func @transform_2(%arg0: i32) -> (i32, i32) {
    %c0_i32 = arith.constant 0 : i32
    %c0_i32_0 = arith.constant 0 : i32
    %c0_i32_1 = arith.constant 0 : i32
    return %c0_i32, %c0_i32_0 : i32, i32
  }
  func.func @transform_3(%arg0: i32) -> (i32, i32) {
    %c0_i32 = arith.constant 0 : i32
    %c0_i32_0 = arith.constant 0 : i32
    return %arg0, %c0_i32 : i32, i32
  }
}

module attributes {stable_mosaic.version = 14 : i64} {
  func.func @_msc_body(%arg0: i32, %arg1: memref<2x2000x128xf32, #tpu.memory_space<vmem>>, %arg2: memref<2x2000x128xf32, #tpu.memory_space<vmem>>, %arg3: memref<2000x128xf32, #tpu.memory_space<vmem>>, %arg4: memref<16x128xf32, #tpu.memory_space<vmem>>, %arg5: memref<2000x128xf32, #tpu.memory_space<vmem>>) attributes {dimension_semantics = [#tpu.dimension_semantics<arbitrary>], iteration_bounds = array<i64: 5>, scalar_prefetch = 0 : i64, scratch_operands = 0 : i64, tpu.core_type = #tpu.core_type<tc>, window_params = [{transform_indices = @transform_0, window_bounds = array<i64: 2, 2000, 128>}, {transform_indices = @transform_1, window_bounds = array<i64: 2, 2000, 128>}, {transform_indices = @transform_2, window_bounds = array<i64: 2000, 128>}, {pipeline_mode = #tpu.pipeline_mode<synchronous>, transform_indices = @transform_3, window_bounds = array<i64: 16, 128>}, {transform_indices = @transform_4, window_bounds = array<i64: 2000, 128>}]} {
    %get3A = arith.constant 0 : index
    %get3A_0 = arith.constant 0 : index
    %get3A_1 = arith.constant 0 : index
    %get3A_2 = vector.load %arg1[%get3A, %get3A_0, %get3A_1] : memref<2x2000x128xf32, #tpu.memory_space<vmem>>, vector<1x2000x128xf32>
    %get3A_3 = vector.shape_cast %get3A_2 : vector<1x2000x128xf32> to vector<2000x128xf32>
    %get3A_4 = arith.constant 1 : index
    %get3A_5 = arith.constant 0 : index
    %get3A_6 = arith.constant 0 : index
    %get3A_7 = vector.load %arg1[%get3A_4, %get3A_5, %get3A_6] : memref<2x2000x128xf32, #tpu.memory_space<vmem>>, vector<1x2000x128xf32>
    %get3A_8 = vector.shape_cast %get3A_7 : vector<1x2000x128xf32> to vector<2000x128xf32>
    %add3A = arith.addf %get3A_3, %get3A_8 : vector<2000x128xf32>
    %get3A_9 = arith.constant 0 : index
    %get3A_10 = arith.constant 0 : index
    %get3A_11 = arith.constant 0 : index
    %get3A_12 = vector.load %arg2[%get3A_9, %get3A_10, %get3A_11] : memref<2x2000x128xf32, #tpu.memory_space<vmem>>, vector<1x2000x128xf32>
    %get3A_13 = vector.shape_cast %get3A_12 : vector<1x2000x128xf32> to vector<2000x128xf32>
    %add3A_14 = arith.addf %add3A, %get3A_13 : vector<2000x128xf32>
    %get3A_15 = arith.constant 1 : index
    %get3A_16 = arith.constant 0 : index
    %get3A_17 = arith.constant 0 : index
    %get3A_18 = vector.load %arg2[%get3A_15, %get3A_16, %get3A_17] : memref<2x2000x128xf32, #tpu.memory_space<vmem>>, vector<1x2000x128xf32>
    %get3A_19 = vector.shape_cast %get3A_18 : vector<1x2000x128xf32> to vector<2000x128xf32>
    %add3A_20 = arith.addf %add3A_14, %get3A_19 : vector<2000x128xf32>
    %slice3A = vector.extract_strided_slice %add3A_20 {offsets = [0, 0], sizes = [2000, 16], strides = [1, 1]} : vector<2000x128xf32> to vector<2000x16xf32>
    %iota3A = tpu.iota {dimensions = array<i32: 1>} : vector<2000x16xi32>
    %slice3A_21 = vector.extract_strided_slice %slice3A {offsets = [0, 4], sizes = [2000, 1], strides = [1, 1]} : vector<2000x16xf32> to vector<2000x1xf32>
    %squeeze3A = vector.shape_cast %slice3A_21 : vector<2000x1xf32> to vector<2000xf32>
    %broadcast_in_dim3A = vector.shape_cast %squeeze3A : vector<2000xf32> to vector<2000x1xf32>
    %broadcast_in_dim3A_22 = vector.broadcast %broadcast_in_dim3A : vector<2000x1xf32> to vector<2000x16xf32>
    %lt3A = arith.constant 4 : i32
    %lt3A_23 = vector.broadcast %lt3A : i32 to vector<2000x16xi32>
    %lt3A_24 = arith.cmpi slt, %iota3A, %lt3A_23 : vector<2000x16xi32>
    %add3A_25 = arith.constant 1.000000e-16 : f32
    %add3A_26 = vector.broadcast %add3A_25 : f32 to vector<2000x16xf32>
    %add3A_27 = arith.addf %slice3A, %add3A_26 : vector<2000x16xf32>
    %div3A = arith.divf %broadcast_in_dim3A_22, %add3A_27 : vector<2000x16xf32>
    %jit3A = arith.constant 0.000000e+00 : f32
    %broadcast_in_dim3A_28 = vector.broadcast %jit3A : f32 to vector<2000x16xf32>
    %select_n3A = arith.select %lt3A_24, %div3A, %broadcast_in_dim3A_28 : vector<2000x16xi1>, vector<2000x16xf32>
    %get3A_29 = arith.constant 0 : index
    %get3A_30 = arith.constant 0 : index
    %get3A_31 = vector.load %arg4[%get3A_29, %get3A_30] : memref<16x128xf32, #tpu.memory_space<vmem>>, vector<16x128xf32>
    %dot_general3A = arith.constant dense<0.000000e+00> : vector<2000x128xf32>
    %dot_general3A_32 = tpu.matmul %select_n3A, %get3A_31, %dot_general3A {dimension_numbers = #tpu.dot_dimension_numbers<[1], [0], [0], [1], [0, 0, 1, 1], [], []>, precision = #tpu.contract_precision<fp32>, transpose_lhs_hint = false} : vector<2000x16xf32>, vector<16x128xf32>, vector<2000x128xf32> -> vector<2000x128xf32>
    %get3A_33 = arith.constant 0 : index
    %get3A_34 = arith.constant 0 : index
    %get3A_35 = vector.load %arg3[%get3A_33, %get3A_34] : memref<2000x128xf32, #tpu.memory_space<vmem>>, vector<2000x128xf32>
    %mul3A = arith.mulf %get3A_35, %dot_general3A_32 : vector<2000x128xf32>
    %swap3A = arith.constant 0 : index
    %swap3A_36 = arith.constant 0 : index
    %swap3A_37 = vector.load %arg5[%swap3A, %swap3A_36] : memref<2000x128xf32, #tpu.memory_space<vmem>>, vector<2000x128xf32>
    tpu.vector_store %arg5[%swap3A, %swap3A_36], %mul3A {strides = array<i32>} : memref<2000x128xf32, #tpu.memory_space<vmem>>, vector<2000x128xf32>,
    return
  }
  func.func @transform_0(%arg0: i32) -> (i32, i32, i32) {
    %c0_i32 = arith.constant 0 : i32
    %c0_i32_0 = arith.constant 0 : i32
    %c0_i32_1 = arith.constant 0 : i32
    return %c0_i32, %arg0, %c0_i32_0 : i32, i32, i32
  }
  func.func @transform_1(%arg0: i32) -> (i32, i32, i32) {
    %c0_i32 = arith.constant 0 : i32
    %c0_i32_0 = arith.constant 0 : i32
    %c0_i32_1 = arith.constant 0 : i32
    return %c0_i32, %arg0, %c0_i32_0 : i32, i32, i32
  }
  func.func @transform_2(%arg0: i32) -> (i32, i32) {
    %c0_i32 = arith.constant 0 : i32
    %c0_i32_0 = arith.constant 0 : i32
    return %arg0, %c0_i32 : i32, i32
  }
  func.func @transform_3(%arg0: i32) -> (i32, i32) {
    %c0_i32 = arith.constant 0 : i32
    %c0_i32_0 = arith.constant 0 : i32
    %c0_i32_1 = arith.constant 0 : i32
    return %c0_i32, %c0_i32_0 : i32, i32
  }
  func.func @transform_4(%arg0: i32) -> (i32, i32) {
    %c0_i32 = arith.constant 0 : i32
    %c0_i32_0 = arith.constant 0 : i32
    return %arg0, %c0_i32 : i32, i32
  }
}

module attributes {stable_mosaic.version = 14 : i64} {
  func.func @_wrow_body(%arg0: i32, %arg1: memref<4000x128xf32, #tpu.memory_space<vmem>>, %arg2: memref<4000x128xf32, #tpu.memory_space<vmem>>, %arg3: memref<16x128xf32, #tpu.memory_space<vmem>>, %arg4: memref<4000x128xf32, #tpu.memory_space<vmem>>) attributes {dimension_semantics = [#tpu.dimension_semantics<arbitrary>], iteration_bounds = array<i64: 40>, scalar_prefetch = 0 : i64, scratch_operands = 0 : i64, tpu.core_type = #tpu.core_type<tc>, window_params = [{transform_indices = @transform_0, window_bounds = array<i64: 4000, 128>}, {transform_indices = @transform_1, window_bounds = array<i64: 4000, 128>}, {pipeline_mode = #tpu.pipeline_mode<synchronous>, transform_indices = @transform_2, window_bounds = array<i64: 16, 128>}, {transform_indices = @transform_3, window_bounds = array<i64: 4000, 128>}]} {
    %get3A = arith.constant 0 : index
    %get3A_0 = arith.constant 0 : index
    %get3A_1 = vector.load %arg2[%get3A, %get3A_0] : memref<4000x128xf32, #tpu.memory_space<vmem>>, vector<4000x16xf32>
    %get3A_2 = arith.constant 0 : index
    %get3A_3 = arith.constant 0 : index
    %get3A_4 = vector.load %arg3[%get3A_2, %get3A_3] : memref<16x128xf32, #tpu.memory_space<vmem>>, vector<16x128xf32>
    %dot_general3A = arith.constant dense<0.000000e+00> : vector<4000x128xf32>
    %dot_general3A_5 = tpu.matmul %get3A_1, %get3A_4, %dot_general3A {dimension_numbers = #tpu.dot_dimension_numbers<[1], [0], [0], [1], [0, 0, 1, 1], [], []>, precision = #tpu.contract_precision<fp32>, transpose_lhs_hint = false} : vector<4000x16xf32>, vector<16x128xf32>, vector<4000x128xf32> -> vector<4000x128xf32>
    %get3A_6 = arith.constant 0 : index
    %get3A_7 = arith.constant 0 : index
    %get3A_8 = vector.load %arg1[%get3A_6, %get3A_7] : memref<4000x128xf32, #tpu.memory_space<vmem>>, vector<4000x128xf32>
    %mul3A = arith.mulf %get3A_8, %dot_general3A_5 : vector<4000x128xf32>
    %swap3A = arith.constant 0 : index
    %swap3A_9 = arith.constant 0 : index
    %swap3A_10 = vector.load %arg4[%swap3A, %swap3A_9] : memref<4000x128xf32, #tpu.memory_space<vmem>>, vector<4000x128xf32>
    tpu.vector_store %arg4[%swap3A, %swap3A_9], %mul3A {strides = array<i32>} : memref<4000x128xf32, #tpu.memory_space<vmem>>, vector<4000x128xf32>,
    return
  }
  func.func @transform_0(%arg0: i32) -> (i32, i32) {
    %c0_i32 = arith.constant 0 : i32
    %c0_i32_0 = arith.constant 0 : i32
    return %arg0, %c0_i32 : i32, i32
  }
  func.func @transform_1(%arg0: i32) -> (i32, i32) {
    %c0_i32 = arith.constant 0 : i32
    %c0_i32_0 = arith.constant 0 : i32
    return %arg0, %c0_i32 : i32, i32
  }
  func.func @transform_2(%arg0: i32) -> (i32, i32) {
    %c0_i32 = arith.constant 0 : i32
    %c0_i32_0 = arith.constant 0 : i32
    %c0_i32_1 = arith.constant 0 : i32
    return %c0_i32, %c0_i32_0 : i32, i32
  }
  func.func @transform_3(%arg0: i32) -> (i32, i32) {
    %c0_i32 = arith.constant 0 : i32
    %c0_i32_0 = arith.constant 0 : i32
    return %arg0, %c0_i32 : i32, i32
  }
}

module attributes {stable_mosaic.version = 14 : i64} {
  func.func @_mlp_body(%arg0: memref<2x10000x128xf32, #tpu.memory_space<vmem>>, %arg1: memref<2x10000x128xf32, #tpu.memory_space<vmem>>, %arg2: memref<128x128xf32, #tpu.memory_space<vmem>>, %arg3: memref<1x128xf32, #tpu.memory_space<vmem>>, %arg4: memref<1x128xf32, #tpu.memory_space<vmem>>, %arg5: memref<1x128xf32, #tpu.memory_space<vmem>>, %arg6: memref<128x128xf32, #tpu.memory_space<vmem>>, %arg7: memref<1x128xf32, #tpu.memory_space<vmem>>, %arg8: memref<10000x128xf32, #tpu.memory_space<vmem>>) attributes {dimension_semantics = [], scalar_prefetch = 0 : i64, scratch_operands = 0 : i64, tpu.core_type = #tpu.core_type<tc>} {
    %get3A = arith.constant 0 : index
    %get3A_0 = arith.constant 0 : index
    %get3A_1 = arith.constant 0 : index
    %get3A_2 = vector.load %arg0[%get3A, %get3A_0, %get3A_1] : memref<2x10000x128xf32, #tpu.memory_space<vmem>>, vector<1x10000x128xf32>
    %get3A_3 = vector.shape_cast %get3A_2 : vector<1x10000x128xf32> to vector<10000x128xf32>
    %get3A_4 = arith.constant 1 : index
    %get3A_5 = arith.constant 0 : index
    %get3A_6 = arith.constant 0 : index
    %get3A_7 = vector.load %arg0[%get3A_4, %get3A_5, %get3A_6] : memref<2x10000x128xf32, #tpu.memory_space<vmem>>, vector<1x10000x128xf32>
    %get3A_8 = vector.shape_cast %get3A_7 : vector<1x10000x128xf32> to vector<10000x128xf32>
    %add3A = arith.addf %get3A_3, %get3A_8 : vector<10000x128xf32>
    %get3A_9 = arith.constant 0 : index
    %get3A_10 = arith.constant 0 : index
    %get3A_11 = arith.constant 0 : index
    %get3A_12 = vector.load %arg1[%get3A_9, %get3A_10, %get3A_11] : memref<2x10000x128xf32, #tpu.memory_space<vmem>>, vector<1x10000x128xf32>
    %get3A_13 = vector.shape_cast %get3A_12 : vector<1x10000x128xf32> to vector<10000x128xf32>
    %add3A_14 = arith.addf %add3A, %get3A_13 : vector<10000x128xf32>
    %get3A_15 = arith.constant 1 : index
    %get3A_16 = arith.constant 0 : index
    %get3A_17 = arith.constant 0 : index
    %get3A_18 = vector.load %arg1[%get3A_15, %get3A_16, %get3A_17] : memref<2x10000x128xf32, #tpu.memory_space<vmem>>, vector<1x10000x128xf32>
    %get3A_19 = vector.shape_cast %get3A_18 : vector<1x10000x128xf32> to vector<10000x128xf32>
    %add3A_20 = arith.addf %add3A_14, %get3A_19 : vector<10000x128xf32>
    %get3A_21 = arith.constant 0 : index
    %get3A_22 = arith.constant 0 : index
    %get3A_23 = vector.load %arg2[%get3A_21, %get3A_22] : memref<128x128xf32, #tpu.memory_space<vmem>>, vector<128x128xf32>
    %dot_general3A = arith.constant dense<0.000000e+00> : vector<10000x128xf32>
    %dot_general3A_24 = tpu.matmul %add3A_20, %get3A_23, %dot_general3A {dimension_numbers = #tpu.dot_dimension_numbers<[1], [0], [0], [1], [0, 0, 1, 1], [], []>, precision = #tpu.contract_precision<fp32>, transpose_lhs_hint = false} : vector<10000x128xf32>, vector<128x128xf32>, vector<10000x128xf32> -> vector<10000x128xf32>
    %get3A_25 = arith.constant 0 : index
    %get3A_26 = arith.constant 0 : index
    %get3A_27 = vector.load %arg3[%get3A_25, %get3A_26] : memref<1x128xf32, #tpu.memory_space<vmem>>, vector<1x128xf32>
    %add3A_28 = vector.broadcast %get3A_27 : vector<1x128xf32> to vector<10000x128xf32>
    %add3A_29 = arith.addf %dot_general3A_24, %add3A_28 : vector<10000x128xf32>
    %reduce_sum3A = arith.constant dense<0.000000e+00> : vector<128xf32>
    %reduce_sum3A_30 = vector.multi_reduction <add>, %add3A_29, %reduce_sum3A [0] : vector<10000x128xf32> to vector<128xf32>
    %broadcast_in_dim3A = vector.shape_cast %reduce_sum3A_30 : vector<128xf32> to vector<1x128xf32>
    %div3A = arith.constant 1.000000e+04 : f32
    %div3A_31 = vector.broadcast %div3A : f32 to vector<1x128xf32>
    %div3A_32 = arith.divf %broadcast_in_dim3A, %div3A_31 : vector<1x128xf32>
    %sub3A = vector.broadcast %div3A_32 : vector<1x128xf32> to vector<10000x128xf32>
    %sub3A_33 = arith.subf %add3A_29, %sub3A : vector<10000x128xf32>
    %square3A = arith.mulf %sub3A_33, %sub3A_33 : vector<10000x128xf32>
    %reduce_sum3A_34 = arith.constant dense<0.000000e+00> : vector<128xf32>
    %reduce_sum3A_35 = vector.multi_reduction <add>, %square3A, %reduce_sum3A_34 [0] : vector<10000x128xf32> to vector<128xf32>
    %broadcast_in_dim3A_36 = vector.shape_cast %reduce_sum3A_35 : vector<128xf32> to vector<1x128xf32>
    %div3A_37 = arith.constant 1.000000e+04 : f32
    %div3A_38 = vector.broadcast %div3A_37 : f32 to vector<1x128xf32>
    %div3A_39 = arith.divf %broadcast_in_dim3A_36, %div3A_38 : vector<1x128xf32>
    %sub3A_40 = vector.broadcast %div3A_32 : vector<1x128xf32> to vector<10000x128xf32>
    %sub3A_41 = arith.subf %add3A_29, %sub3A_40 : vector<10000x128xf32>
    %add3A_42 = arith.constant 9.99999974E-6 : f32
    %add3A_43 = vector.broadcast %add3A_42 : f32 to vector<1x128xf32>
    %add3A_44 = arith.addf %div3A_39, %add3A_43 : vector<1x128xf32>
    %rsqrt3A = math.rsqrt %add3A_44 : vector<1x128xf32>
    %mul3A = vector.broadcast %rsqrt3A : vector<1x128xf32> to vector<10000x128xf32>
    %mul3A_45 = arith.mulf %sub3A_41, %mul3A : vector<10000x128xf32>
    %get3A_46 = arith.constant 0 : index
    %get3A_47 = arith.constant 0 : index
    %get3A_48 = vector.load %arg4[%get3A_46, %get3A_47] : memref<1x128xf32, #tpu.memory_space<vmem>>, vector<1x128xf32>
    %mul3A_49 = vector.broadcast %get3A_48 : vector<1x128xf32> to vector<10000x128xf32>
    %mul3A_50 = arith.mulf %mul3A_45, %mul3A_49 : vector<10000x128xf32>
    %get3A_51 = arith.constant 0 : index
    %get3A_52 = arith.constant 0 : index
    %get3A_53 = vector.load %arg5[%get3A_51, %get3A_52] : memref<1x128xf32, #tpu.memory_space<vmem>>, vector<1x128xf32>
    %add3A_54 = vector.broadcast %get3A_53 : vector<1x128xf32> to vector<10000x128xf32>
    %add3A_55 = arith.addf %mul3A_50, %add3A_54 : vector<10000x128xf32>
    %max3A = arith.constant 0.000000e+00 : f32
    %max3A_56 = vector.broadcast %max3A : f32 to vector<10000x128xf32>
    %max3A_57 = arith.maximumf %add3A_55, %max3A_56 : vector<10000x128xf32>
    %get3A_58 = arith.constant 0 : index
    %get3A_59 = arith.constant 0 : index
    %get3A_60 = vector.load %arg6[%get3A_58, %get3A_59] : memref<128x128xf32, #tpu.memory_space<vmem>>, vector<128x128xf32>
    %dot_general3A_61 = arith.constant dense<0.000000e+00> : vector<10000x128xf32>
    %dot_general3A_62 = tpu.matmul %max3A_57, %get3A_60, %dot_general3A_61 {dimension_numbers = #tpu.dot_dimension_numbers<[1], [0], [0], [1], [0, 0, 1, 1], [], []>, precision = #tpu.contract_precision<fp32>, transpose_lhs_hint = false} : vector<10000x128xf32>, vector<128x128xf32>, vector<10000x128xf32> -> vector<10000x128xf32>
    %get3A_63 = arith.constant 0 : index
    %get3A_64 = arith.constant 0 : index
    %get3A_65 = vector.load %arg7[%get3A_63, %get3A_64] : memref<1x128xf32, #tpu.memory_space<vmem>>, vector<1x128xf32>
    %add3A_66 = vector.broadcast %get3A_65 : vector<1x128xf32> to vector<10000x128xf32>
    %add3A_67 = arith.addf %dot_general3A_62, %add3A_66 : vector<10000x128xf32>
    %swap3A = arith.constant 0 : index
    %swap3A_68 = arith.constant 0 : index
    %swap3A_69 = vector.load %arg8[%swap3A, %swap3A_68] : memref<10000x128xf32, #tpu.memory_space<vmem>>, vector<10000x128xf32>
    tpu.vector_store %arg8[%swap3A, %swap3A_68], %add3A_67 {strides = array<i32>} : memref<10000x128xf32, #tpu.memory_space<vmem>>, vector<10000x128xf32>,
    return
  }
}

</mosaic_0001>

<sc_bundles>
// kernel: kernel.17.cloned.1.call-start
scs
__scs_entry_jumppad:
0x0: {  	(pc) =	sbr.rel $0x88, $3  }
0x1: {  	(tag) =	ssettag $0x0;
	lr =	simm.s32 $0x1  }
0x2: {  	[smem:$0x3F93] =	sst lr;
	_ =	strace $0xD0000000  }
0x3: {  	_ = 	snop  }
0x4: {  	_ = 	snop  }
0x5: {  	_ = 	snop  }
0x6: {  	_ = 	snop  }
0x7: {  	_ = 	snop  }
__scs_overlays_trampoline_lowered:
0x8: {  	[smem:$0x3FA2] =	sst s0  }
0x9: {  	[smem:$0x3FA3] =	sst s1  }
0xa: {  	[smem:$0x3FA4] =	sst s2  }
0xb: {  	[smem:$0x3FA5] =	sst s3  }
0xc: {  	[smem:$0x3FA6] =	sst s4  }
0xd: {  	[smem:$0x3FA7] =	sst s5  }
0xe: {  	[smem:$0x3FA8] =	sst s6  }
0xf: {  	[smem:$0x3FA9] =	sst s7  }
0x10: {  	[smem:$0x3FAA] =	sst s8  }
0x11: {  	[smem:$0x3FAB] =	sst s9;
	s0 =	simm.s32 @!p0 $0x0  }
0x12: {  	s1 =	sld [smem:$0x3F91];
	s0 =	simm.s32 @p0 $0x1  }
0x13: {  	[smem:$0x3FAC] =	sst s0;
	s0 =	simm.s32 @!p1 $0x0  }
0x14: {  	s2 =	sld [smem:$0x3F90];
	s0 =	simm.s32 @p1 $0x1  }
0x15: {  	[smem:$0x3FAD] =	sst s0;
	s0 =	simm.s32 @!p2 $0x0  }
0x16: {  	s3 =	sld [smem:$0x3FDB];
	s0 =	simm.s32 @p2 $0x1  }
0x17: {  	s4 =	simm.s32 $0x1BF5;
	[smem:$0x3FAF] =	sst s0  }
0x18: {  	s0 =	sld [smem:$0x3F92];
	_ =	swait.ge [sflag:s4], $0x0  }
0x19: {  	s7 =	sld [smem:$0x3F93]  }
0x1a: {  	s8 =	sadd.s32 $0xFFFFE003, lr  }
0x1b: {  	s9 =	sadd.s32 $0xFFFFFEF7, lr;
	s5 =	simm.s32 $0xFFFFFFFF;
	p2 =	slt.u32 s8, $0xFFFFF086  }
0x1c: {  	p1 =	slt.u32 s9, $0xF7A;
	s5 =	simm.s32 @!p2 $0x0  }
0x1d: {  	s5 =	simm.s32 @p1 $0x1;
	p0 =	seq.s32 s7, s2  }
0x1e: {  	s7 =	smul.u32 @!p0 $0xF7A, s2;
	p2 =	seq.s32 @!p0 s5, $0x0  }
0x1f: {  	s9 =	smul.u32 $0xF7A, s1;
	s8 =	simm.s32 @!p0 $0x1BF5;
	p2 =	por !p2, p0  }
0x20: {  	[sflag:s8] =	ssyncset.s32 @!p0 $0xFFFFF086;
	s6 =	sadd.s32 @!p0 s3, s7;
	s7 =	simm.s32 @!p0 $0x108  }
0x21: {  	s3 =	sadd.s32 s3, s9;
	s6 =	sadd.s32 @!p0 $0x88, s6;
	s7 =	simm.s32 @p2 $0x1082  }
0x22: {  	[simem:s7], [sflag:s8] =	dma.local @!p0 [hbm:s6], $0xF7A  }
0x23: {  	s9 =	sor.u32 $0xD0000000, s2;
	s6 =	simm.s32 $0x108;
	_ =	swait.ge @!p0 [sflag:s8], $0x0  }
0x24: {  	s3 =	sadd.s32 $0x88, s3;
	s6 =	simm.s32 @!p1 $0x1082;
	[sflag:s4] =	ssyncset.s32 $0xFFFFF086  }
0x25: {  	[simem:s6], [sflag:s4] =	dma.local [hbm:s3], $0xF7A  }
0x26: {  	[smem:$0x3F93] =	sst s1;
	(tag) =	ssettag s2;
	_ =	strace s9  }
0x27: {  	s1 =	sld [smem:$0x3FA3]  }
0x28: {  	s2 =	sld [smem:$0x3FA4]  }
0x29: {  	s4 =	sld [smem:$0x3FA6]  }
0x2a: {  	p0 =	seq.s32 s5, $0x0;
	s5 =	sld [smem:$0x3FA7]  }
0x2b: {  	s6 =	sld [smem:$0x3FA8]  }
0x2c: {  	s7 =	sld [smem:$0x3FA9]  }
0x2d: {  	s3 =	simm.s32 $0x108;
	s8 =	sld [smem:$0x3FAA]  }
0x2e: {  	s3 =	simm.s32 @!p0 $0x1082;
	s9 =	sld [smem:$0x3FAB]  }
0x2f: {  	lr =	sadd.s32 s0, s3;
	s0 =	sld [smem:$0x3FA2]  }
0x30: {  	s3 =	sld [smem:$0x3FA5]  }
0x31: {  	[smem:$0x3FAE] =	sst s10  }
0x32: {  	s10 =	sld [smem:$0x3FAC];
	_ =	sdelay $0x3  }
0x33: {  	p0 =	seq.s32 s10, $0x1;
	s10 =	sld [smem:$0x3FAE];
	_ =	sdelay $0x3  }
0x34: {  	[smem:$0x3FAE] =	sst s10  }
0x35: {  	s10 =	sld [smem:$0x3FAD];
	_ =	sdelay $0x3  }
0x36: {  	p1 =	seq.s32 s10, $0x1;
	s10 =	sld [smem:$0x3FAE];
	_ =	sdelay $0x3  }
0x37: {  	[smem:$0x3FAE] =	sst s10  }
0x38: {  	s10 =	sld [smem:$0x3FAF]  }
0x39: {  	_ = 	snop;
	(pc) =	sbr.ind lr, $3  }
0x3a: {  	_ = 	snop  }
0x3b: {  	_ = 	snop  }
0x3c: {  	p2 =	seq.s32 s10, $0x1;
	s10 =	sld [smem:$0x3FAE]  }
0x3d: {  	_ =	shalt  }
0x3e: {  	_ =	shalt  }
0x3f: {  	_ =	shalt  }
0x40: {  	_ =	shalt  }
0x41: {  	_ =	shalt  }
0x42: {  	_ =	shalt  }
0x43: {  	_ =	shalt  }
0x44: {  	_ =	shalt  }
0x45: {  	_ =	shalt  }
0x46: {  	_ =	shalt  }
0x47: {  	_ =	shalt  }
0x48: {  	_ =	shalt  }
0x49: {  	_ =	shalt  }
0x4a: {  	_ =	shalt  }
0x4b: {  	_ =	shalt  }
0x4c: {  	_ =	shalt  }
0x4d: {  	_ =	shalt  }
0x4e: {  	_ =	shalt  }
0x4f: {  	_ =	shalt  }
0x50: {  	_ =	shalt  }
0x51: {  	_ =	shalt  }
0x52: {  	_ =	shalt  }
0x53: {  	_ =	shalt  }
0x54: {  	_ =	shalt  }
0x55: {  	_ =	shalt  }
0x56: {  	_ =	shalt  }
0x57: {  	_ =	shalt  }
0x58: {  	_ =	shalt  }
0x59: {  	_ =	shalt  }
0x5a: {  	_ =	shalt  }
0x5b: {  	_ =	shalt  }
0x5c: {  	_ =	shalt  }
0x5d: {  	_ =	shalt  }
0x5e: {  	_ =	shalt  }
0x5f: {  	_ =	shalt  }
0x60: {  	_ =	shalt  }
0x61: {  	_ =	shalt  }
0x62: {  	_ =	shalt  }
0x63: {  	_ =	shalt  }
0x64: {  	_ =	shalt  }
0x65: {  	_ =	shalt  }
0x66: {  	_ =	shalt  }
0x67: {  	_ =	shalt  }
0x68: {  	_ =	shalt  }
0x69: {  	_ =	shalt  }
0x6a: {  	_ =	shalt  }
0x6b: {  	_ =	shalt  }
0x6c: {  	_ =	shalt  }
0x6d: {  	_ =	shalt  }
0x6e: {  	_ =	shalt  }
0x6f: {  	_ =	shalt  }
0x70: {  	_ =	shalt  }
0x71: {  	_ =	shalt  }
0x72: {  	_ =	shalt  }
0x73: {  	_ =	shalt  }
0x74: {  	_ =	shalt  }
0x75: {  	_ =	shalt  }
0x76: {  	_ =	shalt  }
0x77: {  	_ =	shalt  }
0x78: {  	_ =	shalt  }
0x79: {  	_ =	shalt  }
0x7a: {  	_ =	shalt  }
0x7b: {  	_ =	shalt  }
0x7c: {  	_ =	shalt  }
0x7d: {  	_ =	shalt  }
0x7e: {  	_ =	shalt  }
0x7f: {  	_ =	shalt  }
0x80: {  	_ =	shalt  }
0x81: {  	_ =	shalt  }
0x82: {  	_ =	shalt  }
0x83: {  	_ =	shalt  }
0x84: {  	_ =	shalt  }
0x85: {  	_ =	shalt  }
0x86: {  	_ =	shalt  }
0x87: {  	_ =	shalt  }
.Lfunc_end0:
.L_simem_size_0:
called_computation_lowered:
.L_overlay_start_0:
0x88: {  	s2 =	sld [smem:$0x3FD9]  }
0x89: {  	s3 =	sld [smem:$0x3FFE];
	_ =	sdelay $0x1  }
0x8a: {  	s1 =	srdreg.scid  }
0x8b: {  	s0 =	sand.u32 $0x1, s1  }
0x8c: {  	s17 =	sshll.u32 s0, $0xA;
	s2 =	sadd.s32 s3, s2  }
0x8d: {  	s2 =	sadd.s32 s2, s17  }
0x8e: {  	[smem:$0x3FBA] =	sst s2  }
0x8f: {  	_ = 	snop  }
0x90: {  	s18 =	sld [smem:$0x3FD0];
	(tm) =	ssettm $0x1  }
0x91: {  	s19 =	sld [smem:$0x3FFB];
	_ =	sdelay $0x3  }
0x92: {  	_ =	strace s19  }
0x93: {  	s2 =	sld [smem:$0x3FFC];
	_ =	sdelay $0x3  }
0x94: {  	_ =	strace s2  }
0x95: {  	s2 =	sld [smem:$0x3FFD];
	_ =	sdelay $0x3  }
0x96: {  	_ =	strace s2  }
0x97: {  	_ =	strace $0x8FFFFFFF  }
0x98: {  	s20 =	sld [smem:$0x3FDB];
	_ =	sdelay $0x1  }
0x99: {  	s4 =	simm.s32 $_scs_section_size  }
0x9a: {  	s5 =	simm.s32 $_size__tile_overlayer_lowered;
	s6 =	simm.s32 $_tile_overlayer_lowered  }
0x9b: {  	s7 =	simm.s32 $0x1BFF;
	s21 =	sshll.u32 s6, $0x1;
	s4 =	sadd.s32 s4, s20  }
0x9c: {  	s22 =	simm.s32 $0x0;
	s5 =	sshll.u32 s5, $0x1;
	s6 =	sadd.s32 s21, s4  }
0x9d: {  	[timem:s22], [sflag:s7] =	dma.local [hbm:s6], s5  }
0x9e: {  	_ =	swait.ge [sflag:s7], s5  }
0x9f: {  	s5 =	ssub.s32 $0x0, s5;
	[sflag:s7] =	ssyncset.done $0x0  }
0xa0: {  	[sflag:s7] =	ssyncadd.s32 s5;
	_ =	sdelay $0x1  }
0xa1: {  	s23 =	simm.s32 $0x1B8B  }
0xa2: {  	_ =	swait.ge [sflag:s23], $0x1  }
0xa3: {  	[sflag:s23] =	ssyncset.done $0x0  }
0xa4: {  	[sflag:s23] =	ssyncadd.s32 $0xFFFFFFFF  }
0xa5: {  	s5 =	sld [smem:$0x0]  }
0xa6: {  	s6 =	sand.u32 $0xFFFFFFFE, s1  }
0xa7: {  	p0 =	sne.s32 s1, s6  }
0xa8: {  	s6 =	sshll.u32 @p0 s6, $0xE  }
0xa9: {  	s6 =	sadd.s32 @p0 $0x11B8D, s6;
	s7 =	sshll.u32 @p0 s5, $0x11  }
0xaa: {  	s6 =	sor.u32 @p0 s7, s6  }
0xab: {  	[sflag:s6] =	ssyncadd.remote.s32 @p0 $0x1;
	_ =	sdelay $0x1  }
0xac: {  	s6 =	simm.s32 @p0 $0x1B8D  }
0xad: {  	_ =	swait.eq @p0 [sflag:s6], $0x1  }
0xae: {  	[sflag:s6] =	ssyncadd.s32 @p0 $0xFFFFFFFF  }
0xaf: {  	s7 =	sshll.u32 @!p0 s1, $0xE  }
0xb0: {  	s7 =	sor.u32 @!p0 $0x4000, s7;
	s6 =	simm.s32 @!p0 $0x1B8D  }
0xb1: {  	s5 =	sshll.u32 @!p0 s5, $0x11;
	s7 =	sadd.s32 @!p0 $0x11B8D, s7;
	_ =	swait.eq @!p0 [sflag:s6], $0x1  }
0xb2: {  	s5 =	sor.u32 @!p0 s5, s7;
	[sflag:s6] =	ssyncadd.s32 @!p0 $0xFFFFFFFF  }
0xb3: {  	s25 =	simm.s32 $0x1B8E;
	s24 =	sld [smem:$0x3FFE];
	[sflag:s5] =	ssyncadd.remote.s32 @!p0 $0x1  }
0xb4: {  	s26 =	simm.s32 $execute0_lowered;
	[smem:$0x3FD2] =	sst s25  }
0xb5: {  	s6 =	sshll.u32 s26, $0x1;
	_ =	strace $0x80000049;
	[dreg:$0x1] =	wrdreg $0xFFFFFFFF  }
0xb6: {  	s28 =	simm.s32 $_size_execute0_lowered;
	s4 =	sadd.s32 s4, s6;
	[dreg:$0x0] =	wrdreg $0x0  }
0xb7: {  	s6 =	sshll.u32 s28, $0x1;
	[dreg:$0x2] =	wrdreg s4  }
0xb8: {  	[dreg:$0x3] =	wrdreg s6  }
0xb9: {  	[dreg:$0x4] =	wrdreg $0xC0  }
0xba: {  	_ =	task [dreg:s22], $0x5FFFF  }
0xbb: {  	[dreg:$0x1] =	wrdreg $0xFFFFFFFF  }
0xbc: {  	[dreg:$0x0] =	wrdreg $0x60  }
0xbd: {  	[dreg:$0x2] =	wrdreg s18  }
0xbe: {  	[dreg:$0x3] =	wrdreg s24  }
0xbf: {  	[dreg:$0x4] =	wrdreg $0x9  }
0xc0: {  	_ =	task.clear_ibuf [dreg:s22], $0x5FFFF;
	_ =	strace $0x90000049  }
0xc1: {  	s29 =	simm.s32 $0x9;
	_ =	strace $0x8000004B  }
0xc2: {  	_ =	swait.ge [sflag:s29], $0x1  }
0xc3: {  	[sflag:s29] =	ssyncadd.s32 $0xFFFFFFFF  }
0xc4: {  	_ =	strace $0x9000004B  }
0xc5: {  	_ =	sfence  }
0xc6: {  	s30 =	sld [smem:$0x0];
	_ =	sdelay $0x2  }
0xc7: {  	s31 =	sshll.u32 s1, $0xD;
	s1 =	sshrl.u32 s1, $0x2  }
0xc8: {  	s4 =	sand.u32 $0x4000, s31;
	s1 =	sadd.s32 s1, s30  }
0xc9: {  	s0 =	sor.u32 s4, s0;
	s1 =	sshll.u32 s1, $0x11  }
0xca: {  	s0 =	sor.u32 s1, s0  }
0xcb: {  	s0 =	sadd.s32 $0x8F2B, s0  }
0xcc: {  	[sflag:s0] =	ssyncadd.remote.s32 $0x1  }
0xcd: {  	_ =	sfence.sel $0xFFFF  }
0xce: {  	[dreg:$0x0] =	wrdreg $0xFFFFFFFF;
	(pc) =	sbr.abs _section_cstart, $3  }
0xcf: {  	[dreg:$0x1] =	wrdreg $0xFFFFFFFF  }
0xd0: {  	_ =	task.clear_ibuf [dreg:s22], $0x2FFFF;
	_ =	strace $0x9FFFFFFF  }
0xd1: {  	(tm) =	ssettm $0x7FFFFFFF  }
tec
execute0_lowered:
.L_overlay_start_1:
0x0: {  	(tag) =	ssettag $0x1  }
0x1: {  	s1 =	rddreg [dreg:$0x0]  }
0x2: {  	s7 =	rddreg [dreg:$0x1]  }
0x3: {  	s0 =	rddreg [dreg:$0x2];
	s2 =	simm.s32 $0x0  }
0x4: {  	s3 =	srdreg.scid;
	s14 =	simm.s32 $0x200;
	s15 =	simm.s32 $0x4200  }
0x5: {  	s16 =	simm.s32 $0x100;
	s17 =	simm.s32 $0x8200;
	s18 =	simm.s32 $0x180  }
0x6: {  	s19 =	simm.s32 $0xC200;
	s20 =	simm.s32 $0x1;
	s21 =	simm.s32 $0x2  }
0x7: {  	s22 =	simm.s32 $0x0;
	[smem:$0x7FF] =	sst s2;
	s4 =	sadd.s32 $0xE000, s7  }
0x8: {  	s5 =	sadd.s32 $0x53E400, s7;
	s8 =	sand.u32 $0x1, s3;
	s6 =	sadd.s32 $0x543400, s7  }
0x9: {  	s3 =	stileid.u32;
	_ =	strace $0x8000004A;
	s9 =	ssub.s32 $0x2, s8  }
0xa: {  	s10 =	sshll.u32 s3, $0xD;
	s12 =	sshll.u32 s3, $0x1;
	s30 =	sshll.u32 s8, $0xC  }
0xb: {  	s31 =	sshll.u32 s3, $0x9;
	s13 =	sshll.u32 s8, $0x8;
	s11 =	sshrl.u32 s9, $0x1  }
0xc: {  	s10 =	sadd.s32 s10, s7;
	s29 =	sor.u32 s12, s8;
	s12 =	simm.s32 $0x3  }
0xd: {  	s28 =	ssub.s32 s9, s11;
	s9 =	ssub.s32 $0x290, s29;
	s11 =	sadd.s32 s30, s10  }
0xe: {  	s7 =	smax.u32 s28, $0x1;
	s8 =	sshrl.u32 s9, $0x5;
	s9 =	sor.u32 s13, s31  }
0xf: {  	s10 =	sadd.s32 $0x548400, s11;
	s11 =	sadd.s32 $0x7B9400, s11;
	s13 =	simm.s32 $0x80  }
.LBB2_1:
0x10: {  	p1 =	sne.s32 s8, $0x1  }
.Ltmp0:
0x11: {  	_ = 	snop;
	(pc) =	sbr.rel @!p1 .LBB2_2-.Ltmp0, $2  }
0x12: {  	_ =	sdelay $0x2  }
0x13: {  	s23 =	sadd.s32 $0xFFFFFFFF, s8;
	s28 =	sshrl.u32 s9, $0x3;
	p0 =	por $0x0, $0x0  }
0x14: {  	s24 =	sadd.s32 s5, s28  }
0x15: {  	[tilespmem:s2], [sflag:$0x3] =	stream.linear.gather [hbm4b:s24+s2], $0x100, $0x38;
	[tilespmem:$0x10200] =	vst v63  }
0x16: {  	_ =	swait.ge [sflag:s12], $0x100  }
0x17: {  	[sflag:s12] =	ssyncset.done $0x0  }
0x18: {  	[sflag:s12] =	ssyncadd.s32 $0xFFFFFF00  }
0x19: {  	[tilespmem:s14], [sflag:$0x1] =	stream.indirect.gather [hbm4b:s1+s13], $0x80, s2, s13, $0xb8;
	[tilespmem:$0x10200] =	vst v63  }
0x1a: {  	_ = 	snop  }
0x1b: {  	[tilespmem:s15], [sflag:$0x1] =	stream.indirect.gather [hbm4b:s1+s13], $0x80, s13, s13, $0xb8;
	[tilespmem:$0x10200] =	vst v63  }
0x1c: {  	s31 =	sadd.s32 s6, s28  }
0x1d: {  	[tilespmem:s16], [sflag:$0x3] =	stream.linear.gather [hbm4b:s31+s2], $0x100, $0x38;
	[tilespmem:$0x10200] =	vst v63  }
0x1e: {  	_ =	swait.ge [sflag:s12], $0x100  }
0x1f: {  	[sflag:s12] =	ssyncset.done $0x0  }
0x20: {  	[sflag:s12] =	ssyncadd.s32 $0xFFFFFF00  }
0x21: {  	[tilespmem:s17], [sflag:$0x2] =	stream.indirect.gather [hbm4b:s4+s13], $0x80, s16, s13, $0xb8;
	[tilespmem:$0x10200] =	vst v63  }
0x22: {  	_ = 	snop  }
0x23: {  	[tilespmem:s19], [sflag:$0x2] =	stream.indirect.gather [hbm4b:s4+s13], $0x80, s18, s13, $0xb8;
	[tilespmem:$0x10200] =	vst v63  }
0x24: {  	_ =	swait.ge [sflag:s20], $0x4000  }
0x25: {  	[sflag:s20] =	ssyncset.done $0x0  }
0x26: {  	[sflag:s20] =	ssyncadd.s32 $0xFFFFC000  }
0x27: {  	_ =	swait.ge [sflag:s20], $0x4000  }
0x28: {  	[sflag:s20] =	ssyncset.done $0x0  }
0x29: {  	[sflag:s20] =	ssyncadd.s32 $0xFFFFC000  }
0x2a: {  	[hbm4b:s10+s2] =	stream.linear.scatter [tilespmem:s14], [sflag:$0x3], $0x8000, $0x38;
	[tilespmem:$0x10200] =	vst v63  }
0x2b: {  	_ =	swait.ge [sflag:s12], $0x8000  }
0x2c: {  	[sflag:s12] =	ssyncset.done $0x0  }
0x2d: {  	[sflag:s12] =	ssyncadd.s32 $0xFFFF8000  }
0x2e: {  	_ =	swait.ge [sflag:s21], $0x4000  }
0x2f: {  	[sflag:s21] =	ssyncset.done $0x0  }
0x30: {  	[sflag:s21] =	ssyncadd.s32 $0xFFFFC000  }
0x31: {  	p1 =	sne.s32 s23, $0x1;
	_ =	swait.ge [sflag:s21], $0x4000  }
.Ltmp1:
0x32: {  	[sflag:s21] =	ssyncset.done $0x0;
	(pc) =	sbr.rel @!p1 .LBB2_4-.Ltmp1, $4  }
0x33: {  	s25 =	sadd.s32 $0x2000, s9;
	s26 =	sadd.s32 $0xFFFFFFFF, s23;
	[sflag:s21] =	ssyncadd.s32 $0xFFFFC000  }
0x34: {  	[hbm4b:s11+s2] =	stream.linear.scatter [tilespmem:s17], [sflag:$0x3], $0x8000, $0x38;
	[tilespmem:$0x10200] =	vst v63  }
0x35: {  	s23 =	sadd.s32 $0x20000, s11;
	p0 =	por $0x1, $0x1;
	_ =	swait.ge [sflag:s12], $0x8000  }
0x36: {  	s28 =	sshrl.u32 s25, $0x3;
	s24 =	smov.u32 s10;
	[sflag:s12] =	ssyncset.done $0x0  }
.LBB2_5:
0x37: {  	s29 =	sadd.s32 s5, s28;
	[sflag:s12] =	ssyncadd.s32 $0xFFFF8000;
	s24 =	sadd.s32 $0x20000, s24  }
0x38: {  	[tilespmem:s2], [sflag:$0x3] =	stream.linear.gather [hbm4b:s29+s2], $0x100, $0x38;
	[tilespmem:$0x10200] =	vst v63  }
0x39: {  	p1 =	sne.s32 s26, $0x1;
	s26 =	sadd.s32 $0xFFFFFFFF, s26;
	_ =	swait.ge [sflag:s12], $0x100  }
0x3a: {  	[sflag:s12] =	ssyncset.done $0x0  }
0x3b: {  	[sflag:s12] =	ssyncadd.s32 $0xFFFFFF00  }
0x3c: {  	[tilespmem:s14], [sflag:$0x1] =	stream.indirect.gather [hbm4b:s1+s13], $0x80, s2, s13, $0xb8;
	[tilespmem:$0x10200] =	vst v63  }
0x3d: {  	_ = 	snop  }
0x3e: {  	[tilespmem:s15], [sflag:$0x1] =	stream.indirect.gather [hbm4b:s1+s13], $0x80, s13, s13, $0xb8;
	[tilespmem:$0x10200] =	vst v63  }
0x3f: {  	s28 =	sadd.s32 s6, s28  }
0x40: {  	[tilespmem:s16], [sflag:$0x3] =	stream.linear.gather [hbm4b:s28+s2], $0x100, $0x38;
	[tilespmem:$0x10200] =	vst v63  }
0x41: {  	_ =	swait.ge [sflag:s12], $0x100  }
0x42: {  	[sflag:s12] =	ssyncset.done $0x0  }
0x43: {  	[sflag:s12] =	ssyncadd.s32 $0xFFFFFF00  }
0x44: {  	[tilespmem:s17], [sflag:$0x2] =	stream.indirect.gather [hbm4b:s4+s13], $0x80, s16, s13, $0xb8;
	[tilespmem:$0x10200] =	vst v63  }
0x45: {  	_ = 	snop  }
0x46: {  	[tilespmem:s19], [sflag:$0x2] =	stream.indirect.gather [hbm4b:s4+s13], $0x80, s18, s13, $0xb8;
	[tilespmem:$0x10200] =	vst v63  }
0x47: {  	_ =	swait.ge [sflag:s20], $0x4000  }
0x48: {  	[sflag:s20] =	ssyncset.done $0x0  }
0x49: {  	[sflag:s20] =	ssyncadd.s32 $0xFFFFC000  }
0x4a: {  	_ =	swait.ge [sflag:s20], $0x4000  }
0x4b: {  	[sflag:s20] =	ssyncset.done $0x0  }
0x4c: {  	[sflag:s20] =	ssyncadd.s32 $0xFFFFC000  }
0x4d: {  	[hbm4b:s24+s2] =	stream.linear.scatter [tilespmem:s14], [sflag:$0x3], $0x8000, $0x38;
	[tilespmem:$0x10200] =	vst v63  }
0x4e: {  	_ =	swait.ge [sflag:s12], $0x8000  }
0x4f: {  	[sflag:s12] =	ssyncset.done $0x0  }
0x50: {  	[sflag:s12] =	ssyncadd.s32 $0xFFFF8000  }
0x51: {  	_ =	swait.ge [sflag:s21], $0x4000  }
0x52: {  	[sflag:s21] =	ssyncset.done $0x0  }
0x53: {  	[sflag:s21] =	ssyncadd.s32 $0xFFFFC000  }
0x54: {  	_ =	swait.ge [sflag:s21], $0x4000  }
.Ltmp2:
0x55: {  	[sflag:s21] =	ssyncset.done $0x0;
	(pc) =	sbr.rel @p1 .LBB2_5-.Ltmp2, $4  }
0x56: {  	[sflag:s21] =	ssyncadd.s32 $0xFFFFC000  }
0x57: {  	[hbm4b:s23+s2] =	stream.linear.scatter [tilespmem:s17], [sflag:$0x3], $0x8000, $0x38;
	[tilespmem:$0x10200] =	vst v63  }
0x58: {  	s25 =	sadd.s32 $0x2000, s25;
	_ =	swait.ge [sflag:s12], $0x8000  }
0x59: {  	s28 =	sshrl.u32 s25, $0x3;
	s23 =	sadd.s32 $0x20000, s23;
	[sflag:s12] =	ssyncset.done $0x0  }
.LBB2_6:
0x5a: {  	s25 =	sadd.s32 s5, s28;
	[sflag:s12] =	ssyncadd.s32 @p0 $0xFFFF8000  }
0x5b: {  	[tilespmem:s2], [sflag:$0x3] =	stream.linear.gather [hbm4b:s25+s2], $0x100, $0x38;
	[tilespmem:$0x10200] =	vst v63  }
0x5c: {  	_ =	swait.ge [sflag:s12], $0x100  }
0x5d: {  	[sflag:s12] =	ssyncset.done $0x0  }
0x5e: {  	[sflag:s12] =	ssyncadd.s32 $0xFFFFFF00  }
0x5f: {  	[tilespmem:s14], [sflag:$0x1] =	stream.indirect.gather [hbm4b:s1+s13], $0x80, s2, s13, $0xb8;
	[tilespmem:$0x10200] =	vst v63  }
0x60: {  	_ = 	snop  }
0x61: {  	[tilespmem:s15], [sflag:$0x1] =	stream.indirect.gather [hbm4b:s1+s13], $0x80, s13, s13, $0xb8;
	[tilespmem:$0x10200] =	vst v63  }
0x62: {  	s31 =	sadd.s32 s6, s28  }
0x63: {  	[tilespmem:s16], [sflag:$0x3] =	stream.linear.gather [hbm4b:s31+s2], $0x100, $0x38;
	[tilespmem:$0x10200] =	vst v63  }
0x64: {  	_ =	swait.ge [sflag:s12], $0x100  }
0x65: {  	[sflag:s12] =	ssyncset.done $0x0  }
0x66: {  	[sflag:s12] =	ssyncadd.s32 $0xFFFFFF00  }
0x67: {  	[tilespmem:s17], [sflag:$0x2] =	stream.indirect.gather [hbm4b:s4+s13], $0x80, s16, s13, $0xb8;
	[tilespmem:$0x10200] =	vst v63  }
0x68: {  	_ = 	snop  }
0x69: {  	[tilespmem:s19], [sflag:$0x2] =	stream.indirect.gather [hbm4b:s4+s13], $0x80, s18, s13, $0xb8;
	[tilespmem:$0x10200] =	vst v63  }
0x6a: {  	_ =	swait.ge [sflag:s20], $0x4000  }
0x6b: {  	[sflag:s20] =	ssyncset.done $0x0  }
0x6c: {  	[sflag:s20] =	ssyncadd.s32 $0xFFFFC000  }
0x6d: {  	_ =	swait.ge [sflag:s20], $0x4000  }
0x6e: {  	s24 =	sadd.s32 @p0 $0x20000, s24;
	s25 =	smov.u32 s10;
	[sflag:s20] =	ssyncset.done $0x0  }
0x6f: {  	s25 =	smov.u32 @p0 s24;
	[sflag:s20] =	ssyncadd.s32 $0xFFFFC000  }
0x70: {  	[hbm4b:s25+s2] =	stream.linear.scatter [tilespmem:s14], [sflag:$0x3], $0x8000, $0x38;
	[tilespmem:$0x10200] =	vst v63  }
0x71: {  	_ =	swait.ge [sflag:s12], $0x8000  }
0x72: {  	[sflag:s12] =	ssyncset.done $0x0  }
0x73: {  	[sflag:s12] =	ssyncadd.s32 $0xFFFF8000  }
0x74: {  	_ =	swait.ge [sflag:s21], $0x4000  }
0x75: {  	[sflag:s21] =	ssyncset.done $0x0  }
0x76: {  	[sflag:s21] =	ssyncadd.s32 $0xFFFFC000  }
0x77: {  	_ =	swait.ge [sflag:s21], $0x4000  }
0x78: {  	s22 =	sadd.s32 $0x1, s22;
	[sflag:s21] =	ssyncset.done $0x0  }
0x79: {  	p0 =	sne.s32 s22, s7;
	[sflag:s21] =	ssyncadd.s32 $0xFFFFC000  }
0x7a: {  	[hbm4b:s23+s2] =	stream.linear.scatter [tilespmem:s17], [sflag:$0x3], $0x8000, $0x38;
	[tilespmem:$0x10200] =	vst v63  }
.Ltmp3:
0x7b: {  	_ = 	snop;
	(pc) =	sbr.rel @p0 .LBB2_1-.Ltmp3, $4  }
.Ltmp4:
0x7c: {  	_ = 	snop;
	(pc) =	sbr.rel @!p0 .LBB2_7-.Ltmp4, $4  }
0x7d: {  	_ =	swait.ge [sflag:s12], $0x8000  }
0x7e: {  	[sflag:s12] =	ssyncset.done $0x0  }
0x7f: {  	[sflag:s12] =	ssyncadd.s32 $0xFFFF8000  }
0x80: {  	_ = 	snop  }
.LBB2_2:
.Ltmp5:
0x81: {  	(pc) =	sbr.rel .LBB2_6-.Ltmp5, $2  }
0x82: {  	_ =	sdelay $0x2  }
0x83: {  	s24 =	smov.u32 s10;
	s23 =	smov.u32 s11  }
.LBB2_4:
.Ltmp6:
0x84: {  	(pc) =	sbr.rel .LBB2_6-.Ltmp6, $2  }
0x85: {  	_ =	sdelay $0x2  }
0x86: {  	s24 =	smov.u32 s10  }
.LBB2_7:
0x87: {  	_ =	sfence.sel $0x180000  }
0x88: {  	[bflag:$0x0] =	sbarrier.arrive $0xFFFF  }
0x89: {  	p0 =	sne.s32 s3, $0x0;
	_ =	strace $0x9000004A  }
0x8a: {  	s0 =	sadd.s32 @!p0 $0x100000, s0;
	[bflag:$0x2] =	sbarrier.arrive $0xFFFF  }
0x8b: {  	[sflag:s0] =	ssyncadd.tile.s32 @!p0 $0x1;
	_ =	shalt  }
.Lfunc_end2:
_tile_overlayer_lowered:
.L_overlay_start_2:
0x8c: {  	(tag) =	ssettag $0x2  }
0x8d: {  	s0 =	rddreg [dreg:$0x0];
	s2 =	stileid.u32  }
0x8e: {  	s1 =	rddreg [dreg:$0x1];
	p0 =	sne.s32 s2, $0x0  }
0x8f: {  	s3 =	rddreg [dreg:$0x2];
	[bflag:$0x3] =	sbarrier.arrive $0xFFFF;
	s2 =	simm.s32 @!p0 $0x1C03  }
0x90: {  	[timem:s3], [sflag:s2] =	dma.local @!p0 [hbm:s0], s1  }
0x91: {  	s0 =	simm.s32 @!p0 $0x3  }
0x92: {  	_ =	swait.ge @!p0 [sflag:s0], s1  }
0x93: {  	s1 =	ssub.s32 @!p0 $0x0, s1;
	[sflag:s0] =	ssyncset.done @!p0 $0x0  }
0x94: {  	[sflag:s0] =	ssyncadd.s32 @!p0 s1  }
0x95: {  	[bflag:$0x3] =	sbarrier.arrive $0xFFFF  }
0x96: {  	_ =	shalt  }

// kernel: kernel.20.cloned.1.call-start
scs
__scs_entry_jumppad:
0x0: {  	(pc) =	sbr.rel $0x88, $3  }
0x1: {  	(tag) =	ssettag $0x0;
	lr =	simm.s32 $0x1  }
0x2: {  	[smem:$0x3F93] =	sst lr;
	_ =	strace $0xD0000000  }
0x3: {  	_ = 	snop  }
0x4: {  	_ = 	snop  }
0x5: {  	_ = 	snop  }
0x6: {  	_ = 	snop  }
0x7: {  	_ = 	snop  }
__scs_overlays_trampoline_lowered:
0x8: {  	[smem:$0x3FA2] =	sst s0  }
0x9: {  	[smem:$0x3FA3] =	sst s1  }
0xa: {  	[smem:$0x3FA4] =	sst s2  }
0xb: {  	[smem:$0x3FA5] =	sst s3  }
0xc: {  	[smem:$0x3FA6] =	sst s4  }
0xd: {  	[smem:$0x3FA7] =	sst s5  }
0xe: {  	[smem:$0x3FA8] =	sst s6  }
0xf: {  	[smem:$0x3FA9] =	sst s7  }
0x10: {  	[smem:$0x3FAA] =	sst s8  }
0x11: {  	[smem:$0x3FAB] =	sst s9;
	s0 =	simm.s32 @!p0 $0x0  }
0x12: {  	s1 =	sld [smem:$0x3F91];
	s0 =	simm.s32 @p0 $0x1  }
0x13: {  	[smem:$0x3FAC] =	sst s0;
	s0 =	simm.s32 @!p1 $0x0  }
0x14: {  	s2 =	sld [smem:$0x3F90];
	s0 =	simm.s32 @p1 $0x1  }
0x15: {  	[smem:$0x3FAD] =	sst s0;
	s0 =	simm.s32 @!p2 $0x0  }
0x16: {  	s3 =	sld [smem:$0x3FDB];
	s0 =	simm.s32 @p2 $0x1  }
0x17: {  	s4 =	simm.s32 $0x1BF5;
	[smem:$0x3FAF] =	sst s0  }
0x18: {  	s0 =	sld [smem:$0x3F92];
	_ =	swait.ge [sflag:s4], $0x0  }
0x19: {  	s7 =	sld [smem:$0x3F93]  }
0x1a: {  	s8 =	sadd.s32 $0xFFFFE003, lr  }
0x1b: {  	s9 =	sadd.s32 $0xFFFFFEF7, lr;
	s5 =	simm.s32 $0xFFFFFFFF;
	p2 =	slt.u32 s8, $0xFFFFF086  }
0x1c: {  	p1 =	slt.u32 s9, $0xF7A;
	s5 =	simm.s32 @!p2 $0x0  }
0x1d: {  	s5 =	simm.s32 @p1 $0x1;
	p0 =	seq.s32 s7, s2  }
0x1e: {  	s7 =	smul.u32 @!p0 $0xF7A, s2;
	p2 =	seq.s32 @!p0 s5, $0x0  }
0x1f: {  	s9 =	smul.u32 $0xF7A, s1;
	s8 =	simm.s32 @!p0 $0x1BF5;
	p2 =	por !p2, p0  }
0x20: {  	[sflag:s8] =	ssyncset.s32 @!p0 $0xFFFFF086;
	s6 =	sadd.s32 @!p0 s3, s7;
	s7 =	simm.s32 @!p0 $0x108  }
0x21: {  	s3 =	sadd.s32 s3, s9;
	s6 =	sadd.s32 @!p0 $0x88, s6;
	s7 =	simm.s32 @p2 $0x1082  }
0x22: {  	[simem:s7], [sflag:s8] =	dma.local @!p0 [hbm:s6], $0xF7A  }
0x23: {  	s9 =	sor.u32 $0xD0000000, s2;
	s6 =	simm.s32 $0x108;
	_ =	swait.ge @!p0 [sflag:s8], $0x0  }
0x24: {  	s3 =	sadd.s32 $0x88, s3;
	s6 =	simm.s32 @!p1 $0x1082;
	[sflag:s4] =	ssyncset.s32 $0xFFFFF086  }
0x25: {  	[simem:s6], [sflag:s4] =	dma.local [hbm:s3], $0xF7A  }
0x26: {  	[smem:$0x3F93] =	sst s1;
	(tag) =	ssettag s2;
	_ =	strace s9  }
0x27: {  	s1 =	sld [smem:$0x3FA3]  }
0x28: {  	s2 =	sld [smem:$0x3FA4]  }
0x29: {  	s4 =	sld [smem:$0x3FA6]  }
0x2a: {  	p0 =	seq.s32 s5, $0x0;
	s5 =	sld [smem:$0x3FA7]  }
0x2b: {  	s6 =	sld [smem:$0x3FA8]  }
0x2c: {  	s7 =	sld [smem:$0x3FA9]  }
0x2d: {  	s3 =	simm.s32 $0x108;
	s8 =	sld [smem:$0x3FAA]  }
0x2e: {  	s3 =	simm.s32 @!p0 $0x1082;
	s9 =	sld [smem:$0x3FAB]  }
0x2f: {  	lr =	sadd.s32 s0, s3;
	s0 =	sld [smem:$0x3FA2]  }
0x30: {  	s3 =	sld [smem:$0x3FA5]  }
0x31: {  	[smem:$0x3FAE] =	sst s10  }
0x32: {  	s10 =	sld [smem:$0x3FAC];
	_ =	sdelay $0x3  }
0x33: {  	p0 =	seq.s32 s10, $0x1;
	s10 =	sld [smem:$0x3FAE];
	_ =	sdelay $0x3  }
0x34: {  	[smem:$0x3FAE] =	sst s10  }
0x35: {  	s10 =	sld [smem:$0x3FAD];
	_ =	sdelay $0x3  }
0x36: {  	p1 =	seq.s32 s10, $0x1;
	s10 =	sld [smem:$0x3FAE];
	_ =	sdelay $0x3  }
0x37: {  	[smem:$0x3FAE] =	sst s10  }
0x38: {  	s10 =	sld [smem:$0x3FAF]  }
0x39: {  	_ = 	snop;
	(pc) =	sbr.ind lr, $3  }
0x3a: {  	_ = 	snop  }
0x3b: {  	_ = 	snop  }
0x3c: {  	p2 =	seq.s32 s10, $0x1;
	s10 =	sld [smem:$0x3FAE]  }
0x3d: {  	_ =	shalt  }
0x3e: {  	_ =	shalt  }
0x3f: {  	_ =	shalt  }
0x40: {  	_ =	shalt  }
0x41: {  	_ =	shalt  }
0x42: {  	_ =	shalt  }
0x43: {  	_ =	shalt  }
0x44: {  	_ =	shalt  }
0x45: {  	_ =	shalt  }
0x46: {  	_ =	shalt  }
0x47: {  	_ =	shalt  }
0x48: {  	_ =	shalt  }
0x49: {  	_ =	shalt  }
0x4a: {  	_ =	shalt  }
0x4b: {  	_ =	shalt  }
0x4c: {  	_ =	shalt  }
0x4d: {  	_ =	shalt  }
0x4e: {  	_ =	shalt  }
0x4f: {  	_ =	shalt  }
0x50: {  	_ =	shalt  }
0x51: {  	_ =	shalt  }
0x52: {  	_ =	shalt  }
0x53: {  	_ =	shalt  }
0x54: {  	_ =	shalt  }
0x55: {  	_ =	shalt  }
0x56: {  	_ =	shalt  }
0x57: {  	_ =	shalt  }
0x58: {  	_ =	shalt  }
0x59: {  	_ =	shalt  }
0x5a: {  	_ =	shalt  }
0x5b: {  	_ =	shalt  }
0x5c: {  	_ =	shalt  }
0x5d: {  	_ =	shalt  }
0x5e: {  	_ =	shalt  }
0x5f: {  	_ =	shalt  }
0x60: {  	_ =	shalt  }
0x61: {  	_ =	shalt  }
0x62: {  	_ =	shalt  }
0x63: {  	_ =	shalt  }
0x64: {  	_ =	shalt  }
0x65: {  	_ =	shalt  }
0x66: {  	_ =	shalt  }
0x67: {  	_ =	shalt  }
0x68: {  	_ =	shalt  }
0x69: {  	_ =	shalt  }
0x6a: {  	_ =	shalt  }
0x6b: {  	_ =	shalt  }
0x6c: {  	_ =	shalt  }
0x6d: {  	_ =	shalt  }
0x6e: {  	_ =	shalt  }
0x6f: {  	_ =	shalt  }
0x70: {  	_ =	shalt  }
0x71: {  	_ =	shalt  }
0x72: {  	_ =	shalt  }
0x73: {  	_ =	shalt  }
0x74: {  	_ =	shalt  }
0x75: {  	_ =	shalt  }
0x76: {  	_ =	shalt  }
0x77: {  	_ =	shalt  }
0x78: {  	_ =	shalt  }
0x79: {  	_ =	shalt  }
0x7a: {  	_ =	shalt  }
0x7b: {  	_ =	shalt  }
0x7c: {  	_ =	shalt  }
0x7d: {  	_ =	shalt  }
0x7e: {  	_ =	shalt  }
0x7f: {  	_ =	shalt  }
0x80: {  	_ =	shalt  }
0x81: {  	_ =	shalt  }
0x82: {  	_ =	shalt  }
0x83: {  	_ =	shalt  }
0x84: {  	_ =	shalt  }
0x85: {  	_ =	shalt  }
0x86: {  	_ =	shalt  }
0x87: {  	_ =	shalt  }
.Lfunc_end0:
.L_simem_size_0:
called_computation.1_lowered:
.L_overlay_start_0:
0x88: {  	s2 =	sld [smem:$0x3FD9]  }
0x89: {  	s3 =	sld [smem:$0x3FFE];
	_ =	sdelay $0x1  }
0x8a: {  	s1 =	srdreg.scid  }
0x8b: {  	s0 =	sand.u32 $0x1, s1  }
0x8c: {  	s17 =	sshll.u32 s0, $0xA;
	s2 =	sadd.s32 s3, s2  }
0x8d: {  	s2 =	sadd.s32 s2, s17  }
0x8e: {  	[smem:$0x3FBA] =	sst s2  }
0x8f: {  	_ = 	snop  }
0x90: {  	s2 =	sld [smem:$0x3FD0];
	(tm) =	ssettm $0x1  }
0x91: {  	s18 =	sld [smem:$0x3FFB];
	_ =	sdelay $0x3  }
0x92: {  	_ =	strace s18  }
0x93: {  	s3 =	sld [smem:$0x3FFC];
	_ =	sdelay $0x3  }
0x94: {  	_ =	strace s3  }
0x95: {  	s3 =	sld [smem:$0x3FFD];
	_ =	sdelay $0x3  }
0x96: {  	_ =	strace s3  }
0x97: {  	_ =	strace $0x8FFFFFFF  }
0x98: {  	s19 =	sld [smem:$0x3FDB];
	_ =	sdelay $0x1  }
0x99: {  	s4 =	simm.s32 $_scs_section_size  }
0x9a: {  	s5 =	simm.s32 $_size__tile_overlayer_lowered;
	s6 =	simm.s32 $_tile_overlayer_lowered  }
0x9b: {  	s22 =	simm.s32 $0x1BFF;
	s21 =	sshll.u32 s6, $0x1;
	s3 =	sadd.s32 s4, s19  }
0x9c: {  	s7 =	simm.s32 $0x0;
	s20 =	sshll.u32 s5, $0x1;
	s5 =	sadd.s32 s21, s3  }
0x9d: {  	[timem:s7], [sflag:s22] =	dma.local [hbm:s5], s20  }
0x9e: {  	_ =	swait.ge [sflag:s22], s20  }
0x9f: {  	s4 =	ssub.s32 $0x0, s20;
	[sflag:s22] =	ssyncset.done $0x0  }
0xa0: {  	[sflag:s22] =	ssyncadd.s32 s4;
	_ =	sdelay $0x1  }
0xa1: {  	s23 =	simm.s32 $0x1B8B  }
0xa2: {  	_ =	swait.ge [sflag:s23], $0x1  }
0xa3: {  	[sflag:s23] =	ssyncset.done $0x0  }
0xa4: {  	s25 =	simm.s32 $0x1B8E;
	s24 =	sld [smem:$0x3FFE];
	[sflag:s23] =	ssyncadd.s32 $0xFFFFFFFF  }
0xa5: {  	s26 =	simm.s32 $execute0_lowered;
	[smem:$0x3FD2] =	sst s25  }
0xa6: {  	s5 =	sshll.u32 s26, $0x1;
	_ =	strace $0x80000046;
	[dreg:$0x1] =	wrdreg $0xFFFFFFFF  }
0xa7: {  	s28 =	simm.s32 $_size_execute0_lowered;
	s3 =	sadd.s32 s3, s5;
	[dreg:$0x0] =	wrdreg $0x0  }
0xa8: {  	s5 =	sshll.u32 s28, $0x1;
	[dreg:$0x2] =	wrdreg s3  }
0xa9: {  	[dreg:$0x3] =	wrdreg s5  }
0xaa: {  	[dreg:$0x4] =	wrdreg $0xC0  }
0xab: {  	_ =	task [dreg:s7], $0x5FFFF  }
0xac: {  	[dreg:$0x1] =	wrdreg $0xFFFFFFFF  }
0xad: {  	[dreg:$0x0] =	wrdreg $0x60  }
0xae: {  	[dreg:$0x2] =	wrdreg s2  }
0xaf: {  	[dreg:$0x3] =	wrdreg s24  }
0xb0: {  	[dreg:$0x4] =	wrdreg $0xA  }
0xb1: {  	_ =	task.clear_ibuf [dreg:s7], $0x5FFFF;
	_ =	strace $0x90000046  }
0xb2: {  	s29 =	simm.s32 $0xA;
	_ =	strace $0x80000048  }
0xb3: {  	_ =	swait.ge [sflag:s29], $0x1  }
0xb4: {  	[sflag:s29] =	ssyncadd.s32 $0xFFFFFFFF  }
0xb5: {  	_ =	strace $0x90000048  }
0xb6: {  	_ =	sfence  }
0xb7: {  	s30 =	sld [smem:$0x0];
	_ =	sdelay $0x2  }
0xb8: {  	s31 =	sshll.u32 s1, $0xD;
	s1 =	sshrl.u32 s1, $0x2  }
0xb9: {  	s3 =	sand.u32 $0x4000, s31;
	s1 =	sadd.s32 s1, s30  }
0xba: {  	s0 =	sor.u32 s3, s0;
	s1 =	sshll.u32 s1, $0x11  }
0xbb: {  	s0 =	sor.u32 s1, s0  }
0xbc: {  	s0 =	sadd.s32 $0x8F2B, s0  }
0xbd: {  	[sflag:s0] =	ssyncadd.remote.s32 $0x1  }
0xbe: {  	_ =	sfence.sel $0xFFFF  }
0xbf: {  	[dreg:$0x0] =	wrdreg $0xFFFFFFFF;
	(pc) =	sbr.abs _section_cstart, $3  }
0xc0: {  	[dreg:$0x1] =	wrdreg $0xFFFFFFFF  }
0xc1: {  	_ =	task.clear_ibuf [dreg:s7], $0x2FFFF;
	_ =	strace $0x9FFFFFFF  }
0xc2: {  	(tm) =	ssettm $0x7FFFFFFF  }
0xc3: {  	_ =	shalt  }
tec
execute0_lowered:
.L_overlay_start_1:
0x0: {  	(tag) =	ssettag $0x1  }
0x1: {  	s1 =	rddreg [dreg:$0x0]  }
0x2: {  	s7 =	rddreg [dreg:$0x1]  }
0x3: {  	s0 =	rddreg [dreg:$0x2];
	s2 =	simm.s32 $0x0  }
0x4: {  	s3 =	srdreg.scid;
	s14 =	simm.s32 $0x200;
	s15 =	simm.s32 $0x4200  }
0x5: {  	s16 =	simm.s32 $0x100;
	s17 =	simm.s32 $0x8200;
	s18 =	simm.s32 $0x180  }
0x6: {  	s19 =	simm.s32 $0xC200;
	s20 =	simm.s32 $0x1;
	s21 =	simm.s32 $0x2  }
0x7: {  	s22 =	simm.s32 $0x0;
	[smem:$0x7FF] =	sst s2;
	s4 =	sadd.s32 $0xE000, s7  }
0x8: {  	s5 =	sadd.s32 $0x4000, s7;
	s8 =	sand.u32 $0x1, s3;
	s6 =	sadd.s32 $0x9000, s7  }
0x9: {  	s3 =	stileid.u32;
	_ =	strace $0x80000047;
	s9 =	ssub.s32 $0x2, s8  }
0xa: {  	s10 =	sshll.u32 s3, $0xD;
	s12 =	sshll.u32 s3, $0x1;
	s30 =	sshll.u32 s8, $0xC  }
0xb: {  	s31 =	sshll.u32 s3, $0x9;
	s13 =	sshll.u32 s8, $0x8;
	s11 =	sshrl.u32 s9, $0x1  }
0xc: {  	s10 =	sadd.s32 s10, s7;
	s29 =	sor.u32 s12, s8;
	s12 =	simm.s32 $0x3  }
0xd: {  	s28 =	ssub.s32 s9, s11;
	s9 =	ssub.s32 $0x290, s29;
	s11 =	sadd.s32 s30, s10  }
0xe: {  	s7 =	smax.u32 s28, $0x1;
	s8 =	sshrl.u32 s9, $0x5;
	s9 =	sor.u32 s13, s31  }
0xf: {  	s10 =	sadd.s32 $0x5C400, s11;
	s11 =	sadd.s32 $0x2CD400, s11;
	s13 =	simm.s32 $0x80  }
.LBB2_1:
0x10: {  	p1 =	sne.s32 s8, $0x1  }
.Ltmp0:
0x11: {  	_ = 	snop;
	(pc) =	sbr.rel @!p1 .LBB2_2-.Ltmp0, $2  }
0x12: {  	_ =	sdelay $0x2  }
0x13: {  	s23 =	sadd.s32 $0xFFFFFFFF, s8;
	s28 =	sshrl.u32 s9, $0x3;
	p0 =	por $0x0, $0x0  }
0x14: {  	s24 =	sadd.s32 s5, s28  }
0x15: {  	[tilespmem:s2], [sflag:$0x3] =	stream.linear.gather [hbm4b:s24+s2], $0x100, $0x38;
	[tilespmem:$0x10200] =	vst v63  }
0x16: {  	_ =	swait.ge [sflag:s12], $0x100  }
0x17: {  	[sflag:s12] =	ssyncset.done $0x0  }
0x18: {  	[sflag:s12] =	ssyncadd.s32 $0xFFFFFF00  }
0x19: {  	[tilespmem:s14], [sflag:$0x1] =	stream.indirect.gather [hbm4b:s1+s13], $0x80, s2, s13, $0xb8;
	[tilespmem:$0x10200] =	vst v63  }
0x1a: {  	_ = 	snop  }
0x1b: {  	[tilespmem:s15], [sflag:$0x1] =	stream.indirect.gather [hbm4b:s1+s13], $0x80, s13, s13, $0xb8;
	[tilespmem:$0x10200] =	vst v63  }
0x1c: {  	s31 =	sadd.s32 s6, s28  }
0x1d: {  	[tilespmem:s16], [sflag:$0x3] =	stream.linear.gather [hbm4b:s31+s2], $0x100, $0x38;
	[tilespmem:$0x10200] =	vst v63  }
0x1e: {  	_ =	swait.ge [sflag:s12], $0x100  }
0x1f: {  	[sflag:s12] =	ssyncset.done $0x0  }
0x20: {  	[sflag:s12] =	ssyncadd.s32 $0xFFFFFF00  }
0x21: {  	[tilespmem:s17], [sflag:$0x2] =	stream.indirect.gather [hbm4b:s4+s13], $0x80, s16, s13, $0xb8;
	[tilespmem:$0x10200] =	vst v63  }
0x22: {  	_ = 	snop  }
0x23: {  	[tilespmem:s19], [sflag:$0x2] =	stream.indirect.gather [hbm4b:s4+s13], $0x80, s18, s13, $0xb8;
	[tilespmem:$0x10200] =	vst v63  }
0x24: {  	_ =	swait.ge [sflag:s20], $0x4000  }
0x25: {  	[sflag:s20] =	ssyncset.done $0x0  }
0x26: {  	[sflag:s20] =	ssyncadd.s32 $0xFFFFC000  }
0x27: {  	_ =	swait.ge [sflag:s20], $0x4000  }
0x28: {  	[sflag:s20] =	ssyncset.done $0x0  }
0x29: {  	[sflag:s20] =	ssyncadd.s32 $0xFFFFC000  }
0x2a: {  	[hbm4b:s10+s2] =	stream.linear.scatter [tilespmem:s14], [sflag:$0x3], $0x8000, $0x38;
	[tilespmem:$0x10200] =	vst v63  }
0x2b: {  	_ =	swait.ge [sflag:s12], $0x8000  }
0x2c: {  	[sflag:s12] =	ssyncset.done $0x0  }
0x2d: {  	[sflag:s12] =	ssyncadd.s32 $0xFFFF8000  }
0x2e: {  	_ =	swait.ge [sflag:s21], $0x4000  }
0x2f: {  	[sflag:s21] =	ssyncset.done $0x0  }
0x30: {  	[sflag:s21] =	ssyncadd.s32 $0xFFFFC000  }
0x31: {  	p1 =	sne.s32 s23, $0x1;
	_ =	swait.ge [sflag:s21], $0x4000  }
.Ltmp1:
0x32: {  	[sflag:s21] =	ssyncset.done $0x0;
	(pc) =	sbr.rel @!p1 .LBB2_4-.Ltmp1, $4  }
0x33: {  	s25 =	sadd.s32 $0x2000, s9;
	s26 =	sadd.s32 $0xFFFFFFFF, s23;
	[sflag:s21] =	ssyncadd.s32 $0xFFFFC000  }
0x34: {  	[hbm4b:s11+s2] =	stream.linear.scatter [tilespmem:s17], [sflag:$0x3], $0x8000, $0x38;
	[tilespmem:$0x10200] =	vst v63  }
0x35: {  	s23 =	sadd.s32 $0x20000, s11;
	p0 =	por $0x1, $0x1;
	_ =	swait.ge [sflag:s12], $0x8000  }
0x36: {  	s28 =	sshrl.u32 s25, $0x3;
	s24 =	smov.u32 s10;
	[sflag:s12] =	ssyncset.done $0x0  }
.LBB2_5:
0x37: {  	s29 =	sadd.s32 s5, s28;
	[sflag:s12] =	ssyncadd.s32 $0xFFFF8000;
	s24 =	sadd.s32 $0x20000, s24  }
0x38: {  	[tilespmem:s2], [sflag:$0x3] =	stream.linear.gather [hbm4b:s29+s2], $0x100, $0x38;
	[tilespmem:$0x10200] =	vst v63  }
0x39: {  	p1 =	sne.s32 s26, $0x1;
	s26 =	sadd.s32 $0xFFFFFFFF, s26;
	_ =	swait.ge [sflag:s12], $0x100  }
0x3a: {  	[sflag:s12] =	ssyncset.done $0x0  }
0x3b: {  	[sflag:s12] =	ssyncadd.s32 $0xFFFFFF00  }
0x3c: {  	[tilespmem:s14], [sflag:$0x1] =	stream.indirect.gather [hbm4b:s1+s13], $0x80, s2, s13, $0xb8;
	[tilespmem:$0x10200] =	vst v63  }
0x3d: {  	_ = 	snop  }
0x3e: {  	[tilespmem:s15], [sflag:$0x1] =	stream.indirect.gather [hbm4b:s1+s13], $0x80, s13, s13, $0xb8;
	[tilespmem:$0x10200] =	vst v63  }
0x3f: {  	s28 =	sadd.s32 s6, s28  }
0x40: {  	[tilespmem:s16], [sflag:$0x3] =	stream.linear.gather [hbm4b:s28+s2], $0x100, $0x38;
	[tilespmem:$0x10200] =	vst v63  }
0x41: {  	_ =	swait.ge [sflag:s12], $0x100  }
0x42: {  	[sflag:s12] =	ssyncset.done $0x0  }
0x43: {  	[sflag:s12] =	ssyncadd.s32 $0xFFFFFF00  }
0x44: {  	[tilespmem:s17], [sflag:$0x2] =	stream.indirect.gather [hbm4b:s4+s13], $0x80, s16, s13, $0xb8;
	[tilespmem:$0x10200] =	vst v63  }
0x45: {  	_ = 	snop  }
0x46: {  	[tilespmem:s19], [sflag:$0x2] =	stream.indirect.gather [hbm4b:s4+s13], $0x80, s18, s13, $0xb8;
	[tilespmem:$0x10200] =	vst v63  }
0x47: {  	_ =	swait.ge [sflag:s20], $0x4000  }
0x48: {  	[sflag:s20] =	ssyncset.done $0x0  }
0x49: {  	[sflag:s20] =	ssyncadd.s32 $0xFFFFC000  }
0x4a: {  	_ =	swait.ge [sflag:s20], $0x4000  }
0x4b: {  	[sflag:s20] =	ssyncset.done $0x0  }
0x4c: {  	[sflag:s20] =	ssyncadd.s32 $0xFFFFC000  }
0x4d: {  	[hbm4b:s24+s2] =	stream.linear.scatter [tilespmem:s14], [sflag:$0x3], $0x8000, $0x38;
	[tilespmem:$0x10200] =	vst v63  }
0x4e: {  	_ =	swait.ge [sflag:s12], $0x8000  }
0x4f: {  	[sflag:s12] =	ssyncset.done $0x0  }
0x50: {  	[sflag:s12] =	ssyncadd.s32 $0xFFFF8000  }
0x51: {  	_ =	swait.ge [sflag:s21], $0x4000  }
0x52: {  	[sflag:s21] =	ssyncset.done $0x0  }
0x53: {  	[sflag:s21] =	ssyncadd.s32 $0xFFFFC000  }
0x54: {  	_ =	swait.ge [sflag:s21], $0x4000  }
.Ltmp2:
0x55: {  	[sflag:s21] =	ssyncset.done $0x0;
	(pc) =	sbr.rel @p1 .LBB2_5-.Ltmp2, $4  }
0x56: {  	[sflag:s21] =	ssyncadd.s32 $0xFFFFC000  }
0x57: {  	[hbm4b:s23+s2] =	stream.linear.scatter [tilespmem:s17], [sflag:$0x3], $0x8000, $0x38;
	[tilespmem:$0x10200] =	vst v63  }
0x58: {  	s25 =	sadd.s32 $0x2000, s25;
	_ =	swait.ge [sflag:s12], $0x8000  }
0x59: {  	s28 =	sshrl.u32 s25, $0x3;
	s23 =	sadd.s32 $0x20000, s23;
	[sflag:s12] =	ssyncset.done $0x0  }
.LBB2_6:
0x5a: {  	s25 =	sadd.s32 s5, s28;
	[sflag:s12] =	ssyncadd.s32 @p0 $0xFFFF8000  }
0x5b: {  	[tilespmem:s2], [sflag:$0x3] =	stream.linear.gather [hbm4b:s25+s2], $0x100, $0x38;
	[tilespmem:$0x10200] =	vst v63  }
0x5c: {  	_ =	swait.ge [sflag:s12], $0x100  }
0x5d: {  	[sflag:s12] =	ssyncset.done $0x0  }
0x5e: {  	[sflag:s12] =	ssyncadd.s32 $0xFFFFFF00  }
0x5f: {  	[tilespmem:s14], [sflag:$0x1] =	stream.indirect.gather [hbm4b:s1+s13], $0x80, s2, s13, $0xb8;
	[tilespmem:$0x10200] =	vst v63  }
0x60: {  	_ = 	snop  }
0x61: {  	[tilespmem:s15], [sflag:$0x1] =	stream.indirect.gather [hbm4b:s1+s13], $0x80, s13, s13, $0xb8;
	[tilespmem:$0x10200] =	vst v63  }
0x62: {  	s31 =	sadd.s32 s6, s28  }
0x63: {  	[tilespmem:s16], [sflag:$0x3] =	stream.linear.gather [hbm4b:s31+s2], $0x100, $0x38;
	[tilespmem:$0x10200] =	vst v63  }
0x64: {  	_ =	swait.ge [sflag:s12], $0x100  }
0x65: {  	[sflag:s12] =	ssyncset.done $0x0  }
0x66: {  	[sflag:s12] =	ssyncadd.s32 $0xFFFFFF00  }
0x67: {  	[tilespmem:s17], [sflag:$0x2] =	stream.indirect.gather [hbm4b:s4+s13], $0x80, s16, s13, $0xb8;
	[tilespmem:$0x10200] =	vst v63  }
0x68: {  	_ = 	snop  }
0x69: {  	[tilespmem:s19], [sflag:$0x2] =	stream.indirect.gather [hbm4b:s4+s13], $0x80, s18, s13, $0xb8;
	[tilespmem:$0x10200] =	vst v63  }
0x6a: {  	_ =	swait.ge [sflag:s20], $0x4000  }
0x6b: {  	[sflag:s20] =	ssyncset.done $0x0  }
0x6c: {  	[sflag:s20] =	ssyncadd.s32 $0xFFFFC000  }
0x6d: {  	_ =	swait.ge [sflag:s20], $0x4000  }
0x6e: {  	s24 =	sadd.s32 @p0 $0x20000, s24;
	s25 =	smov.u32 s10;
	[sflag:s20] =	ssyncset.done $0x0  }
0x6f: {  	s25 =	smov.u32 @p0 s24;
	[sflag:s20] =	ssyncadd.s32 $0xFFFFC000  }
0x70: {  	[hbm4b:s25+s2] =	stream.linear.scatter [tilespmem:s14], [sflag:$0x3], $0x8000, $0x38;
	[tilespmem:$0x10200] =	vst v63  }
0x71: {  	_ =	swait.ge [sflag:s12], $0x8000  }
0x72: {  	[sflag:s12] =	ssyncset.done $0x0  }
0x73: {  	[sflag:s12] =	ssyncadd.s32 $0xFFFF8000  }
0x74: {  	_ =	swait.ge [sflag:s21], $0x4000  }
0x75: {  	[sflag:s21] =	ssyncset.done $0x0  }
0x76: {  	[sflag:s21] =	ssyncadd.s32 $0xFFFFC000  }
0x77: {  	_ =	swait.ge [sflag:s21], $0x4000  }
0x78: {  	s22 =	sadd.s32 $0x1, s22;
	[sflag:s21] =	ssyncset.done $0x0  }
0x79: {  	p0 =	sne.s32 s22, s7;
	[sflag:s21] =	ssyncadd.s32 $0xFFFFC000  }
0x7a: {  	[hbm4b:s23+s2] =	stream.linear.scatter [tilespmem:s17], [sflag:$0x3], $0x8000, $0x38;
	[tilespmem:$0x10200] =	vst v63  }
.Ltmp3:
0x7b: {  	_ = 	snop;
	(pc) =	sbr.rel @p0 .LBB2_1-.Ltmp3, $4  }
.Ltmp4:
0x7c: {  	_ = 	snop;
	(pc) =	sbr.rel @!p0 .LBB2_7-.Ltmp4, $4  }
0x7d: {  	_ =	swait.ge [sflag:s12], $0x8000  }
0x7e: {  	[sflag:s12] =	ssyncset.done $0x0  }
0x7f: {  	[sflag:s12] =	ssyncadd.s32 $0xFFFF8000  }
0x80: {  	_ = 	snop  }
.LBB2_2:
.Ltmp5:
0x81: {  	(pc) =	sbr.rel .LBB2_6-.Ltmp5, $2  }
0x82: {  	_ =	sdelay $0x2  }
0x83: {  	s24 =	smov.u32 s10;
	s23 =	smov.u32 s11  }
.LBB2_4:
.Ltmp6:
0x84: {  	(pc) =	sbr.rel .LBB2_6-.Ltmp6, $2  }
0x85: {  	_ =	sdelay $0x2  }
0x86: {  	s24 =	smov.u32 s10  }
.LBB2_7:
0x87: {  	_ =	sfence.sel $0x180000  }
0x88: {  	[bflag:$0x0] =	sbarrier.arrive $0xFFFF  }
0x89: {  	p0 =	sne.s32 s3, $0x0;
	_ =	strace $0x90000047  }
0x8a: {  	s0 =	sadd.s32 @!p0 $0x100000, s0;
	[bflag:$0x2] =	sbarrier.arrive $0xFFFF  }
0x8b: {  	[sflag:s0] =	ssyncadd.tile.s32 @!p0 $0x1;
	_ =	shalt  }
.Lfunc_end2:
_tile_overlayer_lowered:
.L_overlay_start_2:
0x8c: {  	(tag) =	ssettag $0x2  }
0x8d: {  	s0 =	rddreg [dreg:$0x0];
	s2 =	stileid.u32  }
0x8e: {  	s1 =	rddreg [dreg:$0x1];
	p0 =	sne.s32 s2, $0x0  }
0x8f: {  	s3 =	rddreg [dreg:$0x2];
	[bflag:$0x3] =	sbarrier.arrive $0xFFFF;
	s2 =	simm.s32 @!p0 $0x1C03  }
0x90: {  	[timem:s3], [sflag:s2] =	dma.local @!p0 [hbm:s0], s1  }
0x91: {  	s0 =	simm.s32 @!p0 $0x3  }
0x92: {  	_ =	swait.ge @!p0 [sflag:s0], s1  }
0x93: {  	s1 =	ssub.s32 @!p0 $0x0, s1;
	[sflag:s0] =	ssyncset.done @!p0 $0x0  }
0x94: {  	[sflag:s0] =	ssyncadd.s32 @!p0 s1  }
0x95: {  	[bflag:$0x3] =	sbarrier.arrive $0xFFFF  }
0x96: {  	_ =	shalt  }

// kernel: kernel.23.cloned.1.call-start
scs
__scs_entry_jumppad:
0x0: {  	(pc) =	sbr.rel $0x88, $3  }
0x1: {  	(tag) =	ssettag $0x0;
	lr =	simm.s32 $0x1  }
0x2: {  	[smem:$0x3F93] =	sst lr;
	_ =	strace $0xD0000000  }
0x3: {  	_ = 	snop  }
0x4: {  	_ = 	snop  }
0x5: {  	_ = 	snop  }
0x6: {  	_ = 	snop  }
0x7: {  	_ = 	snop  }
__scs_overlays_trampoline_lowered:
0x8: {  	[smem:$0x3FA2] =	sst s0  }
0x9: {  	[smem:$0x3FA3] =	sst s1  }
0xa: {  	[smem:$0x3FA4] =	sst s2  }
0xb: {  	[smem:$0x3FA5] =	sst s3  }
0xc: {  	[smem:$0x3FA6] =	sst s4  }
0xd: {  	[smem:$0x3FA7] =	sst s5  }
0xe: {  	[smem:$0x3FA8] =	sst s6  }
0xf: {  	[smem:$0x3FA9] =	sst s7  }
0x10: {  	[smem:$0x3FAA] =	sst s8  }
0x11: {  	[smem:$0x3FAB] =	sst s9;
	s0 =	simm.s32 @!p0 $0x0  }
0x12: {  	s1 =	sld [smem:$0x3F91];
	s0 =	simm.s32 @p0 $0x1  }
0x13: {  	[smem:$0x3FAC] =	sst s0;
	s0 =	simm.s32 @!p1 $0x0  }
0x14: {  	s2 =	sld [smem:$0x3F90];
	s0 =	simm.s32 @p1 $0x1  }
0x15: {  	[smem:$0x3FAD] =	sst s0;
	s0 =	simm.s32 @!p2 $0x0  }
0x16: {  	s3 =	sld [smem:$0x3FDB];
	s0 =	simm.s32 @p2 $0x1  }
0x17: {  	s4 =	simm.s32 $0x1BF5;
	[smem:$0x3FAF] =	sst s0  }
0x18: {  	s0 =	sld [smem:$0x3F92];
	_ =	swait.ge [sflag:s4], $0x0  }
0x19: {  	s7 =	sld [smem:$0x3F93]  }
0x1a: {  	s8 =	sadd.s32 $0xFFFFE003, lr  }
0x1b: {  	s9 =	sadd.s32 $0xFFFFFEF7, lr;
	s5 =	simm.s32 $0xFFFFFFFF;
	p2 =	slt.u32 s8, $0xFFFFF086  }
0x1c: {  	p1 =	slt.u32 s9, $0xF7A;
	s5 =	simm.s32 @!p2 $0x0  }
0x1d: {  	s5 =	simm.s32 @p1 $0x1;
	p0 =	seq.s32 s7, s2  }
0x1e: {  	s7 =	smul.u32 @!p0 $0xF7A, s2;
	p2 =	seq.s32 @!p0 s5, $0x0  }
0x1f: {  	s9 =	smul.u32 $0xF7A, s1;
	s8 =	simm.s32 @!p0 $0x1BF5;
	p2 =	por !p2, p0  }
0x20: {  	[sflag:s8] =	ssyncset.s32 @!p0 $0xFFFFF086;
	s6 =	sadd.s32 @!p0 s3, s7;
	s7 =	simm.s32 @!p0 $0x108  }
0x21: {  	s3 =	sadd.s32 s3, s9;
	s6 =	sadd.s32 @!p0 $0x88, s6;
	s7 =	simm.s32 @p2 $0x1082  }
0x22: {  	[simem:s7], [sflag:s8] =	dma.local @!p0 [hbm:s6], $0xF7A  }
0x23: {  	s9 =	sor.u32 $0xD0000000, s2;
	s6 =	simm.s32 $0x108;
	_ =	swait.ge @!p0 [sflag:s8], $0x0  }
0x24: {  	s3 =	sadd.s32 $0x88, s3;
	s6 =	simm.s32 @!p1 $0x1082;
	[sflag:s4] =	ssyncset.s32 $0xFFFFF086  }
0x25: {  	[simem:s6], [sflag:s4] =	dma.local [hbm:s3], $0xF7A  }
0x26: {  	[smem:$0x3F93] =	sst s1;
	(tag) =	ssettag s2;
	_ =	strace s9  }
0x27: {  	s1 =	sld [smem:$0x3FA3]  }
0x28: {  	s2 =	sld [smem:$0x3FA4]  }
0x29: {  	s4 =	sld [smem:$0x3FA6]  }
0x2a: {  	p0 =	seq.s32 s5, $0x0;
	s5 =	sld [smem:$0x3FA7]  }
0x2b: {  	s6 =	sld [smem:$0x3FA8]  }
0x2c: {  	s7 =	sld [smem:$0x3FA9]  }
0x2d: {  	s3 =	simm.s32 $0x108;
	s8 =	sld [smem:$0x3FAA]  }
0x2e: {  	s3 =	simm.s32 @!p0 $0x1082;
	s9 =	sld [smem:$0x3FAB]  }
0x2f: {  	lr =	sadd.s32 s0, s3;
	s0 =	sld [smem:$0x3FA2]  }
0x30: {  	s3 =	sld [smem:$0x3FA5]  }
0x31: {  	[smem:$0x3FAE] =	sst s10  }
0x32: {  	s10 =	sld [smem:$0x3FAC];
	_ =	sdelay $0x3  }
0x33: {  	p0 =	seq.s32 s10, $0x1;
	s10 =	sld [smem:$0x3FAE];
	_ =	sdelay $0x3  }
0x34: {  	[smem:$0x3FAE] =	sst s10  }
0x35: {  	s10 =	sld [smem:$0x3FAD];
	_ =	sdelay $0x3  }
0x36: {  	p1 =	seq.s32 s10, $0x1;
	s10 =	sld [smem:$0x3FAE];
	_ =	sdelay $0x3  }
0x37: {  	[smem:$0x3FAE] =	sst s10  }
0x38: {  	s10 =	sld [smem:$0x3FAF]  }
0x39: {  	_ = 	snop;
	(pc) =	sbr.ind lr, $3  }
0x3a: {  	_ = 	snop  }
0x3b: {  	_ = 	snop  }
0x3c: {  	p2 =	seq.s32 s10, $0x1;
	s10 =	sld [smem:$0x3FAE]  }
0x3d: {  	_ =	shalt  }
0x3e: {  	_ =	shalt  }
0x3f: {  	_ =	shalt  }
0x40: {  	_ =	shalt  }
0x41: {  	_ =	shalt  }
0x42: {  	_ =	shalt  }
0x43: {  	_ =	shalt  }
0x44: {  	_ =	shalt  }
0x45: {  	_ =	shalt  }
0x46: {  	_ =	shalt  }
0x47: {  	_ =	shalt  }
0x48: {  	_ =	shalt  }
0x49: {  	_ =	shalt  }
0x4a: {  	_ =	shalt  }
0x4b: {  	_ =	shalt  }
0x4c: {  	_ =	shalt  }
0x4d: {  	_ =	shalt  }
0x4e: {  	_ =	shalt  }
0x4f: {  	_ =	shalt  }
0x50: {  	_ =	shalt  }
0x51: {  	_ =	shalt  }
0x52: {  	_ =	shalt  }
0x53: {  	_ =	shalt  }
0x54: {  	_ =	shalt  }
0x55: {  	_ =	shalt  }
0x56: {  	_ =	shalt  }
0x57: {  	_ =	shalt  }
0x58: {  	_ =	shalt  }
0x59: {  	_ =	shalt  }
0x5a: {  	_ =	shalt  }
0x5b: {  	_ =	shalt  }
0x5c: {  	_ =	shalt  }
0x5d: {  	_ =	shalt  }
0x5e: {  	_ =	shalt  }
0x5f: {  	_ =	shalt  }
0x60: {  	_ =	shalt  }
0x61: {  	_ =	shalt  }
0x62: {  	_ =	shalt  }
0x63: {  	_ =	shalt  }
0x64: {  	_ =	shalt  }
0x65: {  	_ =	shalt  }
0x66: {  	_ =	shalt  }
0x67: {  	_ =	shalt  }
0x68: {  	_ =	shalt  }
0x69: {  	_ =	shalt  }
0x6a: {  	_ =	shalt  }
0x6b: {  	_ =	shalt  }
0x6c: {  	_ =	shalt  }
0x6d: {  	_ =	shalt  }
0x6e: {  	_ =	shalt  }
0x6f: {  	_ =	shalt  }
0x70: {  	_ =	shalt  }
0x71: {  	_ =	shalt  }
0x72: {  	_ =	shalt  }
0x73: {  	_ =	shalt  }
0x74: {  	_ =	shalt  }
0x75: {  	_ =	shalt  }
0x76: {  	_ =	shalt  }
0x77: {  	_ =	shalt  }
0x78: {  	_ =	shalt  }
0x79: {  	_ =	shalt  }
0x7a: {  	_ =	shalt  }
0x7b: {  	_ =	shalt  }
0x7c: {  	_ =	shalt  }
0x7d: {  	_ =	shalt  }
0x7e: {  	_ =	shalt  }
0x7f: {  	_ =	shalt  }
0x80: {  	_ =	shalt  }
0x81: {  	_ =	shalt  }
0x82: {  	_ =	shalt  }
0x83: {  	_ =	shalt  }
0x84: {  	_ =	shalt  }
0x85: {  	_ =	shalt  }
0x86: {  	_ =	shalt  }
0x87: {  	_ =	shalt  }
.Lfunc_end0:
.L_simem_size_0:
called_computation.2_lowered:
.L_overlay_start_0:
0x88: {  	s2 =	sld [smem:$0x3FD9]  }
0x89: {  	s3 =	sld [smem:$0x3FFE];
	_ =	sdelay $0x1  }
0x8a: {  	s1 =	srdreg.scid  }
0x8b: {  	s0 =	sand.u32 $0x1, s1  }
0x8c: {  	s17 =	sshll.u32 s0, $0xA;
	s2 =	sadd.s32 s3, s2  }
0x8d: {  	s2 =	sadd.s32 s2, s17  }
0x8e: {  	[smem:$0x3FBA] =	sst s2  }
0x8f: {  	_ = 	snop  }
0x90: {  	(tm) =	ssettm $0x1  }
0x91: {  	s18 =	sld [smem:$0x3FFB];
	_ =	sdelay $0x3  }
0x92: {  	_ =	strace s18  }
0x93: {  	s2 =	sld [smem:$0x3FFC];
	_ =	sdelay $0x3  }
0x94: {  	_ =	strace s2  }
0x95: {  	s2 =	sld [smem:$0x3FFD];
	_ =	sdelay $0x3  }
0x96: {  	_ =	strace s2  }
0x97: {  	_ =	strace $0x8FFFFFFF  }
0x98: {  	s19 =	sld [smem:$0x3FDB];
	_ =	sdelay $0x1  }
0x99: {  	s20 =	simm.s32 $_scs_section_size  }
0x9a: {  	s4 =	simm.s32 $_size__tile_overlayer_lowered;
	s5 =	simm.s32 $_tile_overlayer_lowered  }
0x9b: {  	s6 =	simm.s32 $0x1BFF;
	s21 =	sshll.u32 s5, $0x1;
	s3 =	sadd.s32 s20, s19  }
0x9c: {  	s22 =	simm.s32 $0x0;
	s4 =	sshll.u32 s4, $0x1;
	s5 =	sadd.s32 s21, s3  }
0x9d: {  	[timem:s22], [sflag:s6] =	dma.local [hbm:s5], s4  }
0x9e: {  	_ =	swait.ge [sflag:s6], s4  }
0x9f: {  	s4 =	ssub.s32 $0x0, s4;
	[sflag:s6] =	ssyncset.done $0x0  }
0xa0: {  	[sflag:s6] =	ssyncadd.s32 s4;
	_ =	sdelay $0x1  }
0xa1: {  	s23 =	simm.s32 $0x1B8B  }
0xa2: {  	_ =	swait.ge [sflag:s23], $0x1  }
0xa3: {  	[sflag:s23] =	ssyncset.done $0x0  }
0xa4: {  	[sflag:s23] =	ssyncadd.s32 $0xFFFFFFFF  }
0xa5: {  	s4 =	sld [smem:$0x0]  }
0xa6: {  	s5 =	sand.u32 $0xFFFFFFFE, s1  }
0xa7: {  	p0 =	sne.s32 s1, s5  }
0xa8: {  	s5 =	sshll.u32 @p0 s5, $0xE  }
0xa9: {  	s5 =	sadd.s32 @p0 $0x11B8D, s5;
	s6 =	sshll.u32 @p0 s4, $0x11  }
0xaa: {  	s5 =	sor.u32 @p0 s6, s5  }
0xab: {  	[sflag:s5] =	ssyncadd.remote.s32 @p0 $0x1;
	_ =	sdelay $0x1  }
0xac: {  	s5 =	simm.s32 @p0 $0x1B8D  }
0xad: {  	_ =	swait.eq @p0 [sflag:s5], $0x1  }
0xae: {  	[sflag:s5] =	ssyncadd.s32 @p0 $0xFFFFFFFF  }
0xaf: {  	s6 =	sshll.u32 @!p0 s1, $0xE  }
0xb0: {  	s6 =	sor.u32 @!p0 $0x4000, s6;
	s5 =	simm.s32 @!p0 $0x1B8D  }
0xb1: {  	s4 =	sshll.u32 @!p0 s4, $0x11;
	s6 =	sadd.s32 @!p0 $0x11B8D, s6;
	_ =	swait.eq @!p0 [sflag:s5], $0x1  }
0xb2: {  	s4 =	sor.u32 @!p0 s4, s6;
	[sflag:s5] =	ssyncadd.s32 @!p0 $0xFFFFFFFF  }
0xb3: {  	s25 =	simm.s32 $0x1B8E;
	s24 =	sld [smem:$0x3FFE];
	[sflag:s4] =	ssyncadd.remote.s32 @!p0 $0x1  }
0xb4: {  	s26 =	simm.s32 $execute0_lowered;
	[smem:$0x3FD2] =	sst s25  }
0xb5: {  	s5 =	sshll.u32 s26, $0x1;
	_ =	strace $0x8000004F;
	[dreg:$0x1] =	wrdreg $0xFFFFFFFF  }
0xb6: {  	s28 =	simm.s32 $_size_execute0_lowered;
	s3 =	sadd.s32 s3, s5;
	[dreg:$0x0] =	wrdreg $0x0  }
0xb7: {  	s5 =	sshll.u32 s28, $0x1;
	[dreg:$0x2] =	wrdreg s3  }
0xb8: {  	[dreg:$0x3] =	wrdreg s5  }
0xb9: {  	[dreg:$0x4] =	wrdreg $0xC0  }
0xba: {  	_ =	task [dreg:s22], $0x5FFFF  }
0xbb: {  	[dreg:$0x1] =	wrdreg $0xFFFFFFFF  }
0xbc: {  	[dreg:$0x0] =	wrdreg $0x60  }
0xbd: {  	[dreg:$0x2] =	wrdreg s24  }
0xbe: {  	[dreg:$0x3] =	wrdreg $0x81000  }
0xbf: {  	[dreg:$0x4] =	wrdreg $0x9  }
0xc0: {  	_ =	task.clear_ibuf [dreg:s22], $0x5FFFF;
	_ =	strace $0x9000004F  }
0xc1: {  	s29 =	simm.s32 $0x9;
	_ =	strace $0x80000051  }
0xc2: {  	_ =	swait.ge [sflag:s29], $0x1  }
0xc3: {  	[sflag:s29] =	ssyncadd.s32 $0xFFFFFFFF  }
0xc4: {  	_ =	strace $0x90000051  }
0xc5: {  	_ =	sfence  }
0xc6: {  	s30 =	sld [smem:$0x0];
	_ =	sdelay $0x2  }
0xc7: {  	s31 =	sshll.u32 s1, $0xD;
	s1 =	sshrl.u32 s1, $0x2  }
0xc8: {  	s4 =	sand.u32 $0x4000, s31;
	s1 =	sadd.s32 s1, s30  }
0xc9: {  	s0 =	sor.u32 s4, s0;
	s1 =	sshll.u32 s1, $0x11  }
0xca: {  	s0 =	sor.u32 s1, s0  }
0xcb: {  	s0 =	sadd.s32 $0x8F2B, s0  }
0xcc: {  	[sflag:s0] =	ssyncadd.remote.s32 $0x1  }
0xcd: {  	_ =	sfence.sel $0xFFFF  }
0xce: {  	[dreg:$0x0] =	wrdreg $0xFFFFFFFF;
	(pc) =	sbr.abs _section_cstart, $3  }
0xcf: {  	[dreg:$0x1] =	wrdreg $0xFFFFFFFF  }
0xd0: {  	_ =	task.clear_ibuf [dreg:s22], $0x2FFFF;
	_ =	strace $0x9FFFFFFF  }
0xd1: {  	(tm) =	ssettm $0x7FFFFFFF  }
tec
execute0_lowered:
.L_overlay_start_1:
0x0: {  	(tag) =	ssettag $0x1  }
0x1: {  	s4 =	rddreg [dreg:$0x0]  }
0x2: {  	s2 =	rddreg [dreg:$0x1]  }
0x3: {  	s0 =	rddreg [dreg:$0x2]  }
0x4: {  	s3 =	simm.s32 $0x0;
	s1 =	stileid.u32;
	s5 =	srdreg.scid  }
0x5: {  	[smem:$0x7FF] =	sst s3;
	s6 =	smul.u32 $0x14000, s1;
	s10 =	sand.u32 $0x1, s5  }
0x6: {  	s23 =	sshll.u32 s1, $0xC;
	s7 =	sshll.u32 s1, $0x5;
	s25 =	smul.u32 $0x50000, s1  }
0x7: {  	s29 =	sshll.u32 s1, $0x6;
	s13 =	sshll.u32 s1, $0x1;
	s8 =	smul.u32 $0x140000, s10  }
0x8: {  	_ =	strace $0x80000050;
	s9 =	sadd.s32 s23, s4;
	s11 =	sadd.s32 s7, s4  }
0x9: {  	s26 =	ssub.s32 $0x2, s10;
	s14 =	sshll.u32 s10, $0xB;
	s15 =	sshll.u32 s10, $0x4  }
0xa: {  	s10 =	sor.u32 s10, s13;
	s13 =	simm.s32 $0x100;
	s24 =	sshrl.u32 s6, $0x3  }
0xb: {  	s28 =	sshrl.u32 s26, $0x1;
	s7 =	sshrl.u32 s25, $0x2;
	s30 =	sadd.s32 s14, s9  }
0xc: {  	s31 =	sadd.s32 s15, s11;
	s10 =	sor.u32 $0x20, s10;
	s14 =	simm.s32 $0x80  }
0xd: {  	s15 =	simm.s32 $0x0;
	s6 =	sadd.s32 s6, s8;
	s5 =	sadd.s32 s24, s4  }
0xe: {  	s8 =	ssub.s32 s26, s28;
	s12 =	sadd.s32 s7, s2;
	s9 =	sadd.s32 $0x53E400, s31  }
0xf: {  	s6 =	sshrl.u32 s6, $0x3;
	s7 =	smax.u32 s8, $0x1;
	s8 =	sadd.s32 $0xD4400, s30  }
0x10: {  	s11 =	sshrl.u32 s12, $0x3;
	s12 =	simm.s32 $0x3;
	s6 =	sadd.s32 s6, s4  }
0x11: {  	s4 =	sadd.s32 $0x5C400, s5;
	s5 =	sor.u32 $0x1C03, s29;
	s6 =	sadd.s32 $0x345400, s6  }
.LBB2_1:
0x12: {  	[spmem:s11], [sflag:s5] =	dma.local [hbm:s4], $0x2800  }
0x13: {  	_ =	swait.ge [sflag:s12], $0x2800  }
0x14: {  	[sflag:s12] =	ssyncset.done $0x0  }
0x15: {  	[sflag:s12] =	ssyncadd.s32 $0xFFFFD800  }
0x16: {  	[bflag:$0x0] =	sbarrier.arrive $0xFFFF  }
0x17: {  	[tilespmem:s3], [sflag:$0x3] =	stream.linear.gather [hbm4b:s9+s3], $0x80, $0x38;
	[tilespmem:$0x1C100] =	vst v63  }
0x18: {  	_ =	swait.ge [sflag:s12], $0x80  }
0x19: {  	[sflag:s12] =	ssyncset.done $0x0  }
0x1a: {  	s16 =	sadd.s32 $0x0, s8;
	[sflag:s12] =	ssyncadd.s32 $0xFFFFFF80  }
0x1b: {  	[tilespmem:s13], [sflag:$0x3] =	stream.linear.gather [hbm4b:s16+s3], $0x4000, $0x38;
	[tilespmem:$0x1C100] =	vst v63  }
0x1c: {  	_ =	swait.ge [sflag:s12], $0x4000  }
0x1d: {  	p0 =	sgt.u32 s10, $0x4E1;
	[sflag:s12] =	ssyncset.done $0x0  }
0x1e: {  	s17 =	simm.s32 @!p0 $0x0;
	[sflag:s12] =	ssyncadd.s32 $0xFFFFC000  }
0x1f: {  	[spmem:s2] =	stream.indirect.scatter.add.f32 [tilespmem:s13], [sflag:$0x1], $0x80, s3, s14, $0xb8;
	[tilespmem:$0x1C100] =	vst v63  }
0x20: {  	s18 =	simm.s32 @!p0 $0x80;
	s19 =	simm.s32 @!p0 $0x3;
	s16 =	sadd.s32 @!p0 $0x200, s9  }
0x21: {  	[tilespmem:s18], [sflag:$0x3] =	stream.linear.gather @!p0 [hbm4b:s16+s17], $0x80, $0x38;
	[tilespmem:$0x1C100] =	vst v63  }
0x22: {  	_ =	swait.ge @!p0 [sflag:s19], $0x80  }
0x23: {  	s16 =	sadd.s32 @!p0 $0x0, s8;
	[sflag:s19] =	ssyncset.done @!p0 $0x0  }
0x24: {  	s20 =	simm.s32 @!p0 $0x4100;
	s16 =	sadd.s32 @!p0 $0x10000, s16;
	[sflag:s19] =	ssyncadd.s32 @!p0 $0xFFFFFF80  }
0x25: {  	[tilespmem:s20], [sflag:$0x3] =	stream.linear.gather @!p0 [hbm4b:s16+s17], $0x4000, $0x38;
	[tilespmem:$0x1C100] =	vst v63  }
0x26: {  	_ =	swait.ge @!p0 [sflag:s19], $0x4000  }
0x27: {  	[sflag:s19] =	ssyncset.done @!p0 $0x0  }
0x28: {  	s16 =	simm.s32 @!p0 $0x1;
	[sflag:s19] =	ssyncadd.s32 @!p0 $0xFFFFC000  }
0x29: {  	[spmem:s2] =	stream.indirect.scatter.add.f32 @!p0 [tilespmem:s20], [sflag:$0x2], $0x80, s18, s18, $0xb8;
	[tilespmem:$0x1C100] =	vst v63  }
0x2a: {  	_ =	swait.ge @!p0 [sflag:s16], $0x4000  }
0x2b: {  	s19 =	simm.s32 @!p0 $0x2;
	[sflag:s16] =	ssyncset.done @!p0 $0x0  }
0x2c: {  	s17 =	sadd.s32 $0x40, s10;
	s19 =	simm.s32 @p0 $0x1;
	[sflag:s16] =	ssyncadd.s32 @!p0 $0xFFFFC000  }
0x2d: {  	s18 =	smov.u32 s9;
	s16 =	simm.s32 $0x20000;
	_ =	swait.ge [sflag:s19], $0x4000  }
.LBB2_2:
0x2e: {  	[sflag:s19] =	ssyncset.done $0x0  }
0x2f: {  	s18 =	sadd.s32 $0x400, s18;
	s20 =	smov.u32 s16;
	s16 =	sadd.s32 $0x20000, s16  }
0x30: {  	p0 =	sne.s32 s16, $0x280000;
	[sflag:s19] =	ssyncadd.s32 $0xFFFFC000  }
0x31: {  	[tilespmem:s3], [sflag:$0x3] =	stream.linear.gather [hbm4b:s18+s3], $0x80, $0x38;
	[tilespmem:$0x1C100] =	vst v63  }
0x32: {  	_ =	swait.ge [sflag:s12], $0x80  }
0x33: {  	[sflag:s12] =	ssyncset.done $0x0  }
0x34: {  	s19 =	sadd.s32 s20, s8;
	[sflag:s12] =	ssyncadd.s32 $0xFFFFFF80  }
0x35: {  	[tilespmem:s13], [sflag:$0x3] =	stream.linear.gather [hbm4b:s19+s3], $0x4000, $0x38;
	[tilespmem:$0x1C100] =	vst v63  }
0x36: {  	_ =	swait.ge [sflag:s12], $0x4000  }
0x37: {  	[sflag:s12] =	ssyncset.done $0x0  }
0x38: {  	p1 =	sgt.u32 s17, $0x4E1;
	[sflag:s12] =	ssyncadd.s32 $0xFFFFC000  }
0x39: {  	s21 =	sadd.s32 @!p1 $0x200, s18;
	s22 =	simm.s32 @!p1 $0x0;
	s23 =	simm.s32 @!p1 $0x80  }
0x3a: {  	[spmem:s2] =	stream.indirect.scatter.add.f32 [tilespmem:s13], [sflag:$0x1], $0x80, s3, s14, $0xb8;
	[tilespmem:$0x1C100] =	vst v63  }
0x3b: {  	s24 =	simm.s32 @!p1 $0x3;
	s20 =	sadd.s32 @!p1 s20, s8;
	s19 =	simm.s32 @!p1 $0x2  }
0x3c: {  	[tilespmem:s23], [sflag:$0x3] =	stream.linear.gather @!p1 [hbm4b:s21+s22], $0x80, $0x38;
	[tilespmem:$0x1C100] =	vst v63  }
0x3d: {  	s20 =	sadd.s32 @!p1 $0x10000, s20;
	_ =	swait.ge @!p1 [sflag:s24], $0x80  }
0x3e: {  	s21 =	simm.s32 @!p1 $0x4100;
	[sflag:s24] =	ssyncset.done @!p1 $0x0  }
0x3f: {  	[sflag:s24] =	ssyncadd.s32 @!p1 $0xFFFFFF80  }
0x40: {  	[tilespmem:s21], [sflag:$0x3] =	stream.linear.gather @!p1 [hbm4b:s20+s22], $0x4000, $0x38;
	[tilespmem:$0x1C100] =	vst v63  }
0x41: {  	_ =	swait.ge @!p1 [sflag:s24], $0x4000  }
0x42: {  	[sflag:s24] =	ssyncset.done @!p1 $0x0  }
0x43: {  	s20 =	simm.s32 @!p1 $0x1;
	[sflag:s24] =	ssyncadd.s32 @!p1 $0xFFFFC000  }
0x44: {  	[spmem:s2] =	stream.indirect.scatter.add.f32 @!p1 [tilespmem:s21], [sflag:$0x2], $0x80, s23, s23, $0xb8;
	[tilespmem:$0x1C100] =	vst v63  }
.Ltmp0:
0x45: {  	_ = 	snop;
	(pc) =	sbr.rel @p0 .LBB2_2-.Ltmp0, $4  }
0x46: {  	_ =	swait.ge @!p1 [sflag:s20], $0x4000  }
0x47: {  	s19 =	simm.s32 @p1 $0x1;
	[sflag:s20] =	ssyncset.done @!p1 $0x0  }
0x48: {  	[sflag:s20] =	ssyncadd.s32 @!p1 $0xFFFFC000  }
0x49: {  	s17 =	sadd.s32 $0x40, s17;
	_ =	swait.ge [sflag:s19], $0x4000  }
0x4a: {  	[sflag:s19] =	ssyncset.done $0x0;
	s15 =	sadd.s32 $0x1, s15  }
0x4b: {  	[sflag:s19] =	ssyncadd.s32 $0xFFFFC000;
	p0 =	sne.s32 s15, s7  }
.Ltmp1:
0x4c: {  	[bflag:$0x0] =	sbarrier.arrive $0xFFFF;
	(pc) =	sbr.rel @p0 .LBB2_1-.Ltmp1, $4  }
0x4d: {  	[hbm:s6], [sflag:s5] =	dma.local [spmem:s11], $0x2800  }
0x4e: {  	_ =	swait.ge [sflag:s12], $0x2800  }
0x4f: {  	[sflag:s12] =	ssyncset.done $0x0  }
0x50: {  	[sflag:s12] =	ssyncadd.s32 $0xFFFFD800  }
0x51: {  	_ =	sfence.sel $0x180000  }
0x52: {  	[bflag:$0x0] =	sbarrier.arrive $0xFFFF  }
0x53: {  	p0 =	sne.s32 s1, $0x0;
	_ =	strace $0x90000050  }
0x54: {  	s0 =	sadd.s32 @!p0 $0x100000, s0;
	[bflag:$0x2] =	sbarrier.arrive $0xFFFF  }
0x55: {  	[sflag:s0] =	ssyncadd.tile.s32 @!p0 $0x1;
	_ =	shalt  }
.Lfunc_end2:
_tile_overlayer_lowered:
.L_overlay_start_2:
0x56: {  	(tag) =	ssettag $0x2  }
0x57: {  	s0 =	rddreg [dreg:$0x0];
	s2 =	stileid.u32  }
0x58: {  	s1 =	rddreg [dreg:$0x1];
	p0 =	sne.s32 s2, $0x0  }
0x59: {  	s3 =	rddreg [dreg:$0x2];
	[bflag:$0x3] =	sbarrier.arrive $0xFFFF;
	s2 =	simm.s32 @!p0 $0x1C03  }
0x5a: {  	[timem:s3], [sflag:s2] =	dma.local @!p0 [hbm:s0], s1  }
0x5b: {  	s0 =	simm.s32 @!p0 $0x3  }
0x5c: {  	_ =	swait.ge @!p0 [sflag:s0], s1  }
0x5d: {  	s1 =	ssub.s32 @!p0 $0x0, s1;
	[sflag:s0] =	ssyncset.done @!p0 $0x0  }
0x5e: {  	[sflag:s0] =	ssyncadd.s32 @!p0 s1  }
0x5f: {  	[bflag:$0x3] =	sbarrier.arrive $0xFFFF  }
0x60: {  	_ =	shalt  }

// kernel: kernel.26.cloned.1.call-start
scs
__scs_entry_jumppad:
0x0: {  	(pc) =	sbr.rel $0x88, $3  }
0x1: {  	(tag) =	ssettag $0x0;
	lr =	simm.s32 $0x1  }
0x2: {  	[smem:$0x3F93] =	sst lr;
	_ =	strace $0xD0000000  }
0x3: {  	_ = 	snop  }
0x4: {  	_ = 	snop  }
0x5: {  	_ = 	snop  }
0x6: {  	_ = 	snop  }
0x7: {  	_ = 	snop  }
__scs_overlays_trampoline_lowered:
0x8: {  	[smem:$0x3FA2] =	sst s0  }
0x9: {  	[smem:$0x3FA3] =	sst s1  }
0xa: {  	[smem:$0x3FA4] =	sst s2  }
0xb: {  	[smem:$0x3FA5] =	sst s3  }
0xc: {  	[smem:$0x3FA6] =	sst s4  }
0xd: {  	[smem:$0x3FA7] =	sst s5  }
0xe: {  	[smem:$0x3FA8] =	sst s6  }
0xf: {  	[smem:$0x3FA9] =	sst s7  }
0x10: {  	[smem:$0x3FAA] =	sst s8  }
0x11: {  	[smem:$0x3FAB] =	sst s9;
	s0 =	simm.s32 @!p0 $0x0  }
0x12: {  	s1 =	sld [smem:$0x3F91];
	s0 =	simm.s32 @p0 $0x1  }
0x13: {  	[smem:$0x3FAC] =	sst s0;
	s0 =	simm.s32 @!p1 $0x0  }
0x14: {  	s2 =	sld [smem:$0x3F90];
	s0 =	simm.s32 @p1 $0x1  }
0x15: {  	[smem:$0x3FAD] =	sst s0;
	s0 =	simm.s32 @!p2 $0x0  }
0x16: {  	s3 =	sld [smem:$0x3FDB];
	s0 =	simm.s32 @p2 $0x1  }
0x17: {  	s4 =	simm.s32 $0x1BF5;
	[smem:$0x3FAF] =	sst s0  }
0x18: {  	s0 =	sld [smem:$0x3F92];
	_ =	swait.ge [sflag:s4], $0x0  }
0x19: {  	s7 =	sld [smem:$0x3F93]  }
0x1a: {  	s8 =	sadd.s32 $0xFFFFE003, lr  }
0x1b: {  	s9 =	sadd.s32 $0xFFFFFEF7, lr;
	s5 =	simm.s32 $0xFFFFFFFF;
	p2 =	slt.u32 s8, $0xFFFFF086  }
0x1c: {  	p1 =	slt.u32 s9, $0xF7A;
	s5 =	simm.s32 @!p2 $0x0  }
0x1d: {  	s5 =	simm.s32 @p1 $0x1;
	p0 =	seq.s32 s7, s2  }
0x1e: {  	s7 =	smul.u32 @!p0 $0xF7A, s2;
	p2 =	seq.s32 @!p0 s5, $0x0  }
0x1f: {  	s9 =	smul.u32 $0xF7A, s1;
	s8 =	simm.s32 @!p0 $0x1BF5;
	p2 =	por !p2, p0  }
0x20: {  	[sflag:s8] =	ssyncset.s32 @!p0 $0xFFFFF086;
	s6 =	sadd.s32 @!p0 s3, s7;
	s7 =	simm.s32 @!p0 $0x108  }
0x21: {  	s3 =	sadd.s32 s3, s9;
	s6 =	sadd.s32 @!p0 $0x88, s6;
	s7 =	simm.s32 @p2 $0x1082  }
0x22: {  	[simem:s7], [sflag:s8] =	dma.local @!p0 [hbm:s6], $0xF7A  }
0x23: {  	s9 =	sor.u32 $0xD0000000, s2;
	s6 =	simm.s32 $0x108;
	_ =	swait.ge @!p0 [sflag:s8], $0x0  }
0x24: {  	s3 =	sadd.s32 $0x88, s3;
	s6 =	simm.s32 @!p1 $0x1082;
	[sflag:s4] =	ssyncset.s32 $0xFFFFF086  }
0x25: {  	[simem:s6], [sflag:s4] =	dma.local [hbm:s3], $0xF7A  }
0x26: {  	[smem:$0x3F93] =	sst s1;
	(tag) =	ssettag s2;
	_ =	strace s9  }
0x27: {  	s1 =	sld [smem:$0x3FA3]  }
0x28: {  	s2 =	sld [smem:$0x3FA4]  }
0x29: {  	s4 =	sld [smem:$0x3FA6]  }
0x2a: {  	p0 =	seq.s32 s5, $0x0;
	s5 =	sld [smem:$0x3FA7]  }
0x2b: {  	s6 =	sld [smem:$0x3FA8]  }
0x2c: {  	s7 =	sld [smem:$0x3FA9]  }
0x2d: {  	s3 =	simm.s32 $0x108;
	s8 =	sld [smem:$0x3FAA]  }
0x2e: {  	s3 =	simm.s32 @!p0 $0x1082;
	s9 =	sld [smem:$0x3FAB]  }
0x2f: {  	lr =	sadd.s32 s0, s3;
	s0 =	sld [smem:$0x3FA2]  }
0x30: {  	s3 =	sld [smem:$0x3FA5]  }
0x31: {  	[smem:$0x3FAE] =	sst s10  }
0x32: {  	s10 =	sld [smem:$0x3FAC];
	_ =	sdelay $0x3  }
0x33: {  	p0 =	seq.s32 s10, $0x1;
	s10 =	sld [smem:$0x3FAE];
	_ =	sdelay $0x3  }
0x34: {  	[smem:$0x3FAE] =	sst s10  }
0x35: {  	s10 =	sld [smem:$0x3FAD];
	_ =	sdelay $0x3  }
0x36: {  	p1 =	seq.s32 s10, $0x1;
	s10 =	sld [smem:$0x3FAE];
	_ =	sdelay $0x3  }
0x37: {  	[smem:$0x3FAE] =	sst s10  }
0x38: {  	s10 =	sld [smem:$0x3FAF]  }
0x39: {  	_ = 	snop;
	(pc) =	sbr.ind lr, $3  }
0x3a: {  	_ = 	snop  }
0x3b: {  	_ = 	snop  }
0x3c: {  	p2 =	seq.s32 s10, $0x1;
	s10 =	sld [smem:$0x3FAE]  }
0x3d: {  	_ =	shalt  }
0x3e: {  	_ =	shalt  }
0x3f: {  	_ =	shalt  }
0x40: {  	_ =	shalt  }
0x41: {  	_ =	shalt  }
0x42: {  	_ =	shalt  }
0x43: {  	_ =	shalt  }
0x44: {  	_ =	shalt  }
0x45: {  	_ =	shalt  }
0x46: {  	_ =	shalt  }
0x47: {  	_ =	shalt  }
0x48: {  	_ =	shalt  }
0x49: {  	_ =	shalt  }
0x4a: {  	_ =	shalt  }
0x4b: {  	_ =	shalt  }
0x4c: {  	_ =	shalt  }
0x4d: {  	_ =	shalt  }
0x4e: {  	_ =	shalt  }
0x4f: {  	_ =	shalt  }
0x50: {  	_ =	shalt  }
0x51: {  	_ =	shalt  }
0x52: {  	_ =	shalt  }
0x53: {  	_ =	shalt  }
0x54: {  	_ =	shalt  }
0x55: {  	_ =	shalt  }
0x56: {  	_ =	shalt  }
0x57: {  	_ =	shalt  }
0x58: {  	_ =	shalt  }
0x59: {  	_ =	shalt  }
0x5a: {  	_ =	shalt  }
0x5b: {  	_ =	shalt  }
0x5c: {  	_ =	shalt  }
0x5d: {  	_ =	shalt  }
0x5e: {  	_ =	shalt  }
0x5f: {  	_ =	shalt  }
0x60: {  	_ =	shalt  }
0x61: {  	_ =	shalt  }
0x62: {  	_ =	shalt  }
0x63: {  	_ =	shalt  }
0x64: {  	_ =	shalt  }
0x65: {  	_ =	shalt  }
0x66: {  	_ =	shalt  }
0x67: {  	_ =	shalt  }
0x68: {  	_ =	shalt  }
0x69: {  	_ =	shalt  }
0x6a: {  	_ =	shalt  }
0x6b: {  	_ =	shalt  }
0x6c: {  	_ =	shalt  }
0x6d: {  	_ =	shalt  }
0x6e: {  	_ =	shalt  }
0x6f: {  	_ =	shalt  }
0x70: {  	_ =	shalt  }
0x71: {  	_ =	shalt  }
0x72: {  	_ =	shalt  }
0x73: {  	_ =	shalt  }
0x74: {  	_ =	shalt  }
0x75: {  	_ =	shalt  }
0x76: {  	_ =	shalt  }
0x77: {  	_ =	shalt  }
0x78: {  	_ =	shalt  }
0x79: {  	_ =	shalt  }
0x7a: {  	_ =	shalt  }
0x7b: {  	_ =	shalt  }
0x7c: {  	_ =	shalt  }
0x7d: {  	_ =	shalt  }
0x7e: {  	_ =	shalt  }
0x7f: {  	_ =	shalt  }
0x80: {  	_ =	shalt  }
0x81: {  	_ =	shalt  }
0x82: {  	_ =	shalt  }
0x83: {  	_ =	shalt  }
0x84: {  	_ =	shalt  }
0x85: {  	_ =	shalt  }
0x86: {  	_ =	shalt  }
0x87: {  	_ =	shalt  }
.Lfunc_end0:
.L_simem_size_0:
called_computation.3_lowered:
.L_overlay_start_0:
0x88: {  	s2 =	sld [smem:$0x3FD9]  }
0x89: {  	s3 =	sld [smem:$0x3FFE];
	_ =	sdelay $0x1  }
0x8a: {  	s1 =	srdreg.scid  }
0x8b: {  	s0 =	sand.u32 $0x1, s1  }
0x8c: {  	s17 =	sshll.u32 s0, $0xA;
	s2 =	sadd.s32 s3, s2  }
0x8d: {  	s2 =	sadd.s32 s2, s17  }
0x8e: {  	[smem:$0x3FBA] =	sst s2  }
0x8f: {  	_ = 	snop  }
0x90: {  	(tm) =	ssettm $0x1  }
0x91: {  	s18 =	sld [smem:$0x3FFB];
	_ =	sdelay $0x3  }
0x92: {  	_ =	strace s18  }
0x93: {  	s2 =	sld [smem:$0x3FFC];
	_ =	sdelay $0x3  }
0x94: {  	_ =	strace s2  }
0x95: {  	s2 =	sld [smem:$0x3FFD];
	_ =	sdelay $0x3  }
0x96: {  	_ =	strace s2  }
0x97: {  	_ =	strace $0x8FFFFFFF  }
0x98: {  	s19 =	sld [smem:$0x3FDB];
	_ =	sdelay $0x1  }
0x99: {  	s20 =	simm.s32 $_scs_section_size  }
0x9a: {  	s4 =	simm.s32 $_size__tile_overlayer_lowered;
	s5 =	simm.s32 $_tile_overlayer_lowered  }
0x9b: {  	s6 =	simm.s32 $0x1BFF;
	s21 =	sshll.u32 s5, $0x1;
	s3 =	sadd.s32 s20, s19  }
0x9c: {  	s22 =	simm.s32 $0x0;
	s4 =	sshll.u32 s4, $0x1;
	s5 =	sadd.s32 s21, s3  }
0x9d: {  	[timem:s22], [sflag:s6] =	dma.local [hbm:s5], s4  }
0x9e: {  	_ =	swait.ge [sflag:s6], s4  }
0x9f: {  	s4 =	ssub.s32 $0x0, s4;
	[sflag:s6] =	ssyncset.done $0x0  }
0xa0: {  	[sflag:s6] =	ssyncadd.s32 s4;
	_ =	sdelay $0x1  }
0xa1: {  	s23 =	simm.s32 $0x1B8B  }
0xa2: {  	_ =	swait.ge [sflag:s23], $0x1  }
0xa3: {  	[sflag:s23] =	ssyncset.done $0x0  }
0xa4: {  	[sflag:s23] =	ssyncadd.s32 $0xFFFFFFFF  }
0xa5: {  	s4 =	sld [smem:$0x0]  }
0xa6: {  	s5 =	sand.u32 $0xFFFFFFFE, s1  }
0xa7: {  	p0 =	sne.s32 s1, s5  }
0xa8: {  	s5 =	sshll.u32 @p0 s5, $0xE  }
0xa9: {  	s5 =	sadd.s32 @p0 $0x11B8D, s5;
	s6 =	sshll.u32 @p0 s4, $0x11  }
0xaa: {  	s5 =	sor.u32 @p0 s6, s5  }
0xab: {  	[sflag:s5] =	ssyncadd.remote.s32 @p0 $0x1;
	_ =	sdelay $0x1  }
0xac: {  	s5 =	simm.s32 @p0 $0x1B8D  }
0xad: {  	_ =	swait.eq @p0 [sflag:s5], $0x1  }
0xae: {  	[sflag:s5] =	ssyncadd.s32 @p0 $0xFFFFFFFF  }
0xaf: {  	s6 =	sshll.u32 @!p0 s1, $0xE  }
0xb0: {  	s6 =	sor.u32 @!p0 $0x4000, s6;
	s5 =	simm.s32 @!p0 $0x1B8D  }
0xb1: {  	s4 =	sshll.u32 @!p0 s4, $0x11;
	s6 =	sadd.s32 @!p0 $0x11B8D, s6;
	_ =	swait.eq @!p0 [sflag:s5], $0x1  }
0xb2: {  	s4 =	sor.u32 @!p0 s4, s6;
	[sflag:s5] =	ssyncadd.s32 @!p0 $0xFFFFFFFF  }
0xb3: {  	s25 =	simm.s32 $0x1B8E;
	s24 =	sld [smem:$0x3FFE];
	[sflag:s4] =	ssyncadd.remote.s32 @!p0 $0x1  }
0xb4: {  	s26 =	simm.s32 $execute0_lowered;
	[smem:$0x3FD2] =	sst s25  }
0xb5: {  	s5 =	sshll.u32 s26, $0x1;
	_ =	strace $0x8000004C;
	[dreg:$0x1] =	wrdreg $0xFFFFFFFF  }
0xb6: {  	s28 =	simm.s32 $_size_execute0_lowered;
	s3 =	sadd.s32 s3, s5;
	[dreg:$0x0] =	wrdreg $0x0  }
0xb7: {  	s5 =	sshll.u32 s28, $0x1;
	[dreg:$0x2] =	wrdreg s3  }
0xb8: {  	[dreg:$0x3] =	wrdreg s5  }
0xb9: {  	[dreg:$0x4] =	wrdreg $0xC0  }
0xba: {  	_ =	task [dreg:s22], $0x5FFFF  }
0xbb: {  	[dreg:$0x1] =	wrdreg $0xFFFFFFFF  }
0xbc: {  	[dreg:$0x0] =	wrdreg $0x60  }
0xbd: {  	[dreg:$0x2] =	wrdreg s24  }
0xbe: {  	[dreg:$0x3] =	wrdreg $0x81000  }
0xbf: {  	[dreg:$0x4] =	wrdreg $0xA  }
0xc0: {  	_ =	task.clear_ibuf [dreg:s22], $0x5FFFF;
	_ =	strace $0x9000004C  }
0xc1: {  	s29 =	simm.s32 $0xA;
	_ =	strace $0x8000004E  }
0xc2: {  	_ =	swait.ge [sflag:s29], $0x1  }
0xc3: {  	[sflag:s29] =	ssyncadd.s32 $0xFFFFFFFF  }
0xc4: {  	_ =	strace $0x9000004E  }
0xc5: {  	_ =	sfence  }
0xc6: {  	s30 =	sld [smem:$0x0];
	_ =	sdelay $0x2  }
0xc7: {  	s31 =	sshll.u32 s1, $0xD;
	s1 =	sshrl.u32 s1, $0x2  }
0xc8: {  	s4 =	sand.u32 $0x4000, s31;
	s1 =	sadd.s32 s1, s30  }
0xc9: {  	s0 =	sor.u32 s4, s0;
	s1 =	sshll.u32 s1, $0x11  }
0xca: {  	s0 =	sor.u32 s1, s0  }
0xcb: {  	s0 =	sadd.s32 $0x8F2B, s0  }
0xcc: {  	[sflag:s0] =	ssyncadd.remote.s32 $0x1  }
0xcd: {  	_ =	sfence.sel $0xFFFF  }
0xce: {  	[dreg:$0x0] =	wrdreg $0xFFFFFFFF;
	(pc) =	sbr.abs _section_cstart, $3  }
0xcf: {  	[dreg:$0x1] =	wrdreg $0xFFFFFFFF  }
0xd0: {  	_ =	task.clear_ibuf [dreg:s22], $0x2FFFF;
	_ =	strace $0x9FFFFFFF  }
0xd1: {  	(tm) =	ssettm $0x7FFFFFFF  }
tec
execute0_lowered:
.L_overlay_start_1:
0x0: {  	(tag) =	ssettag $0x1  }
0x1: {  	s4 =	rddreg [dreg:$0x0]  }
0x2: {  	s2 =	rddreg [dreg:$0x1]  }
0x3: {  	s0 =	rddreg [dreg:$0x2]  }
0x4: {  	s3 =	simm.s32 $0x0;
	s1 =	stileid.u32;
	s5 =	srdreg.scid  }
0x5: {  	[smem:$0x7FF] =	sst s3;
	s6 =	smul.u32 $0x14000, s1;
	s10 =	sand.u32 $0x1, s5  }
0x6: {  	s23 =	sshll.u32 s1, $0xC;
	s7 =	sshll.u32 s1, $0x5;
	s25 =	smul.u32 $0x50000, s1  }
0x7: {  	s29 =	sshll.u32 s1, $0x6;
	s13 =	sshll.u32 s1, $0x1;
	s8 =	smul.u32 $0x140000, s10  }
0x8: {  	_ =	strace $0x8000004D;
	s9 =	sadd.s32 s23, s4;
	s11 =	sadd.s32 s7, s4  }
0x9: {  	s26 =	ssub.s32 $0x2, s10;
	s14 =	sshll.u32 s10, $0xB;
	s15 =	sshll.u32 s10, $0x4  }
0xa: {  	s10 =	sor.u32 s10, s13;
	s13 =	simm.s32 $0x100;
	s24 =	sshrl.u32 s6, $0x3  }
0xb: {  	s28 =	sshrl.u32 s26, $0x1;
	s7 =	sshrl.u32 s25, $0x2;
	s30 =	sadd.s32 s14, s9  }
0xc: {  	s31 =	sadd.s32 s15, s11;
	s10 =	sor.u32 $0x20, s10;
	s14 =	simm.s32 $0x80  }
0xd: {  	s15 =	simm.s32 $0x0;
	s6 =	sadd.s32 s6, s8;
	s5 =	sadd.s32 s24, s4  }
0xe: {  	s8 =	ssub.s32 s26, s28;
	s12 =	sadd.s32 s7, s2;
	s9 =	sadd.s32 $0x4000, s31  }
0xf: {  	s6 =	sshrl.u32 s6, $0x3;
	s7 =	smax.u32 s8, $0x1;
	s8 =	sadd.s32 $0xA2A600, s30  }
0x10: {  	s11 =	sshrl.u32 s12, $0x3;
	s12 =	simm.s32 $0x3;
	s6 =	sadd.s32 s6, s4  }
0x11: {  	s4 =	sadd.s32 $0x5C400, s5;
	s5 =	sor.u32 $0x1C03, s29;
	s6 =	sadd.s32 $0x84400, s6  }
.LBB2_1:
0x12: {  	[spmem:s11], [sflag:s5] =	dma.local [hbm:s4], $0x2800  }
0x13: {  	_ =	swait.ge [sflag:s12], $0x2800  }
0x14: {  	[sflag:s12] =	ssyncset.done $0x0  }
0x15: {  	[sflag:s12] =	ssyncadd.s32 $0xFFFFD800  }
0x16: {  	[bflag:$0x0] =	sbarrier.arrive $0xFFFF  }
0x17: {  	[tilespmem:s3], [sflag:$0x3] =	stream.linear.gather [hbm4b:s9+s3], $0x80, $0x38;
	[tilespmem:$0x1C100] =	vst v63  }
0x18: {  	_ =	swait.ge [sflag:s12], $0x80  }
0x19: {  	[sflag:s12] =	ssyncset.done $0x0  }
0x1a: {  	s16 =	sadd.s32 $0x0, s8;
	[sflag:s12] =	ssyncadd.s32 $0xFFFFFF80  }
0x1b: {  	[tilespmem:s13], [sflag:$0x3] =	stream.linear.gather [hbm4b:s16+s3], $0x4000, $0x38;
	[tilespmem:$0x1C100] =	vst v63  }
0x1c: {  	_ =	swait.ge [sflag:s12], $0x4000  }
0x1d: {  	p0 =	sgt.u32 s10, $0x4E1;
	[sflag:s12] =	ssyncset.done $0x0  }
0x1e: {  	s17 =	simm.s32 @!p0 $0x0;
	[sflag:s12] =	ssyncadd.s32 $0xFFFFC000  }
0x1f: {  	[spmem:s2] =	stream.indirect.scatter.add.f32 [tilespmem:s13], [sflag:$0x1], $0x80, s3, s14, $0xb8;
	[tilespmem:$0x1C100] =	vst v63  }
0x20: {  	s18 =	simm.s32 @!p0 $0x80;
	s19 =	simm.s32 @!p0 $0x3;
	s16 =	sadd.s32 @!p0 $0x200, s9  }
0x21: {  	[tilespmem:s18], [sflag:$0x3] =	stream.linear.gather @!p0 [hbm4b:s16+s17], $0x80, $0x38;
	[tilespmem:$0x1C100] =	vst v63  }
0x22: {  	_ =	swait.ge @!p0 [sflag:s19], $0x80  }
0x23: {  	s16 =	sadd.s32 @!p0 $0x0, s8;
	[sflag:s19] =	ssyncset.done @!p0 $0x0  }
0x24: {  	s20 =	simm.s32 @!p0 $0x4100;
	s16 =	sadd.s32 @!p0 $0x10000, s16;
	[sflag:s19] =	ssyncadd.s32 @!p0 $0xFFFFFF80  }
0x25: {  	[tilespmem:s20], [sflag:$0x3] =	stream.linear.gather @!p0 [hbm4b:s16+s17], $0x4000, $0x38;
	[tilespmem:$0x1C100] =	vst v63  }
0x26: {  	_ =	swait.ge @!p0 [sflag:s19], $0x4000  }
0x27: {  	[sflag:s19] =	ssyncset.done @!p0 $0x0  }
0x28: {  	s16 =	simm.s32 @!p0 $0x1;
	[sflag:s19] =	ssyncadd.s32 @!p0 $0xFFFFC000  }
0x29: {  	[spmem:s2] =	stream.indirect.scatter.add.f32 @!p0 [tilespmem:s20], [sflag:$0x2], $0x80, s18, s18, $0xb8;
	[tilespmem:$0x1C100] =	vst v63  }
0x2a: {  	_ =	swait.ge @!p0 [sflag:s16], $0x4000  }
0x2b: {  	s19 =	simm.s32 @!p0 $0x2;
	[sflag:s16] =	ssyncset.done @!p0 $0x0  }
0x2c: {  	s17 =	sadd.s32 $0x40, s10;
	s19 =	simm.s32 @p0 $0x1;
	[sflag:s16] =	ssyncadd.s32 @!p0 $0xFFFFC000  }
0x2d: {  	s18 =	smov.u32 s9;
	s16 =	simm.s32 $0x20000;
	_ =	swait.ge [sflag:s19], $0x4000  }
.LBB2_2:
0x2e: {  	[sflag:s19] =	ssyncset.done $0x0  }
0x2f: {  	s18 =	sadd.s32 $0x400, s18;
	s20 =	smov.u32 s16;
	s16 =	sadd.s32 $0x20000, s16  }
0x30: {  	p0 =	sne.s32 s16, $0x280000;
	[sflag:s19] =	ssyncadd.s32 $0xFFFFC000  }
0x31: {  	[tilespmem:s3], [sflag:$0x3] =	stream.linear.gather [hbm4b:s18+s3], $0x80, $0x38;
	[tilespmem:$0x1C100] =	vst v63  }
0x32: {  	_ =	swait.ge [sflag:s12], $0x80  }
0x33: {  	[sflag:s12] =	ssyncset.done $0x0  }
0x34: {  	s19 =	sadd.s32 s20, s8;
	[sflag:s12] =	ssyncadd.s32 $0xFFFFFF80  }
0x35: {  	[tilespmem:s13], [sflag:$0x3] =	stream.linear.gather [hbm4b:s19+s3], $0x4000, $0x38;
	[tilespmem:$0x1C100] =	vst v63  }
0x36: {  	_ =	swait.ge [sflag:s12], $0x4000  }
0x37: {  	[sflag:s12] =	ssyncset.done $0x0  }
0x38: {  	p1 =	sgt.u32 s17, $0x4E1;
	[sflag:s12] =	ssyncadd.s32 $0xFFFFC000  }
0x39: {  	s21 =	sadd.s32 @!p1 $0x200, s18;
	s22 =	simm.s32 @!p1 $0x0;
	s23 =	simm.s32 @!p1 $0x80  }
0x3a: {  	[spmem:s2] =	stream.indirect.scatter.add.f32 [tilespmem:s13], [sflag:$0x1], $0x80, s3, s14, $0xb8;
	[tilespmem:$0x1C100] =	vst v63  }
0x3b: {  	s24 =	simm.s32 @!p1 $0x3;
	s20 =	sadd.s32 @!p1 s20, s8;
	s19 =	simm.s32 @!p1 $0x2  }
0x3c: {  	[tilespmem:s23], [sflag:$0x3] =	stream.linear.gather @!p1 [hbm4b:s21+s22], $0x80, $0x38;
	[tilespmem:$0x1C100] =	vst v63  }
0x3d: {  	s20 =	sadd.s32 @!p1 $0x10000, s20;
	_ =	swait.ge @!p1 [sflag:s24], $0x80  }
0x3e: {  	s21 =	simm.s32 @!p1 $0x4100;
	[sflag:s24] =	ssyncset.done @!p1 $0x0  }
0x3f: {  	[sflag:s24] =	ssyncadd.s32 @!p1 $0xFFFFFF80  }
0x40: {  	[tilespmem:s21], [sflag:$0x3] =	stream.linear.gather @!p1 [hbm4b:s20+s22], $0x4000, $0x38;
	[tilespmem:$0x1C100] =	vst v63  }
0x41: {  	_ =	swait.ge @!p1 [sflag:s24], $0x4000  }
0x42: {  	[sflag:s24] =	ssyncset.done @!p1 $0x0  }
0x43: {  	s20 =	simm.s32 @!p1 $0x1;
	[sflag:s24] =	ssyncadd.s32 @!p1 $0xFFFFC000  }
0x44: {  	[spmem:s2] =	stream.indirect.scatter.add.f32 @!p1 [tilespmem:s21], [sflag:$0x2], $0x80, s23, s23, $0xb8;
	[tilespmem:$0x1C100] =	vst v63  }
.Ltmp0:
0x45: {  	_ = 	snop;
	(pc) =	sbr.rel @p0 .LBB2_2-.Ltmp0, $4  }
0x46: {  	_ =	swait.ge @!p1 [sflag:s20], $0x4000  }
0x47: {  	s19 =	simm.s32 @p1 $0x1;
	[sflag:s20] =	ssyncset.done @!p1 $0x0  }
0x48: {  	[sflag:s20] =	ssyncadd.s32 @!p1 $0xFFFFC000  }
0x49: {  	s17 =	sadd.s32 $0x40, s17;
	_ =	swait.ge [sflag:s19], $0x4000  }
0x4a: {  	[sflag:s19] =	ssyncset.done $0x0;
	s15 =	sadd.s32 $0x1, s15  }
0x4b: {  	[sflag:s19] =	ssyncadd.s32 $0xFFFFC000;
	p0 =	sne.s32 s15, s7  }
.Ltmp1:
0x4c: {  	[bflag:$0x0] =	sbarrier.arrive $0xFFFF;
	(pc) =	sbr.rel @p0 .LBB2_1-.Ltmp1, $4  }
0x4d: {  	[hbm:s6], [sflag:s5] =	dma.local [spmem:s11], $0x2800  }
0x4e: {  	_ =	swait.ge [sflag:s12], $0x2800  }
0x4f: {  	[sflag:s12] =	ssyncset.done $0x0  }
0x50: {  	[sflag:s12] =	ssyncadd.s32 $0xFFFFD800  }
0x51: {  	_ =	sfence.sel $0x180000  }
0x52: {  	[bflag:$0x0] =	sbarrier.arrive $0xFFFF  }
0x53: {  	p0 =	sne.s32 s1, $0x0;
	_ =	strace $0x9000004D  }
0x54: {  	s0 =	sadd.s32 @!p0 $0x100000, s0;
	[bflag:$0x2] =	sbarrier.arrive $0xFFFF  }
0x55: {  	[sflag:s0] =	ssyncadd.tile.s32 @!p0 $0x1;
	_ =	shalt  }
.Lfunc_end2:
_tile_overlayer_lowered:
.L_overlay_start_2:
0x56: {  	(tag) =	ssettag $0x2  }
0x57: {  	s0 =	rddreg [dreg:$0x0];
	s2 =	stileid.u32  }
0x58: {  	s1 =	rddreg [dreg:$0x1];
	p0 =	sne.s32 s2, $0x0  }
0x59: {  	s3 =	rddreg [dreg:$0x2];
	[bflag:$0x3] =	sbarrier.arrive $0xFFFF;
	s2 =	simm.s32 @!p0 $0x1C03  }
0x5a: {  	[timem:s3], [sflag:s2] =	dma.local @!p0 [hbm:s0], s1  }
0x5b: {  	s0 =	simm.s32 @!p0 $0x3  }
0x5c: {  	_ =	swait.ge @!p0 [sflag:s0], s1  }
0x5d: {  	s1 =	ssub.s32 @!p0 $0x0, s1;
	[sflag:s0] =	ssyncset.done @!p0 $0x0  }
0x5e: {  	[sflag:s0] =	ssyncadd.s32 @!p0 s1  }
0x5f: {  	[bflag:$0x3] =	sbarrier.arrive $0xFFFF  }
0x60: {  	_ =	shalt  }

// kernel: kernel.29.cloned.1.call-start
scs
__scs_entry_jumppad:
0x0: {  	(pc) =	sbr.rel $0x88, $3  }
0x1: {  	(tag) =	ssettag $0x0;
	lr =	simm.s32 $0x1  }
0x2: {  	[smem:$0x3F93] =	sst lr;
	_ =	strace $0xD0000000  }
0x3: {  	_ = 	snop  }
0x4: {  	_ = 	snop  }
0x5: {  	_ = 	snop  }
0x6: {  	_ = 	snop  }
0x7: {  	_ = 	snop  }
__scs_overlays_trampoline_lowered:
0x8: {  	[smem:$0x3FA2] =	sst s0  }
0x9: {  	[smem:$0x3FA3] =	sst s1  }
0xa: {  	[smem:$0x3FA4] =	sst s2  }
0xb: {  	[smem:$0x3FA5] =	sst s3  }
0xc: {  	[smem:$0x3FA6] =	sst s4  }
0xd: {  	[smem:$0x3FA7] =	sst s5  }
0xe: {  	[smem:$0x3FA8] =	sst s6  }
0xf: {  	[smem:$0x3FA9] =	sst s7  }
0x10: {  	[smem:$0x3FAA] =	sst s8  }
0x11: {  	[smem:$0x3FAB] =	sst s9;
	s0 =	simm.s32 @!p0 $0x0  }
0x12: {  	s1 =	sld [smem:$0x3F91];
	s0 =	simm.s32 @p0 $0x1  }
0x13: {  	[smem:$0x3FAC] =	sst s0;
	s0 =	simm.s32 @!p1 $0x0  }
0x14: {  	s2 =	sld [smem:$0x3F90];
	s0 =	simm.s32 @p1 $0x1  }
0x15: {  	[smem:$0x3FAD] =	sst s0;
	s0 =	simm.s32 @!p2 $0x0  }
0x16: {  	s3 =	sld [smem:$0x3FDB];
	s0 =	simm.s32 @p2 $0x1  }
0x17: {  	s4 =	simm.s32 $0x1BF5;
	[smem:$0x3FAF] =	sst s0  }
0x18: {  	s0 =	sld [smem:$0x3F92];
	_ =	swait.ge [sflag:s4], $0x0  }
0x19: {  	s7 =	sld [smem:$0x3F93]  }
0x1a: {  	s8 =	sadd.s32 $0xFFFFE003, lr  }
0x1b: {  	s9 =	sadd.s32 $0xFFFFFEF7, lr;
	s5 =	simm.s32 $0xFFFFFFFF;
	p2 =	slt.u32 s8, $0xFFFFF086  }
0x1c: {  	p1 =	slt.u32 s9, $0xF7A;
	s5 =	simm.s32 @!p2 $0x0  }
0x1d: {  	s5 =	simm.s32 @p1 $0x1;
	p0 =	seq.s32 s7, s2  }
0x1e: {  	s7 =	smul.u32 @!p0 $0xF7A, s2;
	p2 =	seq.s32 @!p0 s5, $0x0  }
0x1f: {  	s9 =	smul.u32 $0xF7A, s1;
	s8 =	simm.s32 @!p0 $0x1BF5;
	p2 =	por !p2, p0  }
0x20: {  	[sflag:s8] =	ssyncset.s32 @!p0 $0xFFFFF086;
	s6 =	sadd.s32 @!p0 s3, s7;
	s7 =	simm.s32 @!p0 $0x108  }
0x21: {  	s3 =	sadd.s32 s3, s9;
	s6 =	sadd.s32 @!p0 $0x88, s6;
	s7 =	simm.s32 @p2 $0x1082  }
0x22: {  	[simem:s7], [sflag:s8] =	dma.local @!p0 [hbm:s6], $0xF7A  }
0x23: {  	s9 =	sor.u32 $0xD0000000, s2;
	s6 =	simm.s32 $0x108;
	_ =	swait.ge @!p0 [sflag:s8], $0x0  }
0x24: {  	s3 =	sadd.s32 $0x88, s3;
	s6 =	simm.s32 @!p1 $0x1082;
	[sflag:s4] =	ssyncset.s32 $0xFFFFF086  }
0x25: {  	[simem:s6], [sflag:s4] =	dma.local [hbm:s3], $0xF7A  }
0x26: {  	[smem:$0x3F93] =	sst s1;
	(tag) =	ssettag s2;
	_ =	strace s9  }
0x27: {  	s1 =	sld [smem:$0x3FA3]  }
0x28: {  	s2 =	sld [smem:$0x3FA4]  }
0x29: {  	s4 =	sld [smem:$0x3FA6]  }
0x2a: {  	p0 =	seq.s32 s5, $0x0;
	s5 =	sld [smem:$0x3FA7]  }
0x2b: {  	s6 =	sld [smem:$0x3FA8]  }
0x2c: {  	s7 =	sld [smem:$0x3FA9]  }
0x2d: {  	s3 =	simm.s32 $0x108;
	s8 =	sld [smem:$0x3FAA]  }
0x2e: {  	s3 =	simm.s32 @!p0 $0x1082;
	s9 =	sld [smem:$0x3FAB]  }
0x2f: {  	lr =	sadd.s32 s0, s3;
	s0 =	sld [smem:$0x3FA2]  }
0x30: {  	s3 =	sld [smem:$0x3FA5]  }
0x31: {  	[smem:$0x3FAE] =	sst s10  }
0x32: {  	s10 =	sld [smem:$0x3FAC];
	_ =	sdelay $0x3  }
0x33: {  	p0 =	seq.s32 s10, $0x1;
	s10 =	sld [smem:$0x3FAE];
	_ =	sdelay $0x3  }
0x34: {  	[smem:$0x3FAE] =	sst s10  }
0x35: {  	s10 =	sld [smem:$0x3FAD];
	_ =	sdelay $0x3  }
0x36: {  	p1 =	seq.s32 s10, $0x1;
	s10 =	sld [smem:$0x3FAE];
	_ =	sdelay $0x3  }
0x37: {  	[smem:$0x3FAE] =	sst s10  }
0x38: {  	s10 =	sld [smem:$0x3FAF]  }
0x39: {  	_ = 	snop;
	(pc) =	sbr.ind lr, $3  }
0x3a: {  	_ = 	snop  }
0x3b: {  	_ = 	snop  }
0x3c: {  	p2 =	seq.s32 s10, $0x1;
	s10 =	sld [smem:$0x3FAE]  }
0x3d: {  	_ =	shalt  }
0x3e: {  	_ =	shalt  }
0x3f: {  	_ =	shalt  }
0x40: {  	_ =	shalt  }
0x41: {  	_ =	shalt  }
0x42: {  	_ =	shalt  }
0x43: {  	_ =	shalt  }
0x44: {  	_ =	shalt  }
0x45: {  	_ =	shalt  }
0x46: {  	_ =	shalt  }
0x47: {  	_ =	shalt  }
0x48: {  	_ =	shalt  }
0x49: {  	_ =	shalt  }
0x4a: {  	_ =	shalt  }
0x4b: {  	_ =	shalt  }
0x4c: {  	_ =	shalt  }
0x4d: {  	_ =	shalt  }
0x4e: {  	_ =	shalt  }
0x4f: {  	_ =	shalt  }
0x50: {  	_ =	shalt  }
0x51: {  	_ =	shalt  }
0x52: {  	_ =	shalt  }
0x53: {  	_ =	shalt  }
0x54: {  	_ =	shalt  }
0x55: {  	_ =	shalt  }
0x56: {  	_ =	shalt  }
0x57: {  	_ =	shalt  }
0x58: {  	_ =	shalt  }
0x59: {  	_ =	shalt  }
0x5a: {  	_ =	shalt  }
0x5b: {  	_ =	shalt  }
0x5c: {  	_ =	shalt  }
0x5d: {  	_ =	shalt  }
0x5e: {  	_ =	shalt  }
0x5f: {  	_ =	shalt  }
0x60: {  	_ =	shalt  }
0x61: {  	_ =	shalt  }
0x62: {  	_ =	shalt  }
0x63: {  	_ =	shalt  }
0x64: {  	_ =	shalt  }
0x65: {  	_ =	shalt  }
0x66: {  	_ =	shalt  }
0x67: {  	_ =	shalt  }
0x68: {  	_ =	shalt  }
0x69: {  	_ =	shalt  }
0x6a: {  	_ =	shalt  }
0x6b: {  	_ =	shalt  }
0x6c: {  	_ =	shalt  }
0x6d: {  	_ =	shalt  }
0x6e: {  	_ =	shalt  }
0x6f: {  	_ =	shalt  }
0x70: {  	_ =	shalt  }
0x71: {  	_ =	shalt  }
0x72: {  	_ =	shalt  }
0x73: {  	_ =	shalt  }
0x74: {  	_ =	shalt  }
0x75: {  	_ =	shalt  }
0x76: {  	_ =	shalt  }
0x77: {  	_ =	shalt  }
0x78: {  	_ =	shalt  }
0x79: {  	_ =	shalt  }
0x7a: {  	_ =	shalt  }
0x7b: {  	_ =	shalt  }
0x7c: {  	_ =	shalt  }
0x7d: {  	_ =	shalt  }
0x7e: {  	_ =	shalt  }
0x7f: {  	_ =	shalt  }
0x80: {  	_ =	shalt  }
0x81: {  	_ =	shalt  }
0x82: {  	_ =	shalt  }
0x83: {  	_ =	shalt  }
0x84: {  	_ =	shalt  }
0x85: {  	_ =	shalt  }
0x86: {  	_ =	shalt  }
0x87: {  	_ =	shalt  }
.Lfunc_end0:
.L_simem_size_0:
called_computation.4_lowered:
.L_overlay_start_0:
0x88: {  	s2 =	sld [smem:$0x3FD9]  }
0x89: {  	s3 =	sld [smem:$0x3FFE];
	_ =	sdelay $0x1  }
0x8a: {  	s1 =	srdreg.scid  }
0x8b: {  	s0 =	sand.u32 $0x1, s1  }
0x8c: {  	s17 =	sshll.u32 s0, $0xA;
	s2 =	sadd.s32 s3, s2  }
0x8d: {  	s2 =	sadd.s32 s2, s17  }
0x8e: {  	[smem:$0x3FBA] =	sst s2  }
0x8f: {  	_ = 	snop  }
0x90: {  	s18 =	sld [smem:$0x3FD0];
	(tm) =	ssettm $0x1  }
0x91: {  	s19 =	sld [smem:$0x3FFB];
	_ =	sdelay $0x3  }
0x92: {  	_ =	strace s19  }
0x93: {  	s2 =	sld [smem:$0x3FFC];
	_ =	sdelay $0x3  }
0x94: {  	_ =	strace s2  }
0x95: {  	s2 =	sld [smem:$0x3FFD];
	_ =	sdelay $0x3  }
0x96: {  	_ =	strace s2  }
0x97: {  	_ =	strace $0x8FFFFFFF  }
0x98: {  	s20 =	sld [smem:$0x3FDB];
	_ =	sdelay $0x1  }
0x99: {  	s4 =	simm.s32 $_scs_section_size  }
0x9a: {  	s5 =	simm.s32 $_size__tile_overlayer_lowered;
	s6 =	simm.s32 $_tile_overlayer_lowered  }
0x9b: {  	s7 =	simm.s32 $0x1BFF;
	s21 =	sshll.u32 s6, $0x1;
	s4 =	sadd.s32 s4, s20  }
0x9c: {  	s22 =	simm.s32 $0x0;
	s5 =	sshll.u32 s5, $0x1;
	s6 =	sadd.s32 s21, s4  }
0x9d: {  	[timem:s22], [sflag:s7] =	dma.local [hbm:s6], s5  }
0x9e: {  	_ =	swait.ge [sflag:s7], s5  }
0x9f: {  	s5 =	ssub.s32 $0x0, s5;
	[sflag:s7] =	ssyncset.done $0x0  }
0xa0: {  	[sflag:s7] =	ssyncadd.s32 s5;
	_ =	sdelay $0x1  }
0xa1: {  	s23 =	simm.s32 $0x1B8B  }
0xa2: {  	_ =	swait.ge [sflag:s23], $0x1  }
0xa3: {  	[sflag:s23] =	ssyncset.done $0x0  }
0xa4: {  	[sflag:s23] =	ssyncadd.s32 $0xFFFFFFFF  }
0xa5: {  	s5 =	sld [smem:$0x0]  }
0xa6: {  	s6 =	sand.u32 $0xFFFFFFFE, s1  }
0xa7: {  	p0 =	sne.s32 s1, s6  }
0xa8: {  	s6 =	sshll.u32 @p0 s6, $0xE  }
0xa9: {  	s6 =	sadd.s32 @p0 $0x11B8D, s6;
	s7 =	sshll.u32 @p0 s5, $0x11  }
0xaa: {  	s6 =	sor.u32 @p0 s7, s6  }
0xab: {  	[sflag:s6] =	ssyncadd.remote.s32 @p0 $0x1;
	_ =	sdelay $0x1  }
0xac: {  	s6 =	simm.s32 @p0 $0x1B8D  }
0xad: {  	_ =	swait.eq @p0 [sflag:s6], $0x1  }
0xae: {  	[sflag:s6] =	ssyncadd.s32 @p0 $0xFFFFFFFF  }
0xaf: {  	s7 =	sshll.u32 @!p0 s1, $0xE  }
0xb0: {  	s7 =	sor.u32 @!p0 $0x4000, s7;
	s6 =	simm.s32 @!p0 $0x1B8D  }
0xb1: {  	s5 =	sshll.u32 @!p0 s5, $0x11;
	s7 =	sadd.s32 @!p0 $0x11B8D, s7;
	_ =	swait.eq @!p0 [sflag:s6], $0x1  }
0xb2: {  	s5 =	sor.u32 @!p0 s5, s7;
	[sflag:s6] =	ssyncadd.s32 @!p0 $0xFFFFFFFF  }
0xb3: {  	s25 =	simm.s32 $0x1B8E;
	s24 =	sld [smem:$0x3FFE];
	[sflag:s5] =	ssyncadd.remote.s32 @!p0 $0x1  }
0xb4: {  	s26 =	simm.s32 $execute0_lowered;
	[smem:$0x3FD2] =	sst s25  }
0xb5: {  	s6 =	sshll.u32 s26, $0x1;
	_ =	strace $0x80000055;
	[dreg:$0x1] =	wrdreg $0xFFFFFFFF  }
0xb6: {  	s28 =	simm.s32 $_size_execute0_lowered;
	s4 =	sadd.s32 s4, s6;
	[dreg:$0x0] =	wrdreg $0x0  }
0xb7: {  	s6 =	sshll.u32 s28, $0x1;
	[dreg:$0x2] =	wrdreg s4  }
0xb8: {  	[dreg:$0x3] =	wrdreg s6  }
0xb9: {  	[dreg:$0x4] =	wrdreg $0xC0  }
0xba: {  	_ =	task [dreg:s22], $0x5FFFF  }
0xbb: {  	[dreg:$0x1] =	wrdreg $0xFFFFFFFF  }
0xbc: {  	[dreg:$0x0] =	wrdreg $0x60  }
0xbd: {  	[dreg:$0x2] =	wrdreg s18  }
0xbe: {  	[dreg:$0x3] =	wrdreg s24  }
0xbf: {  	[dreg:$0x4] =	wrdreg $0x9  }
0xc0: {  	_ =	task.clear_ibuf [dreg:s22], $0x5FFFF;
	_ =	strace $0x90000055  }
0xc1: {  	s29 =	simm.s32 $0x9;
	_ =	strace $0x80000057  }
0xc2: {  	_ =	swait.ge [sflag:s29], $0x1  }
0xc3: {  	[sflag:s29] =	ssyncadd.s32 $0xFFFFFFFF  }
0xc4: {  	_ =	strace $0x90000057  }
0xc5: {  	_ =	sfence  }
0xc6: {  	s30 =	sld [smem:$0x0];
	_ =	sdelay $0x2  }
0xc7: {  	s31 =	sshll.u32 s1, $0xD;
	s1 =	sshrl.u32 s1, $0x2  }
0xc8: {  	s4 =	sand.u32 $0x4000, s31;
	s1 =	sadd.s32 s1, s30  }
0xc9: {  	s0 =	sor.u32 s4, s0;
	s1 =	sshll.u32 s1, $0x11  }
0xca: {  	s0 =	sor.u32 s1, s0  }
0xcb: {  	s0 =	sadd.s32 $0x8F2B, s0  }
0xcc: {  	[sflag:s0] =	ssyncadd.remote.s32 $0x1  }
0xcd: {  	_ =	sfence.sel $0xFFFF  }
0xce: {  	[dreg:$0x0] =	wrdreg $0xFFFFFFFF;
	(pc) =	sbr.abs _section_cstart, $3  }
0xcf: {  	[dreg:$0x1] =	wrdreg $0xFFFFFFFF  }
0xd0: {  	_ =	task.clear_ibuf [dreg:s22], $0x2FFFF;
	_ =	strace $0x9FFFFFFF  }
0xd1: {  	(tm) =	ssettm $0x7FFFFFFF  }
tec
execute0_lowered:
.L_overlay_start_1:
0x0: {  	(tag) =	ssettag $0x1  }
0x1: {  	s1 =	rddreg [dreg:$0x0]  }
0x2: {  	s4 =	rddreg [dreg:$0x1]  }
0x3: {  	s0 =	rddreg [dreg:$0x2];
	s3 =	simm.s32 $0x0;
	s5 =	srdreg.scid  }
0x4: {  	s2 =	stileid.u32;
	s11 =	simm.s32 $0x4200;
	s12 =	simm.s32 $0x1  }
0x5: {  	s13 =	simm.s32 $0x0;
	[smem:$0x7FF] =	sst s3;
	s5 =	sand.u32 $0x1, s5  }
0x6: {  	s6 =	sshll.u32 s2, $0x6;
	s8 =	sshll.u32 s2, $0xD;
	s30 =	sshll.u32 s2, $0x1  }
0x7: {  	_ =	strace $0x80000056;
	s7 =	ssub.s32 $0x2, s5;
	s6 =	sadd.s32 s6, s4  }
0x8: {  	s8 =	sadd.s32 s8, s4;
	s31 =	sshll.u32 s5, $0xC;
	s10 =	sshll.u32 s5, $0x5  }
0x9: {  	s9 =	sshrl.u32 s7, $0x1;
	s8 =	sadd.s32 s31, s8;
	s6 =	sadd.s32 s10, s6  }
0xa: {  	s10 =	simm.s32 $0x200;
	s29 =	ssub.s32 s7, s9;
	s7 =	sor.u32 s5, s30  }
0xb: {  	s5 =	sadd.s32 $0x7B9400, s8;
	s6 =	sadd.s32 $0x53E400, s6;
	s8 =	simm.s32 $0x4  }
0xc: {  	s9 =	simm.s32 $0x80;
	s4 =	smax.u32 s29, $0x1;
	s7 =	sor.u32 $0x20, s7  }
.LBB2_1:
0xd: {  	[tilespmem:s3], [sflag:$0x4] =	stream.linear.gather [hbm4b:s6+s3], $0x100, $0x38;
	[tilespmem:$0x10200] =	vst v63  }
0xe: {  	_ =	swait.ge [sflag:s8], $0x100  }
0xf: {  	[sflag:s8] =	ssyncset.done $0x0  }
0x10: {  	p0 =	sgt.u32 s7, $0x270;
	[sflag:s8] =	ssyncadd.s32 $0xFFFFFF00  }
0x11: {  	[tilespmem:s10], [sflag:$0x1] =	stream.indirect.gather [hbm4b:s1+s9], $0x80, s3, s9, $0xb8;
	[tilespmem:$0x10200] =	vst v63  }
0x12: {  	s14 =	sadd.s32 @!p0 $0x400, s6  }
0x13: {  	[tilespmem:s11], [sflag:$0x1] =	stream.indirect.gather [hbm4b:s1+s9], $0x80, s9, s9, $0xb8;
	[tilespmem:$0x10200] =	vst v63  }
0x14: {  	s15 =	simm.s32 @!p0 $0x0;
	s16 =	simm.s32 @!p0 $0x100;
	s17 =	simm.s32 @!p0 $0x4  }
0x15: {  	[tilespmem:s16], [sflag:$0x4] =	stream.linear.gather @!p0 [hbm4b:s14+s15], $0x100, $0x38;
	[tilespmem:$0x10200] =	vst v63  }
0x16: {  	_ =	swait.ge @!p0 [sflag:s17], $0x100  }
0x17: {  	[sflag:s17] =	ssyncset.done @!p0 $0x0  }
0x18: {  	s18 =	simm.s32 @!p0 $0x8200;
	s14 =	simm.s32 @!p0 $0x80;
	[sflag:s17] =	ssyncadd.s32 @!p0 $0xFFFFFF00  }
0x19: {  	[tilespmem:s18], [sflag:$0x2] =	stream.indirect.gather @!p0 [hbm4b:s1+s14], $0x80, s16, s14, $0xb8;
	[tilespmem:$0x10200] =	vst v63  }
0x1a: {  	s17 =	simm.s32 @!p0 $0xC200;
	s16 =	simm.s32 @!p0 $0x180  }
0x1b: {  	[tilespmem:s17], [sflag:$0x2] =	stream.indirect.gather @!p0 [hbm4b:s1+s14], $0x80, s16, s14, $0xb8;
	[tilespmem:$0x10200] =	vst v63  }
0x1c: {  	_ =	swait.ge [sflag:s12], $0x4000  }
0x1d: {  	[sflag:s12] =	ssyncset.done $0x0  }
0x1e: {  	[sflag:s12] =	ssyncadd.s32 $0xFFFFC000  }
0x1f: {  	_ =	swait.ge [sflag:s12], $0x4000  }
0x20: {  	[sflag:s12] =	ssyncset.done $0x0  }
0x21: {  	s31 =	sadd.s32 $0x0, s5;
	[sflag:s12] =	ssyncadd.s32 $0xFFFFC000  }
0x22: {  	[hbm4b:s31+s3] =	stream.linear.scatter [tilespmem:s10], [sflag:$0x4], $0x8000, $0x38;
	[tilespmem:$0x10200] =	vst v63  }
0x23: {  	_ =	swait.ge [sflag:s8], $0x8000  }
0x24: {  	[sflag:s8] =	ssyncset.done $0x0  }
0x25: {  	s14 =	simm.s32 @!p0 $0x2;
	[sflag:s8] =	ssyncadd.s32 $0xFFFF8000  }
0x26: {  	_ =	swait.ge @!p0 [sflag:s14], $0x4000  }
0x27: {  	[sflag:s14] =	ssyncset.done @!p0 $0x0  }
0x28: {  	[sflag:s14] =	ssyncadd.s32 @!p0 $0xFFFFC000  }
0x29: {  	_ =	swait.ge @!p0 [sflag:s14], $0x4000  }
0x2a: {  	s16 =	sadd.s32 @!p0 $0x0, s5;
	s17 =	simm.s32 @!p0 $0x3;
	[sflag:s14] =	ssyncset.done @!p0 $0x0  }
0x2b: {  	s16 =	sadd.s32 @!p0 $0x20000, s16;
	[sflag:s14] =	ssyncadd.s32 @!p0 $0xFFFFC000;
	s14 =	simm.s32 $0x40000  }
0x2c: {  	[hbm4b:s16+s15] =	stream.linear.scatter @!p0 [tilespmem:s18], [sflag:$0x3], $0x8000, $0x38;
	[tilespmem:$0x10200] =	vst v63  }
0x2d: {  	s15 =	sadd.s32 $0x40, s7;
	s16 =	smov.u32 s6;
	_ =	swait.ge @!p0 [sflag:s17], $0x8000  }
.LBB2_2:
0x2e: {  	[sflag:s17] =	ssyncset.done @!p0 $0x0  }
0x2f: {  	s16 =	sadd.s32 $0x800, s16;
	s18 =	smov.u32 s14;
	s14 =	sadd.s32 $0x40000, s14  }
0x30: {  	p1 =	sne.s32 s14, $0x280000;
	[sflag:s17] =	ssyncadd.s32 @!p0 $0xFFFF8000  }
0x31: {  	[tilespmem:s3], [sflag:$0x4] =	stream.linear.gather [hbm4b:s16+s3], $0x100, $0x38;
	[tilespmem:$0x10200] =	vst v63  }
0x32: {  	_ =	swait.ge [sflag:s8], $0x100  }
0x33: {  	[sflag:s8] =	ssyncset.done $0x0  }
0x34: {  	p0 =	sgt.u32 s15, $0x270;
	[sflag:s8] =	ssyncadd.s32 $0xFFFFFF00  }
0x35: {  	[tilespmem:s10], [sflag:$0x1] =	stream.indirect.gather [hbm4b:s1+s9], $0x80, s3, s9, $0xb8;
	[tilespmem:$0x10200] =	vst v63  }
0x36: {  	s17 =	sadd.s32 @!p0 $0x400, s16;
	s19 =	simm.s32 @!p0 $0x0;
	s20 =	simm.s32 @!p0 $0x100  }
0x37: {  	[tilespmem:s11], [sflag:$0x1] =	stream.indirect.gather [hbm4b:s1+s9], $0x80, s9, s9, $0xb8;
	[tilespmem:$0x10200] =	vst v63  }
0x38: {  	s21 =	simm.s32 @!p0 $0x4;
	s22 =	sadd.s32 @!p0 s18, s5  }
0x39: {  	[tilespmem:s20], [sflag:$0x4] =	stream.linear.gather @!p0 [hbm4b:s17+s19], $0x100, $0x38;
	[tilespmem:$0x10200] =	vst v63  }
0x3a: {  	s22 =	sadd.s32 @!p0 $0x20000, s22;
	_ =	swait.ge @!p0 [sflag:s21], $0x100  }
0x3b: {  	s23 =	simm.s32 @!p0 $0x8200;
	s17 =	simm.s32 @!p0 $0x80;
	[sflag:s21] =	ssyncset.done @!p0 $0x0  }
0x3c: {  	s24 =	simm.s32 @!p0 $0xC200;
	[sflag:s21] =	ssyncadd.s32 @!p0 $0xFFFFFF00;
	s21 =	simm.s32 @!p0 $0x180  }
0x3d: {  	[tilespmem:s23], [sflag:$0x2] =	stream.indirect.gather @!p0 [hbm4b:s1+s17], $0x80, s20, s17, $0xb8;
	[tilespmem:$0x10200] =	vst v63  }
0x3e: {  	_ = 	snop  }
0x3f: {  	[tilespmem:s24], [sflag:$0x2] =	stream.indirect.gather @!p0 [hbm4b:s1+s17], $0x80, s21, s17, $0xb8;
	[tilespmem:$0x10200] =	vst v63  }
0x40: {  	_ =	swait.ge [sflag:s12], $0x4000  }
0x41: {  	[sflag:s12] =	ssyncset.done $0x0  }
0x42: {  	[sflag:s12] =	ssyncadd.s32 $0xFFFFC000  }
0x43: {  	_ =	swait.ge [sflag:s12], $0x4000  }
0x44: {  	s17 =	sadd.s32 s18, s5;
	[sflag:s12] =	ssyncset.done $0x0  }
0x45: {  	[sflag:s12] =	ssyncadd.s32 $0xFFFFC000  }
0x46: {  	[hbm4b:s17+s3] =	stream.linear.scatter [tilespmem:s10], [sflag:$0x4], $0x8000, $0x38;
	[tilespmem:$0x10200] =	vst v63  }
0x47: {  	_ =	swait.ge [sflag:s8], $0x8000  }
0x48: {  	s17 =	simm.s32 @!p0 $0x2;
	[sflag:s8] =	ssyncset.done $0x0  }
0x49: {  	[sflag:s8] =	ssyncadd.s32 $0xFFFF8000  }
0x4a: {  	_ =	swait.ge @!p0 [sflag:s17], $0x4000  }
0x4b: {  	[sflag:s17] =	ssyncset.done @!p0 $0x0  }
0x4c: {  	[sflag:s17] =	ssyncadd.s32 @!p0 $0xFFFFC000  }
.Ltmp0:
0x4d: {  	_ =	swait.ge @!p0 [sflag:s17], $0x4000;
	(pc) =	sbr.rel @p1 .LBB2_2-.Ltmp0, $4  }
0x4e: {  	[sflag:s17] =	ssyncset.done @!p0 $0x0  }
0x4f: {  	[sflag:s17] =	ssyncadd.s32 @!p0 $0xFFFFC000;
	s17 =	simm.s32 @!p0 $0x3  }
0x50: {  	[hbm4b:s22+s19] =	stream.linear.scatter @!p0 [tilespmem:s23], [sflag:$0x3], $0x8000, $0x38;
	[tilespmem:$0x10200] =	vst v63  }
0x51: {  	s15 =	sadd.s32 $0x40, s15;
	_ =	swait.ge @!p0 [sflag:s17], $0x8000  }
0x52: {  	s13 =	sadd.s32 $0x1, s13  }
0x53: {  	p1 =	sne.s32 s13, s4  }
.Ltmp1:
0x54: {  	_ = 	snop;
	(pc) =	sbr.rel @p1 .LBB2_1-.Ltmp1, $3  }
0x55: {  	_ =	sdelay $0x1  }
0x56: {  	[sflag:s17] =	ssyncset.done @!p0 $0x0  }
0x57: {  	[sflag:s17] =	ssyncadd.s32 @!p0 $0xFFFF8000  }
0x58: {  	_ =	sfence.sel $0x180000  }
0x59: {  	[bflag:$0x0] =	sbarrier.arrive $0xFFFF  }
0x5a: {  	p0 =	sne.s32 s2, $0x0;
	_ =	strace $0x90000056  }
0x5b: {  	s0 =	sadd.s32 @!p0 $0x100000, s0;
	[bflag:$0x2] =	sbarrier.arrive $0xFFFF  }
0x5c: {  	[sflag:s0] =	ssyncadd.tile.s32 @!p0 $0x1;
	_ =	shalt  }
.Lfunc_end2:
_tile_overlayer_lowered:
.L_overlay_start_2:
0x5d: {  	(tag) =	ssettag $0x2  }
0x5e: {  	s0 =	rddreg [dreg:$0x0];
	s2 =	stileid.u32  }
0x5f: {  	s1 =	rddreg [dreg:$0x1];
	p0 =	sne.s32 s2, $0x0  }
0x60: {  	s3 =	rddreg [dreg:$0x2];
	[bflag:$0x3] =	sbarrier.arrive $0xFFFF;
	s2 =	simm.s32 @!p0 $0x1C03  }
0x61: {  	[timem:s3], [sflag:s2] =	dma.local @!p0 [hbm:s0], s1  }
0x62: {  	s0 =	simm.s32 @!p0 $0x3  }
0x63: {  	_ =	swait.ge @!p0 [sflag:s0], s1  }
0x64: {  	s1 =	ssub.s32 @!p0 $0x0, s1;
	[sflag:s0] =	ssyncset.done @!p0 $0x0  }
0x65: {  	[sflag:s0] =	ssyncadd.s32 @!p0 s1  }
0x66: {  	[bflag:$0x3] =	sbarrier.arrive $0xFFFF  }
0x67: {  	_ =	shalt  }

// kernel: kernel.32.cloned.1.call-start
scs
__scs_entry_jumppad:
0x0: {  	(pc) =	sbr.rel $0x88, $3  }
0x1: {  	(tag) =	ssettag $0x0;
	lr =	simm.s32 $0x1  }
0x2: {  	[smem:$0x3F93] =	sst lr;
	_ =	strace $0xD0000000  }
0x3: {  	_ = 	snop  }
0x4: {  	_ = 	snop  }
0x5: {  	_ = 	snop  }
0x6: {  	_ = 	snop  }
0x7: {  	_ = 	snop  }
__scs_overlays_trampoline_lowered:
0x8: {  	[smem:$0x3FA2] =	sst s0  }
0x9: {  	[smem:$0x3FA3] =	sst s1  }
0xa: {  	[smem:$0x3FA4] =	sst s2  }
0xb: {  	[smem:$0x3FA5] =	sst s3  }
0xc: {  	[smem:$0x3FA6] =	sst s4  }
0xd: {  	[smem:$0x3FA7] =	sst s5  }
0xe: {  	[smem:$0x3FA8] =	sst s6  }
0xf: {  	[smem:$0x3FA9] =	sst s7  }
0x10: {  	[smem:$0x3FAA] =	sst s8  }
0x11: {  	[smem:$0x3FAB] =	sst s9;
	s0 =	simm.s32 @!p0 $0x0  }
0x12: {  	s1 =	sld [smem:$0x3F91];
	s0 =	simm.s32 @p0 $0x1  }
0x13: {  	[smem:$0x3FAC] =	sst s0;
	s0 =	simm.s32 @!p1 $0x0  }
0x14: {  	s2 =	sld [smem:$0x3F90];
	s0 =	simm.s32 @p1 $0x1  }
0x15: {  	[smem:$0x3FAD] =	sst s0;
	s0 =	simm.s32 @!p2 $0x0  }
0x16: {  	s3 =	sld [smem:$0x3FDB];
	s0 =	simm.s32 @p2 $0x1  }
0x17: {  	s4 =	simm.s32 $0x1BF5;
	[smem:$0x3FAF] =	sst s0  }
0x18: {  	s0 =	sld [smem:$0x3F92];
	_ =	swait.ge [sflag:s4], $0x0  }
0x19: {  	s7 =	sld [smem:$0x3F93]  }
0x1a: {  	s8 =	sadd.s32 $0xFFFFE003, lr  }
0x1b: {  	s9 =	sadd.s32 $0xFFFFFEF7, lr;
	s5 =	simm.s32 $0xFFFFFFFF;
	p2 =	slt.u32 s8, $0xFFFFF086  }
0x1c: {  	p1 =	slt.u32 s9, $0xF7A;
	s5 =	simm.s32 @!p2 $0x0  }
0x1d: {  	s5 =	simm.s32 @p1 $0x1;
	p0 =	seq.s32 s7, s2  }
0x1e: {  	s7 =	smul.u32 @!p0 $0xF7A, s2;
	p2 =	seq.s32 @!p0 s5, $0x0  }
0x1f: {  	s9 =	smul.u32 $0xF7A, s1;
	s8 =	simm.s32 @!p0 $0x1BF5;
	p2 =	por !p2, p0  }
0x20: {  	[sflag:s8] =	ssyncset.s32 @!p0 $0xFFFFF086;
	s6 =	sadd.s32 @!p0 s3, s7;
	s7 =	simm.s32 @!p0 $0x108  }
0x21: {  	s3 =	sadd.s32 s3, s9;
	s6 =	sadd.s32 @!p0 $0x88, s6;
	s7 =	simm.s32 @p2 $0x1082  }
0x22: {  	[simem:s7], [sflag:s8] =	dma.local @!p0 [hbm:s6], $0xF7A  }
0x23: {  	s9 =	sor.u32 $0xD0000000, s2;
	s6 =	simm.s32 $0x108;
	_ =	swait.ge @!p0 [sflag:s8], $0x0  }
0x24: {  	s3 =	sadd.s32 $0x88, s3;
	s6 =	simm.s32 @!p1 $0x1082;
	[sflag:s4] =	ssyncset.s32 $0xFFFFF086  }
0x25: {  	[simem:s6], [sflag:s4] =	dma.local [hbm:s3], $0xF7A  }
0x26: {  	[smem:$0x3F93] =	sst s1;
	(tag) =	ssettag s2;
	_ =	strace s9  }
0x27: {  	s1 =	sld [smem:$0x3FA3]  }
0x28: {  	s2 =	sld [smem:$0x3FA4]  }
0x29: {  	s4 =	sld [smem:$0x3FA6]  }
0x2a: {  	p0 =	seq.s32 s5, $0x0;
	s5 =	sld [smem:$0x3FA7]  }
0x2b: {  	s6 =	sld [smem:$0x3FA8]  }
0x2c: {  	s7 =	sld [smem:$0x3FA9]  }
0x2d: {  	s3 =	simm.s32 $0x108;
	s8 =	sld [smem:$0x3FAA]  }
0x2e: {  	s3 =	simm.s32 @!p0 $0x1082;
	s9 =	sld [smem:$0x3FAB]  }
0x2f: {  	lr =	sadd.s32 s0, s3;
	s0 =	sld [smem:$0x3FA2]  }
0x30: {  	s3 =	sld [smem:$0x3FA5]  }
0x31: {  	[smem:$0x3FAE] =	sst s10  }
0x32: {  	s10 =	sld [smem:$0x3FAC];
	_ =	sdelay $0x3  }
0x33: {  	p0 =	seq.s32 s10, $0x1;
	s10 =	sld [smem:$0x3FAE];
	_ =	sdelay $0x3  }
0x34: {  	[smem:$0x3FAE] =	sst s10  }
0x35: {  	s10 =	sld [smem:$0x3FAD];
	_ =	sdelay $0x3  }
0x36: {  	p1 =	seq.s32 s10, $0x1;
	s10 =	sld [smem:$0x3FAE];
	_ =	sdelay $0x3  }
0x37: {  	[smem:$0x3FAE] =	sst s10  }
0x38: {  	s10 =	sld [smem:$0x3FAF]  }
0x39: {  	_ = 	snop;
	(pc) =	sbr.ind lr, $3  }
0x3a: {  	_ = 	snop  }
0x3b: {  	_ = 	snop  }
0x3c: {  	p2 =	seq.s32 s10, $0x1;
	s10 =	sld [smem:$0x3FAE]  }
0x3d: {  	_ =	shalt  }
0x3e: {  	_ =	shalt  }
0x3f: {  	_ =	shalt  }
0x40: {  	_ =	shalt  }
0x41: {  	_ =	shalt  }
0x42: {  	_ =	shalt  }
0x43: {  	_ =	shalt  }
0x44: {  	_ =	shalt  }
0x45: {  	_ =	shalt  }
0x46: {  	_ =	shalt  }
0x47: {  	_ =	shalt  }
0x48: {  	_ =	shalt  }
0x49: {  	_ =	shalt  }
0x4a: {  	_ =	shalt  }
0x4b: {  	_ =	shalt  }
0x4c: {  	_ =	shalt  }
0x4d: {  	_ =	shalt  }
0x4e: {  	_ =	shalt  }
0x4f: {  	_ =	shalt  }
0x50: {  	_ =	shalt  }
0x51: {  	_ =	shalt  }
0x52: {  	_ =	shalt  }
0x53: {  	_ =	shalt  }
0x54: {  	_ =	shalt  }
0x55: {  	_ =	shalt  }
0x56: {  	_ =	shalt  }
0x57: {  	_ =	shalt  }
0x58: {  	_ =	shalt  }
0x59: {  	_ =	shalt  }
0x5a: {  	_ =	shalt  }
0x5b: {  	_ =	shalt  }
0x5c: {  	_ =	shalt  }
0x5d: {  	_ =	shalt  }
0x5e: {  	_ =	shalt  }
0x5f: {  	_ =	shalt  }
0x60: {  	_ =	shalt  }
0x61: {  	_ =	shalt  }
0x62: {  	_ =	shalt  }
0x63: {  	_ =	shalt  }
0x64: {  	_ =	shalt  }
0x65: {  	_ =	shalt  }
0x66: {  	_ =	shalt  }
0x67: {  	_ =	shalt  }
0x68: {  	_ =	shalt  }
0x69: {  	_ =	shalt  }
0x6a: {  	_ =	shalt  }
0x6b: {  	_ =	shalt  }
0x6c: {  	_ =	shalt  }
0x6d: {  	_ =	shalt  }
0x6e: {  	_ =	shalt  }
0x6f: {  	_ =	shalt  }
0x70: {  	_ =	shalt  }
0x71: {  	_ =	shalt  }
0x72: {  	_ =	shalt  }
0x73: {  	_ =	shalt  }
0x74: {  	_ =	shalt  }
0x75: {  	_ =	shalt  }
0x76: {  	_ =	shalt  }
0x77: {  	_ =	shalt  }
0x78: {  	_ =	shalt  }
0x79: {  	_ =	shalt  }
0x7a: {  	_ =	shalt  }
0x7b: {  	_ =	shalt  }
0x7c: {  	_ =	shalt  }
0x7d: {  	_ =	shalt  }
0x7e: {  	_ =	shalt  }
0x7f: {  	_ =	shalt  }
0x80: {  	_ =	shalt  }
0x81: {  	_ =	shalt  }
0x82: {  	_ =	shalt  }
0x83: {  	_ =	shalt  }
0x84: {  	_ =	shalt  }
0x85: {  	_ =	shalt  }
0x86: {  	_ =	shalt  }
0x87: {  	_ =	shalt  }
.Lfunc_end0:
.L_simem_size_0:
called_computation.5_lowered:
.L_overlay_start_0:
0x88: {  	s2 =	sld [smem:$0x3FD9]  }
0x89: {  	s3 =	sld [smem:$0x3FFE];
	_ =	sdelay $0x1  }
0x8a: {  	s1 =	srdreg.scid  }
0x8b: {  	s0 =	sand.u32 $0x1, s1  }
0x8c: {  	s17 =	sshll.u32 s0, $0xA;
	s2 =	sadd.s32 s3, s2  }
0x8d: {  	s2 =	sadd.s32 s2, s17  }
0x8e: {  	[smem:$0x3FBA] =	sst s2  }
0x8f: {  	_ = 	snop  }
0x90: {  	s2 =	sld [smem:$0x3FD0];
	(tm) =	ssettm $0x1  }
0x91: {  	s18 =	sld [smem:$0x3FFB];
	_ =	sdelay $0x3  }
0x92: {  	_ =	strace s18  }
0x93: {  	s3 =	sld [smem:$0x3FFC];
	_ =	sdelay $0x3  }
0x94: {  	_ =	strace s3  }
0x95: {  	s3 =	sld [smem:$0x3FFD];
	_ =	sdelay $0x3  }
0x96: {  	_ =	strace s3  }
0x97: {  	_ =	strace $0x8FFFFFFF  }
0x98: {  	s19 =	sld [smem:$0x3FDB];
	_ =	sdelay $0x1  }
0x99: {  	s4 =	simm.s32 $_scs_section_size  }
0x9a: {  	s5 =	simm.s32 $_size__tile_overlayer_lowered;
	s6 =	simm.s32 $_tile_overlayer_lowered  }
0x9b: {  	s22 =	simm.s32 $0x1BFF;
	s21 =	sshll.u32 s6, $0x1;
	s3 =	sadd.s32 s4, s19  }
0x9c: {  	s7 =	simm.s32 $0x0;
	s20 =	sshll.u32 s5, $0x1;
	s5 =	sadd.s32 s21, s3  }
0x9d: {  	[timem:s7], [sflag:s22] =	dma.local [hbm:s5], s20  }
0x9e: {  	_ =	swait.ge [sflag:s22], s20  }
0x9f: {  	s4 =	ssub.s32 $0x0, s20;
	[sflag:s22] =	ssyncset.done $0x0  }
0xa0: {  	[sflag:s22] =	ssyncadd.s32 s4;
	_ =	sdelay $0x1  }
0xa1: {  	s23 =	simm.s32 $0x1B8B  }
0xa2: {  	_ =	swait.ge [sflag:s23], $0x1  }
0xa3: {  	[sflag:s23] =	ssyncset.done $0x0  }
0xa4: {  	s25 =	simm.s32 $0x1B8E;
	s24 =	sld [smem:$0x3FFE];
	[sflag:s23] =	ssyncadd.s32 $0xFFFFFFFF  }
0xa5: {  	s26 =	simm.s32 $execute0_lowered;
	[smem:$0x3FD2] =	sst s25  }
0xa6: {  	s5 =	sshll.u32 s26, $0x1;
	_ =	strace $0x80000052;
	[dreg:$0x1] =	wrdreg $0xFFFFFFFF  }
0xa7: {  	s28 =	simm.s32 $_size_execute0_lowered;
	s3 =	sadd.s32 s3, s5;
	[dreg:$0x0] =	wrdreg $0x0  }
0xa8: {  	s5 =	sshll.u32 s28, $0x1;
	[dreg:$0x2] =	wrdreg s3  }
0xa9: {  	[dreg:$0x3] =	wrdreg s5  }
0xaa: {  	[dreg:$0x4] =	wrdreg $0xC0  }
0xab: {  	_ =	task [dreg:s7], $0x5FFFF  }
0xac: {  	[dreg:$0x1] =	wrdreg $0xFFFFFFFF  }
0xad: {  	[dreg:$0x0] =	wrdreg $0x60  }
0xae: {  	[dreg:$0x2] =	wrdreg s2  }
0xaf: {  	[dreg:$0x3] =	wrdreg s24  }
0xb0: {  	[dreg:$0x4] =	wrdreg $0xA  }
0xb1: {  	_ =	task.clear_ibuf [dreg:s7], $0x5FFFF;
	_ =	strace $0x90000052  }
0xb2: {  	s29 =	simm.s32 $0xA;
	_ =	strace $0x80000054  }
0xb3: {  	_ =	swait.ge [sflag:s29], $0x1  }
0xb4: {  	[sflag:s29] =	ssyncadd.s32 $0xFFFFFFFF  }
0xb5: {  	_ =	strace $0x90000054  }
0xb6: {  	_ =	sfence  }
0xb7: {  	s30 =	sld [smem:$0x0];
	_ =	sdelay $0x2  }
0xb8: {  	s31 =	sshll.u32 s1, $0xD;
	s1 =	sshrl.u32 s1, $0x2  }
0xb9: {  	s3 =	sand.u32 $0x4000, s31;
	s1 =	sadd.s32 s1, s30  }
0xba: {  	s0 =	sor.u32 s3, s0;
	s1 =	sshll.u32 s1, $0x11  }
0xbb: {  	s0 =	sor.u32 s1, s0  }
0xbc: {  	s0 =	sadd.s32 $0x8F2B, s0  }
0xbd: {  	[sflag:s0] =	ssyncadd.remote.s32 $0x1  }
0xbe: {  	_ =	sfence.sel $0xFFFF  }
0xbf: {  	[dreg:$0x0] =	wrdreg $0xFFFFFFFF;
	(pc) =	sbr.abs _section_cstart, $3  }
0xc0: {  	[dreg:$0x1] =	wrdreg $0xFFFFFFFF  }
0xc1: {  	_ =	task.clear_ibuf [dreg:s7], $0x2FFFF;
	_ =	strace $0x9FFFFFFF  }
0xc2: {  	(tm) =	ssettm $0x7FFFFFFF  }
0xc3: {  	_ =	shalt  }
tec
execute0_lowered:
.L_overlay_start_1:
0x0: {  	(tag) =	ssettag $0x1  }
0x1: {  	s1 =	rddreg [dreg:$0x0]  }
0x2: {  	s4 =	rddreg [dreg:$0x1]  }
0x3: {  	s0 =	rddreg [dreg:$0x2];
	s3 =	simm.s32 $0x0;
	s5 =	srdreg.scid  }
0x4: {  	s2 =	stileid.u32;
	s11 =	simm.s32 $0x4200;
	s12 =	simm.s32 $0x1  }
0x5: {  	s13 =	simm.s32 $0x0;
	[smem:$0x7FF] =	sst s3;
	s5 =	sand.u32 $0x1, s5  }
0x6: {  	s6 =	sshll.u32 s2, $0x6;
	s8 =	sshll.u32 s2, $0xD;
	s30 =	sshll.u32 s2, $0x1  }
0x7: {  	_ =	strace $0x80000053;
	s7 =	ssub.s32 $0x2, s5;
	s6 =	sadd.s32 s6, s4  }
0x8: {  	s8 =	sadd.s32 s8, s4;
	s31 =	sshll.u32 s5, $0xC;
	s10 =	sshll.u32 s5, $0x5  }
0x9: {  	s9 =	sshrl.u32 s7, $0x1;
	s8 =	sadd.s32 s31, s8;
	s6 =	sadd.s32 s10, s6  }
0xa: {  	s10 =	simm.s32 $0x200;
	s29 =	ssub.s32 s7, s9;
	s7 =	sor.u32 s5, s30  }
0xb: {  	s5 =	sadd.s32 $0x548400, s8;
	s6 =	sadd.s32 $0x4000, s6;
	s8 =	simm.s32 $0x4  }
0xc: {  	s9 =	simm.s32 $0x80;
	s4 =	smax.u32 s29, $0x1;
	s7 =	sor.u32 $0x20, s7  }
.LBB2_1:
0xd: {  	[tilespmem:s3], [sflag:$0x4] =	stream.linear.gather [hbm4b:s6+s3], $0x100, $0x38;
	[tilespmem:$0x10200] =	vst v63  }
0xe: {  	_ =	swait.ge [sflag:s8], $0x100  }
0xf: {  	[sflag:s8] =	ssyncset.done $0x0  }
0x10: {  	p0 =	sgt.u32 s7, $0x270;
	[sflag:s8] =	ssyncadd.s32 $0xFFFFFF00  }
0x11: {  	[tilespmem:s10], [sflag:$0x1] =	stream.indirect.gather [hbm4b:s1+s9], $0x80, s3, s9, $0xb8;
	[tilespmem:$0x10200] =	vst v63  }
0x12: {  	s14 =	sadd.s32 @!p0 $0x400, s6  }
0x13: {  	[tilespmem:s11], [sflag:$0x1] =	stream.indirect.gather [hbm4b:s1+s9], $0x80, s9, s9, $0xb8;
	[tilespmem:$0x10200] =	vst v63  }
0x14: {  	s15 =	simm.s32 @!p0 $0x0;
	s16 =	simm.s32 @!p0 $0x100;
	s17 =	simm.s32 @!p0 $0x4  }
0x15: {  	[tilespmem:s16], [sflag:$0x4] =	stream.linear.gather @!p0 [hbm4b:s14+s15], $0x100, $0x38;
	[tilespmem:$0x10200] =	vst v63  }
0x16: {  	_ =	swait.ge @!p0 [sflag:s17], $0x100  }
0x17: {  	[sflag:s17] =	ssyncset.done @!p0 $0x0  }
0x18: {  	s18 =	simm.s32 @!p0 $0x8200;
	s14 =	simm.s32 @!p0 $0x80;
	[sflag:s17] =	ssyncadd.s32 @!p0 $0xFFFFFF00  }
0x19: {  	[tilespmem:s18], [sflag:$0x2] =	stream.indirect.gather @!p0 [hbm4b:s1+s14], $0x80, s16, s14, $0xb8;
	[tilespmem:$0x10200] =	vst v63  }
0x1a: {  	s17 =	simm.s32 @!p0 $0xC200;
	s16 =	simm.s32 @!p0 $0x180  }
0x1b: {  	[tilespmem:s17], [sflag:$0x2] =	stream.indirect.gather @!p0 [hbm4b:s1+s14], $0x80, s16, s14, $0xb8;
	[tilespmem:$0x10200] =	vst v63  }
0x1c: {  	_ =	swait.ge [sflag:s12], $0x4000  }
0x1d: {  	[sflag:s12] =	ssyncset.done $0x0  }
0x1e: {  	[sflag:s12] =	ssyncadd.s32 $0xFFFFC000  }
0x1f: {  	_ =	swait.ge [sflag:s12], $0x4000  }
0x20: {  	[sflag:s12] =	ssyncset.done $0x0  }
0x21: {  	s31 =	sadd.s32 $0x0, s5;
	[sflag:s12] =	ssyncadd.s32 $0xFFFFC000  }
0x22: {  	[hbm4b:s31+s3] =	stream.linear.scatter [tilespmem:s10], [sflag:$0x4], $0x8000, $0x38;
	[tilespmem:$0x10200] =	vst v63  }
0x23: {  	_ =	swait.ge [sflag:s8], $0x8000  }
0x24: {  	[sflag:s8] =	ssyncset.done $0x0  }
0x25: {  	s14 =	simm.s32 @!p0 $0x2;
	[sflag:s8] =	ssyncadd.s32 $0xFFFF8000  }
0x26: {  	_ =	swait.ge @!p0 [sflag:s14], $0x4000  }
0x27: {  	[sflag:s14] =	ssyncset.done @!p0 $0x0  }
0x28: {  	[sflag:s14] =	ssyncadd.s32 @!p0 $0xFFFFC000  }
0x29: {  	_ =	swait.ge @!p0 [sflag:s14], $0x4000  }
0x2a: {  	s16 =	sadd.s32 @!p0 $0x0, s5;
	s17 =	simm.s32 @!p0 $0x3;
	[sflag:s14] =	ssyncset.done @!p0 $0x0  }
0x2b: {  	s16 =	sadd.s32 @!p0 $0x20000, s16;
	[sflag:s14] =	ssyncadd.s32 @!p0 $0xFFFFC000;
	s14 =	simm.s32 $0x40000  }
0x2c: {  	[hbm4b:s16+s15] =	stream.linear.scatter @!p0 [tilespmem:s18], [sflag:$0x3], $0x8000, $0x38;
	[tilespmem:$0x10200] =	vst v63  }
0x2d: {  	s15 =	sadd.s32 $0x40, s7;
	s16 =	smov.u32 s6;
	_ =	swait.ge @!p0 [sflag:s17], $0x8000  }
.LBB2_2:
0x2e: {  	[sflag:s17] =	ssyncset.done @!p0 $0x0  }
0x2f: {  	s16 =	sadd.s32 $0x800, s16;
	s18 =	smov.u32 s14;
	s14 =	sadd.s32 $0x40000, s14  }
0x30: {  	p1 =	sne.s32 s14, $0x280000;
	[sflag:s17] =	ssyncadd.s32 @!p0 $0xFFFF8000  }
0x31: {  	[tilespmem:s3], [sflag:$0x4] =	stream.linear.gather [hbm4b:s16+s3], $0x100, $0x38;
	[tilespmem:$0x10200] =	vst v63  }
0x32: {  	_ =	swait.ge [sflag:s8], $0x100  }
0x33: {  	[sflag:s8] =	ssyncset.done $0x0  }
0x34: {  	p0 =	sgt.u32 s15, $0x270;
	[sflag:s8] =	ssyncadd.s32 $0xFFFFFF00  }
0x35: {  	[tilespmem:s10], [sflag:$0x1] =	stream.indirect.gather [hbm4b:s1+s9], $0x80, s3, s9, $0xb8;
	[tilespmem:$0x10200] =	vst v63  }
0x36: {  	s17 =	sadd.s32 @!p0 $0x400, s16;
	s19 =	simm.s32 @!p0 $0x0;
	s20 =	simm.s32 @!p0 $0x100  }
0x37: {  	[tilespmem:s11], [sflag:$0x1] =	stream.indirect.gather [hbm4b:s1+s9], $0x80, s9, s9, $0xb8;
	[tilespmem:$0x10200] =	vst v63  }
0x38: {  	s21 =	simm.s32 @!p0 $0x4;
	s22 =	sadd.s32 @!p0 s18, s5  }
0x39: {  	[tilespmem:s20], [sflag:$0x4] =	stream.linear.gather @!p0 [hbm4b:s17+s19], $0x100, $0x38;
	[tilespmem:$0x10200] =	vst v63  }
0x3a: {  	s22 =	sadd.s32 @!p0 $0x20000, s22;
	_ =	swait.ge @!p0 [sflag:s21], $0x100  }
0x3b: {  	s23 =	simm.s32 @!p0 $0x8200;
	s17 =	simm.s32 @!p0 $0x80;
	[sflag:s21] =	ssyncset.done @!p0 $0x0  }
0x3c: {  	s24 =	simm.s32 @!p0 $0xC200;
	[sflag:s21] =	ssyncadd.s32 @!p0 $0xFFFFFF00;
	s21 =	simm.s32 @!p0 $0x180  }
0x3d: {  	[tilespmem:s23], [sflag:$0x2] =	stream.indirect.gather @!p0 [hbm4b:s1+s17], $0x80, s20, s17, $0xb8;
	[tilespmem:$0x10200] =	vst v63  }
0x3e: {  	_ = 	snop  }
0x3f: {  	[tilespmem:s24], [sflag:$0x2] =	stream.indirect.gather @!p0 [hbm4b:s1+s17], $0x80, s21, s17, $0xb8;
	[tilespmem:$0x10200] =	vst v63  }
0x40: {  	_ =	swait.ge [sflag:s12], $0x4000  }
0x41: {  	[sflag:s12] =	ssyncset.done $0x0  }
0x42: {  	[sflag:s12] =	ssyncadd.s32 $0xFFFFC000  }
0x43: {  	_ =	swait.ge [sflag:s12], $0x4000  }
0x44: {  	s17 =	sadd.s32 s18, s5;
	[sflag:s12] =	ssyncset.done $0x0  }
0x45: {  	[sflag:s12] =	ssyncadd.s32 $0xFFFFC000  }
0x46: {  	[hbm4b:s17+s3] =	stream.linear.scatter [tilespmem:s10], [sflag:$0x4], $0x8000, $0x38;
	[tilespmem:$0x10200] =	vst v63  }
0x47: {  	_ =	swait.ge [sflag:s8], $0x8000  }
0x48: {  	s17 =	simm.s32 @!p0 $0x2;
	[sflag:s8] =	ssyncset.done $0x0  }
0x49: {  	[sflag:s8] =	ssyncadd.s32 $0xFFFF8000  }
0x4a: {  	_ =	swait.ge @!p0 [sflag:s17], $0x4000  }
0x4b: {  	[sflag:s17] =	ssyncset.done @!p0 $0x0  }
0x4c: {  	[sflag:s17] =	ssyncadd.s32 @!p0 $0xFFFFC000  }
.Ltmp0:
0x4d: {  	_ =	swait.ge @!p0 [sflag:s17], $0x4000;
	(pc) =	sbr.rel @p1 .LBB2_2-.Ltmp0, $4  }
0x4e: {  	[sflag:s17] =	ssyncset.done @!p0 $0x0  }
0x4f: {  	[sflag:s17] =	ssyncadd.s32 @!p0 $0xFFFFC000;
	s17 =	simm.s32 @!p0 $0x3  }
0x50: {  	[hbm4b:s22+s19] =	stream.linear.scatter @!p0 [tilespmem:s23], [sflag:$0x3], $0x8000, $0x38;
	[tilespmem:$0x10200] =	vst v63  }
0x51: {  	s15 =	sadd.s32 $0x40, s15;
	_ =	swait.ge @!p0 [sflag:s17], $0x8000  }
0x52: {  	s13 =	sadd.s32 $0x1, s13  }
0x53: {  	p1 =	sne.s32 s13, s4  }
.Ltmp1:
0x54: {  	_ = 	snop;
	(pc) =	sbr.rel @p1 .LBB2_1-.Ltmp1, $3  }
0x55: {  	_ =	sdelay $0x1  }
0x56: {  	[sflag:s17] =	ssyncset.done @!p0 $0x0  }
0x57: {  	[sflag:s17] =	ssyncadd.s32 @!p0 $0xFFFF8000  }
0x58: {  	_ =	sfence.sel $0x180000  }
0x59: {  	[bflag:$0x0] =	sbarrier.arrive $0xFFFF  }
0x5a: {  	p0 =	sne.s32 s2, $0x0;
	_ =	strace $0x90000053  }
0x5b: {  	s0 =	sadd.s32 @!p0 $0x100000, s0;
	[bflag:$0x2] =	sbarrier.arrive $0xFFFF  }
0x5c: {  	[sflag:s0] =	ssyncadd.tile.s32 @!p0 $0x1;
	_ =	shalt  }
.Lfunc_end2:
_tile_overlayer_lowered:
.L_overlay_start_2:
0x5d: {  	(tag) =	ssettag $0x2  }
0x5e: {  	s0 =	rddreg [dreg:$0x0];
	s2 =	stileid.u32  }
0x5f: {  	s1 =	rddreg [dreg:$0x1];
	p0 =	sne.s32 s2, $0x0  }
0x60: {  	s3 =	rddreg [dreg:$0x2];
	[bflag:$0x3] =	sbarrier.arrive $0xFFFF;
	s2 =	simm.s32 @!p0 $0x1C03  }
0x61: {  	[timem:s3], [sflag:s2] =	dma.local @!p0 [hbm:s0], s1  }
0x62: {  	s0 =	simm.s32 @!p0 $0x3  }
0x63: {  	_ =	swait.ge @!p0 [sflag:s0], s1  }
0x64: {  	s1 =	ssub.s32 @!p0 $0x0, s1;
	[sflag:s0] =	ssyncset.done @!p0 $0x0  }
0x65: {  	[sflag:s0] =	ssyncadd.s32 @!p0 s1  }
0x66: {  	[bflag:$0x3] =	sbarrier.arrive $0xFFFF  }
0x67: {  	_ =	shalt  }

// kernel: kernel.35.cloned.1.call-start
scs
__scs_entry_jumppad:
0x0: {  	(pc) =	sbr.rel $0x88, $3  }
0x1: {  	(tag) =	ssettag $0x0;
	lr =	simm.s32 $0x1  }
0x2: {  	[smem:$0x3F93] =	sst lr;
	_ =	strace $0xD0000000  }
0x3: {  	_ = 	snop  }
0x4: {  	_ = 	snop  }
0x5: {  	_ = 	snop  }
0x6: {  	_ = 	snop  }
0x7: {  	_ = 	snop  }
__scs_overlays_trampoline_lowered:
0x8: {  	[smem:$0x3FA2] =	sst s0  }
0x9: {  	[smem:$0x3FA3] =	sst s1  }
0xa: {  	[smem:$0x3FA4] =	sst s2  }
0xb: {  	[smem:$0x3FA5] =	sst s3  }
0xc: {  	[smem:$0x3FA6] =	sst s4  }
0xd: {  	[smem:$0x3FA7] =	sst s5  }
0xe: {  	[smem:$0x3FA8] =	sst s6  }
0xf: {  	[smem:$0x3FA9] =	sst s7  }
0x10: {  	[smem:$0x3FAA] =	sst s8  }
0x11: {  	[smem:$0x3FAB] =	sst s9;
	s0 =	simm.s32 @!p0 $0x0  }
0x12: {  	s1 =	sld [smem:$0x3F91];
	s0 =	simm.s32 @p0 $0x1  }
0x13: {  	[smem:$0x3FAC] =	sst s0;
	s0 =	simm.s32 @!p1 $0x0  }
0x14: {  	s2 =	sld [smem:$0x3F90];
	s0 =	simm.s32 @p1 $0x1  }
0x15: {  	[smem:$0x3FAD] =	sst s0;
	s0 =	simm.s32 @!p2 $0x0  }
0x16: {  	s3 =	sld [smem:$0x3FDB];
	s0 =	simm.s32 @p2 $0x1  }
0x17: {  	s4 =	simm.s32 $0x1BF5;
	[smem:$0x3FAF] =	sst s0  }
0x18: {  	s0 =	sld [smem:$0x3F92];
	_ =	swait.ge [sflag:s4], $0x0  }
0x19: {  	s7 =	sld [smem:$0x3F93]  }
0x1a: {  	s8 =	sadd.s32 $0xFFFFE003, lr  }
0x1b: {  	s9 =	sadd.s32 $0xFFFFFEF7, lr;
	s5 =	simm.s32 $0xFFFFFFFF;
	p2 =	slt.u32 s8, $0xFFFFF086  }
0x1c: {  	p1 =	slt.u32 s9, $0xF7A;
	s5 =	simm.s32 @!p2 $0x0  }
0x1d: {  	s5 =	simm.s32 @p1 $0x1;
	p0 =	seq.s32 s7, s2  }
0x1e: {  	s7 =	smul.u32 @!p0 $0xF7A, s2;
	p2 =	seq.s32 @!p0 s5, $0x0  }
0x1f: {  	s9 =	smul.u32 $0xF7A, s1;
	s8 =	simm.s32 @!p0 $0x1BF5;
	p2 =	por !p2, p0  }
0x20: {  	[sflag:s8] =	ssyncset.s32 @!p0 $0xFFFFF086;
	s6 =	sadd.s32 @!p0 s3, s7;
	s7 =	simm.s32 @!p0 $0x108  }
0x21: {  	s3 =	sadd.s32 s3, s9;
	s6 =	sadd.s32 @!p0 $0x88, s6;
	s7 =	simm.s32 @p2 $0x1082  }
0x22: {  	[simem:s7], [sflag:s8] =	dma.local @!p0 [hbm:s6], $0xF7A  }
0x23: {  	s9 =	sor.u32 $0xD0000000, s2;
	s6 =	simm.s32 $0x108;
	_ =	swait.ge @!p0 [sflag:s8], $0x0  }
0x24: {  	s3 =	sadd.s32 $0x88, s3;
	s6 =	simm.s32 @!p1 $0x1082;
	[sflag:s4] =	ssyncset.s32 $0xFFFFF086  }
0x25: {  	[simem:s6], [sflag:s4] =	dma.local [hbm:s3], $0xF7A  }
0x26: {  	[smem:$0x3F93] =	sst s1;
	(tag) =	ssettag s2;
	_ =	strace s9  }
0x27: {  	s1 =	sld [smem:$0x3FA3]  }
0x28: {  	s2 =	sld [smem:$0x3FA4]  }
0x29: {  	s4 =	sld [smem:$0x3FA6]  }
0x2a: {  	p0 =	seq.s32 s5, $0x0;
	s5 =	sld [smem:$0x3FA7]  }
0x2b: {  	s6 =	sld [smem:$0x3FA8]  }
0x2c: {  	s7 =	sld [smem:$0x3FA9]  }
0x2d: {  	s3 =	simm.s32 $0x108;
	s8 =	sld [smem:$0x3FAA]  }
0x2e: {  	s3 =	simm.s32 @!p0 $0x1082;
	s9 =	sld [smem:$0x3FAB]  }
0x2f: {  	lr =	sadd.s32 s0, s3;
	s0 =	sld [smem:$0x3FA2]  }
0x30: {  	s3 =	sld [smem:$0x3FA5]  }
0x31: {  	[smem:$0x3FAE] =	sst s10  }
0x32: {  	s10 =	sld [smem:$0x3FAC];
	_ =	sdelay $0x3  }
0x33: {  	p0 =	seq.s32 s10, $0x1;
	s10 =	sld [smem:$0x3FAE];
	_ =	sdelay $0x3  }
0x34: {  	[smem:$0x3FAE] =	sst s10  }
0x35: {  	s10 =	sld [smem:$0x3FAD];
	_ =	sdelay $0x3  }
0x36: {  	p1 =	seq.s32 s10, $0x1;
	s10 =	sld [smem:$0x3FAE];
	_ =	sdelay $0x3  }
0x37: {  	[smem:$0x3FAE] =	sst s10  }
0x38: {  	s10 =	sld [smem:$0x3FAF]  }
0x39: {  	_ = 	snop;
	(pc) =	sbr.ind lr, $3  }
0x3a: {  	_ = 	snop  }
0x3b: {  	_ = 	snop  }
0x3c: {  	p2 =	seq.s32 s10, $0x1;
	s10 =	sld [smem:$0x3FAE]  }
0x3d: {  	_ =	shalt  }
0x3e: {  	_ =	shalt  }
0x3f: {  	_ =	shalt  }
0x40: {  	_ =	shalt  }
0x41: {  	_ =	shalt  }
0x42: {  	_ =	shalt  }
0x43: {  	_ =	shalt  }
0x44: {  	_ =	shalt  }
0x45: {  	_ =	shalt  }
0x46: {  	_ =	shalt  }
0x47: {  	_ =	shalt  }
0x48: {  	_ =	shalt  }
0x49: {  	_ =	shalt  }
0x4a: {  	_ =	shalt  }
0x4b: {  	_ =	shalt  }
0x4c: {  	_ =	shalt  }
0x4d: {  	_ =	shalt  }
0x4e: {  	_ =	shalt  }
0x4f: {  	_ =	shalt  }
0x50: {  	_ =	shalt  }
0x51: {  	_ =	shalt  }
0x52: {  	_ =	shalt  }
0x53: {  	_ =	shalt  }
0x54: {  	_ =	shalt  }
0x55: {  	_ =	shalt  }
0x56: {  	_ =	shalt  }
0x57: {  	_ =	shalt  }
0x58: {  	_ =	shalt  }
0x59: {  	_ =	shalt  }
0x5a: {  	_ =	shalt  }
0x5b: {  	_ =	shalt  }
0x5c: {  	_ =	shalt  }
0x5d: {  	_ =	shalt  }
0x5e: {  	_ =	shalt  }
0x5f: {  	_ =	shalt  }
0x60: {  	_ =	shalt  }
0x61: {  	_ =	shalt  }
0x62: {  	_ =	shalt  }
0x63: {  	_ =	shalt  }
0x64: {  	_ =	shalt  }
0x65: {  	_ =	shalt  }
0x66: {  	_ =	shalt  }
0x67: {  	_ =	shalt  }
0x68: {  	_ =	shalt  }
0x69: {  	_ =	shalt  }
0x6a: {  	_ =	shalt  }
0x6b: {  	_ =	shalt  }
0x6c: {  	_ =	shalt  }
0x6d: {  	_ =	shalt  }
0x6e: {  	_ =	shalt  }
0x6f: {  	_ =	shalt  }
0x70: {  	_ =	shalt  }
0x71: {  	_ =	shalt  }
0x72: {  	_ =	shalt  }
0x73: {  	_ =	shalt  }
0x74: {  	_ =	shalt  }
0x75: {  	_ =	shalt  }
0x76: {  	_ =	shalt  }
0x77: {  	_ =	shalt  }
0x78: {  	_ =	shalt  }
0x79: {  	_ =	shalt  }
0x7a: {  	_ =	shalt  }
0x7b: {  	_ =	shalt  }
0x7c: {  	_ =	shalt  }
0x7d: {  	_ =	shalt  }
0x7e: {  	_ =	shalt  }
0x7f: {  	_ =	shalt  }
0x80: {  	_ =	shalt  }
0x81: {  	_ =	shalt  }
0x82: {  	_ =	shalt  }
0x83: {  	_ =	shalt  }
0x84: {  	_ =	shalt  }
0x85: {  	_ =	shalt  }
0x86: {  	_ =	shalt  }
0x87: {  	_ =	shalt  }
.Lfunc_end0:
.L_simem_size_0:
called_computation.6_lowered:
.L_overlay_start_0:
0x88: {  	s2 =	sld [smem:$0x3FD9]  }
0x89: {  	s3 =	sld [smem:$0x3FFE];
	_ =	sdelay $0x1  }
0x8a: {  	s1 =	srdreg.scid  }
0x8b: {  	s0 =	sand.u32 $0x1, s1  }
0x8c: {  	s17 =	sshll.u32 s0, $0xA;
	s2 =	sadd.s32 s3, s2  }
0x8d: {  	s2 =	sadd.s32 s2, s17  }
0x8e: {  	[smem:$0x3FBA] =	sst s2  }
0x8f: {  	_ = 	snop  }
0x90: {  	(tm) =	ssettm $0x1  }
0x91: {  	s18 =	sld [smem:$0x3FFB];
	_ =	sdelay $0x3  }
0x92: {  	_ =	strace s18  }
0x93: {  	s2 =	sld [smem:$0x3FFC];
	_ =	sdelay $0x3  }
0x94: {  	_ =	strace s2  }
0x95: {  	s2 =	sld [smem:$0x3FFD];
	_ =	sdelay $0x3  }
0x96: {  	_ =	strace s2  }
0x97: {  	_ =	strace $0x8FFFFFFF  }
0x98: {  	s19 =	sld [smem:$0x3FDB];
	_ =	sdelay $0x1  }
0x99: {  	s20 =	simm.s32 $_scs_section_size  }
0x9a: {  	s4 =	simm.s32 $_size__tile_overlayer_lowered;
	s5 =	simm.s32 $_tile_overlayer_lowered  }
0x9b: {  	s6 =	simm.s32 $0x1BFF;
	s21 =	sshll.u32 s5, $0x1;
	s3 =	sadd.s32 s20, s19  }
0x9c: {  	s22 =	simm.s32 $0x0;
	s4 =	sshll.u32 s4, $0x1;
	s5 =	sadd.s32 s21, s3  }
0x9d: {  	[timem:s22], [sflag:s6] =	dma.local [hbm:s5], s4  }
0x9e: {  	_ =	swait.ge [sflag:s6], s4  }
0x9f: {  	s4 =	ssub.s32 $0x0, s4;
	[sflag:s6] =	ssyncset.done $0x0  }
0xa0: {  	[sflag:s6] =	ssyncadd.s32 s4;
	_ =	sdelay $0x1  }
0xa1: {  	s23 =	simm.s32 $0x1B8B  }
0xa2: {  	_ =	swait.ge [sflag:s23], $0x1  }
0xa3: {  	[sflag:s23] =	ssyncset.done $0x0  }
0xa4: {  	[sflag:s23] =	ssyncadd.s32 $0xFFFFFFFF  }
0xa5: {  	s4 =	sld [smem:$0x0]  }
0xa6: {  	s5 =	sand.u32 $0xFFFFFFFE, s1  }
0xa7: {  	p0 =	sne.s32 s1, s5  }
0xa8: {  	s5 =	sshll.u32 @p0 s5, $0xE  }
0xa9: {  	s5 =	sadd.s32 @p0 $0x11B8D, s5;
	s6 =	sshll.u32 @p0 s4, $0x11  }
0xaa: {  	s5 =	sor.u32 @p0 s6, s5  }
0xab: {  	[sflag:s5] =	ssyncadd.remote.s32 @p0 $0x1;
	_ =	sdelay $0x1  }
0xac: {  	s5 =	simm.s32 @p0 $0x1B8D  }
0xad: {  	_ =	swait.eq @p0 [sflag:s5], $0x1  }
0xae: {  	[sflag:s5] =	ssyncadd.s32 @p0 $0xFFFFFFFF  }
0xaf: {  	s6 =	sshll.u32 @!p0 s1, $0xE  }
0xb0: {  	s6 =	sor.u32 @!p0 $0x4000, s6;
	s5 =	simm.s32 @!p0 $0x1B8D  }
0xb1: {  	s4 =	sshll.u32 @!p0 s4, $0x11;
	s6 =	sadd.s32 @!p0 $0x11B8D, s6;
	_ =	swait.eq @!p0 [sflag:s5], $0x1  }
0xb2: {  	s4 =	sor.u32 @!p0 s4, s6;
	[sflag:s5] =	ssyncadd.s32 @!p0 $0xFFFFFFFF  }
0xb3: {  	s25 =	simm.s32 $0x1B8E;
	s24 =	sld [smem:$0x3FFE];
	[sflag:s4] =	ssyncadd.remote.s32 @!p0 $0x1  }
0xb4: {  	s26 =	simm.s32 $execute0_lowered;
	[smem:$0x3FD2] =	sst s25  }
0xb5: {  	s5 =	sshll.u32 s26, $0x1;
	_ =	strace $0x8000005B;
	[dreg:$0x1] =	wrdreg $0xFFFFFFFF  }
0xb6: {  	s28 =	simm.s32 $_size_execute0_lowered;
	s3 =	sadd.s32 s3, s5;
	[dreg:$0x0] =	wrdreg $0x0  }
0xb7: {  	s5 =	sshll.u32 s28, $0x1;
	[dreg:$0x2] =	wrdreg s3  }
0xb8: {  	[dreg:$0x3] =	wrdreg s5  }
0xb9: {  	[dreg:$0x4] =	wrdreg $0xC0  }
0xba: {  	_ =	task [dreg:s22], $0x5FFFF  }
0xbb: {  	[dreg:$0x1] =	wrdreg $0xFFFFFFFF  }
0xbc: {  	[dreg:$0x0] =	wrdreg $0x60  }
0xbd: {  	[dreg:$0x2] =	wrdreg s24  }
0xbe: {  	[dreg:$0x3] =	wrdreg $0x81000  }
0xbf: {  	[dreg:$0x4] =	wrdreg $0x9  }
0xc0: {  	_ =	task.clear_ibuf [dreg:s22], $0x5FFFF;
	_ =	strace $0x9000005B  }
0xc1: {  	s29 =	simm.s32 $0x9;
	_ =	strace $0x8000005D  }
0xc2: {  	_ =	swait.ge [sflag:s29], $0x1  }
0xc3: {  	[sflag:s29] =	ssyncadd.s32 $0xFFFFFFFF  }
0xc4: {  	_ =	strace $0x9000005D  }
0xc5: {  	_ =	sfence  }
0xc6: {  	s30 =	sld [smem:$0x0];
	_ =	sdelay $0x2  }
0xc7: {  	s31 =	sshll.u32 s1, $0xD;
	s1 =	sshrl.u32 s1, $0x2  }
0xc8: {  	s4 =	sand.u32 $0x4000, s31;
	s1 =	sadd.s32 s1, s30  }
0xc9: {  	s0 =	sor.u32 s4, s0;
	s1 =	sshll.u32 s1, $0x11  }
0xca: {  	s0 =	sor.u32 s1, s0  }
0xcb: {  	s0 =	sadd.s32 $0x8F2B, s0  }
0xcc: {  	[sflag:s0] =	ssyncadd.remote.s32 $0x1  }
0xcd: {  	_ =	sfence.sel $0xFFFF  }
0xce: {  	[dreg:$0x0] =	wrdreg $0xFFFFFFFF;
	(pc) =	sbr.abs _section_cstart, $3  }
0xcf: {  	[dreg:$0x1] =	wrdreg $0xFFFFFFFF  }
0xd0: {  	_ =	task.clear_ibuf [dreg:s22], $0x2FFFF;
	_ =	strace $0x9FFFFFFF  }
0xd1: {  	(tm) =	ssettm $0x7FFFFFFF  }
tec
execute0_lowered:
.L_overlay_start_1:
0x0: {  	(tag) =	ssettag $0x1  }
0x1: {  	s4 =	rddreg [dreg:$0x0]  }
0x2: {  	s2 =	rddreg [dreg:$0x1]  }
0x3: {  	s0 =	rddreg [dreg:$0x2]  }
0x4: {  	s3 =	simm.s32 $0x0;
	s1 =	stileid.u32;
	s5 =	srdreg.scid  }
0x5: {  	[smem:$0x7FF] =	sst s3;
	s6 =	smul.u32 $0x14000, s1;
	s10 =	sand.u32 $0x1, s5  }
0x6: {  	s23 =	sshll.u32 s1, $0xC;
	s7 =	sshll.u32 s1, $0x5;
	s25 =	smul.u32 $0x50000, s1  }
0x7: {  	s29 =	sshll.u32 s1, $0x6;
	s13 =	sshll.u32 s1, $0x1;
	s8 =	smul.u32 $0x140000, s10  }
0x8: {  	_ =	strace $0x8000005C;
	s9 =	sadd.s32 s23, s4;
	s11 =	sadd.s32 s7, s4  }
0x9: {  	s26 =	ssub.s32 $0x2, s10;
	s14 =	sshll.u32 s10, $0xB;
	s15 =	sshll.u32 s10, $0x4  }
0xa: {  	s10 =	sor.u32 s10, s13;
	s13 =	simm.s32 $0x100;
	s24 =	sshrl.u32 s6, $0x3  }
0xb: {  	s28 =	sshrl.u32 s26, $0x1;
	s7 =	sshrl.u32 s25, $0x2;
	s30 =	sadd.s32 s14, s9  }
0xc: {  	s31 =	sadd.s32 s15, s11;
	s10 =	sor.u32 $0x20, s10;
	s14 =	simm.s32 $0x80  }
0xd: {  	s15 =	simm.s32 $0x0;
	s6 =	sadd.s32 s6, s8;
	s5 =	sadd.s32 s24, s4  }
0xe: {  	s8 =	ssub.s32 s26, s28;
	s12 =	sadd.s32 s7, s2;
	s9 =	sadd.s32 $0x543400, s31  }
0xf: {  	s6 =	sshrl.u32 s6, $0x3;
	s7 =	smax.u32 s8, $0x1;
	s8 =	sadd.s32 $0x548400, s30  }
0x10: {  	s11 =	sshrl.u32 s12, $0x3;
	s12 =	simm.s32 $0x3;
	s6 =	sadd.s32 s6, s4  }
0x11: {  	s4 =	sadd.s32 $0x5C400, s5;
	s5 =	sor.u32 $0x1C03, s29;
	s6 =	sadd.s32 $0xD4400, s6  }
.LBB2_1:
0x12: {  	[spmem:s11], [sflag:s5] =	dma.local [hbm:s4], $0x2800  }
0x13: {  	_ =	swait.ge [sflag:s12], $0x2800  }
0x14: {  	[sflag:s12] =	ssyncset.done $0x0  }
0x15: {  	[sflag:s12] =	ssyncadd.s32 $0xFFFFD800  }
0x16: {  	[bflag:$0x0] =	sbarrier.arrive $0xFFFF  }
0x17: {  	[tilespmem:s3], [sflag:$0x3] =	stream.linear.gather [hbm4b:s9+s3], $0x80, $0x38;
	[tilespmem:$0x1C100] =	vst v63  }
0x18: {  	_ =	swait.ge [sflag:s12], $0x80  }
0x19: {  	[sflag:s12] =	ssyncset.done $0x0  }
0x1a: {  	s16 =	sadd.s32 $0x0, s8;
	[sflag:s12] =	ssyncadd.s32 $0xFFFFFF80  }
0x1b: {  	[tilespmem:s13], [sflag:$0x3] =	stream.linear.gather [hbm4b:s16+s3], $0x4000, $0x38;
	[tilespmem:$0x1C100] =	vst v63  }
0x1c: {  	_ =	swait.ge [sflag:s12], $0x4000  }
0x1d: {  	p0 =	sgt.u32 s10, $0x4E1;
	[sflag:s12] =	ssyncset.done $0x0  }
0x1e: {  	s17 =	simm.s32 @!p0 $0x0;
	[sflag:s12] =	ssyncadd.s32 $0xFFFFC000  }
0x1f: {  	[spmem:s2] =	stream.indirect.scatter.add.f32 [tilespmem:s13], [sflag:$0x1], $0x80, s3, s14, $0xb8;
	[tilespmem:$0x1C100] =	vst v63  }
0x20: {  	s18 =	simm.s32 @!p0 $0x80;
	s19 =	simm.s32 @!p0 $0x3;
	s16 =	sadd.s32 @!p0 $0x200, s9  }
0x21: {  	[tilespmem:s18], [sflag:$0x3] =	stream.linear.gather @!p0 [hbm4b:s16+s17], $0x80, $0x38;
	[tilespmem:$0x1C100] =	vst v63  }
0x22: {  	_ =	swait.ge @!p0 [sflag:s19], $0x80  }
0x23: {  	s16 =	sadd.s32 @!p0 $0x0, s8;
	[sflag:s19] =	ssyncset.done @!p0 $0x0  }
0x24: {  	s20 =	simm.s32 @!p0 $0x4100;
	s16 =	sadd.s32 @!p0 $0x10000, s16;
	[sflag:s19] =	ssyncadd.s32 @!p0 $0xFFFFFF80  }
0x25: {  	[tilespmem:s20], [sflag:$0x3] =	stream.linear.gather @!p0 [hbm4b:s16+s17], $0x4000, $0x38;
	[tilespmem:$0x1C100] =	vst v63  }
0x26: {  	_ =	swait.ge @!p0 [sflag:s19], $0x4000  }
0x27: {  	[sflag:s19] =	ssyncset.done @!p0 $0x0  }
0x28: {  	s16 =	simm.s32 @!p0 $0x1;
	[sflag:s19] =	ssyncadd.s32 @!p0 $0xFFFFC000  }
0x29: {  	[spmem:s2] =	stream.indirect.scatter.add.f32 @!p0 [tilespmem:s20], [sflag:$0x2], $0x80, s18, s18, $0xb8;
	[tilespmem:$0x1C100] =	vst v63  }
0x2a: {  	_ =	swait.ge @!p0 [sflag:s16], $0x4000  }
0x2b: {  	s19 =	simm.s32 @!p0 $0x2;
	[sflag:s16] =	ssyncset.done @!p0 $0x0  }
0x2c: {  	s17 =	sadd.s32 $0x40, s10;
	s19 =	simm.s32 @p0 $0x1;
	[sflag:s16] =	ssyncadd.s32 @!p0 $0xFFFFC000  }
0x2d: {  	s18 =	smov.u32 s9;
	s16 =	simm.s32 $0x20000;
	_ =	swait.ge [sflag:s19], $0x4000  }
.LBB2_2:
0x2e: {  	[sflag:s19] =	ssyncset.done $0x0  }
0x2f: {  	s18 =	sadd.s32 $0x400, s18;
	s20 =	smov.u32 s16;
	s16 =	sadd.s32 $0x20000, s16  }
0x30: {  	p0 =	sne.s32 s16, $0x280000;
	[sflag:s19] =	ssyncadd.s32 $0xFFFFC000  }
0x31: {  	[tilespmem:s3], [sflag:$0x3] =	stream.linear.gather [hbm4b:s18+s3], $0x80, $0x38;
	[tilespmem:$0x1C100] =	vst v63  }
0x32: {  	_ =	swait.ge [sflag:s12], $0x80  }
0x33: {  	[sflag:s12] =	ssyncset.done $0x0  }
0x34: {  	s19 =	sadd.s32 s20, s8;
	[sflag:s12] =	ssyncadd.s32 $0xFFFFFF80  }
0x35: {  	[tilespmem:s13], [sflag:$0x3] =	stream.linear.gather [hbm4b:s19+s3], $0x4000, $0x38;
	[tilespmem:$0x1C100] =	vst v63  }
0x36: {  	_ =	swait.ge [sflag:s12], $0x4000  }
0x37: {  	[sflag:s12] =	ssyncset.done $0x0  }
0x38: {  	p1 =	sgt.u32 s17, $0x4E1;
	[sflag:s12] =	ssyncadd.s32 $0xFFFFC000  }
0x39: {  	s21 =	sadd.s32 @!p1 $0x200, s18;
	s22 =	simm.s32 @!p1 $0x0;
	s23 =	simm.s32 @!p1 $0x80  }
0x3a: {  	[spmem:s2] =	stream.indirect.scatter.add.f32 [tilespmem:s13], [sflag:$0x1], $0x80, s3, s14, $0xb8;
	[tilespmem:$0x1C100] =	vst v63  }
0x3b: {  	s24 =	simm.s32 @!p1 $0x3;
	s20 =	sadd.s32 @!p1 s20, s8;
	s19 =	simm.s32 @!p1 $0x2  }
0x3c: {  	[tilespmem:s23], [sflag:$0x3] =	stream.linear.gather @!p1 [hbm4b:s21+s22], $0x80, $0x38;
	[tilespmem:$0x1C100] =	vst v63  }
0x3d: {  	s20 =	sadd.s32 @!p1 $0x10000, s20;
	_ =	swait.ge @!p1 [sflag:s24], $0x80  }
0x3e: {  	s21 =	simm.s32 @!p1 $0x4100;
	[sflag:s24] =	ssyncset.done @!p1 $0x0  }
0x3f: {  	[sflag:s24] =	ssyncadd.s32 @!p1 $0xFFFFFF80  }
0x40: {  	[tilespmem:s21], [sflag:$0x3] =	stream.linear.gather @!p1 [hbm4b:s20+s22], $0x4000, $0x38;
	[tilespmem:$0x1C100] =	vst v63  }
0x41: {  	_ =	swait.ge @!p1 [sflag:s24], $0x4000  }
0x42: {  	[sflag:s24] =	ssyncset.done @!p1 $0x0  }
0x43: {  	s20 =	simm.s32 @!p1 $0x1;
	[sflag:s24] =	ssyncadd.s32 @!p1 $0xFFFFC000  }
0x44: {  	[spmem:s2] =	stream.indirect.scatter.add.f32 @!p1 [tilespmem:s21], [sflag:$0x2], $0x80, s23, s23, $0xb8;
	[tilespmem:$0x1C100] =	vst v63  }
.Ltmp0:
0x45: {  	_ = 	snop;
	(pc) =	sbr.rel @p0 .LBB2_2-.Ltmp0, $4  }
0x46: {  	_ =	swait.ge @!p1 [sflag:s20], $0x4000  }
0x47: {  	s19 =	simm.s32 @p1 $0x1;
	[sflag:s20] =	ssyncset.done @!p1 $0x0  }
0x48: {  	[sflag:s20] =	ssyncadd.s32 @!p1 $0xFFFFC000  }
0x49: {  	s17 =	sadd.s32 $0x40, s17;
	_ =	swait.ge [sflag:s19], $0x4000  }
0x4a: {  	[sflag:s19] =	ssyncset.done $0x0;
	s15 =	sadd.s32 $0x1, s15  }
0x4b: {  	[sflag:s19] =	ssyncadd.s32 $0xFFFFC000;
	p0 =	sne.s32 s15, s7  }
.Ltmp1:
0x4c: {  	[bflag:$0x0] =	sbarrier.arrive $0xFFFF;
	(pc) =	sbr.rel @p0 .LBB2_1-.Ltmp1, $4  }
0x4d: {  	[hbm:s6], [sflag:s5] =	dma.local [spmem:s11], $0x2800  }
0x4e: {  	_ =	swait.ge [sflag:s12], $0x2800  }
0x4f: {  	[sflag:s12] =	ssyncset.done $0x0  }
0x50: {  	[sflag:s12] =	ssyncadd.s32 $0xFFFFD800  }
0x51: {  	_ =	sfence.sel $0x180000  }
0x52: {  	[bflag:$0x0] =	sbarrier.arrive $0xFFFF  }
0x53: {  	p0 =	sne.s32 s1, $0x0;
	_ =	strace $0x9000005C  }
0x54: {  	s0 =	sadd.s32 @!p0 $0x100000, s0;
	[bflag:$0x2] =	sbarrier.arrive $0xFFFF  }
0x55: {  	[sflag:s0] =	ssyncadd.tile.s32 @!p0 $0x1;
	_ =	shalt  }
.Lfunc_end2:
_tile_overlayer_lowered:
.L_overlay_start_2:
0x56: {  	(tag) =	ssettag $0x2  }
0x57: {  	s0 =	rddreg [dreg:$0x0];
	s2 =	stileid.u32  }
0x58: {  	s1 =	rddreg [dreg:$0x1];
	p0 =	sne.s32 s2, $0x0  }
0x59: {  	s3 =	rddreg [dreg:$0x2];
	[bflag:$0x3] =	sbarrier.arrive $0xFFFF;
	s2 =	simm.s32 @!p0 $0x1C03  }
0x5a: {  	[timem:s3], [sflag:s2] =	dma.local @!p0 [hbm:s0], s1  }
0x5b: {  	s0 =	simm.s32 @!p0 $0x3  }
0x5c: {  	_ =	swait.ge @!p0 [sflag:s0], s1  }
0x5d: {  	s1 =	ssub.s32 @!p0 $0x0, s1;
	[sflag:s0] =	ssyncset.done @!p0 $0x0  }
0x5e: {  	[sflag:s0] =	ssyncadd.s32 @!p0 s1  }
0x5f: {  	[bflag:$0x3] =	sbarrier.arrive $0xFFFF  }
0x60: {  	_ =	shalt  }

// kernel: kernel.38.cloned.1.call-start
scs
__scs_entry_jumppad:
0x0: {  	(pc) =	sbr.rel $0x88, $3  }
0x1: {  	(tag) =	ssettag $0x0;
	lr =	simm.s32 $0x1  }
0x2: {  	[smem:$0x3F93] =	sst lr;
	_ =	strace $0xD0000000  }
0x3: {  	_ = 	snop  }
0x4: {  	_ = 	snop  }
0x5: {  	_ = 	snop  }
0x6: {  	_ = 	snop  }
0x7: {  	_ = 	snop  }
__scs_overlays_trampoline_lowered:
0x8: {  	[smem:$0x3FA2] =	sst s0  }
0x9: {  	[smem:$0x3FA3] =	sst s1  }
0xa: {  	[smem:$0x3FA4] =	sst s2  }
0xb: {  	[smem:$0x3FA5] =	sst s3  }
0xc: {  	[smem:$0x3FA6] =	sst s4  }
0xd: {  	[smem:$0x3FA7] =	sst s5  }
0xe: {  	[smem:$0x3FA8] =	sst s6  }
0xf: {  	[smem:$0x3FA9] =	sst s7  }
0x10: {  	[smem:$0x3FAA] =	sst s8  }
0x11: {  	[smem:$0x3FAB] =	sst s9;
	s0 =	simm.s32 @!p0 $0x0  }
0x12: {  	s1 =	sld [smem:$0x3F91];
	s0 =	simm.s32 @p0 $0x1  }
0x13: {  	[smem:$0x3FAC] =	sst s0;
	s0 =	simm.s32 @!p1 $0x0  }
0x14: {  	s2 =	sld [smem:$0x3F90];
	s0 =	simm.s32 @p1 $0x1  }
0x15: {  	[smem:$0x3FAD] =	sst s0;
	s0 =	simm.s32 @!p2 $0x0  }
0x16: {  	s3 =	sld [smem:$0x3FDB];
	s0 =	simm.s32 @p2 $0x1  }
0x17: {  	s4 =	simm.s32 $0x1BF5;
	[smem:$0x3FAF] =	sst s0  }
0x18: {  	s0 =	sld [smem:$0x3F92];
	_ =	swait.ge [sflag:s4], $0x0  }
0x19: {  	s7 =	sld [smem:$0x3F93]  }
0x1a: {  	s8 =	sadd.s32 $0xFFFFE003, lr  }
0x1b: {  	s9 =	sadd.s32 $0xFFFFFEF7, lr;
	s5 =	simm.s32 $0xFFFFFFFF;
	p2 =	slt.u32 s8, $0xFFFFF086  }
0x1c: {  	p1 =	slt.u32 s9, $0xF7A;
	s5 =	simm.s32 @!p2 $0x0  }
0x1d: {  	s5 =	simm.s32 @p1 $0x1;
	p0 =	seq.s32 s7, s2  }
0x1e: {  	s7 =	smul.u32 @!p0 $0xF7A, s2;
	p2 =	seq.s32 @!p0 s5, $0x0  }
0x1f: {  	s9 =	smul.u32 $0xF7A, s1;
	s8 =	simm.s32 @!p0 $0x1BF5;
	p2 =	por !p2, p0  }
0x20: {  	[sflag:s8] =	ssyncset.s32 @!p0 $0xFFFFF086;
	s6 =	sadd.s32 @!p0 s3, s7;
	s7 =	simm.s32 @!p0 $0x108  }
0x21: {  	s3 =	sadd.s32 s3, s9;
	s6 =	sadd.s32 @!p0 $0x88, s6;
	s7 =	simm.s32 @p2 $0x1082  }
0x22: {  	[simem:s7], [sflag:s8] =	dma.local @!p0 [hbm:s6], $0xF7A  }
0x23: {  	s9 =	sor.u32 $0xD0000000, s2;
	s6 =	simm.s32 $0x108;
	_ =	swait.ge @!p0 [sflag:s8], $0x0  }
0x24: {  	s3 =	sadd.s32 $0x88, s3;
	s6 =	simm.s32 @!p1 $0x1082;
	[sflag:s4] =	ssyncset.s32 $0xFFFFF086  }
0x25: {  	[simem:s6], [sflag:s4] =	dma.local [hbm:s3], $0xF7A  }
0x26: {  	[smem:$0x3F93] =	sst s1;
	(tag) =	ssettag s2;
	_ =	strace s9  }
0x27: {  	s1 =	sld [smem:$0x3FA3]  }
0x28: {  	s2 =	sld [smem:$0x3FA4]  }
0x29: {  	s4 =	sld [smem:$0x3FA6]  }
0x2a: {  	p0 =	seq.s32 s5, $0x0;
	s5 =	sld [smem:$0x3FA7]  }
0x2b: {  	s6 =	sld [smem:$0x3FA8]  }
0x2c: {  	s7 =	sld [smem:$0x3FA9]  }
0x2d: {  	s3 =	simm.s32 $0x108;
	s8 =	sld [smem:$0x3FAA]  }
0x2e: {  	s3 =	simm.s32 @!p0 $0x1082;
	s9 =	sld [smem:$0x3FAB]  }
0x2f: {  	lr =	sadd.s32 s0, s3;
	s0 =	sld [smem:$0x3FA2]  }
0x30: {  	s3 =	sld [smem:$0x3FA5]  }
0x31: {  	[smem:$0x3FAE] =	sst s10  }
0x32: {  	s10 =	sld [smem:$0x3FAC];
	_ =	sdelay $0x3  }
0x33: {  	p0 =	seq.s32 s10, $0x1;
	s10 =	sld [smem:$0x3FAE];
	_ =	sdelay $0x3  }
0x34: {  	[smem:$0x3FAE] =	sst s10  }
0x35: {  	s10 =	sld [smem:$0x3FAD];
	_ =	sdelay $0x3  }
0x36: {  	p1 =	seq.s32 s10, $0x1;
	s10 =	sld [smem:$0x3FAE];
	_ =	sdelay $0x3  }
0x37: {  	[smem:$0x3FAE] =	sst s10  }
0x38: {  	s10 =	sld [smem:$0x3FAF]  }
0x39: {  	_ = 	snop;
	(pc) =	sbr.ind lr, $3  }
0x3a: {  	_ = 	snop  }
0x3b: {  	_ = 	snop  }
0x3c: {  	p2 =	seq.s32 s10, $0x1;
	s10 =	sld [smem:$0x3FAE]  }
0x3d: {  	_ =	shalt  }
0x3e: {  	_ =	shalt  }
0x3f: {  	_ =	shalt  }
0x40: {  	_ =	shalt  }
0x41: {  	_ =	shalt  }
0x42: {  	_ =	shalt  }
0x43: {  	_ =	shalt  }
0x44: {  	_ =	shalt  }
0x45: {  	_ =	shalt  }
0x46: {  	_ =	shalt  }
0x47: {  	_ =	shalt  }
0x48: {  	_ =	shalt  }
0x49: {  	_ =	shalt  }
0x4a: {  	_ =	shalt  }
0x4b: {  	_ =	shalt  }
0x4c: {  	_ =	shalt  }
0x4d: {  	_ =	shalt  }
0x4e: {  	_ =	shalt  }
0x4f: {  	_ =	shalt  }
0x50: {  	_ =	shalt  }
0x51: {  	_ =	shalt  }
0x52: {  	_ =	shalt  }
0x53: {  	_ =	shalt  }
0x54: {  	_ =	shalt  }
0x55: {  	_ =	shalt  }
0x56: {  	_ =	shalt  }
0x57: {  	_ =	shalt  }
0x58: {  	_ =	shalt  }
0x59: {  	_ =	shalt  }
0x5a: {  	_ =	shalt  }
0x5b: {  	_ =	shalt  }
0x5c: {  	_ =	shalt  }
0x5d: {  	_ =	shalt  }
0x5e: {  	_ =	shalt  }
0x5f: {  	_ =	shalt  }
0x60: {  	_ =	shalt  }
0x61: {  	_ =	shalt  }
0x62: {  	_ =	shalt  }
0x63: {  	_ =	shalt  }
0x64: {  	_ =	shalt  }
0x65: {  	_ =	shalt  }
0x66: {  	_ =	shalt  }
0x67: {  	_ =	shalt  }
0x68: {  	_ =	shalt  }
0x69: {  	_ =	shalt  }
0x6a: {  	_ =	shalt  }
0x6b: {  	_ =	shalt  }
0x6c: {  	_ =	shalt  }
0x6d: {  	_ =	shalt  }
0x6e: {  	_ =	shalt  }
0x6f: {  	_ =	shalt  }
0x70: {  	_ =	shalt  }
0x71: {  	_ =	shalt  }
0x72: {  	_ =	shalt  }
0x73: {  	_ =	shalt  }
0x74: {  	_ =	shalt  }
0x75: {  	_ =	shalt  }
0x76: {  	_ =	shalt  }
0x77: {  	_ =	shalt  }
0x78: {  	_ =	shalt  }
0x79: {  	_ =	shalt  }
0x7a: {  	_ =	shalt  }
0x7b: {  	_ =	shalt  }
0x7c: {  	_ =	shalt  }
0x7d: {  	_ =	shalt  }
0x7e: {  	_ =	shalt  }
0x7f: {  	_ =	shalt  }
0x80: {  	_ =	shalt  }
0x81: {  	_ =	shalt  }
0x82: {  	_ =	shalt  }
0x83: {  	_ =	shalt  }
0x84: {  	_ =	shalt  }
0x85: {  	_ =	shalt  }
0x86: {  	_ =	shalt  }
0x87: {  	_ =	shalt  }
.Lfunc_end0:
.L_simem_size_0:
called_computation.7_lowered:
.L_overlay_start_0:
0x88: {  	s2 =	sld [smem:$0x3FD9]  }
0x89: {  	s3 =	sld [smem:$0x3FFE];
	_ =	sdelay $0x1  }
0x8a: {  	s1 =	srdreg.scid  }
0x8b: {  	s0 =	sand.u32 $0x1, s1  }
0x8c: {  	s17 =	sshll.u32 s0, $0xA;
	s2 =	sadd.s32 s3, s2  }
0x8d: {  	s2 =	sadd.s32 s2, s17  }
0x8e: {  	[smem:$0x3FBA] =	sst s2  }
0x8f: {  	_ = 	snop  }
0x90: {  	(tm) =	ssettm $0x1  }
0x91: {  	s18 =	sld [smem:$0x3FFB];
	_ =	sdelay $0x3  }
0x92: {  	_ =	strace s18  }
0x93: {  	s2 =	sld [smem:$0x3FFC];
	_ =	sdelay $0x3  }
0x94: {  	_ =	strace s2  }
0x95: {  	s2 =	sld [smem:$0x3FFD];
	_ =	sdelay $0x3  }
0x96: {  	_ =	strace s2  }
0x97: {  	_ =	strace $0x8FFFFFFF  }
0x98: {  	s19 =	sld [smem:$0x3FDB];
	_ =	sdelay $0x1  }
0x99: {  	s20 =	simm.s32 $_scs_section_size  }
0x9a: {  	s4 =	simm.s32 $_size__tile_overlayer_lowered;
	s5 =	simm.s32 $_tile_overlayer_lowered  }
0x9b: {  	s6 =	simm.s32 $0x1BFF;
	s21 =	sshll.u32 s5, $0x1;
	s3 =	sadd.s32 s20, s19  }
0x9c: {  	s22 =	simm.s32 $0x0;
	s4 =	sshll.u32 s4, $0x1;
	s5 =	sadd.s32 s21, s3  }
0x9d: {  	[timem:s22], [sflag:s6] =	dma.local [hbm:s5], s4  }
0x9e: {  	_ =	swait.ge [sflag:s6], s4  }
0x9f: {  	s4 =	ssub.s32 $0x0, s4;
	[sflag:s6] =	ssyncset.done $0x0  }
0xa0: {  	[sflag:s6] =	ssyncadd.s32 s4;
	_ =	sdelay $0x1  }
0xa1: {  	s23 =	simm.s32 $0x1B8B  }
0xa2: {  	_ =	swait.ge [sflag:s23], $0x1  }
0xa3: {  	[sflag:s23] =	ssyncset.done $0x0  }
0xa4: {  	[sflag:s23] =	ssyncadd.s32 $0xFFFFFFFF  }
0xa5: {  	s4 =	sld [smem:$0x0]  }
0xa6: {  	s5 =	sand.u32 $0xFFFFFFFE, s1  }
0xa7: {  	p0 =	sne.s32 s1, s5  }
0xa8: {  	s5 =	sshll.u32 @p0 s5, $0xE  }
0xa9: {  	s5 =	sadd.s32 @p0 $0x11B8D, s5;
	s6 =	sshll.u32 @p0 s4, $0x11  }
0xaa: {  	s5 =	sor.u32 @p0 s6, s5  }
0xab: {  	[sflag:s5] =	ssyncadd.remote.s32 @p0 $0x1;
	_ =	sdelay $0x1  }
0xac: {  	s5 =	simm.s32 @p0 $0x1B8D  }
0xad: {  	_ =	swait.eq @p0 [sflag:s5], $0x1  }
0xae: {  	[sflag:s5] =	ssyncadd.s32 @p0 $0xFFFFFFFF  }
0xaf: {  	s6 =	sshll.u32 @!p0 s1, $0xE  }
0xb0: {  	s6 =	sor.u32 @!p0 $0x4000, s6;
	s5 =	simm.s32 @!p0 $0x1B8D  }
0xb1: {  	s4 =	sshll.u32 @!p0 s4, $0x11;
	s6 =	sadd.s32 @!p0 $0x11B8D, s6;
	_ =	swait.eq @!p0 [sflag:s5], $0x1  }
0xb2: {  	s4 =	sor.u32 @!p0 s4, s6;
	[sflag:s5] =	ssyncadd.s32 @!p0 $0xFFFFFFFF  }
0xb3: {  	s25 =	simm.s32 $0x1B8E;
	s24 =	sld [smem:$0x3FFE];
	[sflag:s4] =	ssyncadd.remote.s32 @!p0 $0x1  }
0xb4: {  	s26 =	simm.s32 $execute0_lowered;
	[smem:$0x3FD2] =	sst s25  }
0xb5: {  	s5 =	sshll.u32 s26, $0x1;
	_ =	strace $0x80000058;
	[dreg:$0x1] =	wrdreg $0xFFFFFFFF  }
0xb6: {  	s28 =	simm.s32 $_size_execute0_lowered;
	s3 =	sadd.s32 s3, s5;
	[dreg:$0x0] =	wrdreg $0x0  }
0xb7: {  	s5 =	sshll.u32 s28, $0x1;
	[dreg:$0x2] =	wrdreg s3  }
0xb8: {  	[dreg:$0x3] =	wrdreg s5  }
0xb9: {  	[dreg:$0x4] =	wrdreg $0xC0  }
0xba: {  	_ =	task [dreg:s22], $0x5FFFF  }
0xbb: {  	[dreg:$0x1] =	wrdreg $0xFFFFFFFF  }
0xbc: {  	[dreg:$0x0] =	wrdreg $0x60  }
0xbd: {  	[dreg:$0x2] =	wrdreg s24  }
0xbe: {  	[dreg:$0x3] =	wrdreg $0x81000  }
0xbf: {  	[dreg:$0x4] =	wrdreg $0xA  }
0xc0: {  	_ =	task.clear_ibuf [dreg:s22], $0x5FFFF;
	_ =	strace $0x90000058  }
0xc1: {  	s29 =	simm.s32 $0xA;
	_ =	strace $0x8000005A  }
0xc2: {  	_ =	swait.ge [sflag:s29], $0x1  }
0xc3: {  	[sflag:s29] =	ssyncadd.s32 $0xFFFFFFFF  }
0xc4: {  	_ =	strace $0x9000005A  }
0xc5: {  	_ =	sfence  }
0xc6: {  	s30 =	sld [smem:$0x0];
	_ =	sdelay $0x2  }
0xc7: {  	s31 =	sshll.u32 s1, $0xD;
	s1 =	sshrl.u32 s1, $0x2  }
0xc8: {  	s4 =	sand.u32 $0x4000, s31;
	s1 =	sadd.s32 s1, s30  }
0xc9: {  	s0 =	sor.u32 s4, s0;
	s1 =	sshll.u32 s1, $0x11  }
0xca: {  	s0 =	sor.u32 s1, s0  }
0xcb: {  	s0 =	sadd.s32 $0x8F2B, s0  }
0xcc: {  	[sflag:s0] =	ssyncadd.remote.s32 $0x1  }
0xcd: {  	_ =	sfence.sel $0xFFFF  }
0xce: {  	[dreg:$0x0] =	wrdreg $0xFFFFFFFF;
	(pc) =	sbr.abs _section_cstart, $3  }
0xcf: {  	[dreg:$0x1] =	wrdreg $0xFFFFFFFF  }
0xd0: {  	_ =	task.clear_ibuf [dreg:s22], $0x2FFFF;
	_ =	strace $0x9FFFFFFF  }
0xd1: {  	(tm) =	ssettm $0x7FFFFFFF  }
tec
execute0_lowered:
.L_overlay_start_1:
0x0: {  	(tag) =	ssettag $0x1  }
0x1: {  	s4 =	rddreg [dreg:$0x0]  }
0x2: {  	s2 =	rddreg [dreg:$0x1]  }
0x3: {  	s0 =	rddreg [dreg:$0x2]  }
0x4: {  	s3 =	simm.s32 $0x0;
	s1 =	stileid.u32;
	s5 =	srdreg.scid  }
0x5: {  	[smem:$0x7FF] =	sst s3;
	s6 =	smul.u32 $0x14000, s1;
	s10 =	sand.u32 $0x1, s5  }
0x6: {  	s23 =	sshll.u32 s1, $0xC;
	s7 =	sshll.u32 s1, $0x5;
	s25 =	smul.u32 $0x50000, s1  }
0x7: {  	s29 =	sshll.u32 s1, $0x6;
	s13 =	sshll.u32 s1, $0x1;
	s8 =	smul.u32 $0x140000, s10  }
0x8: {  	_ =	strace $0x80000059;
	s9 =	sadd.s32 s23, s4;
	s11 =	sadd.s32 s7, s4  }
0x9: {  	s26 =	ssub.s32 $0x2, s10;
	s14 =	sshll.u32 s10, $0xB;
	s15 =	sshll.u32 s10, $0x4  }
0xa: {  	s10 =	sor.u32 s10, s13;
	s13 =	simm.s32 $0x100;
	s24 =	sshrl.u32 s6, $0x3  }
0xb: {  	s28 =	sshrl.u32 s26, $0x1;
	s7 =	sshrl.u32 s25, $0x2;
	s30 =	sadd.s32 s14, s9  }
0xc: {  	s31 =	sadd.s32 s15, s11;
	s10 =	sor.u32 $0x20, s10;
	s14 =	simm.s32 $0x80  }
0xd: {  	s15 =	simm.s32 $0x0;
	s6 =	sadd.s32 s6, s8;
	s5 =	sadd.s32 s24, s4  }
0xe: {  	s8 =	ssub.s32 s26, s28;
	s12 =	sadd.s32 s7, s2;
	s9 =	sadd.s32 $0x9000, s31  }
0xf: {  	s6 =	sshrl.u32 s6, $0x3;
	s7 =	smax.u32 s8, $0x1;
	s8 =	sadd.s32 $0xC9B600, s30  }
0x10: {  	s11 =	sshrl.u32 s12, $0x3;
	s12 =	simm.s32 $0x3;
	s6 =	sadd.s32 s6, s4  }
0x11: {  	s4 =	sadd.s32 $0x5C400, s5;
	s5 =	sor.u32 $0x1C03, s29;
	s6 =	sadd.s32 $0x84400, s6  }
.LBB2_1:
0x12: {  	[spmem:s11], [sflag:s5] =	dma.local [hbm:s4], $0x2800  }
0x13: {  	_ =	swait.ge [sflag:s12], $0x2800  }
0x14: {  	[sflag:s12] =	ssyncset.done $0x0  }
0x15: {  	[sflag:s12] =	ssyncadd.s32 $0xFFFFD800  }
0x16: {  	[bflag:$0x0] =	sbarrier.arrive $0xFFFF  }
0x17: {  	[tilespmem:s3], [sflag:$0x3] =	stream.linear.gather [hbm4b:s9+s3], $0x80, $0x38;
	[tilespmem:$0x1C100] =	vst v63  }
0x18: {  	_ =	swait.ge [sflag:s12], $0x80  }
0x19: {  	[sflag:s12] =	ssyncset.done $0x0  }
0x1a: {  	s16 =	sadd.s32 $0x0, s8;
	[sflag:s12] =	ssyncadd.s32 $0xFFFFFF80  }
0x1b: {  	[tilespmem:s13], [sflag:$0x3] =	stream.linear.gather [hbm4b:s16+s3], $0x4000, $0x38;
	[tilespmem:$0x1C100] =	vst v63  }
0x1c: {  	_ =	swait.ge [sflag:s12], $0x4000  }
0x1d: {  	p0 =	sgt.u32 s10, $0x4E1;
	[sflag:s12] =	ssyncset.done $0x0  }
0x1e: {  	s17 =	simm.s32 @!p0 $0x0;
	[sflag:s12] =	ssyncadd.s32 $0xFFFFC000  }
0x1f: {  	[spmem:s2] =	stream.indirect.scatter.add.f32 [tilespmem:s13], [sflag:$0x1], $0x80, s3, s14, $0xb8;
	[tilespmem:$0x1C100] =	vst v63  }
0x20: {  	s18 =	simm.s32 @!p0 $0x80;
	s19 =	simm.s32 @!p0 $0x3;
	s16 =	sadd.s32 @!p0 $0x200, s9  }
0x21: {  	[tilespmem:s18], [sflag:$0x3] =	stream.linear.gather @!p0 [hbm4b:s16+s17], $0x80, $0x38;
	[tilespmem:$0x1C100] =	vst v63  }
0x22: {  	_ =	swait.ge @!p0 [sflag:s19], $0x80  }
0x23: {  	s16 =	sadd.s32 @!p0 $0x0, s8;
	[sflag:s19] =	ssyncset.done @!p0 $0x0  }
0x24: {  	s20 =	simm.s32 @!p0 $0x4100;
	s16 =	sadd.s32 @!p0 $0x10000, s16;
	[sflag:s19] =	ssyncadd.s32 @!p0 $0xFFFFFF80  }
0x25: {  	[tilespmem:s20], [sflag:$0x3] =	stream.linear.gather @!p0 [hbm4b:s16+s17], $0x4000, $0x38;
	[tilespmem:$0x1C100] =	vst v63  }
0x26: {  	_ =	swait.ge @!p0 [sflag:s19], $0x4000  }
0x27: {  	[sflag:s19] =	ssyncset.done @!p0 $0x0  }
0x28: {  	s16 =	simm.s32 @!p0 $0x1;
	[sflag:s19] =	ssyncadd.s32 @!p0 $0xFFFFC000  }
0x29: {  	[spmem:s2] =	stream.indirect.scatter.add.f32 @!p0 [tilespmem:s20], [sflag:$0x2], $0x80, s18, s18, $0xb8;
	[tilespmem:$0x1C100] =	vst v63  }
0x2a: {  	_ =	swait.ge @!p0 [sflag:s16], $0x4000  }
0x2b: {  	s19 =	simm.s32 @!p0 $0x2;
	[sflag:s16] =	ssyncset.done @!p0 $0x0  }
0x2c: {  	s17 =	sadd.s32 $0x40, s10;
	s19 =	simm.s32 @p0 $0x1;
	[sflag:s16] =	ssyncadd.s32 @!p0 $0xFFFFC000  }
0x2d: {  	s18 =	smov.u32 s9;
	s16 =	simm.s32 $0x20000;
	_ =	swait.ge [sflag:s19], $0x4000  }
.LBB2_2:
0x2e: {  	[sflag:s19] =	ssyncset.done $0x0  }
0x2f: {  	s18 =	sadd.s32 $0x400, s18;
	s20 =	smov.u32 s16;
	s16 =	sadd.s32 $0x20000, s16  }
0x30: {  	p0 =	sne.s32 s16, $0x280000;
	[sflag:s19] =	ssyncadd.s32 $0xFFFFC000  }
0x31: {  	[tilespmem:s3], [sflag:$0x3] =	stream.linear.gather [hbm4b:s18+s3], $0x80, $0x38;
	[tilespmem:$0x1C100] =	vst v63  }
0x32: {  	_ =	swait.ge [sflag:s12], $0x80  }
0x33: {  	[sflag:s12] =	ssyncset.done $0x0  }
0x34: {  	s19 =	sadd.s32 s20, s8;
	[sflag:s12] =	ssyncadd.s32 $0xFFFFFF80  }
0x35: {  	[tilespmem:s13], [sflag:$0x3] =	stream.linear.gather [hbm4b:s19+s3], $0x4000, $0x38;
	[tilespmem:$0x1C100] =	vst v63  }
0x36: {  	_ =	swait.ge [sflag:s12], $0x4000  }
0x37: {  	[sflag:s12] =	ssyncset.done $0x0  }
0x38: {  	p1 =	sgt.u32 s17, $0x4E1;
	[sflag:s12] =	ssyncadd.s32 $0xFFFFC000  }
0x39: {  	s21 =	sadd.s32 @!p1 $0x200, s18;
	s22 =	simm.s32 @!p1 $0x0;
	s23 =	simm.s32 @!p1 $0x80  }
0x3a: {  	[spmem:s2] =	stream.indirect.scatter.add.f32 [tilespmem:s13], [sflag:$0x1], $0x80, s3, s14, $0xb8;
	[tilespmem:$0x1C100] =	vst v63  }
0x3b: {  	s24 =	simm.s32 @!p1 $0x3;
	s20 =	sadd.s32 @!p1 s20, s8;
	s19 =	simm.s32 @!p1 $0x2  }
0x3c: {  	[tilespmem:s23], [sflag:$0x3] =	stream.linear.gather @!p1 [hbm4b:s21+s22], $0x80, $0x38;
	[tilespmem:$0x1C100] =	vst v63  }
0x3d: {  	s20 =	sadd.s32 @!p1 $0x10000, s20;
	_ =	swait.ge @!p1 [sflag:s24], $0x80  }
0x3e: {  	s21 =	simm.s32 @!p1 $0x4100;
	[sflag:s24] =	ssyncset.done @!p1 $0x0  }
0x3f: {  	[sflag:s24] =	ssyncadd.s32 @!p1 $0xFFFFFF80  }
0x40: {  	[tilespmem:s21], [sflag:$0x3] =	stream.linear.gather @!p1 [hbm4b:s20+s22], $0x4000, $0x38;
	[tilespmem:$0x1C100] =	vst v63  }
0x41: {  	_ =	swait.ge @!p1 [sflag:s24], $0x4000  }
0x42: {  	[sflag:s24] =	ssyncset.done @!p1 $0x0  }
0x43: {  	s20 =	simm.s32 @!p1 $0x1;
	[sflag:s24] =	ssyncadd.s32 @!p1 $0xFFFFC000  }
0x44: {  	[spmem:s2] =	stream.indirect.scatter.add.f32 @!p1 [tilespmem:s21], [sflag:$0x2], $0x80, s23, s23, $0xb8;
	[tilespmem:$0x1C100] =	vst v63  }
.Ltmp0:
0x45: {  	_ = 	snop;
	(pc) =	sbr.rel @p0 .LBB2_2-.Ltmp0, $4  }
0x46: {  	_ =	swait.ge @!p1 [sflag:s20], $0x4000  }
0x47: {  	s19 =	simm.s32 @p1 $0x1;
	[sflag:s20] =	ssyncset.done @!p1 $0x0  }
0x48: {  	[sflag:s20] =	ssyncadd.s32 @!p1 $0xFFFFC000  }
0x49: {  	s17 =	sadd.s32 $0x40, s17;
	_ =	swait.ge [sflag:s19], $0x4000  }
0x4a: {  	[sflag:s19] =	ssyncset.done $0x0;
	s15 =	sadd.s32 $0x1, s15  }
0x4b: {  	[sflag:s19] =	ssyncadd.s32 $0xFFFFC000;
	p0 =	sne.s32 s15, s7  }
.Ltmp1:
0x4c: {  	[bflag:$0x0] =	sbarrier.arrive $0xFFFF;
	(pc) =	sbr.rel @p0 .LBB2_1-.Ltmp1, $4  }
0x4d: {  	[hbm:s6], [sflag:s5] =	dma.local [spmem:s11], $0x2800  }
0x4e: {  	_ =	swait.ge [sflag:s12], $0x2800  }
0x4f: {  	[sflag:s12] =	ssyncset.done $0x0  }
0x50: {  	[sflag:s12] =	ssyncadd.s32 $0xFFFFD800  }
0x51: {  	_ =	sfence.sel $0x180000  }
0x52: {  	[bflag:$0x0] =	sbarrier.arrive $0xFFFF  }
0x53: {  	p0 =	sne.s32 s1, $0x0;
	_ =	strace $0x90000059  }
0x54: {  	s0 =	sadd.s32 @!p0 $0x100000, s0;
	[bflag:$0x2] =	sbarrier.arrive $0xFFFF  }
0x55: {  	[sflag:s0] =	ssyncadd.tile.s32 @!p0 $0x1;
	_ =	shalt  }
.Lfunc_end2:
_tile_overlayer_lowered:
.L_overlay_start_2:
0x56: {  	(tag) =	ssettag $0x2  }
0x57: {  	s0 =	rddreg [dreg:$0x0];
	s2 =	stileid.u32  }
0x58: {  	s1 =	rddreg [dreg:$0x1];
	p0 =	sne.s32 s2, $0x0  }
0x59: {  	s3 =	rddreg [dreg:$0x2];
	[bflag:$0x3] =	sbarrier.arrive $0xFFFF;
	s2 =	simm.s32 @!p0 $0x1C03  }
0x5a: {  	[timem:s3], [sflag:s2] =	dma.local @!p0 [hbm:s0], s1  }
0x5b: {  	s0 =	simm.s32 @!p0 $0x3  }
0x5c: {  	_ =	swait.ge @!p0 [sflag:s0], s1  }
0x5d: {  	s1 =	ssub.s32 @!p0 $0x0, s1;
	[sflag:s0] =	ssyncset.done @!p0 $0x0  }
0x5e: {  	[sflag:s0] =	ssyncadd.s32 @!p0 s1  }
0x5f: {  	[bflag:$0x3] =	sbarrier.arrive $0xFFFF  }
0x60: {  	_ =	shalt  }

</sc_bundles>
